<compile_context>
chip_gen: v7x
topology: tpu7x:2x2x1
jax: 0.10.2.dev20260603
libtpu: 0.0.44.dev20260713+nightly
codegen_flags: <defaults>
</compile_context>

<pallas_src>
import functools

import jax
import jax.numpy as jnp
from jax import lax
from jax.experimental import pallas as pl
from jax.experimental.pallas import tpu as pltpu
from jax.experimental.pallas import tpu_sc as plsc

DIM = 1024
BATCH = 16384
TABLE_ROWS = 30720
NUM_CORES = 2
NUM_SUBCORES = 16
NUM_WORKERS = NUM_CORES * NUM_SUBCORES
ROWS_PER_WORKER = BATCH // NUM_WORKERS
CHUNK = 16
PIECES = 8
PER = CHUNK * PIECES
NUM_CHUNKS = ROWS_PER_WORKER // CHUNK
NBUF = 6
LANES = 16


def _gather_body(ids_hbm, table_hbm, out_hbm, ids_v, idx_v, *rest):
    rows = rest[:NBUF]
    gsems = rest[NBUF:2 * NBUF]
    ssems = rest[2 * NBUF:3 * NBUF]
    wid = lax.axis_index("s") * NUM_CORES + lax.axis_index("c")
    base = wid * ROWS_PER_WORKER
    pltpu.sync_copy(ids_hbm.at[pl.ds(base, ROWS_PER_WORKER)], ids_v)

    lane = lax.iota(jnp.int32, LANES)
    for c in range(NUM_CHUNKS):
        idv = ids_v[pl.ds(c * CHUNK, LANES)]
        v0 = ((idv >> 3) << 6) | (idv & 7)
        for k in range(PIECES):
            pos = lane * PIECES + (c * PER + k)
            plsc.store_scatter(idx_v, [pos], v0 + 8 * k)

    pending_gather = [None] * NBUF
    pending_store = [None] * NBUF

    def start_gather(c):
        b = c % NBUF
        if pending_store[b] is not None:
            pending_store[b].wait()
            pending_store[b] = None
        g = pltpu.make_async_copy(
            table_hbm.at[idx_v.at[pl.ds(c * PER, PER)]], rows[b], gsems[b])
        g.start()
        pending_gather[b] = g

    def finish_chunk(c):
        b = c % NBUF
        pending_gather[b].wait()
        pending_gather[b] = None
        s = pltpu.make_async_copy(
            rows[b], out_hbm.at[pl.ds((base + c * CHUNK) * PIECES, PER)],
            ssems[b])
        s.start()
        pending_store[b] = s

    for c in range(NBUF - 1):
        start_gather(c)
    for c in range(NBUF - 1, NUM_CHUNKS):
        start_gather(c)
        finish_chunk(c - (NBUF - 1))
    for c in range(NUM_CHUNKS - (NBUF - 1), NUM_CHUNKS):
        finish_chunk(c)
    for p in pending_store:
        if p is not None:
            p.wait()


@jax.jit
def _gather(ids, table_view):
    mesh = plsc.VectorSubcoreMesh(core_axis_name="c", subcore_axis_name="s")
    return pl.kernel(
        _gather_body,
        out_type=jax.ShapeDtypeStruct((BATCH * PIECES, 128), jnp.float32),
        mesh=mesh,
        compiler_params=pltpu.CompilerParams(needs_layout_passes=False),
        scratch_types=(
            [pltpu.VMEM((ROWS_PER_WORKER,), jnp.int32),
             pltpu.VMEM((NUM_CHUNKS * PER,), jnp.int32)]
            + [pltpu.VMEM((PER, 128), jnp.float32)] * NBUF
            + [pltpu.SemaphoreType.DMA] * (2 * NBUF)
        ),
    )(ids, table_view)


def kernel(input_ids, combined_embedding_weight):
    ids = input_ids.astype(jnp.int32)
    table_view = (
        combined_embedding_weight.reshape(3840, 8, PIECES, 128)
        .transpose(0, 2, 1, 3)
        .reshape(TABLE_ROWS * PIECES, 128))
    out = _gather(ids, table_view)
    return out.reshape(BATCH, DIM, 1, 1)

# --- scband reference (transcript-rebuilt; emitter-appended) ---
"""Pipeline reference for scband-multi-code-embedder-wrapper-66709432041869 (READ-ONLY COPY).

The authoritative reference and input builder live on the scoring server;
editing this copy changes nothing except your own understanding.
"""

import jax, jax.numpy as jnp
import numpy as np

NUM_CODEBOOKS = 15
CODEBOOK_SIZE = 2048
EMBED_DIM = 1024
BATCH = 16384


def setup_inputs(seed: int = 0) -> dict:
    key = jax.random.key(seed)
    k_idx, k_tab = jax.random.split(key)
    input_ids = jax.random.randint(k_idx, (BATCH,), 0, NUM_CODEBOOKS * CODEBOOK_SIZE, dtype=jnp.int64 if jax.config.read('jax_enable_x64') else jnp.int32)
    # Combined embedding table: concat of 15 codebook tables [2048, 1024] -> [30720, 1024]
    combined_embedding_weight = jax.random.normal(k_tab, (NUM_CODEBOOKS * CODEBOOK_SIZE, EMBED_DIM), dtype=jnp.float32)
    return {"input_ids": input_ids, "combined_embedding_weight": combined_embedding_weight}


def reference(input_ids, combined_embedding_weight):
    # gather(codec_embedding_weight [30720, 1024], input_ids) -> [B, 1024]
    embed = jnp.take(combined_embedding_weight, input_ids, axis=0)
    # expand_dims -> [B, 1024, 1] -> [B, 1024, 1, 1] (ANE 4D layout)
    return embed[..., None, None]

if __name__ == "__main__":
    import jax
    _d = setup_inputs()
    print(jax.jit(kernel)(*tuple(_d.values())))

</pallas_src>

<mosaic_0001>
#map = affine_map<(d0, d1) -> (0)>
#map1 = affine_map<(d0, d1) -> (0, 0)>
module attributes {stable_mosaic.version = 14 : i64} {
  func.func @_gather_body(%arg0: i32, %arg1: i32, %arg2: memref<16384xi32, #tpu.memory_space<hbm>>, %arg3: memref<245760x128xf32, #tpu.memory_space<hbm>>, %arg4: memref<131072x128xf32, #tpu.memory_space<hbm>>, %arg5: memref<512xi32, #tpu.memory_space<vmem>>, %arg6: memref<4096xi32, #tpu.memory_space<vmem>>, %arg7: memref<128x128xf32, #tpu.memory_space<vmem>>, %arg8: memref<128x128xf32, #tpu.memory_space<vmem>>, %arg9: memref<128x128xf32, #tpu.memory_space<vmem>>, %arg10: memref<128x128xf32, #tpu.memory_space<vmem>>, %arg11: memref<128x128xf32, #tpu.memory_space<vmem>>, %arg12: memref<128x128xf32, #tpu.memory_space<vmem>>, %arg13: memref<!tpu.dma_semaphore, #tpu.memory_space<semaphore_mem>>, %arg14: memref<!tpu.dma_semaphore, #tpu.memory_space<semaphore_mem>>, %arg15: memref<!tpu.dma_semaphore, #tpu.memory_space<semaphore_mem>>, %arg16: memref<!tpu.dma_semaphore, #tpu.memory_space<semaphore_mem>>, %arg17: memref<!tpu.dma_semaphore, #tpu.memory_space<semaphore_mem>>, %arg18: memref<!tpu.dma_semaphore, #tpu.memory_space<semaphore_mem>>, %arg19: memref<!tpu.dma_semaphore, #tpu.memory_space<semaphore_mem>>, %arg20: memref<!tpu.dma_semaphore, #tpu.memory_space<semaphore_mem>>, %arg21: memref<!tpu.dma_semaphore, #tpu.memory_space<semaphore_mem>>, %arg22: memref<!tpu.dma_semaphore, #tpu.memory_space<semaphore_mem>>, %arg23: memref<!tpu.dma_semaphore, #tpu.memory_space<semaphore_mem>>, %arg24: memref<!tpu.dma_semaphore, #tpu.memory_space<semaphore_mem>>) attributes {dimension_semantics = [#tpu.dimension_semantics<core_parallel>, #tpu.dimension_semantics<subcore_parallel>], iteration_bounds = array<i64: 2, 16>, scalar_prefetch = 0 : i64, scratch_operands = 20 : i64, tpu.core_type = #tpu.core_type<sc_vector_subcore>, window_params = [{transform_indices = #map}, {transform_indices = #map1}, {transform_indices = #map1}]} {
    %mul3A = arith.constant 2 : i32
    %mul3A_0 = arith.muli %arg1, %mul3A : i32
    %add3A = arith.addi %mul3A_0, %arg0 : i32
    %mul3A_1 = arith.constant 512 : i32
    %mul3A_2 = arith.muli %add3A, %mul3A_1 : i32
    "tpu.region"() ({
      %run_scoped3A = tpu.sem_alloc : memref<!tpu.dma_semaphore, #tpu.memory_space<semaphore_mem>>
      %dma_start3A_3388 = tpu.memref_slice %arg2[%mul3A_2] : memref<16384xi32, #tpu.memory_space<hbm>> -> memref<512xi32, #tpu.memory_space<hbm>>
      %dma_start3A_3389 = tpu.memref_slice %arg2[%mul3A_2] : memref<16384xi32, #tpu.memory_space<hbm>> -> memref<512xi32, #tpu.memory_space<hbm>>
      tpu.enqueue_dma source(%dma_start3A_3389 : memref<512xi32, #tpu.memory_space<hbm>>) target(%arg5 : memref<512xi32, #tpu.memory_space<vmem>>) target_semaphore(%run_scoped3A : memref<!tpu.dma_semaphore, #tpu.memory_space<semaphore_mem>>)
      %dma_wait3A_3390 = tpu.memref_slice %arg2[%mul3A_2] : memref<16384xi32, #tpu.memory_space<hbm>> -> memref<512xi32, #tpu.memory_space<hbm>>
      %dma_wait3A_3391 = tpu.memref_slice %arg2[%mul3A_2] : memref<16384xi32, #tpu.memory_space<hbm>> -> memref<512xi32, #tpu.memory_space<hbm>>
      tpu.wait_dma2 semaphore(%run_scoped3A : memref<!tpu.dma_semaphore, #tpu.memory_space<semaphore_mem>>) src(%dma_wait3A_3391 : memref<512xi32, #tpu.memory_space<hbm>>) dst(%arg5 : memref<512xi32, #tpu.memory_space<vmem>>)
      tpu.yield
    }) : () -> ()
    %iota3A = tpu.iota {dimensions = array<i32: 0>} : vector<16xi32>
    %get3A = arith.constant 0 : index
    %get3A_3 = tpu.vector_load %arg5[%get3A] {strides = array<i32>} : memref<512xi32, #tpu.memory_space<vmem>>, vector<16xi32>,
    %shift_right_arithmetic3A = arith.constant 3 : i32
    %shift_right_arithmetic3A_4 = vector.broadcast %shift_right_arithmetic3A : i32 to vector<16xi32>
    %shift_right_arithmetic3A_5 = arith.shrsi %get3A_3, %shift_right_arithmetic3A_4 : vector<16xi32>
    %shift_left3A = arith.constant 6 : i32
    %shift_left3A_6 = vector.broadcast %shift_left3A : i32 to vector<16xi32>
    %shift_left3A_7 = arith.shli %shift_right_arithmetic3A_5, %shift_left3A_6 : vector<16xi32>
    %and3A = arith.constant 7 : i32
    %and3A_8 = vector.broadcast %and3A : i32 to vector<16xi32>
    %and3A_9 = arith.andi %get3A_3, %and3A_8 : vector<16xi32>
    %or3A = arith.ori %shift_left3A_7, %and3A_9 : vector<16xi32>
    %mul3A_10 = arith.constant 8 : i32
    %mul3A_11 = vector.broadcast %mul3A_10 : i32 to vector<16xi32>
    %mul3A_12 = arith.muli %iota3A, %mul3A_11 : vector<16xi32>
    %add3A_13 = arith.constant 0 : i32
    %add3A_14 = vector.broadcast %add3A_13 : i32 to vector<16xi32>
    %add3A_15 = arith.addi %mul3A_12, %add3A_14 : vector<16xi32>
    %add3A_16 = arith.constant 0 : i32
    %add3A_17 = vector.broadcast %add3A_16 : i32 to vector<16xi32>
    %add3A_18 = arith.addi %or3A, %add3A_17 : vector<16xi32>
    tpu.vector_store_idx %arg6[%add3A_15], %add3A_18 : memref<4096xi32, #tpu.memory_space<vmem>>[vector<16xi32>], vector<16xi32>,
    %mul3A_19 = arith.constant 8 : i32
    %mul3A_20 = vector.broadcast %mul3A_19 : i32 to vector<16xi32>
    %mul3A_21 = arith.muli %iota3A, %mul3A_20 : vector<16xi32>
    %add3A_22 = arith.constant 1 : i32
    %add3A_23 = vector.broadcast %add3A_22 : i32 to vector<16xi32>
    %add3A_24 = arith.addi %mul3A_21, %add3A_23 : vector<16xi32>
    %add3A_25 = arith.constant 8 : i32
    %add3A_26 = vector.broadcast %add3A_25 : i32 to vector<16xi32>
    %add3A_27 = arith.addi %or3A, %add3A_26 : vector<16xi32>
    tpu.vector_store_idx %arg6[%add3A_24], %add3A_27 : memref<4096xi32, #tpu.memory_space<vmem>>[vector<16xi32>], vector<16xi32>,
    %mul3A_28 = arith.constant 8 : i32
    %mul3A_29 = vector.broadcast %mul3A_28 : i32 to vector<16xi32>
    %mul3A_30 = arith.muli %iota3A, %mul3A_29 : vector<16xi32>
    %add3A_31 = arith.constant 2 : i32
    %add3A_32 = vector.broadcast %add3A_31 : i32 to vector<16xi32>
    %add3A_33 = arith.addi %mul3A_30, %add3A_32 : vector<16xi32>
    %add3A_34 = arith.constant 16 : i32
    %add3A_35 = vector.broadcast %add3A_34 : i32 to vector<16xi32>
    %add3A_36 = arith.addi %or3A, %add3A_35 : vector<16xi32>
    tpu.vector_store_idx %arg6[%add3A_33], %add3A_36 : memref<4096xi32, #tpu.memory_space<vmem>>[vector<16xi32>], vector<16xi32>,
    %mul3A_37 = arith.constant 8 : i32
    %mul3A_38 = vector.broadcast %mul3A_37 : i32 to vector<16xi32>
    %mul3A_39 = arith.muli %iota3A, %mul3A_38 : vector<16xi32>
    %add3A_40 = arith.constant 3 : i32
    %add3A_41 = vector.broadcast %add3A_40 : i32 to vector<16xi32>
    %add3A_42 = arith.addi %mul3A_39, %add3A_41 : vector<16xi32>
    %add3A_43 = arith.constant 24 : i32
    %add3A_44 = vector.broadcast %add3A_43 : i32 to vector<16xi32>
    %add3A_45 = arith.addi %or3A, %add3A_44 : vector<16xi32>
    tpu.vector_store_idx %arg6[%add3A_42], %add3A_45 : memref<4096xi32, #tpu.memory_space<vmem>>[vector<16xi32>], vector<16xi32>,
    %mul3A_46 = arith.constant 8 : i32
    %mul3A_47 = vector.broadcast %mul3A_46 : i32 to vector<16xi32>
    %mul3A_48 = arith.muli %iota3A, %mul3A_47 : vector<16xi32>
    %add3A_49 = arith.constant 4 : i32
    %add3A_50 = vector.broadcast %add3A_49 : i32 to vector<16xi32>
    %add3A_51 = arith.addi %mul3A_48, %add3A_50 : vector<16xi32>
    %add3A_52 = arith.constant 32 : i32
    %add3A_53 = vector.broadcast %add3A_52 : i32 to vector<16xi32>
    %add3A_54 = arith.addi %or3A, %add3A_53 : vector<16xi32>
    tpu.vector_store_idx %arg6[%add3A_51], %add3A_54 : memref<4096xi32, #tpu.memory_space<vmem>>[vector<16xi32>], vector<16xi32>,
    %mul3A_55 = arith.constant 8 : i32
    %mul3A_56 = vector.broadcast %mul3A_55 : i32 to vector<16xi32>
    %mul3A_57 = arith.muli %iota3A, %mul3A_56 : vector<16xi32>
    %add3A_58 = arith.constant 5 : i32
    %add3A_59 = vector.broadcast %add3A_58 : i32 to vector<16xi32>
    %add3A_60 = arith.addi %mul3A_57, %add3A_59 : vector<16xi32>
    %add3A_61 = arith.constant 40 : i32
    %add3A_62 = vector.broadcast %add3A_61 : i32 to vector<16xi32>
    %add3A_63 = arith.addi %or3A, %add3A_62 : vector<16xi32>
    tpu.vector_store_idx %arg6[%add3A_60], %add3A_63 : memref<4096xi32, #tpu.memory_space<vmem>>[vector<16xi32>], vector<16xi32>,
    %mul3A_64 = arith.constant 8 : i32
    %mul3A_65 = vector.broadcast %mul3A_64 : i32 to vector<16xi32>
    %mul3A_66 = arith.muli %iota3A, %mul3A_65 : vector<16xi32>
    %add3A_67 = arith.constant 6 : i32
    %add3A_68 = vector.broadcast %add3A_67 : i32 to vector<16xi32>
    %add3A_69 = arith.addi %mul3A_66, %add3A_68 : vector<16xi32>
    %add3A_70 = arith.constant 48 : i32
    %add3A_71 = vector.broadcast %add3A_70 : i32 to vector<16xi32>
    %add3A_72 = arith.addi %or3A, %add3A_71 : vector<16xi32>
    tpu.vector_store_idx %arg6[%add3A_69], %add3A_72 : memref<4096xi32, #tpu.memory_space<vmem>>[vector<16xi32>], vector<16xi32>,
    %mul3A_73 = arith.constant 8 : i32
    %mul3A_74 = vector.broadcast %mul3A_73 : i32 to vector<16xi32>
    %mul3A_75 = arith.muli %iota3A, %mul3A_74 : vector<16xi32>
    %add3A_76 = arith.constant 7 : i32
    %add3A_77 = vector.broadcast %add3A_76 : i32 to vector<16xi32>
    %add3A_78 = arith.addi %mul3A_75, %add3A_77 : vector<16xi32>
    %add3A_79 = arith.constant 56 : i32
    %add3A_80 = vector.broadcast %add3A_79 : i32 to vector<16xi32>
    %add3A_81 = arith.addi %or3A, %add3A_80 : vector<16xi32>
    tpu.vector_store_idx %arg6[%add3A_78], %add3A_81 : memref<4096xi32, #tpu.memory_space<vmem>>[vector<16xi32>], vector<16xi32>,
    %get3A_82 = arith.constant 16 : index
    %get3A_83 = tpu.vector_load %arg5[%get3A_82] {strides = array<i32>} : memref<512xi32, #tpu.memory_space<vmem>>, vector<16xi32>,
    %shift_right_arithmetic3A_84 = arith.constant 3 : i32
    %shift_right_arithmetic3A_85 = vector.broadcast %shift_right_arithmetic3A_84 : i32 to vector<16xi32>
    %shift_right_arithmetic3A_86 = arith.shrsi %get3A_83, %shift_right_arithmetic3A_85 : vector<16xi32>
    %shift_left3A_87 = arith.constant 6 : i32
    %shift_left3A_88 = vector.broadcast %shift_left3A_87 : i32 to vector<16xi32>
    %shift_left3A_89 = arith.shli %shift_right_arithmetic3A_86, %shift_left3A_88 : vector<16xi32>
    %and3A_90 = arith.constant 7 : i32
    %and3A_91 = vector.broadcast %and3A_90 : i32 to vector<16xi32>
    %and3A_92 = arith.andi %get3A_83, %and3A_91 : vector<16xi32>
    %or3A_93 = arith.ori %shift_left3A_89, %and3A_92 : vector<16xi32>
    %mul3A_94 = arith.constant 8 : i32
    %mul3A_95 = vector.broadcast %mul3A_94 : i32 to vector<16xi32>
    %mul3A_96 = arith.muli %iota3A, %mul3A_95 : vector<16xi32>
    %add3A_97 = arith.constant 128 : i32
    %add3A_98 = vector.broadcast %add3A_97 : i32 to vector<16xi32>
    %add3A_99 = arith.addi %mul3A_96, %add3A_98 : vector<16xi32>
    %add3A_100 = arith.constant 0 : i32
    %add3A_101 = vector.broadcast %add3A_100 : i32 to vector<16xi32>
    %add3A_102 = arith.addi %or3A_93, %add3A_101 : vector<16xi32>
    tpu.vector_store_idx %arg6[%add3A_99], %add3A_102 : memref<4096xi32, #tpu.memory_space<vmem>>[vector<16xi32>], vector<16xi32>,
    %mul3A_103 = arith.constant 8 : i32
    %mul3A_104 = vector.broadcast %mul3A_103 : i32 to vector<16xi32>
    %mul3A_105 = arith.muli %iota3A, %mul3A_104 : vector<16xi32>
    %add3A_106 = arith.constant 129 : i32
    %add3A_107 = vector.broadcast %add3A_106 : i32 to vector<16xi32>
    %add3A_108 = arith.addi %mul3A_105, %add3A_107 : vector<16xi32>
    %add3A_109 = arith.constant 8 : i32
    %add3A_110 = vector.broadcast %add3A_109 : i32 to vector<16xi32>
    %add3A_111 = arith.addi %or3A_93, %add3A_110 : vector<16xi32>
    tpu.vector_store_idx %arg6[%add3A_108], %add3A_111 : memref<4096xi32, #tpu.memory_space<vmem>>[vector<16xi32>], vector<16xi32>,
    %mul3A_112 = arith.constant 8 : i32
    %mul3A_113 = vector.broadcast %mul3A_112 : i32 to vector<16xi32>
    %mul3A_114 = arith.muli %iota3A, %mul3A_113 : vector<16xi32>
    %add3A_115 = arith.constant 130 : i32
    %add3A_116 = vector.broadcast %add3A_115 : i32 to vector<16xi32>
    %add3A_117 = arith.addi %mul3A_114, %add3A_116 : vector<16xi32>
    %add3A_118 = arith.constant 16 : i32
    %add3A_119 = vector.broadcast %add3A_118 : i32 to vector<16xi32>
    %add3A_120 = arith.addi %or3A_93, %add3A_119 : vector<16xi32>
    tpu.vector_store_idx %arg6[%add3A_117], %add3A_120 : memref<4096xi32, #tpu.memory_space<vmem>>[vector<16xi32>], vector<16xi32>,
    %mul3A_121 = arith.constant 8 : i32
    %mul3A_122 = vector.broadcast %mul3A_121 : i32 to vector<16xi32>
    %mul3A_123 = arith.muli %iota3A, %mul3A_122 : vector<16xi32>
    %add3A_124 = arith.constant 131 : i32
    %add3A_125 = vector.broadcast %add3A_124 : i32 to vector<16xi32>
    %add3A_126 = arith.addi %mul3A_123, %add3A_125 : vector<16xi32>
    %add3A_127 = arith.constant 24 : i32
    %add3A_128 = vector.broadcast %add3A_127 : i32 to vector<16xi32>
    %add3A_129 = arith.addi %or3A_93, %add3A_128 : vector<16xi32>
    tpu.vector_store_idx %arg6[%add3A_126], %add3A_129 : memref<4096xi32, #tpu.memory_space<vmem>>[vector<16xi32>], vector<16xi32>,
    %mul3A_130 = arith.constant 8 : i32
    %mul3A_131 = vector.broadcast %mul3A_130 : i32 to vector<16xi32>
    %mul3A_132 = arith.muli %iota3A, %mul3A_131 : vector<16xi32>
    %add3A_133 = arith.constant 132 : i32
    %add3A_134 = vector.broadcast %add3A_133 : i32 to vector<16xi32>
    %add3A_135 = arith.addi %mul3A_132, %add3A_134 : vector<16xi32>
    %add3A_136 = arith.constant 32 : i32
    %add3A_137 = vector.broadcast %add3A_136 : i32 to vector<16xi32>
    %add3A_138 = arith.addi %or3A_93, %add3A_137 : vector<16xi32>
    tpu.vector_store_idx %arg6[%add3A_135], %add3A_138 : memref<4096xi32, #tpu.memory_space<vmem>>[vector<16xi32>], vector<16xi32>,
    %mul3A_139 = arith.constant 8 : i32
    %mul3A_140 = vector.broadcast %mul3A_139 : i32 to vector<16xi32>
    %mul3A_141 = arith.muli %iota3A, %mul3A_140 : vector<16xi32>
    %add3A_142 = arith.constant 133 : i32
    %add3A_143 = vector.broadcast %add3A_142 : i32 to vector<16xi32>
    %add3A_144 = arith.addi %mul3A_141, %add3A_143 : vector<16xi32>
    %add3A_145 = arith.constant 40 : i32
    %add3A_146 = vector.broadcast %add3A_145 : i32 to vector<16xi32>
    %add3A_147 = arith.addi %or3A_93, %add3A_146 : vector<16xi32>
    tpu.vector_store_idx %arg6[%add3A_144], %add3A_147 : memref<4096xi32, #tpu.memory_space<vmem>>[vector<16xi32>], vector<16xi32>,
    %mul3A_148 = arith.constant 8 : i32
    %mul3A_149 = vector.broadcast %mul3A_148 : i32 to vector<16xi32>
    %mul3A_150 = arith.muli %iota3A, %mul3A_149 : vector<16xi32>
    %add3A_151 = arith.constant 134 : i32
    %add3A_152 = vector.broadcast %add3A_151 : i32 to vector<16xi32>
    %add3A_153 = arith.addi %mul3A_150, %add3A_152 : vector<16xi32>
    %add3A_154 = arith.constant 48 : i32
    %add3A_155 = vector.broadcast %add3A_154 : i32 to vector<16xi32>
    %add3A_156 = arith.addi %or3A_93, %add3A_155 : vector<16xi32>
    tpu.vector_store_idx %arg6[%add3A_153], %add3A_156 : memref<4096xi32, #tpu.memory_space<vmem>>[vector<16xi32>], vector<16xi32>,
    %mul3A_157 = arith.constant 8 : i32
    %mul3A_158 = vector.broadcast %mul3A_157 : i32 to vector<16xi32>
    %mul3A_159 = arith.muli %iota3A, %mul3A_158 : vector<16xi32>
    %add3A_160 = arith.constant 135 : i32
    %add3A_161 = vector.broadcast %add3A_160 : i32 to vector<16xi32>
    %add3A_162 = arith.addi %mul3A_159, %add3A_161 : vector<16xi32>
    %add3A_163 = arith.constant 56 : i32
    %add3A_164 = vector.broadcast %add3A_163 : i32 to vector<16xi32>
    %add3A_165 = arith.addi %or3A_93, %add3A_164 : vector<16xi32>
    tpu.vector_store_idx %arg6[%add3A_162], %add3A_165 : memref<4096xi32, #tpu.memory_space<vmem>>[vector<16xi32>], vector<16xi32>,
    %get3A_166 = arith.constant 32 : index
    %get3A_167 = tpu.vector_load %arg5[%get3A_166] {strides = array<i32>} : memref<512xi32, #tpu.memory_space<vmem>>, vector<16xi32>,
    %shift_right_arithmetic3A_168 = arith.constant 3 : i32
    %shift_right_arithmetic3A_169 = vector.broadcast %shift_right_arithmetic3A_168 : i32 to vector<16xi32>
    %shift_right_arithmetic3A_170 = arith.shrsi %get3A_167, %shift_right_arithmetic3A_169 : vector<16xi32>
    %shift_left3A_171 = arith.constant 6 : i32
    %shift_left3A_172 = vector.broadcast %shift_left3A_171 : i32 to vector<16xi32>
    %shift_left3A_173 = arith.shli %shift_right_arithmetic3A_170, %shift_left3A_172 : vector<16xi32>
    %and3A_174 = arith.constant 7 : i32
    %and3A_175 = vector.broadcast %and3A_174 : i32 to vector<16xi32>
    %and3A_176 = arith.andi %get3A_167, %and3A_175 : vector<16xi32>
    %or3A_177 = arith.ori %shift_left3A_173, %and3A_176 : vector<16xi32>
    %mul3A_178 = arith.constant 8 : i32
    %mul3A_179 = vector.broadcast %mul3A_178 : i32 to vector<16xi32>
    %mul3A_180 = arith.muli %iota3A, %mul3A_179 : vector<16xi32>
    %add3A_181 = arith.constant 256 : i32
    %add3A_182 = vector.broadcast %add3A_181 : i32 to vector<16xi32>
    %add3A_183 = arith.addi %mul3A_180, %add3A_182 : vector<16xi32>
    %add3A_184 = arith.constant 0 : i32
    %add3A_185 = vector.broadcast %add3A_184 : i32 to vector<16xi32>
    %add3A_186 = arith.addi %or3A_177, %add3A_185 : vector<16xi32>
    tpu.vector_store_idx %arg6[%add3A_183], %add3A_186 : memref<4096xi32, #tpu.memory_space<vmem>>[vector<16xi32>], vector<16xi32>,
    %mul3A_187 = arith.constant 8 : i32
    %mul3A_188 = vector.broadcast %mul3A_187 : i32 to vector<16xi32>
    %mul3A_189 = arith.muli %iota3A, %mul3A_188 : vector<16xi32>
    %add3A_190 = arith.constant 257 : i32
    %add3A_191 = vector.broadcast %add3A_190 : i32 to vector<16xi32>
    %add3A_192 = arith.addi %mul3A_189, %add3A_191 : vector<16xi32>
    %add3A_193 = arith.constant 8 : i32
    %add3A_194 = vector.broadcast %add3A_193 : i32 to vector<16xi32>
    %add3A_195 = arith.addi %or3A_177, %add3A_194 : vector<16xi32>
    tpu.vector_store_idx %arg6[%add3A_192], %add3A_195 : memref<4096xi32, #tpu.memory_space<vmem>>[vector<16xi32>], vector<16xi32>,
    %mul3A_196 = arith.constant 8 : i32
    %mul3A_197 = vector.broadcast %mul3A_196 : i32 to vector<16xi32>
    %mul3A_198 = arith.muli %iota3A, %mul3A_197 : vector<16xi32>
    %add3A_199 = arith.constant 258 : i32
    %add3A_200 = vector.broadcast %add3A_199 : i32 to vector<16xi32>
    %add3A_201 = arith.addi %mul3A_198, %add3A_200 : vector<16xi32>
    %add3A_202 = arith.constant 16 : i32
    %add3A_203 = vector.broadcast %add3A_202 : i32 to vector<16xi32>
    %add3A_204 = arith.addi %or3A_177, %add3A_203 : vector<16xi32>
    tpu.vector_store_idx %arg6[%add3A_201], %add3A_204 : memref<4096xi32, #tpu.memory_space<vmem>>[vector<16xi32>], vector<16xi32>,
    %mul3A_205 = arith.constant 8 : i32
    %mul3A_206 = vector.broadcast %mul3A_205 : i32 to vector<16xi32>
    %mul3A_207 = arith.muli %iota3A, %mul3A_206 : vector<16xi32>
    %add3A_208 = arith.constant 259 : i32
    %add3A_209 = vector.broadcast %add3A_208 : i32 to vector<16xi32>
    %add3A_210 = arith.addi %mul3A_207, %add3A_209 : vector<16xi32>
    %add3A_211 = arith.constant 24 : i32
    %add3A_212 = vector.broadcast %add3A_211 : i32 to vector<16xi32>
    %add3A_213 = arith.addi %or3A_177, %add3A_212 : vector<16xi32>
    tpu.vector_store_idx %arg6[%add3A_210], %add3A_213 : memref<4096xi32, #tpu.memory_space<vmem>>[vector<16xi32>], vector<16xi32>,
    %mul3A_214 = arith.constant 8 : i32
    %mul3A_215 = vector.broadcast %mul3A_214 : i32 to vector<16xi32>
    %mul3A_216 = arith.muli %iota3A, %mul3A_215 : vector<16xi32>
    %add3A_217 = arith.constant 260 : i32
    %add3A_218 = vector.broadcast %add3A_217 : i32 to vector<16xi32>
    %add3A_219 = arith.addi %mul3A_216, %add3A_218 : vector<16xi32>
    %add3A_220 = arith.constant 32 : i32
    %add3A_221 = vector.broadcast %add3A_220 : i32 to vector<16xi32>
    %add3A_222 = arith.addi %or3A_177, %add3A_221 : vector<16xi32>
    tpu.vector_store_idx %arg6[%add3A_219], %add3A_222 : memref<4096xi32, #tpu.memory_space<vmem>>[vector<16xi32>], vector<16xi32>,
    %mul3A_223 = arith.constant 8 : i32
    %mul3A_224 = vector.broadcast %mul3A_223 : i32 to vector<16xi32>
    %mul3A_225 = arith.muli %iota3A, %mul3A_224 : vector<16xi32>
    %add3A_226 = arith.constant 261 : i32
    %add3A_227 = vector.broadcast %add3A_226 : i32 to vector<16xi32>
    %add3A_228 = arith.addi %mul3A_225, %add3A_227 : vector<16xi32>
    %add3A_229 = arith.constant 40 : i32
    %add3A_230 = vector.broadcast %add3A_229 : i32 to vector<16xi32>
    %add3A_231 = arith.addi %or3A_177, %add3A_230 : vector<16xi32>
    tpu.vector_store_idx %arg6[%add3A_228], %add3A_231 : memref<4096xi32, #tpu.memory_space<vmem>>[vector<16xi32>], vector<16xi32>,
    %mul3A_232 = arith.constant 8 : i32
    %mul3A_233 = vector.broadcast %mul3A_232 : i32 to vector<16xi32>
    %mul3A_234 = arith.muli %iota3A, %mul3A_233 : vector<16xi32>
    %add3A_235 = arith.constant 262 : i32
    %add3A_236 = vector.broadcast %add3A_235 : i32 to vector<16xi32>
    %add3A_237 = arith.addi %mul3A_234, %add3A_236 : vector<16xi32>
    %add3A_238 = arith.constant 48 : i32
    %add3A_239 = vector.broadcast %add3A_238 : i32 to vector<16xi32>
    %add3A_240 = arith.addi %or3A_177, %add3A_239 : vector<16xi32>
    tpu.vector_store_idx %arg6[%add3A_237], %add3A_240 : memref<4096xi32, #tpu.memory_space<vmem>>[vector<16xi32>], vector<16xi32>,
    %mul3A_241 = arith.constant 8 : i32
    %mul3A_242 = vector.broadcast %mul3A_241 : i32 to vector<16xi32>
    %mul3A_243 = arith.muli %iota3A, %mul3A_242 : vector<16xi32>
    %add3A_244 = arith.constant 263 : i32
    %add3A_245 = vector.broadcast %add3A_244 : i32 to vector<16xi32>
    %add3A_246 = arith.addi %mul3A_243, %add3A_245 : vector<16xi32>
    %add3A_247 = arith.constant 56 : i32
    %add3A_248 = vector.broadcast %add3A_247 : i32 to vector<16xi32>
    %add3A_249 = arith.addi %or3A_177, %add3A_248 : vector<16xi32>
    tpu.vector_store_idx %arg6[%add3A_246], %add3A_249 : memref<4096xi32, #tpu.memory_space<vmem>>[vector<16xi32>], vector<16xi32>,
    %get3A_250 = arith.constant 48 : index
    %get3A_251 = tpu.vector_load %arg5[%get3A_250] {strides = array<i32>} : memref<512xi32, #tpu.memory_space<vmem>>, vector<16xi32>,
    %shift_right_arithmetic3A_252 = arith.constant 3 : i32
    %shift_right_arithmetic3A_253 = vector.broadcast %shift_right_arithmetic3A_252 : i32 to vector<16xi32>
    %shift_right_arithmetic3A_254 = arith.shrsi %get3A_251, %shift_right_arithmetic3A_253 : vector<16xi32>
    %shift_left3A_255 = arith.constant 6 : i32
    %shift_left3A_256 = vector.broadcast %shift_left3A_255 : i32 to vector<16xi32>
    %shift_left3A_257 = arith.shli %shift_right_arithmetic3A_254, %shift_left3A_256 : vector<16xi32>
    %and3A_258 = arith.constant 7 : i32
    %and3A_259 = vector.broadcast %and3A_258 : i32 to vector<16xi32>
    %and3A_260 = arith.andi %get3A_251, %and3A_259 : vector<16xi32>
    %or3A_261 = arith.ori %shift_left3A_257, %and3A_260 : vector<16xi32>
    %mul3A_262 = arith.constant 8 : i32
    %mul3A_263 = vector.broadcast %mul3A_262 : i32 to vector<16xi32>
    %mul3A_264 = arith.muli %iota3A, %mul3A_263 : vector<16xi32>
    %add3A_265 = arith.constant 384 : i32
    %add3A_266 = vector.broadcast %add3A_265 : i32 to vector<16xi32>
    %add3A_267 = arith.addi %mul3A_264, %add3A_266 : vector<16xi32>
    %add3A_268 = arith.constant 0 : i32
    %add3A_269 = vector.broadcast %add3A_268 : i32 to vector<16xi32>
    %add3A_270 = arith.addi %or3A_261, %add3A_269 : vector<16xi32>
    tpu.vector_store_idx %arg6[%add3A_267], %add3A_270 : memref<4096xi32, #tpu.memory_space<vmem>>[vector<16xi32>], vector<16xi32>,
    %mul3A_271 = arith.constant 8 : i32
    %mul3A_272 = vector.broadcast %mul3A_271 : i32 to vector<16xi32>
    %mul3A_273 = arith.muli %iota3A, %mul3A_272 : vector<16xi32>
    %add3A_274 = arith.constant 385 : i32
    %add3A_275 = vector.broadcast %add3A_274 : i32 to vector<16xi32>
    %add3A_276 = arith.addi %mul3A_273, %add3A_275 : vector<16xi32>
    %add3A_277 = arith.constant 8 : i32
    %add3A_278 = vector.broadcast %add3A_277 : i32 to vector<16xi32>
    %add3A_279 = arith.addi %or3A_261, %add3A_278 : vector<16xi32>
    tpu.vector_store_idx %arg6[%add3A_276], %add3A_279 : memref<4096xi32, #tpu.memory_space<vmem>>[vector<16xi32>], vector<16xi32>,
    %mul3A_280 = arith.constant 8 : i32
    %mul3A_281 = vector.broadcast %mul3A_280 : i32 to vector<16xi32>
    %mul3A_282 = arith.muli %iota3A, %mul3A_281 : vector<16xi32>
    %add3A_283 = arith.constant 386 : i32
    %add3A_284 = vector.broadcast %add3A_283 : i32 to vector<16xi32>
    %add3A_285 = arith.addi %mul3A_282, %add3A_284 : vector<16xi32>
    %add3A_286 = arith.constant 16 : i32
    %add3A_287 = vector.broadcast %add3A_286 : i32 to vector<16xi32>
    %add3A_288 = arith.addi %or3A_261, %add3A_287 : vector<16xi32>
    tpu.vector_store_idx %arg6[%add3A_285], %add3A_288 : memref<4096xi32, #tpu.memory_space<vmem>>[vector<16xi32>], vector<16xi32>,
    %mul3A_289 = arith.constant 8 : i32
    %mul3A_290 = vector.broadcast %mul3A_289 : i32 to vector<16xi32>
    %mul3A_291 = arith.muli %iota3A, %mul3A_290 : vector<16xi32>
    %add3A_292 = arith.constant 387 : i32
    %add3A_293 = vector.broadcast %add3A_292 : i32 to vector<16xi32>
    %add3A_294 = arith.addi %mul3A_291, %add3A_293 : vector<16xi32>
    %add3A_295 = arith.constant 24 : i32
    %add3A_296 = vector.broadcast %add3A_295 : i32 to vector<16xi32>
    %add3A_297 = arith.addi %or3A_261, %add3A_296 : vector<16xi32>
    tpu.vector_store_idx %arg6[%add3A_294], %add3A_297 : memref<4096xi32, #tpu.memory_space<vmem>>[vector<16xi32>], vector<16xi32>,
    %mul3A_298 = arith.constant 8 : i32
    %mul3A_299 = vector.broadcast %mul3A_298 : i32 to vector<16xi32>
    %mul3A_300 = arith.muli %iota3A, %mul3A_299 : vector<16xi32>
    %add3A_301 = arith.constant 388 : i32
    %add3A_302 = vector.broadcast %add3A_301 : i32 to vector<16xi32>
    %add3A_303 = arith.addi %mul3A_300, %add3A_302 : vector<16xi32>
    %add3A_304 = arith.constant 32 : i32
    %add3A_305 = vector.broadcast %add3A_304 : i32 to vector<16xi32>
    %add3A_306 = arith.addi %or3A_261, %add3A_305 : vector<16xi32>
    tpu.vector_store_idx %arg6[%add3A_303], %add3A_306 : memref<4096xi32, #tpu.memory_space<vmem>>[vector<16xi32>], vector<16xi32>,
    %mul3A_307 = arith.constant 8 : i32
    %mul3A_308 = vector.broadcast %mul3A_307 : i32 to vector<16xi32>
    %mul3A_309 = arith.muli %iota3A, %mul3A_308 : vector<16xi32>
    %add3A_310 = arith.constant 389 : i32
    %add3A_311 = vector.broadcast %add3A_310 : i32 to vector<16xi32>
    %add3A_312 = arith.addi %mul3A_309, %add3A_311 : vector<16xi32>
    %add3A_313 = arith.constant 40 : i32
    %add3A_314 = vector.broadcast %add3A_313 : i32 to vector<16xi32>
    %add3A_315 = arith.addi %or3A_261, %add3A_314 : vector<16xi32>
    tpu.vector_store_idx %arg6[%add3A_312], %add3A_315 : memref<4096xi32, #tpu.memory_space<vmem>>[vector<16xi32>], vector<16xi32>,
    %mul3A_316 = arith.constant 8 : i32
    %mul3A_317 = vector.broadcast %mul3A_316 : i32 to vector<16xi32>
    %mul3A_318 = arith.muli %iota3A, %mul3A_317 : vector<16xi32>
    %add3A_319 = arith.constant 390 : i32
    %add3A_320 = vector.broadcast %add3A_319 : i32 to vector<16xi32>
    %add3A_321 = arith.addi %mul3A_318, %add3A_320 : vector<16xi32>
    %add3A_322 = arith.constant 48 : i32
    %add3A_323 = vector.broadcast %add3A_322 : i32 to vector<16xi32>
    %add3A_324 = arith.addi %or3A_261, %add3A_323 : vector<16xi32>
    tpu.vector_store_idx %arg6[%add3A_321], %add3A_324 : memref<4096xi32, #tpu.memory_space<vmem>>[vector<16xi32>], vector<16xi32>,
    %mul3A_325 = arith.constant 8 : i32
    %mul3A_326 = vector.broadcast %mul3A_325 : i32 to vector<16xi32>
    %mul3A_327 = arith.muli %iota3A, %mul3A_326 : vector<16xi32>
    %add3A_328 = arith.constant 391 : i32
    %add3A_329 = vector.broadcast %add3A_328 : i32 to vector<16xi32>
    %add3A_330 = arith.addi %mul3A_327, %add3A_329 : vector<16xi32>
    %add3A_331 = arith.constant 56 : i32
    %add3A_332 = vector.broadcast %add3A_331 : i32 to vector<16xi32>
    %add3A_333 = arith.addi %or3A_261, %add3A_332 : vector<16xi32>
    tpu.vector_store_idx %arg6[%add3A_330], %add3A_333 : memref<4096xi32, #tpu.memory_space<vmem>>[vector<16xi32>], vector<16xi32>,
    %get3A_334 = arith.constant 64 : index
    %get3A_335 = tpu.vector_load %arg5[%get3A_334] {strides = array<i32>} : memref<512xi32, #tpu.memory_space<vmem>>, vector<16xi32>,
    %shift_right_arithmetic3A_336 = arith.constant 3 : i32
    %shift_right_arithmetic3A_337 = vector.broadcast %shift_right_arithmetic3A_336 : i32 to vector<16xi32>
    %shift_right_arithmetic3A_338 = arith.shrsi %get3A_335, %shift_right_arithmetic3A_337 : vector<16xi32>
    %shift_left3A_339 = arith.constant 6 : i32
    %shift_left3A_340 = vector.broadcast %shift_left3A_339 : i32 to vector<16xi32>
    %shift_left3A_341 = arith.shli %shift_right_arithmetic3A_338, %shift_left3A_340 : vector<16xi32>
    %and3A_342 = arith.constant 7 : i32
    %and3A_343 = vector.broadcast %and3A_342 : i32 to vector<16xi32>
    %and3A_344 = arith.andi %get3A_335, %and3A_343 : vector<16xi32>
    %or3A_345 = arith.ori %shift_left3A_341, %and3A_344 : vector<16xi32>
    %mul3A_346 = arith.constant 8 : i32
    %mul3A_347 = vector.broadcast %mul3A_346 : i32 to vector<16xi32>
    %mul3A_348 = arith.muli %iota3A, %mul3A_347 : vector<16xi32>
    %add3A_349 = arith.constant 512 : i32
    %add3A_350 = vector.broadcast %add3A_349 : i32 to vector<16xi32>
    %add3A_351 = arith.addi %mul3A_348, %add3A_350 : vector<16xi32>
    %add3A_352 = arith.constant 0 : i32
    %add3A_353 = vector.broadcast %add3A_352 : i32 to vector<16xi32>
    %add3A_354 = arith.addi %or3A_345, %add3A_353 : vector<16xi32>
    tpu.vector_store_idx %arg6[%add3A_351], %add3A_354 : memref<4096xi32, #tpu.memory_space<vmem>>[vector<16xi32>], vector<16xi32>,
    %mul3A_355 = arith.constant 8 : i32
    %mul3A_356 = vector.broadcast %mul3A_355 : i32 to vector<16xi32>
    %mul3A_357 = arith.muli %iota3A, %mul3A_356 : vector<16xi32>
    %add3A_358 = arith.constant 513 : i32
    %add3A_359 = vector.broadcast %add3A_358 : i32 to vector<16xi32>
    %add3A_360 = arith.addi %mul3A_357, %add3A_359 : vector<16xi32>
    %add3A_361 = arith.constant 8 : i32
    %add3A_362 = vector.broadcast %add3A_361 : i32 to vector<16xi32>
    %add3A_363 = arith.addi %or3A_345, %add3A_362 : vector<16xi32>
    tpu.vector_store_idx %arg6[%add3A_360], %add3A_363 : memref<4096xi32, #tpu.memory_space<vmem>>[vector<16xi32>], vector<16xi32>,
    %mul3A_364 = arith.constant 8 : i32
    %mul3A_365 = vector.broadcast %mul3A_364 : i32 to vector<16xi32>
    %mul3A_366 = arith.muli %iota3A, %mul3A_365 : vector<16xi32>
    %add3A_367 = arith.constant 514 : i32
    %add3A_368 = vector.broadcast %add3A_367 : i32 to vector<16xi32>
    %add3A_369 = arith.addi %mul3A_366, %add3A_368 : vector<16xi32>
    %add3A_370 = arith.constant 16 : i32
    %add3A_371 = vector.broadcast %add3A_370 : i32 to vector<16xi32>
    %add3A_372 = arith.addi %or3A_345, %add3A_371 : vector<16xi32>
    tpu.vector_store_idx %arg6[%add3A_369], %add3A_372 : memref<4096xi32, #tpu.memory_space<vmem>>[vector<16xi32>], vector<16xi32>,
    %mul3A_373 = arith.constant 8 : i32
    %mul3A_374 = vector.broadcast %mul3A_373 : i32 to vector<16xi32>
    %mul3A_375 = arith.muli %iota3A, %mul3A_374 : vector<16xi32>
    %add3A_376 = arith.constant 515 : i32
    %add3A_377 = vector.broadcast %add3A_376 : i32 to vector<16xi32>
    %add3A_378 = arith.addi %mul3A_375, %add3A_377 : vector<16xi32>
    %add3A_379 = arith.constant 24 : i32
    %add3A_380 = vector.broadcast %add3A_379 : i32 to vector<16xi32>
    %add3A_381 = arith.addi %or3A_345, %add3A_380 : vector<16xi32>
    tpu.vector_store_idx %arg6[%add3A_378], %add3A_381 : memref<4096xi32, #tpu.memory_space<vmem>>[vector<16xi32>], vector<16xi32>,
    %mul3A_382 = arith.constant 8 : i32
    %mul3A_383 = vector.broadcast %mul3A_382 : i32 to vector<16xi32>
    %mul3A_384 = arith.muli %iota3A, %mul3A_383 : vector<16xi32>
    %add3A_385 = arith.constant 516 : i32
    %add3A_386 = vector.broadcast %add3A_385 : i32 to vector<16xi32>
    %add3A_387 = arith.addi %mul3A_384, %add3A_386 : vector<16xi32>
    %add3A_388 = arith.constant 32 : i32
    %add3A_389 = vector.broadcast %add3A_388 : i32 to vector<16xi32>
    %add3A_390 = arith.addi %or3A_345, %add3A_389 : vector<16xi32>
    tpu.vector_store_idx %arg6[%add3A_387], %add3A_390 : memref<4096xi32, #tpu.memory_space<vmem>>[vector<16xi32>], vector<16xi32>,
    %mul3A_391 = arith.constant 8 : i32
    %mul3A_392 = vector.broadcast %mul3A_391 : i32 to vector<16xi32>
    %mul3A_393 = arith.muli %iota3A, %mul3A_392 : vector<16xi32>
    %add3A_394 = arith.constant 517 : i32
    %add3A_395 = vector.broadcast %add3A_394 : i32 to vector<16xi32>
    %add3A_396 = arith.addi %mul3A_393, %add3A_395 : vector<16xi32>
    %add3A_397 = arith.constant 40 : i32
    %add3A_398 = vector.broadcast %add3A_397 : i32 to vector<16xi32>
    %add3A_399 = arith.addi %or3A_345, %add3A_398 : vector<16xi32>
    tpu.vector_store_idx %arg6[%add3A_396], %add3A_399 : memref<4096xi32, #tpu.memory_space<vmem>>[vector<16xi32>], vector<16xi32>,
    %mul3A_400 = arith.constant 8 : i32
    %mul3A_401 = vector.broadcast %mul3A_400 : i32 to vector<16xi32>
    %mul3A_402 = arith.muli %iota3A, %mul3A_401 : vector<16xi32>
    %add3A_403 = arith.constant 518 : i32
    %add3A_404 = vector.broadcast %add3A_403 : i32 to vector<16xi32>
    %add3A_405 = arith.addi %mul3A_402, %add3A_404 : vector<16xi32>
    %add3A_406 = arith.constant 48 : i32
    %add3A_407 = vector.broadcast %add3A_406 : i32 to vector<16xi32>
    %add3A_408 = arith.addi %or3A_345, %add3A_407 : vector<16xi32>
    tpu.vector_store_idx %arg6[%add3A_405], %add3A_408 : memref<4096xi32, #tpu.memory_space<vmem>>[vector<16xi32>], vector<16xi32>,
    %mul3A_409 = arith.constant 8 : i32
    %mul3A_410 = vector.broadcast %mul3A_409 : i32 to vector<16xi32>
    %mul3A_411 = arith.muli %iota3A, %mul3A_410 : vector<16xi32>
    %add3A_412 = arith.constant 519 : i32
    %add3A_413 = vector.broadcast %add3A_412 : i32 to vector<16xi32>
    %add3A_414 = arith.addi %mul3A_411, %add3A_413 : vector<16xi32>
    %add3A_415 = arith.constant 56 : i32
    %add3A_416 = vector.broadcast %add3A_415 : i32 to vector<16xi32>
    %add3A_417 = arith.addi %or3A_345, %add3A_416 : vector<16xi32>
    tpu.vector_store_idx %arg6[%add3A_414], %add3A_417 : memref<4096xi32, #tpu.memory_space<vmem>>[vector<16xi32>], vector<16xi32>,
    %get3A_418 = arith.constant 80 : index
    %get3A_419 = tpu.vector_load %arg5[%get3A_418] {strides = array<i32>} : memref<512xi32, #tpu.memory_space<vmem>>, vector<16xi32>,
    %shift_right_arithmetic3A_420 = arith.constant 3 : i32
    %shift_right_arithmetic3A_421 = vector.broadcast %shift_right_arithmetic3A_420 : i32 to vector<16xi32>
    %shift_right_arithmetic3A_422 = arith.shrsi %get3A_419, %shift_right_arithmetic3A_421 : vector<16xi32>
    %shift_left3A_423 = arith.constant 6 : i32
    %shift_left3A_424 = vector.broadcast %shift_left3A_423 : i32 to vector<16xi32>
    %shift_left3A_425 = arith.shli %shift_right_arithmetic3A_422, %shift_left3A_424 : vector<16xi32>
    %and3A_426 = arith.constant 7 : i32
    %and3A_427 = vector.broadcast %and3A_426 : i32 to vector<16xi32>
    %and3A_428 = arith.andi %get3A_419, %and3A_427 : vector<16xi32>
    %or3A_429 = arith.ori %shift_left3A_425, %and3A_428 : vector<16xi32>
    %mul3A_430 = arith.constant 8 : i32
    %mul3A_431 = vector.broadcast %mul3A_430 : i32 to vector<16xi32>
    %mul3A_432 = arith.muli %iota3A, %mul3A_431 : vector<16xi32>
    %add3A_433 = arith.constant 640 : i32
    %add3A_434 = vector.broadcast %add3A_433 : i32 to vector<16xi32>
    %add3A_435 = arith.addi %mul3A_432, %add3A_434 : vector<16xi32>
    %add3A_436 = arith.constant 0 : i32
    %add3A_437 = vector.broadcast %add3A_436 : i32 to vector<16xi32>
    %add3A_438 = arith.addi %or3A_429, %add3A_437 : vector<16xi32>
    tpu.vector_store_idx %arg6[%add3A_435], %add3A_438 : memref<4096xi32, #tpu.memory_space<vmem>>[vector<16xi32>], vector<16xi32>,
    %mul3A_439 = arith.constant 8 : i32
    %mul3A_440 = vector.broadcast %mul3A_439 : i32 to vector<16xi32>
    %mul3A_441 = arith.muli %iota3A, %mul3A_440 : vector<16xi32>
    %add3A_442 = arith.constant 641 : i32
    %add3A_443 = vector.broadcast %add3A_442 : i32 to vector<16xi32>
    %add3A_444 = arith.addi %mul3A_441, %add3A_443 : vector<16xi32>
    %add3A_445 = arith.constant 8 : i32
    %add3A_446 = vector.broadcast %add3A_445 : i32 to vector<16xi32>
    %add3A_447 = arith.addi %or3A_429, %add3A_446 : vector<16xi32>
    tpu.vector_store_idx %arg6[%add3A_444], %add3A_447 : memref<4096xi32, #tpu.memory_space<vmem>>[vector<16xi32>], vector<16xi32>,
    %mul3A_448 = arith.constant 8 : i32
    %mul3A_449 = vector.broadcast %mul3A_448 : i32 to vector<16xi32>
    %mul3A_450 = arith.muli %iota3A, %mul3A_449 : vector<16xi32>
    %add3A_451 = arith.constant 642 : i32
    %add3A_452 = vector.broadcast %add3A_451 : i32 to vector<16xi32>
    %add3A_453 = arith.addi %mul3A_450, %add3A_452 : vector<16xi32>
    %add3A_454 = arith.constant 16 : i32
    %add3A_455 = vector.broadcast %add3A_454 : i32 to vector<16xi32>
    %add3A_456 = arith.addi %or3A_429, %add3A_455 : vector<16xi32>
    tpu.vector_store_idx %arg6[%add3A_453], %add3A_456 : memref<4096xi32, #tpu.memory_space<vmem>>[vector<16xi32>], vector<16xi32>,
    %mul3A_457 = arith.constant 8 : i32
    %mul3A_458 = vector.broadcast %mul3A_457 : i32 to vector<16xi32>
    %mul3A_459 = arith.muli %iota3A, %mul3A_458 : vector<16xi32>
    %add3A_460 = arith.constant 643 : i32
    %add3A_461 = vector.broadcast %add3A_460 : i32 to vector<16xi32>
    %add3A_462 = arith.addi %mul3A_459, %add3A_461 : vector<16xi32>
    %add3A_463 = arith.constant 24 : i32
    %add3A_464 = vector.broadcast %add3A_463 : i32 to vector<16xi32>
    %add3A_465 = arith.addi %or3A_429, %add3A_464 : vector<16xi32>
    tpu.vector_store_idx %arg6[%add3A_462], %add3A_465 : memref<4096xi32, #tpu.memory_space<vmem>>[vector<16xi32>], vector<16xi32>,
    %mul3A_466 = arith.constant 8 : i32
    %mul3A_467 = vector.broadcast %mul3A_466 : i32 to vector<16xi32>
    %mul3A_468 = arith.muli %iota3A, %mul3A_467 : vector<16xi32>
    %add3A_469 = arith.constant 644 : i32
    %add3A_470 = vector.broadcast %add3A_469 : i32 to vector<16xi32>
    %add3A_471 = arith.addi %mul3A_468, %add3A_470 : vector<16xi32>
    %add3A_472 = arith.constant 32 : i32
    %add3A_473 = vector.broadcast %add3A_472 : i32 to vector<16xi32>
    %add3A_474 = arith.addi %or3A_429, %add3A_473 : vector<16xi32>
    tpu.vector_store_idx %arg6[%add3A_471], %add3A_474 : memref<4096xi32, #tpu.memory_space<vmem>>[vector<16xi32>], vector<16xi32>,
    %mul3A_475 = arith.constant 8 : i32
    %mul3A_476 = vector.broadcast %mul3A_475 : i32 to vector<16xi32>
    %mul3A_477 = arith.muli %iota3A, %mul3A_476 : vector<16xi32>
    %add3A_478 = arith.constant 645 : i32
    %add3A_479 = vector.broadcast %add3A_478 : i32 to vector<16xi32>
    %add3A_480 = arith.addi %mul3A_477, %add3A_479 : vector<16xi32>
    %add3A_481 = arith.constant 40 : i32
    %add3A_482 = vector.broadcast %add3A_481 : i32 to vector<16xi32>
    %add3A_483 = arith.addi %or3A_429, %add3A_482 : vector<16xi32>
    tpu.vector_store_idx %arg6[%add3A_480], %add3A_483 : memref<4096xi32, #tpu.memory_space<vmem>>[vector<16xi32>], vector<16xi32>,
    %mul3A_484 = arith.constant 8 : i32
    %mul3A_485 = vector.broadcast %mul3A_484 : i32 to vector<16xi32>
    %mul3A_486 = arith.muli %iota3A, %mul3A_485 : vector<16xi32>
    %add3A_487 = arith.constant 646 : i32
    %add3A_488 = vector.broadcast %add3A_487 : i32 to vector<16xi32>
    %add3A_489 = arith.addi %mul3A_486, %add3A_488 : vector<16xi32>
    %add3A_490 = arith.constant 48 : i32
    %add3A_491 = vector.broadcast %add3A_490 : i32 to vector<16xi32>
    %add3A_492 = arith.addi %or3A_429, %add3A_491 : vector<16xi32>
    tpu.vector_store_idx %arg6[%add3A_489], %add3A_492 : memref<4096xi32, #tpu.memory_space<vmem>>[vector<16xi32>], vector<16xi32>,
    %mul3A_493 = arith.constant 8 : i32
    %mul3A_494 = vector.broadcast %mul3A_493 : i32 to vector<16xi32>
    %mul3A_495 = arith.muli %iota3A, %mul3A_494 : vector<16xi32>
    %add3A_496 = arith.constant 647 : i32
    %add3A_497 = vector.broadcast %add3A_496 : i32 to vector<16xi32>
    %add3A_498 = arith.addi %mul3A_495, %add3A_497 : vector<16xi32>
    %add3A_499 = arith.constant 56 : i32
    %add3A_500 = vector.broadcast %add3A_499 : i32 to vector<16xi32>
    %add3A_501 = arith.addi %or3A_429, %add3A_500 : vector<16xi32>
    tpu.vector_store_idx %arg6[%add3A_498], %add3A_501 : memref<4096xi32, #tpu.memory_space<vmem>>[vector<16xi32>], vector<16xi32>,
    %get3A_502 = arith.constant 96 : index
    %get3A_503 = tpu.vector_load %arg5[%get3A_502] {strides = array<i32>} : memref<512xi32, #tpu.memory_space<vmem>>, vector<16xi32>,
    %shift_right_arithmetic3A_504 = arith.constant 3 : i32
    %shift_right_arithmetic3A_505 = vector.broadcast %shift_right_arithmetic3A_504 : i32 to vector<16xi32>
    %shift_right_arithmetic3A_506 = arith.shrsi %get3A_503, %shift_right_arithmetic3A_505 : vector<16xi32>
    %shift_left3A_507 = arith.constant 6 : i32
    %shift_left3A_508 = vector.broadcast %shift_left3A_507 : i32 to vector<16xi32>
    %shift_left3A_509 = arith.shli %shift_right_arithmetic3A_506, %shift_left3A_508 : vector<16xi32>
    %and3A_510 = arith.constant 7 : i32
    %and3A_511 = vector.broadcast %and3A_510 : i32 to vector<16xi32>
    %and3A_512 = arith.andi %get3A_503, %and3A_511 : vector<16xi32>
    %or3A_513 = arith.ori %shift_left3A_509, %and3A_512 : vector<16xi32>
    %mul3A_514 = arith.constant 8 : i32
    %mul3A_515 = vector.broadcast %mul3A_514 : i32 to vector<16xi32>
    %mul3A_516 = arith.muli %iota3A, %mul3A_515 : vector<16xi32>
    %add3A_517 = arith.constant 768 : i32
    %add3A_518 = vector.broadcast %add3A_517 : i32 to vector<16xi32>
    %add3A_519 = arith.addi %mul3A_516, %add3A_518 : vector<16xi32>
    %add3A_520 = arith.constant 0 : i32
    %add3A_521 = vector.broadcast %add3A_520 : i32 to vector<16xi32>
    %add3A_522 = arith.addi %or3A_513, %add3A_521 : vector<16xi32>
    tpu.vector_store_idx %arg6[%add3A_519], %add3A_522 : memref<4096xi32, #tpu.memory_space<vmem>>[vector<16xi32>], vector<16xi32>,
    %mul3A_523 = arith.constant 8 : i32
    %mul3A_524 = vector.broadcast %mul3A_523 : i32 to vector<16xi32>
    %mul3A_525 = arith.muli %iota3A, %mul3A_524 : vector<16xi32>
    %add3A_526 = arith.constant 769 : i32
    %add3A_527 = vector.broadcast %add3A_526 : i32 to vector<16xi32>
    %add3A_528 = arith.addi %mul3A_525, %add3A_527 : vector<16xi32>
    %add3A_529 = arith.constant 8 : i32
    %add3A_530 = vector.broadcast %add3A_529 : i32 to vector<16xi32>
    %add3A_531 = arith.addi %or3A_513, %add3A_530 : vector<16xi32>
    tpu.vector_store_idx %arg6[%add3A_528], %add3A_531 : memref<4096xi32, #tpu.memory_space<vmem>>[vector<16xi32>], vector<16xi32>,
    %mul3A_532 = arith.constant 8 : i32
    %mul3A_533 = vector.broadcast %mul3A_532 : i32 to vector<16xi32>
    %mul3A_534 = arith.muli %iota3A, %mul3A_533 : vector<16xi32>
    %add3A_535 = arith.constant 770 : i32
    %add3A_536 = vector.broadcast %add3A_535 : i32 to vector<16xi32>
    %add3A_537 = arith.addi %mul3A_534, %add3A_536 : vector<16xi32>
    %add3A_538 = arith.constant 16 : i32
    %add3A_539 = vector.broadcast %add3A_538 : i32 to vector<16xi32>
    %add3A_540 = arith.addi %or3A_513, %add3A_539 : vector<16xi32>
    tpu.vector_store_idx %arg6[%add3A_537], %add3A_540 : memref<4096xi32, #tpu.memory_space<vmem>>[vector<16xi32>], vector<16xi32>,
    %mul3A_541 = arith.constant 8 : i32
    %mul3A_542 = vector.broadcast %mul3A_541 : i32 to vector<16xi32>
    %mul3A_543 = arith.muli %iota3A, %mul3A_542 : vector<16xi32>
    %add3A_544 = arith.constant 771 : i32
    %add3A_545 = vector.broadcast %add3A_544 : i32 to vector<16xi32>
    %add3A_546 = arith.addi %mul3A_543, %add3A_545 : vector<16xi32>
    %add3A_547 = arith.constant 24 : i32
    %add3A_548 = vector.broadcast %add3A_547 : i32 to vector<16xi32>
    %add3A_549 = arith.addi %or3A_513, %add3A_548 : vector<16xi32>
    tpu.vector_store_idx %arg6[%add3A_546], %add3A_549 : memref<4096xi32, #tpu.memory_space<vmem>>[vector<16xi32>], vector<16xi32>,
    %mul3A_550 = arith.constant 8 : i32
    %mul3A_551 = vector.broadcast %mul3A_550 : i32 to vector<16xi32>
    %mul3A_552 = arith.muli %iota3A, %mul3A_551 : vector<16xi32>
    %add3A_553 = arith.constant 772 : i32
    %add3A_554 = vector.broadcast %add3A_553 : i32 to vector<16xi32>
    %add3A_555 = arith.addi %mul3A_552, %add3A_554 : vector<16xi32>
    %add3A_556 = arith.constant 32 : i32
    %add3A_557 = vector.broadcast %add3A_556 : i32 to vector<16xi32>
    %add3A_558 = arith.addi %or3A_513, %add3A_557 : vector<16xi32>
    tpu.vector_store_idx %arg6[%add3A_555], %add3A_558 : memref<4096xi32, #tpu.memory_space<vmem>>[vector<16xi32>], vector<16xi32>,
    %mul3A_559 = arith.constant 8 : i32
    %mul3A_560 = vector.broadcast %mul3A_559 : i32 to vector<16xi32>
    %mul3A_561 = arith.muli %iota3A, %mul3A_560 : vector<16xi32>
    %add3A_562 = arith.constant 773 : i32
    %add3A_563 = vector.broadcast %add3A_562 : i32 to vector<16xi32>
    %add3A_564 = arith.addi %mul3A_561, %add3A_563 : vector<16xi32>
    %add3A_565 = arith.constant 40 : i32
    %add3A_566 = vector.broadcast %add3A_565 : i32 to vector<16xi32>
    %add3A_567 = arith.addi %or3A_513, %add3A_566 : vector<16xi32>
    tpu.vector_store_idx %arg6[%add3A_564], %add3A_567 : memref<4096xi32, #tpu.memory_space<vmem>>[vector<16xi32>], vector<16xi32>,
    %mul3A_568 = arith.constant 8 : i32
    %mul3A_569 = vector.broadcast %mul3A_568 : i32 to vector<16xi32>
    %mul3A_570 = arith.muli %iota3A, %mul3A_569 : vector<16xi32>
    %add3A_571 = arith.constant 774 : i32
    %add3A_572 = vector.broadcast %add3A_571 : i32 to vector<16xi32>
    %add3A_573 = arith.addi %mul3A_570, %add3A_572 : vector<16xi32>
    %add3A_574 = arith.constant 48 : i32
    %add3A_575 = vector.broadcast %add3A_574 : i32 to vector<16xi32>
    %add3A_576 = arith.addi %or3A_513, %add3A_575 : vector<16xi32>
    tpu.vector_store_idx %arg6[%add3A_573], %add3A_576 : memref<4096xi32, #tpu.memory_space<vmem>>[vector<16xi32>], vector<16xi32>,
    %mul3A_577 = arith.constant 8 : i32
    %mul3A_578 = vector.broadcast %mul3A_577 : i32 to vector<16xi32>
    %mul3A_579 = arith.muli %iota3A, %mul3A_578 : vector<16xi32>
    %add3A_580 = arith.constant 775 : i32
    %add3A_581 = vector.broadcast %add3A_580 : i32 to vector<16xi32>
    %add3A_582 = arith.addi %mul3A_579, %add3A_581 : vector<16xi32>
    %add3A_583 = arith.constant 56 : i32
    %add3A_584 = vector.broadcast %add3A_583 : i32 to vector<16xi32>
    %add3A_585 = arith.addi %or3A_513, %add3A_584 : vector<16xi32>
    tpu.vector_store_idx %arg6[%add3A_582], %add3A_585 : memref<4096xi32, #tpu.memory_space<vmem>>[vector<16xi32>], vector<16xi32>,
    %get3A_586 = arith.constant 112 : index
    %get3A_587 = tpu.vector_load %arg5[%get3A_586] {strides = array<i32>} : memref<512xi32, #tpu.memory_space<vmem>>, vector<16xi32>,
    %shift_right_arithmetic3A_588 = arith.constant 3 : i32
    %shift_right_arithmetic3A_589 = vector.broadcast %shift_right_arithmetic3A_588 : i32 to vector<16xi32>
    %shift_right_arithmetic3A_590 = arith.shrsi %get3A_587, %shift_right_arithmetic3A_589 : vector<16xi32>
    %shift_left3A_591 = arith.constant 6 : i32
    %shift_left3A_592 = vector.broadcast %shift_left3A_591 : i32 to vector<16xi32>
    %shift_left3A_593 = arith.shli %shift_right_arithmetic3A_590, %shift_left3A_592 : vector<16xi32>
    %and3A_594 = arith.constant 7 : i32
    %and3A_595 = vector.broadcast %and3A_594 : i32 to vector<16xi32>
    %and3A_596 = arith.andi %get3A_587, %and3A_595 : vector<16xi32>
    %or3A_597 = arith.ori %shift_left3A_593, %and3A_596 : vector<16xi32>
    %mul3A_598 = arith.constant 8 : i32
    %mul3A_599 = vector.broadcast %mul3A_598 : i32 to vector<16xi32>
    %mul3A_600 = arith.muli %iota3A, %mul3A_599 : vector<16xi32>
    %add3A_601 = arith.constant 896 : i32
    %add3A_602 = vector.broadcast %add3A_601 : i32 to vector<16xi32>
    %add3A_603 = arith.addi %mul3A_600, %add3A_602 : vector<16xi32>
    %add3A_604 = arith.constant 0 : i32
    %add3A_605 = vector.broadcast %add3A_604 : i32 to vector<16xi32>
    %add3A_606 = arith.addi %or3A_597, %add3A_605 : vector<16xi32>
    tpu.vector_store_idx %arg6[%add3A_603], %add3A_606 : memref<4096xi32, #tpu.memory_space<vmem>>[vector<16xi32>], vector<16xi32>,
    %mul3A_607 = arith.constant 8 : i32
    %mul3A_608 = vector.broadcast %mul3A_607 : i32 to vector<16xi32>
    %mul3A_609 = arith.muli %iota3A, %mul3A_608 : vector<16xi32>
    %add3A_610 = arith.constant 897 : i32
    %add3A_611 = vector.broadcast %add3A_610 : i32 to vector<16xi32>
    %add3A_612 = arith.addi %mul3A_609, %add3A_611 : vector<16xi32>
    %add3A_613 = arith.constant 8 : i32
    %add3A_614 = vector.broadcast %add3A_613 : i32 to vector<16xi32>
    %add3A_615 = arith.addi %or3A_597, %add3A_614 : vector<16xi32>
    tpu.vector_store_idx %arg6[%add3A_612], %add3A_615 : memref<4096xi32, #tpu.memory_space<vmem>>[vector<16xi32>], vector<16xi32>,
    %mul3A_616 = arith.constant 8 : i32
    %mul3A_617 = vector.broadcast %mul3A_616 : i32 to vector<16xi32>
    %mul3A_618 = arith.muli %iota3A, %mul3A_617 : vector<16xi32>
    %add3A_619 = arith.constant 898 : i32
    %add3A_620 = vector.broadcast %add3A_619 : i32 to vector<16xi32>
    %add3A_621 = arith.addi %mul3A_618, %add3A_620 : vector<16xi32>
    %add3A_622 = arith.constant 16 : i32
    %add3A_623 = vector.broadcast %add3A_622 : i32 to vector<16xi32>
    %add3A_624 = arith.addi %or3A_597, %add3A_623 : vector<16xi32>
    tpu.vector_store_idx %arg6[%add3A_621], %add3A_624 : memref<4096xi32, #tpu.memory_space<vmem>>[vector<16xi32>], vector<16xi32>,
    %mul3A_625 = arith.constant 8 : i32
    %mul3A_626 = vector.broadcast %mul3A_625 : i32 to vector<16xi32>
    %mul3A_627 = arith.muli %iota3A, %mul3A_626 : vector<16xi32>
    %add3A_628 = arith.constant 899 : i32
    %add3A_629 = vector.broadcast %add3A_628 : i32 to vector<16xi32>
    %add3A_630 = arith.addi %mul3A_627, %add3A_629 : vector<16xi32>
    %add3A_631 = arith.constant 24 : i32
    %add3A_632 = vector.broadcast %add3A_631 : i32 to vector<16xi32>
    %add3A_633 = arith.addi %or3A_597, %add3A_632 : vector<16xi32>
    tpu.vector_store_idx %arg6[%add3A_630], %add3A_633 : memref<4096xi32, #tpu.memory_space<vmem>>[vector<16xi32>], vector<16xi32>,
    %mul3A_634 = arith.constant 8 : i32
    %mul3A_635 = vector.broadcast %mul3A_634 : i32 to vector<16xi32>
    %mul3A_636 = arith.muli %iota3A, %mul3A_635 : vector<16xi32>
    %add3A_637 = arith.constant 900 : i32
    %add3A_638 = vector.broadcast %add3A_637 : i32 to vector<16xi32>
    %add3A_639 = arith.addi %mul3A_636, %add3A_638 : vector<16xi32>
    %add3A_640 = arith.constant 32 : i32
    %add3A_641 = vector.broadcast %add3A_640 : i32 to vector<16xi32>
    %add3A_642 = arith.addi %or3A_597, %add3A_641 : vector<16xi32>
    tpu.vector_store_idx %arg6[%add3A_639], %add3A_642 : memref<4096xi32, #tpu.memory_space<vmem>>[vector<16xi32>], vector<16xi32>,
    %mul3A_643 = arith.constant 8 : i32
    %mul3A_644 = vector.broadcast %mul3A_643 : i32 to vector<16xi32>
    %mul3A_645 = arith.muli %iota3A, %mul3A_644 : vector<16xi32>
    %add3A_646 = arith.constant 901 : i32
    %add3A_647 = vector.broadcast %add3A_646 : i32 to vector<16xi32>
    %add3A_648 = arith.addi %mul3A_645, %add3A_647 : vector<16xi32>
    %add3A_649 = arith.constant 40 : i32
    %add3A_650 = vector.broadcast %add3A_649 : i32 to vector<16xi32>
    %add3A_651 = arith.addi %or3A_597, %add3A_650 : vector<16xi32>
    tpu.vector_store_idx %arg6[%add3A_648], %add3A_651 : memref<4096xi32, #tpu.memory_space<vmem>>[vector<16xi32>], vector<16xi32>,
    %mul3A_652 = arith.constant 8 : i32
    %mul3A_653 = vector.broadcast %mul3A_652 : i32 to vector<16xi32>
    %mul3A_654 = arith.muli %iota3A, %mul3A_653 : vector<16xi32>
    %add3A_655 = arith.constant 902 : i32
    %add3A_656 = vector.broadcast %add3A_655 : i32 to vector<16xi32>
    %add3A_657 = arith.addi %mul3A_654, %add3A_656 : vector<16xi32>
    %add3A_658 = arith.constant 48 : i32
    %add3A_659 = vector.broadcast %add3A_658 : i32 to vector<16xi32>
    %add3A_660 = arith.addi %or3A_597, %add3A_659 : vector<16xi32>
    tpu.vector_store_idx %arg6[%add3A_657], %add3A_660 : memref<4096xi32, #tpu.memory_space<vmem>>[vector<16xi32>], vector<16xi32>,
    %mul3A_661 = arith.constant 8 : i32
    %mul3A_662 = vector.broadcast %mul3A_661 : i32 to vector<16xi32>
    %mul3A_663 = arith.muli %iota3A, %mul3A_662 : vector<16xi32>
    %add3A_664 = arith.constant 903 : i32
    %add3A_665 = vector.broadcast %add3A_664 : i32 to vector<16xi32>
    %add3A_666 = arith.addi %mul3A_663, %add3A_665 : vector<16xi32>
    %add3A_667 = arith.constant 56 : i32
    %add3A_668 = vector.broadcast %add3A_667 : i32 to vector<16xi32>
    %add3A_669 = arith.addi %or3A_597, %add3A_668 : vector<16xi32>
    tpu.vector_store_idx %arg6[%add3A_666], %add3A_669 : memref<4096xi32, #tpu.memory_space<vmem>>[vector<16xi32>], vector<16xi32>,
    %get3A_670 = arith.constant 128 : index
    %get3A_671 = tpu.vector_load %arg5[%get3A_670] {strides = array<i32>} : memref<512xi32, #tpu.memory_space<vmem>>, vector<16xi32>,
    %shift_right_arithmetic3A_672 = arith.constant 3 : i32
    %shift_right_arithmetic3A_673 = vector.broadcast %shift_right_arithmetic3A_672 : i32 to vector<16xi32>
    %shift_right_arithmetic3A_674 = arith.shrsi %get3A_671, %shift_right_arithmetic3A_673 : vector<16xi32>
    %shift_left3A_675 = arith.constant 6 : i32
    %shift_left3A_676 = vector.broadcast %shift_left3A_675 : i32 to vector<16xi32>
    %shift_left3A_677 = arith.shli %shift_right_arithmetic3A_674, %shift_left3A_676 : vector<16xi32>
    %and3A_678 = arith.constant 7 : i32
    %and3A_679 = vector.broadcast %and3A_678 : i32 to vector<16xi32>
    %and3A_680 = arith.andi %get3A_671, %and3A_679 : vector<16xi32>
    %or3A_681 = arith.ori %shift_left3A_677, %and3A_680 : vector<16xi32>
    %mul3A_682 = arith.constant 8 : i32
    %mul3A_683 = vector.broadcast %mul3A_682 : i32 to vector<16xi32>
    %mul3A_684 = arith.muli %iota3A, %mul3A_683 : vector<16xi32>
    %add3A_685 = arith.constant 1024 : i32
    %add3A_686 = vector.broadcast %add3A_685 : i32 to vector<16xi32>
    %add3A_687 = arith.addi %mul3A_684, %add3A_686 : vector<16xi32>
    %add3A_688 = arith.constant 0 : i32
    %add3A_689 = vector.broadcast %add3A_688 : i32 to vector<16xi32>
    %add3A_690 = arith.addi %or3A_681, %add3A_689 : vector<16xi32>
    tpu.vector_store_idx %arg6[%add3A_687], %add3A_690 : memref<4096xi32, #tpu.memory_space<vmem>>[vector<16xi32>], vector<16xi32>,
    %mul3A_691 = arith.constant 8 : i32
    %mul3A_692 = vector.broadcast %mul3A_691 : i32 to vector<16xi32>
    %mul3A_693 = arith.muli %iota3A, %mul3A_692 : vector<16xi32>
    %add3A_694 = arith.constant 1025 : i32
    %add3A_695 = vector.broadcast %add3A_694 : i32 to vector<16xi32>
    %add3A_696 = arith.addi %mul3A_693, %add3A_695 : vector<16xi32>
    %add3A_697 = arith.constant 8 : i32
    %add3A_698 = vector.broadcast %add3A_697 : i32 to vector<16xi32>
    %add3A_699 = arith.addi %or3A_681, %add3A_698 : vector<16xi32>
    tpu.vector_store_idx %arg6[%add3A_696], %add3A_699 : memref<4096xi32, #tpu.memory_space<vmem>>[vector<16xi32>], vector<16xi32>,
    %mul3A_700 = arith.constant 8 : i32
    %mul3A_701 = vector.broadcast %mul3A_700 : i32 to vector<16xi32>
    %mul3A_702 = arith.muli %iota3A, %mul3A_701 : vector<16xi32>
    %add3A_703 = arith.constant 1026 : i32
    %add3A_704 = vector.broadcast %add3A_703 : i32 to vector<16xi32>
    %add3A_705 = arith.addi %mul3A_702, %add3A_704 : vector<16xi32>
    %add3A_706 = arith.constant 16 : i32
    %add3A_707 = vector.broadcast %add3A_706 : i32 to vector<16xi32>
    %add3A_708 = arith.addi %or3A_681, %add3A_707 : vector<16xi32>
    tpu.vector_store_idx %arg6[%add3A_705], %add3A_708 : memref<4096xi32, #tpu.memory_space<vmem>>[vector<16xi32>], vector<16xi32>,
    %mul3A_709 = arith.constant 8 : i32
    %mul3A_710 = vector.broadcast %mul3A_709 : i32 to vector<16xi32>
    %mul3A_711 = arith.muli %iota3A, %mul3A_710 : vector<16xi32>
    %add3A_712 = arith.constant 1027 : i32
    %add3A_713 = vector.broadcast %add3A_712 : i32 to vector<16xi32>
    %add3A_714 = arith.addi %mul3A_711, %add3A_713 : vector<16xi32>
    %add3A_715 = arith.constant 24 : i32
    %add3A_716 = vector.broadcast %add3A_715 : i32 to vector<16xi32>
    %add3A_717 = arith.addi %or3A_681, %add3A_716 : vector<16xi32>
    tpu.vector_store_idx %arg6[%add3A_714], %add3A_717 : memref<4096xi32, #tpu.memory_space<vmem>>[vector<16xi32>], vector<16xi32>,
    %mul3A_718 = arith.constant 8 : i32
    %mul3A_719 = vector.broadcast %mul3A_718 : i32 to vector<16xi32>
    %mul3A_720 = arith.muli %iota3A, %mul3A_719 : vector<16xi32>
    %add3A_721 = arith.constant 1028 : i32
    %add3A_722 = vector.broadcast %add3A_721 : i32 to vector<16xi32>
    %add3A_723 = arith.addi %mul3A_720, %add3A_722 : vector<16xi32>
    %add3A_724 = arith.constant 32 : i32
    %add3A_725 = vector.broadcast %add3A_724 : i32 to vector<16xi32>
    %add3A_726 = arith.addi %or3A_681, %add3A_725 : vector<16xi32>
    tpu.vector_store_idx %arg6[%add3A_723], %add3A_726 : memref<4096xi32, #tpu.memory_space<vmem>>[vector<16xi32>], vector<16xi32>,
    %mul3A_727 = arith.constant 8 : i32
    %mul3A_728 = vector.broadcast %mul3A_727 : i32 to vector<16xi32>
    %mul3A_729 = arith.muli %iota3A, %mul3A_728 : vector<16xi32>
    %add3A_730 = arith.constant 1029 : i32
    %add3A_731 = vector.broadcast %add3A_730 : i32 to vector<16xi32>
    %add3A_732 = arith.addi %mul3A_729, %add3A_731 : vector<16xi32>
    %add3A_733 = arith.constant 40 : i32
    %add3A_734 = vector.broadcast %add3A_733 : i32 to vector<16xi32>
    %add3A_735 = arith.addi %or3A_681, %add3A_734 : vector<16xi32>
    tpu.vector_store_idx %arg6[%add3A_732], %add3A_735 : memref<4096xi32, #tpu.memory_space<vmem>>[vector<16xi32>], vector<16xi32>,
    %mul3A_736 = arith.constant 8 : i32
    %mul3A_737 = vector.broadcast %mul3A_736 : i32 to vector<16xi32>
    %mul3A_738 = arith.muli %iota3A, %mul3A_737 : vector<16xi32>
    %add3A_739 = arith.constant 1030 : i32
    %add3A_740 = vector.broadcast %add3A_739 : i32 to vector<16xi32>
    %add3A_741 = arith.addi %mul3A_738, %add3A_740 : vector<16xi32>
    %add3A_742 = arith.constant 48 : i32
    %add3A_743 = vector.broadcast %add3A_742 : i32 to vector<16xi32>
    %add3A_744 = arith.addi %or3A_681, %add3A_743 : vector<16xi32>
    tpu.vector_store_idx %arg6[%add3A_741], %add3A_744 : memref<4096xi32, #tpu.memory_space<vmem>>[vector<16xi32>], vector<16xi32>,
    %mul3A_745 = arith.constant 8 : i32
    %mul3A_746 = vector.broadcast %mul3A_745 : i32 to vector<16xi32>
    %mul3A_747 = arith.muli %iota3A, %mul3A_746 : vector<16xi32>
    %add3A_748 = arith.constant 1031 : i32
    %add3A_749 = vector.broadcast %add3A_748 : i32 to vector<16xi32>
    %add3A_750 = arith.addi %mul3A_747, %add3A_749 : vector<16xi32>
    %add3A_751 = arith.constant 56 : i32
    %add3A_752 = vector.broadcast %add3A_751 : i32 to vector<16xi32>
    %add3A_753 = arith.addi %or3A_681, %add3A_752 : vector<16xi32>
    tpu.vector_store_idx %arg6[%add3A_750], %add3A_753 : memref<4096xi32, #tpu.memory_space<vmem>>[vector<16xi32>], vector<16xi32>,
    %get3A_754 = arith.constant 144 : index
    %get3A_755 = tpu.vector_load %arg5[%get3A_754] {strides = array<i32>} : memref<512xi32, #tpu.memory_space<vmem>>, vector<16xi32>,
    %shift_right_arithmetic3A_756 = arith.constant 3 : i32
    %shift_right_arithmetic3A_757 = vector.broadcast %shift_right_arithmetic3A_756 : i32 to vector<16xi32>
    %shift_right_arithmetic3A_758 = arith.shrsi %get3A_755, %shift_right_arithmetic3A_757 : vector<16xi32>
    %shift_left3A_759 = arith.constant 6 : i32
    %shift_left3A_760 = vector.broadcast %shift_left3A_759 : i32 to vector<16xi32>
    %shift_left3A_761 = arith.shli %shift_right_arithmetic3A_758, %shift_left3A_760 : vector<16xi32>
    %and3A_762 = arith.constant 7 : i32
    %and3A_763 = vector.broadcast %and3A_762 : i32 to vector<16xi32>
    %and3A_764 = arith.andi %get3A_755, %and3A_763 : vector<16xi32>
    %or3A_765 = arith.ori %shift_left3A_761, %and3A_764 : vector<16xi32>
    %mul3A_766 = arith.constant 8 : i32
    %mul3A_767 = vector.broadcast %mul3A_766 : i32 to vector<16xi32>
    %mul3A_768 = arith.muli %iota3A, %mul3A_767 : vector<16xi32>
    %add3A_769 = arith.constant 1152 : i32
    %add3A_770 = vector.broadcast %add3A_769 : i32 to vector<16xi32>
    %add3A_771 = arith.addi %mul3A_768, %add3A_770 : vector<16xi32>
    %add3A_772 = arith.constant 0 : i32
    %add3A_773 = vector.broadcast %add3A_772 : i32 to vector<16xi32>
    %add3A_774 = arith.addi %or3A_765, %add3A_773 : vector<16xi32>
    tpu.vector_store_idx %arg6[%add3A_771], %add3A_774 : memref<4096xi32, #tpu.memory_space<vmem>>[vector<16xi32>], vector<16xi32>,
    %mul3A_775 = arith.constant 8 : i32
    %mul3A_776 = vector.broadcast %mul3A_775 : i32 to vector<16xi32>
    %mul3A_777 = arith.muli %iota3A, %mul3A_776 : vector<16xi32>
    %add3A_778 = arith.constant 1153 : i32
    %add3A_779 = vector.broadcast %add3A_778 : i32 to vector<16xi32>
    %add3A_780 = arith.addi %mul3A_777, %add3A_779 : vector<16xi32>
    %add3A_781 = arith.constant 8 : i32
    %add3A_782 = vector.broadcast %add3A_781 : i32 to vector<16xi32>
    %add3A_783 = arith.addi %or3A_765, %add3A_782 : vector<16xi32>
    tpu.vector_store_idx %arg6[%add3A_780], %add3A_783 : memref<4096xi32, #tpu.memory_space<vmem>>[vector<16xi32>], vector<16xi32>,
    %mul3A_784 = arith.constant 8 : i32
    %mul3A_785 = vector.broadcast %mul3A_784 : i32 to vector<16xi32>
    %mul3A_786 = arith.muli %iota3A, %mul3A_785 : vector<16xi32>
    %add3A_787 = arith.constant 1154 : i32
    %add3A_788 = vector.broadcast %add3A_787 : i32 to vector<16xi32>
    %add3A_789 = arith.addi %mul3A_786, %add3A_788 : vector<16xi32>
    %add3A_790 = arith.constant 16 : i32
    %add3A_791 = vector.broadcast %add3A_790 : i32 to vector<16xi32>
    %add3A_792 = arith.addi %or3A_765, %add3A_791 : vector<16xi32>
    tpu.vector_store_idx %arg6[%add3A_789], %add3A_792 : memref<4096xi32, #tpu.memory_space<vmem>>[vector<16xi32>], vector<16xi32>,
    %mul3A_793 = arith.constant 8 : i32
    %mul3A_794 = vector.broadcast %mul3A_793 : i32 to vector<16xi32>
    %mul3A_795 = arith.muli %iota3A, %mul3A_794 : vector<16xi32>
    %add3A_796 = arith.constant 1155 : i32
    %add3A_797 = vector.broadcast %add3A_796 : i32 to vector<16xi32>
    %add3A_798 = arith.addi %mul3A_795, %add3A_797 : vector<16xi32>
    %add3A_799 = arith.constant 24 : i32
    %add3A_800 = vector.broadcast %add3A_799 : i32 to vector<16xi32>
    %add3A_801 = arith.addi %or3A_765, %add3A_800 : vector<16xi32>
    tpu.vector_store_idx %arg6[%add3A_798], %add3A_801 : memref<4096xi32, #tpu.memory_space<vmem>>[vector<16xi32>], vector<16xi32>,
    %mul3A_802 = arith.constant 8 : i32
    %mul3A_803 = vector.broadcast %mul3A_802 : i32 to vector<16xi32>
    %mul3A_804 = arith.muli %iota3A, %mul3A_803 : vector<16xi32>
    %add3A_805 = arith.constant 1156 : i32
    %add3A_806 = vector.broadcast %add3A_805 : i32 to vector<16xi32>
    %add3A_807 = arith.addi %mul3A_804, %add3A_806 : vector<16xi32>
    %add3A_808 = arith.constant 32 : i32
    %add3A_809 = vector.broadcast %add3A_808 : i32 to vector<16xi32>
    %add3A_810 = arith.addi %or3A_765, %add3A_809 : vector<16xi32>
    tpu.vector_store_idx %arg6[%add3A_807], %add3A_810 : memref<4096xi32, #tpu.memory_space<vmem>>[vector<16xi32>], vector<16xi32>,
    %mul3A_811 = arith.constant 8 : i32
    %mul3A_812 = vector.broadcast %mul3A_811 : i32 to vector<16xi32>
    %mul3A_813 = arith.muli %iota3A, %mul3A_812 : vector<16xi32>
    %add3A_814 = arith.constant 1157 : i32
    %add3A_815 = vector.broadcast %add3A_814 : i32 to vector<16xi32>
    %add3A_816 = arith.addi %mul3A_813, %add3A_815 : vector<16xi32>
    %add3A_817 = arith.constant 40 : i32
    %add3A_818 = vector.broadcast %add3A_817 : i32 to vector<16xi32>
    %add3A_819 = arith.addi %or3A_765, %add3A_818 : vector<16xi32>
    tpu.vector_store_idx %arg6[%add3A_816], %add3A_819 : memref<4096xi32, #tpu.memory_space<vmem>>[vector<16xi32>], vector<16xi32>,
    %mul3A_820 = arith.constant 8 : i32
    %mul3A_821 = vector.broadcast %mul3A_820 : i32 to vector<16xi32>
    %mul3A_822 = arith.muli %iota3A, %mul3A_821 : vector<16xi32>
    %add3A_823 = arith.constant 1158 : i32
    %add3A_824 = vector.broadcast %add3A_823 : i32 to vector<16xi32>
    %add3A_825 = arith.addi %mul3A_822, %add3A_824 : vector<16xi32>
    %add3A_826 = arith.constant 48 : i32
    %add3A_827 = vector.broadcast %add3A_826 : i32 to vector<16xi32>
    %add3A_828 = arith.addi %or3A_765, %add3A_827 : vector<16xi32>
    tpu.vector_store_idx %arg6[%add3A_825], %add3A_828 : memref<4096xi32, #tpu.memory_space<vmem>>[vector<16xi32>], vector<16xi32>,
    %mul3A_829 = arith.constant 8 : i32
    %mul3A_830 = vector.broadcast %mul3A_829 : i32 to vector<16xi32>
    %mul3A_831 = arith.muli %iota3A, %mul3A_830 : vector<16xi32>
    %add3A_832 = arith.constant 1159 : i32
    %add3A_833 = vector.broadcast %add3A_832 : i32 to vector<16xi32>
    %add3A_834 = arith.addi %mul3A_831, %add3A_833 : vector<16xi32>
    %add3A_835 = arith.constant 56 : i32
    %add3A_836 = vector.broadcast %add3A_835 : i32 to vector<16xi32>
    %add3A_837 = arith.addi %or3A_765, %add3A_836 : vector<16xi32>
    tpu.vector_store_idx %arg6[%add3A_834], %add3A_837 : memref<4096xi32, #tpu.memory_space<vmem>>[vector<16xi32>], vector<16xi32>,
    %get3A_838 = arith.constant 160 : index
    %get3A_839 = tpu.vector_load %arg5[%get3A_838] {strides = array<i32>} : memref<512xi32, #tpu.memory_space<vmem>>, vector<16xi32>,
    %shift_right_arithmetic3A_840 = arith.constant 3 : i32
    %shift_right_arithmetic3A_841 = vector.broadcast %shift_right_arithmetic3A_840 : i32 to vector<16xi32>
    %shift_right_arithmetic3A_842 = arith.shrsi %get3A_839, %shift_right_arithmetic3A_841 : vector<16xi32>
    %shift_left3A_843 = arith.constant 6 : i32
    %shift_left3A_844 = vector.broadcast %shift_left3A_843 : i32 to vector<16xi32>
    %shift_left3A_845 = arith.shli %shift_right_arithmetic3A_842, %shift_left3A_844 : vector<16xi32>
    %and3A_846 = arith.constant 7 : i32
    %and3A_847 = vector.broadcast %and3A_846 : i32 to vector<16xi32>
    %and3A_848 = arith.andi %get3A_839, %and3A_847 : vector<16xi32>
    %or3A_849 = arith.ori %shift_left3A_845, %and3A_848 : vector<16xi32>
    %mul3A_850 = arith.constant 8 : i32
    %mul3A_851 = vector.broadcast %mul3A_850 : i32 to vector<16xi32>
    %mul3A_852 = arith.muli %iota3A, %mul3A_851 : vector<16xi32>
    %add3A_853 = arith.constant 1280 : i32
    %add3A_854 = vector.broadcast %add3A_853 : i32 to vector<16xi32>
    %add3A_855 = arith.addi %mul3A_852, %add3A_854 : vector<16xi32>
    %add3A_856 = arith.constant 0 : i32
    %add3A_857 = vector.broadcast %add3A_856 : i32 to vector<16xi32>
    %add3A_858 = arith.addi %or3A_849, %add3A_857 : vector<16xi32>
    tpu.vector_store_idx %arg6[%add3A_855], %add3A_858 : memref<4096xi32, #tpu.memory_space<vmem>>[vector<16xi32>], vector<16xi32>,
    %mul3A_859 = arith.constant 8 : i32
    %mul3A_860 = vector.broadcast %mul3A_859 : i32 to vector<16xi32>
    %mul3A_861 = arith.muli %iota3A, %mul3A_860 : vector<16xi32>
    %add3A_862 = arith.constant 1281 : i32
    %add3A_863 = vector.broadcast %add3A_862 : i32 to vector<16xi32>
    %add3A_864 = arith.addi %mul3A_861, %add3A_863 : vector<16xi32>
    %add3A_865 = arith.constant 8 : i32
    %add3A_866 = vector.broadcast %add3A_865 : i32 to vector<16xi32>
    %add3A_867 = arith.addi %or3A_849, %add3A_866 : vector<16xi32>
    tpu.vector_store_idx %arg6[%add3A_864], %add3A_867 : memref<4096xi32, #tpu.memory_space<vmem>>[vector<16xi32>], vector<16xi32>,
    %mul3A_868 = arith.constant 8 : i32
    %mul3A_869 = vector.broadcast %mul3A_868 : i32 to vector<16xi32>
    %mul3A_870 = arith.muli %iota3A, %mul3A_869 : vector<16xi32>
    %add3A_871 = arith.constant 1282 : i32
    %add3A_872 = vector.broadcast %add3A_871 : i32 to vector<16xi32>
    %add3A_873 = arith.addi %mul3A_870, %add3A_872 : vector<16xi32>
    %add3A_874 = arith.constant 16 : i32
    %add3A_875 = vector.broadcast %add3A_874 : i32 to vector<16xi32>
    %add3A_876 = arith.addi %or3A_849, %add3A_875 : vector<16xi32>
    tpu.vector_store_idx %arg6[%add3A_873], %add3A_876 : memref<4096xi32, #tpu.memory_space<vmem>>[vector<16xi32>], vector<16xi32>,
    %mul3A_877 = arith.constant 8 : i32
    %mul3A_878 = vector.broadcast %mul3A_877 : i32 to vector<16xi32>
    %mul3A_879 = arith.muli %iota3A, %mul3A_878 : vector<16xi32>
    %add3A_880 = arith.constant 1283 : i32
    %add3A_881 = vector.broadcast %add3A_880 : i32 to vector<16xi32>
    %add3A_882 = arith.addi %mul3A_879, %add3A_881 : vector<16xi32>
    %add3A_883 = arith.constant 24 : i32
    %add3A_884 = vector.broadcast %add3A_883 : i32 to vector<16xi32>
    %add3A_885 = arith.addi %or3A_849, %add3A_884 : vector<16xi32>
    tpu.vector_store_idx %arg6[%add3A_882], %add3A_885 : memref<4096xi32, #tpu.memory_space<vmem>>[vector<16xi32>], vector<16xi32>,
    %mul3A_886 = arith.constant 8 : i32
    %mul3A_887 = vector.broadcast %mul3A_886 : i32 to vector<16xi32>
    %mul3A_888 = arith.muli %iota3A, %mul3A_887 : vector<16xi32>
    %add3A_889 = arith.constant 1284 : i32
    %add3A_890 = vector.broadcast %add3A_889 : i32 to vector<16xi32>
    %add3A_891 = arith.addi %mul3A_888, %add3A_890 : vector<16xi32>
    %add3A_892 = arith.constant 32 : i32
    %add3A_893 = vector.broadcast %add3A_892 : i32 to vector<16xi32>
    %add3A_894 = arith.addi %or3A_849, %add3A_893 : vector<16xi32>
    tpu.vector_store_idx %arg6[%add3A_891], %add3A_894 : memref<4096xi32, #tpu.memory_space<vmem>>[vector<16xi32>], vector<16xi32>,
    %mul3A_895 = arith.constant 8 : i32
    %mul3A_896 = vector.broadcast %mul3A_895 : i32 to vector<16xi32>
    %mul3A_897 = arith.muli %iota3A, %mul3A_896 : vector<16xi32>
    %add3A_898 = arith.constant 1285 : i32
    %add3A_899 = vector.broadcast %add3A_898 : i32 to vector<16xi32>
    %add3A_900 = arith.addi %mul3A_897, %add3A_899 : vector<16xi32>
    %add3A_901 = arith.constant 40 : i32
    %add3A_902 = vector.broadcast %add3A_901 : i32 to vector<16xi32>
    %add3A_903 = arith.addi %or3A_849, %add3A_902 : vector<16xi32>
    tpu.vector_store_idx %arg6[%add3A_900], %add3A_903 : memref<4096xi32, #tpu.memory_space<vmem>>[vector<16xi32>], vector<16xi32>,
    %mul3A_904 = arith.constant 8 : i32
    %mul3A_905 = vector.broadcast %mul3A_904 : i32 to vector<16xi32>
    %mul3A_906 = arith.muli %iota3A, %mul3A_905 : vector<16xi32>
    %add3A_907 = arith.constant 1286 : i32
    %add3A_908 = vector.broadcast %add3A_907 : i32 to vector<16xi32>
    %add3A_909 = arith.addi %mul3A_906, %add3A_908 : vector<16xi32>
    %add3A_910 = arith.constant 48 : i32
    %add3A_911 = vector.broadcast %add3A_910 : i32 to vector<16xi32>
    %add3A_912 = arith.addi %or3A_849, %add3A_911 : vector<16xi32>
    tpu.vector_store_idx %arg6[%add3A_909], %add3A_912 : memref<4096xi32, #tpu.memory_space<vmem>>[vector<16xi32>], vector<16xi32>,
    %mul3A_913 = arith.constant 8 : i32
    %mul3A_914 = vector.broadcast %mul3A_913 : i32 to vector<16xi32>
    %mul3A_915 = arith.muli %iota3A, %mul3A_914 : vector<16xi32>
    %add3A_916 = arith.constant 1287 : i32
    %add3A_917 = vector.broadcast %add3A_916 : i32 to vector<16xi32>
    %add3A_918 = arith.addi %mul3A_915, %add3A_917 : vector<16xi32>
    %add3A_919 = arith.constant 56 : i32
    %add3A_920 = vector.broadcast %add3A_919 : i32 to vector<16xi32>
    %add3A_921 = arith.addi %or3A_849, %add3A_920 : vector<16xi32>
    tpu.vector_store_idx %arg6[%add3A_918], %add3A_921 : memref<4096xi32, #tpu.memory_space<vmem>>[vector<16xi32>], vector<16xi32>,
    %get3A_922 = arith.constant 176 : index
    %get3A_923 = tpu.vector_load %arg5[%get3A_922] {strides = array<i32>} : memref<512xi32, #tpu.memory_space<vmem>>, vector<16xi32>,
    %shift_right_arithmetic3A_924 = arith.constant 3 : i32
    %shift_right_arithmetic3A_925 = vector.broadcast %shift_right_arithmetic3A_924 : i32 to vector<16xi32>
    %shift_right_arithmetic3A_926 = arith.shrsi %get3A_923, %shift_right_arithmetic3A_925 : vector<16xi32>
    %shift_left3A_927 = arith.constant 6 : i32
    %shift_left3A_928 = vector.broadcast %shift_left3A_927 : i32 to vector<16xi32>
    %shift_left3A_929 = arith.shli %shift_right_arithmetic3A_926, %shift_left3A_928 : vector<16xi32>
    %and3A_930 = arith.constant 7 : i32
    %and3A_931 = vector.broadcast %and3A_930 : i32 to vector<16xi32>
    %and3A_932 = arith.andi %get3A_923, %and3A_931 : vector<16xi32>
    %or3A_933 = arith.ori %shift_left3A_929, %and3A_932 : vector<16xi32>
    %mul3A_934 = arith.constant 8 : i32
    %mul3A_935 = vector.broadcast %mul3A_934 : i32 to vector<16xi32>
    %mul3A_936 = arith.muli %iota3A, %mul3A_935 : vector<16xi32>
    %add3A_937 = arith.constant 1408 : i32
    %add3A_938 = vector.broadcast %add3A_937 : i32 to vector<16xi32>
    %add3A_939 = arith.addi %mul3A_936, %add3A_938 : vector<16xi32>
    %add3A_940 = arith.constant 0 : i32
    %add3A_941 = vector.broadcast %add3A_940 : i32 to vector<16xi32>
    %add3A_942 = arith.addi %or3A_933, %add3A_941 : vector<16xi32>
    tpu.vector_store_idx %arg6[%add3A_939], %add3A_942 : memref<4096xi32, #tpu.memory_space<vmem>>[vector<16xi32>], vector<16xi32>,
    %mul3A_943 = arith.constant 8 : i32
    %mul3A_944 = vector.broadcast %mul3A_943 : i32 to vector<16xi32>
    %mul3A_945 = arith.muli %iota3A, %mul3A_944 : vector<16xi32>
    %add3A_946 = arith.constant 1409 : i32
    %add3A_947 = vector.broadcast %add3A_946 : i32 to vector<16xi32>
    %add3A_948 = arith.addi %mul3A_945, %add3A_947 : vector<16xi32>
    %add3A_949 = arith.constant 8 : i32
    %add3A_950 = vector.broadcast %add3A_949 : i32 to vector<16xi32>
    %add3A_951 = arith.addi %or3A_933, %add3A_950 : vector<16xi32>
    tpu.vector_store_idx %arg6[%add3A_948], %add3A_951 : memref<4096xi32, #tpu.memory_space<vmem>>[vector<16xi32>], vector<16xi32>,
    %mul3A_952 = arith.constant 8 : i32
    %mul3A_953 = vector.broadcast %mul3A_952 : i32 to vector<16xi32>
    %mul3A_954 = arith.muli %iota3A, %mul3A_953 : vector<16xi32>
    %add3A_955 = arith.constant 1410 : i32
    %add3A_956 = vector.broadcast %add3A_955 : i32 to vector<16xi32>
    %add3A_957 = arith.addi %mul3A_954, %add3A_956 : vector<16xi32>
    %add3A_958 = arith.constant 16 : i32
    %add3A_959 = vector.broadcast %add3A_958 : i32 to vector<16xi32>
    %add3A_960 = arith.addi %or3A_933, %add3A_959 : vector<16xi32>
    tpu.vector_store_idx %arg6[%add3A_957], %add3A_960 : memref<4096xi32, #tpu.memory_space<vmem>>[vector<16xi32>], vector<16xi32>,
    %mul3A_961 = arith.constant 8 : i32
    %mul3A_962 = vector.broadcast %mul3A_961 : i32 to vector<16xi32>
    %mul3A_963 = arith.muli %iota3A, %mul3A_962 : vector<16xi32>
    %add3A_964 = arith.constant 1411 : i32
    %add3A_965 = vector.broadcast %add3A_964 : i32 to vector<16xi32>
    %add3A_966 = arith.addi %mul3A_963, %add3A_965 : vector<16xi32>
    %add3A_967 = arith.constant 24 : i32
    %add3A_968 = vector.broadcast %add3A_967 : i32 to vector<16xi32>
    %add3A_969 = arith.addi %or3A_933, %add3A_968 : vector<16xi32>
    tpu.vector_store_idx %arg6[%add3A_966], %add3A_969 : memref<4096xi32, #tpu.memory_space<vmem>>[vector<16xi32>], vector<16xi32>,
    %mul3A_970 = arith.constant 8 : i32
    %mul3A_971 = vector.broadcast %mul3A_970 : i32 to vector<16xi32>
    %mul3A_972 = arith.muli %iota3A, %mul3A_971 : vector<16xi32>
    %add3A_973 = arith.constant 1412 : i32
    %add3A_974 = vector.broadcast %add3A_973 : i32 to vector<16xi32>
    %add3A_975 = arith.addi %mul3A_972, %add3A_974 : vector<16xi32>
    %add3A_976 = arith.constant 32 : i32
    %add3A_977 = vector.broadcast %add3A_976 : i32 to vector<16xi32>
    %add3A_978 = arith.addi %or3A_933, %add3A_977 : vector<16xi32>
    tpu.vector_store_idx %arg6[%add3A_975], %add3A_978 : memref<4096xi32, #tpu.memory_space<vmem>>[vector<16xi32>], vector<16xi32>,
    %mul3A_979 = arith.constant 8 : i32
    %mul3A_980 = vector.broadcast %mul3A_979 : i32 to vector<16xi32>
    %mul3A_981 = arith.muli %iota3A, %mul3A_980 : vector<16xi32>
    %add3A_982 = arith.constant 1413 : i32
    %add3A_983 = vector.broadcast %add3A_982 : i32 to vector<16xi32>
    %add3A_984 = arith.addi %mul3A_981, %add3A_983 : vector<16xi32>
    %add3A_985 = arith.constant 40 : i32
    %add3A_986 = vector.broadcast %add3A_985 : i32 to vector<16xi32>
    %add3A_987 = arith.addi %or3A_933, %add3A_986 : vector<16xi32>
    tpu.vector_store_idx %arg6[%add3A_984], %add3A_987 : memref<4096xi32, #tpu.memory_space<vmem>>[vector<16xi32>], vector<16xi32>,
    %mul3A_988 = arith.constant 8 : i32
    %mul3A_989 = vector.broadcast %mul3A_988 : i32 to vector<16xi32>
    %mul3A_990 = arith.muli %iota3A, %mul3A_989 : vector<16xi32>
    %add3A_991 = arith.constant 1414 : i32
    %add3A_992 = vector.broadcast %add3A_991 : i32 to vector<16xi32>
    %add3A_993 = arith.addi %mul3A_990, %add3A_992 : vector<16xi32>
    %add3A_994 = arith.constant 48 : i32
    %add3A_995 = vector.broadcast %add3A_994 : i32 to vector<16xi32>
    %add3A_996 = arith.addi %or3A_933, %add3A_995 : vector<16xi32>
    tpu.vector_store_idx %arg6[%add3A_993], %add3A_996 : memref<4096xi32, #tpu.memory_space<vmem>>[vector<16xi32>], vector<16xi32>,
    %mul3A_997 = arith.constant 8 : i32
    %mul3A_998 = vector.broadcast %mul3A_997 : i32 to vector<16xi32>
    %mul3A_999 = arith.muli %iota3A, %mul3A_998 : vector<16xi32>
    %add3A_1000 = arith.constant 1415 : i32
    %add3A_1001 = vector.broadcast %add3A_1000 : i32 to vector<16xi32>
    %add3A_1002 = arith.addi %mul3A_999, %add3A_1001 : vector<16xi32>
    %add3A_1003 = arith.constant 56 : i32
    %add3A_1004 = vector.broadcast %add3A_1003 : i32 to vector<16xi32>
    %add3A_1005 = arith.addi %or3A_933, %add3A_1004 : vector<16xi32>
    tpu.vector_store_idx %arg6[%add3A_1002], %add3A_1005 : memref<4096xi32, #tpu.memory_space<vmem>>[vector<16xi32>], vector<16xi32>,
    %get3A_1006 = arith.constant 192 : index
    %get3A_1007 = tpu.vector_load %arg5[%get3A_1006] {strides = array<i32>} : memref<512xi32, #tpu.memory_space<vmem>>, vector<16xi32>,
    %shift_right_arithmetic3A_1008 = arith.constant 3 : i32
    %shift_right_arithmetic3A_1009 = vector.broadcast %shift_right_arithmetic3A_1008 : i32 to vector<16xi32>
    %shift_right_arithmetic3A_1010 = arith.shrsi %get3A_1007, %shift_right_arithmetic3A_1009 : vector<16xi32>
    %shift_left3A_1011 = arith.constant 6 : i32
    %shift_left3A_1012 = vector.broadcast %shift_left3A_1011 : i32 to vector<16xi32>
    %shift_left3A_1013 = arith.shli %shift_right_arithmetic3A_1010, %shift_left3A_1012 : vector<16xi32>
    %and3A_1014 = arith.constant 7 : i32
    %and3A_1015 = vector.broadcast %and3A_1014 : i32 to vector<16xi32>
    %and3A_1016 = arith.andi %get3A_1007, %and3A_1015 : vector<16xi32>
    %or3A_1017 = arith.ori %shift_left3A_1013, %and3A_1016 : vector<16xi32>
    %mul3A_1018 = arith.constant 8 : i32
    %mul3A_1019 = vector.broadcast %mul3A_1018 : i32 to vector<16xi32>
    %mul3A_1020 = arith.muli %iota3A, %mul3A_1019 : vector<16xi32>
    %add3A_1021 = arith.constant 1536 : i32
    %add3A_1022 = vector.broadcast %add3A_1021 : i32 to vector<16xi32>
    %add3A_1023 = arith.addi %mul3A_1020, %add3A_1022 : vector<16xi32>
    %add3A_1024 = arith.constant 0 : i32
    %add3A_1025 = vector.broadcast %add3A_1024 : i32 to vector<16xi32>
    %add3A_1026 = arith.addi %or3A_1017, %add3A_1025 : vector<16xi32>
    tpu.vector_store_idx %arg6[%add3A_1023], %add3A_1026 : memref<4096xi32, #tpu.memory_space<vmem>>[vector<16xi32>], vector<16xi32>,
    %mul3A_1027 = arith.constant 8 : i32
    %mul3A_1028 = vector.broadcast %mul3A_1027 : i32 to vector<16xi32>
    %mul3A_1029 = arith.muli %iota3A, %mul3A_1028 : vector<16xi32>
    %add3A_1030 = arith.constant 1537 : i32
    %add3A_1031 = vector.broadcast %add3A_1030 : i32 to vector<16xi32>
    %add3A_1032 = arith.addi %mul3A_1029, %add3A_1031 : vector<16xi32>
    %add3A_1033 = arith.constant 8 : i32
    %add3A_1034 = vector.broadcast %add3A_1033 : i32 to vector<16xi32>
    %add3A_1035 = arith.addi %or3A_1017, %add3A_1034 : vector<16xi32>
    tpu.vector_store_idx %arg6[%add3A_1032], %add3A_1035 : memref<4096xi32, #tpu.memory_space<vmem>>[vector<16xi32>], vector<16xi32>,
    %mul3A_1036 = arith.constant 8 : i32
    %mul3A_1037 = vector.broadcast %mul3A_1036 : i32 to vector<16xi32>
    %mul3A_1038 = arith.muli %iota3A, %mul3A_1037 : vector<16xi32>
    %add3A_1039 = arith.constant 1538 : i32
    %add3A_1040 = vector.broadcast %add3A_1039 : i32 to vector<16xi32>
    %add3A_1041 = arith.addi %mul3A_1038, %add3A_1040 : vector<16xi32>
    %add3A_1042 = arith.constant 16 : i32
    %add3A_1043 = vector.broadcast %add3A_1042 : i32 to vector<16xi32>
    %add3A_1044 = arith.addi %or3A_1017, %add3A_1043 : vector<16xi32>
    tpu.vector_store_idx %arg6[%add3A_1041], %add3A_1044 : memref<4096xi32, #tpu.memory_space<vmem>>[vector<16xi32>], vector<16xi32>,
    %mul3A_1045 = arith.constant 8 : i32
    %mul3A_1046 = vector.broadcast %mul3A_1045 : i32 to vector<16xi32>
    %mul3A_1047 = arith.muli %iota3A, %mul3A_1046 : vector<16xi32>
    %add3A_1048 = arith.constant 1539 : i32
    %add3A_1049 = vector.broadcast %add3A_1048 : i32 to vector<16xi32>
    %add3A_1050 = arith.addi %mul3A_1047, %add3A_1049 : vector<16xi32>
    %add3A_1051 = arith.constant 24 : i32
    %add3A_1052 = vector.broadcast %add3A_1051 : i32 to vector<16xi32>
    %add3A_1053 = arith.addi %or3A_1017, %add3A_1052 : vector<16xi32>
    tpu.vector_store_idx %arg6[%add3A_1050], %add3A_1053 : memref<4096xi32, #tpu.memory_space<vmem>>[vector<16xi32>], vector<16xi32>,
    %mul3A_1054 = arith.constant 8 : i32
    %mul3A_1055 = vector.broadcast %mul3A_1054 : i32 to vector<16xi32>
    %mul3A_1056 = arith.muli %iota3A, %mul3A_1055 : vector<16xi32>
    %add3A_1057 = arith.constant 1540 : i32
    %add3A_1058 = vector.broadcast %add3A_1057 : i32 to vector<16xi32>
    %add3A_1059 = arith.addi %mul3A_1056, %add3A_1058 : vector<16xi32>
    %add3A_1060 = arith.constant 32 : i32
    %add3A_1061 = vector.broadcast %add3A_1060 : i32 to vector<16xi32>
    %add3A_1062 = arith.addi %or3A_1017, %add3A_1061 : vector<16xi32>
    tpu.vector_store_idx %arg6[%add3A_1059], %add3A_1062 : memref<4096xi32, #tpu.memory_space<vmem>>[vector<16xi32>], vector<16xi32>,
    %mul3A_1063 = arith.constant 8 : i32
    %mul3A_1064 = vector.broadcast %mul3A_1063 : i32 to vector<16xi32>
    %mul3A_1065 = arith.muli %iota3A, %mul3A_1064 : vector<16xi32>
    %add3A_1066 = arith.constant 1541 : i32
    %add3A_1067 = vector.broadcast %add3A_1066 : i32 to vector<16xi32>
    %add3A_1068 = arith.addi %mul3A_1065, %add3A_1067 : vector<16xi32>
    %add3A_1069 = arith.constant 40 : i32
    %add3A_1070 = vector.broadcast %add3A_1069 : i32 to vector<16xi32>
    %add3A_1071 = arith.addi %or3A_1017, %add3A_1070 : vector<16xi32>
    tpu.vector_store_idx %arg6[%add3A_1068], %add3A_1071 : memref<4096xi32, #tpu.memory_space<vmem>>[vector<16xi32>], vector<16xi32>,
    %mul3A_1072 = arith.constant 8 : i32
    %mul3A_1073 = vector.broadcast %mul3A_1072 : i32 to vector<16xi32>
    %mul3A_1074 = arith.muli %iota3A, %mul3A_1073 : vector<16xi32>
    %add3A_1075 = arith.constant 1542 : i32
    %add3A_1076 = vector.broadcast %add3A_1075 : i32 to vector<16xi32>
    %add3A_1077 = arith.addi %mul3A_1074, %add3A_1076 : vector<16xi32>
    %add3A_1078 = arith.constant 48 : i32
    %add3A_1079 = vector.broadcast %add3A_1078 : i32 to vector<16xi32>
    %add3A_1080 = arith.addi %or3A_1017, %add3A_1079 : vector<16xi32>
    tpu.vector_store_idx %arg6[%add3A_1077], %add3A_1080 : memref<4096xi32, #tpu.memory_space<vmem>>[vector<16xi32>], vector<16xi32>,
    %mul3A_1081 = arith.constant 8 : i32
    %mul3A_1082 = vector.broadcast %mul3A_1081 : i32 to vector<16xi32>
    %mul3A_1083 = arith.muli %iota3A, %mul3A_1082 : vector<16xi32>
    %add3A_1084 = arith.constant 1543 : i32
    %add3A_1085 = vector.broadcast %add3A_1084 : i32 to vector<16xi32>
    %add3A_1086 = arith.addi %mul3A_1083, %add3A_1085 : vector<16xi32>
    %add3A_1087 = arith.constant 56 : i32
    %add3A_1088 = vector.broadcast %add3A_1087 : i32 to vector<16xi32>
    %add3A_1089 = arith.addi %or3A_1017, %add3A_1088 : vector<16xi32>
    tpu.vector_store_idx %arg6[%add3A_1086], %add3A_1089 : memref<4096xi32, #tpu.memory_space<vmem>>[vector<16xi32>], vector<16xi32>,
    %get3A_1090 = arith.constant 208 : index
    %get3A_1091 = tpu.vector_load %arg5[%get3A_1090] {strides = array<i32>} : memref<512xi32, #tpu.memory_space<vmem>>, vector<16xi32>,
    %shift_right_arithmetic3A_1092 = arith.constant 3 : i32
    %shift_right_arithmetic3A_1093 = vector.broadcast %shift_right_arithmetic3A_1092 : i32 to vector<16xi32>
    %shift_right_arithmetic3A_1094 = arith.shrsi %get3A_1091, %shift_right_arithmetic3A_1093 : vector<16xi32>
    %shift_left3A_1095 = arith.constant 6 : i32
    %shift_left3A_1096 = vector.broadcast %shift_left3A_1095 : i32 to vector<16xi32>
    %shift_left3A_1097 = arith.shli %shift_right_arithmetic3A_1094, %shift_left3A_1096 : vector<16xi32>
    %and3A_1098 = arith.constant 7 : i32
    %and3A_1099 = vector.broadcast %and3A_1098 : i32 to vector<16xi32>
    %and3A_1100 = arith.andi %get3A_1091, %and3A_1099 : vector<16xi32>
    %or3A_1101 = arith.ori %shift_left3A_1097, %and3A_1100 : vector<16xi32>
    %mul3A_1102 = arith.constant 8 : i32
    %mul3A_1103 = vector.broadcast %mul3A_1102 : i32 to vector<16xi32>
    %mul3A_1104 = arith.muli %iota3A, %mul3A_1103 : vector<16xi32>
    %add3A_1105 = arith.constant 1664 : i32
    %add3A_1106 = vector.broadcast %add3A_1105 : i32 to vector<16xi32>
    %add3A_1107 = arith.addi %mul3A_1104, %add3A_1106 : vector<16xi32>
    %add3A_1108 = arith.constant 0 : i32
    %add3A_1109 = vector.broadcast %add3A_1108 : i32 to vector<16xi32>
    %add3A_1110 = arith.addi %or3A_1101, %add3A_1109 : vector<16xi32>
    tpu.vector_store_idx %arg6[%add3A_1107], %add3A_1110 : memref<4096xi32, #tpu.memory_space<vmem>>[vector<16xi32>], vector<16xi32>,
    %mul3A_1111 = arith.constant 8 : i32
    %mul3A_1112 = vector.broadcast %mul3A_1111 : i32 to vector<16xi32>
    %mul3A_1113 = arith.muli %iota3A, %mul3A_1112 : vector<16xi32>
    %add3A_1114 = arith.constant 1665 : i32
    %add3A_1115 = vector.broadcast %add3A_1114 : i32 to vector<16xi32>
    %add3A_1116 = arith.addi %mul3A_1113, %add3A_1115 : vector<16xi32>
    %add3A_1117 = arith.constant 8 : i32
    %add3A_1118 = vector.broadcast %add3A_1117 : i32 to vector<16xi32>
    %add3A_1119 = arith.addi %or3A_1101, %add3A_1118 : vector<16xi32>
    tpu.vector_store_idx %arg6[%add3A_1116], %add3A_1119 : memref<4096xi32, #tpu.memory_space<vmem>>[vector<16xi32>], vector<16xi32>,
    %mul3A_1120 = arith.constant 8 : i32
    %mul3A_1121 = vector.broadcast %mul3A_1120 : i32 to vector<16xi32>
    %mul3A_1122 = arith.muli %iota3A, %mul3A_1121 : vector<16xi32>
    %add3A_1123 = arith.constant 1666 : i32
    %add3A_1124 = vector.broadcast %add3A_1123 : i32 to vector<16xi32>
    %add3A_1125 = arith.addi %mul3A_1122, %add3A_1124 : vector<16xi32>
    %add3A_1126 = arith.constant 16 : i32
    %add3A_1127 = vector.broadcast %add3A_1126 : i32 to vector<16xi32>
    %add3A_1128 = arith.addi %or3A_1101, %add3A_1127 : vector<16xi32>
    tpu.vector_store_idx %arg6[%add3A_1125], %add3A_1128 : memref<4096xi32, #tpu.memory_space<vmem>>[vector<16xi32>], vector<16xi32>,
    %mul3A_1129 = arith.constant 8 : i32
    %mul3A_1130 = vector.broadcast %mul3A_1129 : i32 to vector<16xi32>
    %mul3A_1131 = arith.muli %iota3A, %mul3A_1130 : vector<16xi32>
    %add3A_1132 = arith.constant 1667 : i32
    %add3A_1133 = vector.broadcast %add3A_1132 : i32 to vector<16xi32>
    %add3A_1134 = arith.addi %mul3A_1131, %add3A_1133 : vector<16xi32>
    %add3A_1135 = arith.constant 24 : i32
    %add3A_1136 = vector.broadcast %add3A_1135 : i32 to vector<16xi32>
    %add3A_1137 = arith.addi %or3A_1101, %add3A_1136 : vector<16xi32>
    tpu.vector_store_idx %arg6[%add3A_1134], %add3A_1137 : memref<4096xi32, #tpu.memory_space<vmem>>[vector<16xi32>], vector<16xi32>,
    %mul3A_1138 = arith.constant 8 : i32
    %mul3A_1139 = vector.broadcast %mul3A_1138 : i32 to vector<16xi32>
    %mul3A_1140 = arith.muli %iota3A, %mul3A_1139 : vector<16xi32>
    %add3A_1141 = arith.constant 1668 : i32
    %add3A_1142 = vector.broadcast %add3A_1141 : i32 to vector<16xi32>
    %add3A_1143 = arith.addi %mul3A_1140, %add3A_1142 : vector<16xi32>
    %add3A_1144 = arith.constant 32 : i32
    %add3A_1145 = vector.broadcast %add3A_1144 : i32 to vector<16xi32>
    %add3A_1146 = arith.addi %or3A_1101, %add3A_1145 : vector<16xi32>
    tpu.vector_store_idx %arg6[%add3A_1143], %add3A_1146 : memref<4096xi32, #tpu.memory_space<vmem>>[vector<16xi32>], vector<16xi32>,
    %mul3A_1147 = arith.constant 8 : i32
    %mul3A_1148 = vector.broadcast %mul3A_1147 : i32 to vector<16xi32>
    %mul3A_1149 = arith.muli %iota3A, %mul3A_1148 : vector<16xi32>
    %add3A_1150 = arith.constant 1669 : i32
    %add3A_1151 = vector.broadcast %add3A_1150 : i32 to vector<16xi32>
    %add3A_1152 = arith.addi %mul3A_1149, %add3A_1151 : vector<16xi32>
    %add3A_1153 = arith.constant 40 : i32
    %add3A_1154 = vector.broadcast %add3A_1153 : i32 to vector<16xi32>
    %add3A_1155 = arith.addi %or3A_1101, %add3A_1154 : vector<16xi32>
    tpu.vector_store_idx %arg6[%add3A_1152], %add3A_1155 : memref<4096xi32, #tpu.memory_space<vmem>>[vector<16xi32>], vector<16xi32>,
    %mul3A_1156 = arith.constant 8 : i32
    %mul3A_1157 = vector.broadcast %mul3A_1156 : i32 to vector<16xi32>
    %mul3A_1158 = arith.muli %iota3A, %mul3A_1157 : vector<16xi32>
    %add3A_1159 = arith.constant 1670 : i32
    %add3A_1160 = vector.broadcast %add3A_1159 : i32 to vector<16xi32>
    %add3A_1161 = arith.addi %mul3A_1158, %add3A_1160 : vector<16xi32>
    %add3A_1162 = arith.constant 48 : i32
    %add3A_1163 = vector.broadcast %add3A_1162 : i32 to vector<16xi32>
    %add3A_1164 = arith.addi %or3A_1101, %add3A_1163 : vector<16xi32>
    tpu.vector_store_idx %arg6[%add3A_1161], %add3A_1164 : memref<4096xi32, #tpu.memory_space<vmem>>[vector<16xi32>], vector<16xi32>,
    %mul3A_1165 = arith.constant 8 : i32
    %mul3A_1166 = vector.broadcast %mul3A_1165 : i32 to vector<16xi32>
    %mul3A_1167 = arith.muli %iota3A, %mul3A_1166 : vector<16xi32>
    %add3A_1168 = arith.constant 1671 : i32
    %add3A_1169 = vector.broadcast %add3A_1168 : i32 to vector<16xi32>
    %add3A_1170 = arith.addi %mul3A_1167, %add3A_1169 : vector<16xi32>
    %add3A_1171 = arith.constant 56 : i32
    %add3A_1172 = vector.broadcast %add3A_1171 : i32 to vector<16xi32>
    %add3A_1173 = arith.addi %or3A_1101, %add3A_1172 : vector<16xi32>
    tpu.vector_store_idx %arg6[%add3A_1170], %add3A_1173 : memref<4096xi32, #tpu.memory_space<vmem>>[vector<16xi32>], vector<16xi32>,
    %get3A_1174 = arith.constant 224 : index
    %get3A_1175 = tpu.vector_load %arg5[%get3A_1174] {strides = array<i32>} : memref<512xi32, #tpu.memory_space<vmem>>, vector<16xi32>,
    %shift_right_arithmetic3A_1176 = arith.constant 3 : i32
    %shift_right_arithmetic3A_1177 = vector.broadcast %shift_right_arithmetic3A_1176 : i32 to vector<16xi32>
    %shift_right_arithmetic3A_1178 = arith.shrsi %get3A_1175, %shift_right_arithmetic3A_1177 : vector<16xi32>
    %shift_left3A_1179 = arith.constant 6 : i32
    %shift_left3A_1180 = vector.broadcast %shift_left3A_1179 : i32 to vector<16xi32>
    %shift_left3A_1181 = arith.shli %shift_right_arithmetic3A_1178, %shift_left3A_1180 : vector<16xi32>
    %and3A_1182 = arith.constant 7 : i32
    %and3A_1183 = vector.broadcast %and3A_1182 : i32 to vector<16xi32>
    %and3A_1184 = arith.andi %get3A_1175, %and3A_1183 : vector<16xi32>
    %or3A_1185 = arith.ori %shift_left3A_1181, %and3A_1184 : vector<16xi32>
    %mul3A_1186 = arith.constant 8 : i32
    %mul3A_1187 = vector.broadcast %mul3A_1186 : i32 to vector<16xi32>
    %mul3A_1188 = arith.muli %iota3A, %mul3A_1187 : vector<16xi32>
    %add3A_1189 = arith.constant 1792 : i32
    %add3A_1190 = vector.broadcast %add3A_1189 : i32 to vector<16xi32>
    %add3A_1191 = arith.addi %mul3A_1188, %add3A_1190 : vector<16xi32>
    %add3A_1192 = arith.constant 0 : i32
    %add3A_1193 = vector.broadcast %add3A_1192 : i32 to vector<16xi32>
    %add3A_1194 = arith.addi %or3A_1185, %add3A_1193 : vector<16xi32>
    tpu.vector_store_idx %arg6[%add3A_1191], %add3A_1194 : memref<4096xi32, #tpu.memory_space<vmem>>[vector<16xi32>], vector<16xi32>,
    %mul3A_1195 = arith.constant 8 : i32
    %mul3A_1196 = vector.broadcast %mul3A_1195 : i32 to vector<16xi32>
    %mul3A_1197 = arith.muli %iota3A, %mul3A_1196 : vector<16xi32>
    %add3A_1198 = arith.constant 1793 : i32
    %add3A_1199 = vector.broadcast %add3A_1198 : i32 to vector<16xi32>
    %add3A_1200 = arith.addi %mul3A_1197, %add3A_1199 : vector<16xi32>
    %add3A_1201 = arith.constant 8 : i32
    %add3A_1202 = vector.broadcast %add3A_1201 : i32 to vector<16xi32>
    %add3A_1203 = arith.addi %or3A_1185, %add3A_1202 : vector<16xi32>
    tpu.vector_store_idx %arg6[%add3A_1200], %add3A_1203 : memref<4096xi32, #tpu.memory_space<vmem>>[vector<16xi32>], vector<16xi32>,
    %mul3A_1204 = arith.constant 8 : i32
    %mul3A_1205 = vector.broadcast %mul3A_1204 : i32 to vector<16xi32>
    %mul3A_1206 = arith.muli %iota3A, %mul3A_1205 : vector<16xi32>
    %add3A_1207 = arith.constant 1794 : i32
    %add3A_1208 = vector.broadcast %add3A_1207 : i32 to vector<16xi32>
    %add3A_1209 = arith.addi %mul3A_1206, %add3A_1208 : vector<16xi32>
    %add3A_1210 = arith.constant 16 : i32
    %add3A_1211 = vector.broadcast %add3A_1210 : i32 to vector<16xi32>
    %add3A_1212 = arith.addi %or3A_1185, %add3A_1211 : vector<16xi32>
    tpu.vector_store_idx %arg6[%add3A_1209], %add3A_1212 : memref<4096xi32, #tpu.memory_space<vmem>>[vector<16xi32>], vector<16xi32>,
    %mul3A_1213 = arith.constant 8 : i32
    %mul3A_1214 = vector.broadcast %mul3A_1213 : i32 to vector<16xi32>
    %mul3A_1215 = arith.muli %iota3A, %mul3A_1214 : vector<16xi32>
    %add3A_1216 = arith.constant 1795 : i32
    %add3A_1217 = vector.broadcast %add3A_1216 : i32 to vector<16xi32>
    %add3A_1218 = arith.addi %mul3A_1215, %add3A_1217 : vector<16xi32>
    %add3A_1219 = arith.constant 24 : i32
    %add3A_1220 = vector.broadcast %add3A_1219 : i32 to vector<16xi32>
    %add3A_1221 = arith.addi %or3A_1185, %add3A_1220 : vector<16xi32>
    tpu.vector_store_idx %arg6[%add3A_1218], %add3A_1221 : memref<4096xi32, #tpu.memory_space<vmem>>[vector<16xi32>], vector<16xi32>,
    %mul3A_1222 = arith.constant 8 : i32
    %mul3A_1223 = vector.broadcast %mul3A_1222 : i32 to vector<16xi32>
    %mul3A_1224 = arith.muli %iota3A, %mul3A_1223 : vector<16xi32>
    %add3A_1225 = arith.constant 1796 : i32
    %add3A_1226 = vector.broadcast %add3A_1225 : i32 to vector<16xi32>
    %add3A_1227 = arith.addi %mul3A_1224, %add3A_1226 : vector<16xi32>
    %add3A_1228 = arith.constant 32 : i32
    %add3A_1229 = vector.broadcast %add3A_1228 : i32 to vector<16xi32>
    %add3A_1230 = arith.addi %or3A_1185, %add3A_1229 : vector<16xi32>
    tpu.vector_store_idx %arg6[%add3A_1227], %add3A_1230 : memref<4096xi32, #tpu.memory_space<vmem>>[vector<16xi32>], vector<16xi32>,
    %mul3A_1231 = arith.constant 8 : i32
    %mul3A_1232 = vector.broadcast %mul3A_1231 : i32 to vector<16xi32>
    %mul3A_1233 = arith.muli %iota3A, %mul3A_1232 : vector<16xi32>
    %add3A_1234 = arith.constant 1797 : i32
    %add3A_1235 = vector.broadcast %add3A_1234 : i32 to vector<16xi32>
    %add3A_1236 = arith.addi %mul3A_1233, %add3A_1235 : vector<16xi32>
    %add3A_1237 = arith.constant 40 : i32
    %add3A_1238 = vector.broadcast %add3A_1237 : i32 to vector<16xi32>
    %add3A_1239 = arith.addi %or3A_1185, %add3A_1238 : vector<16xi32>
    tpu.vector_store_idx %arg6[%add3A_1236], %add3A_1239 : memref<4096xi32, #tpu.memory_space<vmem>>[vector<16xi32>], vector<16xi32>,
    %mul3A_1240 = arith.constant 8 : i32
    %mul3A_1241 = vector.broadcast %mul3A_1240 : i32 to vector<16xi32>
    %mul3A_1242 = arith.muli %iota3A, %mul3A_1241 : vector<16xi32>
    %add3A_1243 = arith.constant 1798 : i32
    %add3A_1244 = vector.broadcast %add3A_1243 : i32 to vector<16xi32>
    %add3A_1245 = arith.addi %mul3A_1242, %add3A_1244 : vector<16xi32>
    %add3A_1246 = arith.constant 48 : i32
    %add3A_1247 = vector.broadcast %add3A_1246 : i32 to vector<16xi32>
    %add3A_1248 = arith.addi %or3A_1185, %add3A_1247 : vector<16xi32>
    tpu.vector_store_idx %arg6[%add3A_1245], %add3A_1248 : memref<4096xi32, #tpu.memory_space<vmem>>[vector<16xi32>], vector<16xi32>,
    %mul3A_1249 = arith.constant 8 : i32
    %mul3A_1250 = vector.broadcast %mul3A_1249 : i32 to vector<16xi32>
    %mul3A_1251 = arith.muli %iota3A, %mul3A_1250 : vector<16xi32>
    %add3A_1252 = arith.constant 1799 : i32
    %add3A_1253 = vector.broadcast %add3A_1252 : i32 to vector<16xi32>
    %add3A_1254 = arith.addi %mul3A_1251, %add3A_1253 : vector<16xi32>
    %add3A_1255 = arith.constant 56 : i32
    %add3A_1256 = vector.broadcast %add3A_1255 : i32 to vector<16xi32>
    %add3A_1257 = arith.addi %or3A_1185, %add3A_1256 : vector<16xi32>
    tpu.vector_store_idx %arg6[%add3A_1254], %add3A_1257 : memref<4096xi32, #tpu.memory_space<vmem>>[vector<16xi32>], vector<16xi32>,
    %get3A_1258 = arith.constant 240 : index
    %get3A_1259 = tpu.vector_load %arg5[%get3A_1258] {strides = array<i32>} : memref<512xi32, #tpu.memory_space<vmem>>, vector<16xi32>,
    %shift_right_arithmetic3A_1260 = arith.constant 3 : i32
    %shift_right_arithmetic3A_1261 = vector.broadcast %shift_right_arithmetic3A_1260 : i32 to vector<16xi32>
    %shift_right_arithmetic3A_1262 = arith.shrsi %get3A_1259, %shift_right_arithmetic3A_1261 : vector<16xi32>
    %shift_left3A_1263 = arith.constant 6 : i32
    %shift_left3A_1264 = vector.broadcast %shift_left3A_1263 : i32 to vector<16xi32>
    %shift_left3A_1265 = arith.shli %shift_right_arithmetic3A_1262, %shift_left3A_1264 : vector<16xi32>
    %and3A_1266 = arith.constant 7 : i32
    %and3A_1267 = vector.broadcast %and3A_1266 : i32 to vector<16xi32>
    %and3A_1268 = arith.andi %get3A_1259, %and3A_1267 : vector<16xi32>
    %or3A_1269 = arith.ori %shift_left3A_1265, %and3A_1268 : vector<16xi32>
    %mul3A_1270 = arith.constant 8 : i32
    %mul3A_1271 = vector.broadcast %mul3A_1270 : i32 to vector<16xi32>
    %mul3A_1272 = arith.muli %iota3A, %mul3A_1271 : vector<16xi32>
    %add3A_1273 = arith.constant 1920 : i32
    %add3A_1274 = vector.broadcast %add3A_1273 : i32 to vector<16xi32>
    %add3A_1275 = arith.addi %mul3A_1272, %add3A_1274 : vector<16xi32>
    %add3A_1276 = arith.constant 0 : i32
    %add3A_1277 = vector.broadcast %add3A_1276 : i32 to vector<16xi32>
    %add3A_1278 = arith.addi %or3A_1269, %add3A_1277 : vector<16xi32>
    tpu.vector_store_idx %arg6[%add3A_1275], %add3A_1278 : memref<4096xi32, #tpu.memory_space<vmem>>[vector<16xi32>], vector<16xi32>,
    %mul3A_1279 = arith.constant 8 : i32
    %mul3A_1280 = vector.broadcast %mul3A_1279 : i32 to vector<16xi32>
    %mul3A_1281 = arith.muli %iota3A, %mul3A_1280 : vector<16xi32>
    %add3A_1282 = arith.constant 1921 : i32
    %add3A_1283 = vector.broadcast %add3A_1282 : i32 to vector<16xi32>
    %add3A_1284 = arith.addi %mul3A_1281, %add3A_1283 : vector<16xi32>
    %add3A_1285 = arith.constant 8 : i32
    %add3A_1286 = vector.broadcast %add3A_1285 : i32 to vector<16xi32>
    %add3A_1287 = arith.addi %or3A_1269, %add3A_1286 : vector<16xi32>
    tpu.vector_store_idx %arg6[%add3A_1284], %add3A_1287 : memref<4096xi32, #tpu.memory_space<vmem>>[vector<16xi32>], vector<16xi32>,
    %mul3A_1288 = arith.constant 8 : i32
    %mul3A_1289 = vector.broadcast %mul3A_1288 : i32 to vector<16xi32>
    %mul3A_1290 = arith.muli %iota3A, %mul3A_1289 : vector<16xi32>
    %add3A_1291 = arith.constant 1922 : i32
    %add3A_1292 = vector.broadcast %add3A_1291 : i32 to vector<16xi32>
    %add3A_1293 = arith.addi %mul3A_1290, %add3A_1292 : vector<16xi32>
    %add3A_1294 = arith.constant 16 : i32
    %add3A_1295 = vector.broadcast %add3A_1294 : i32 to vector<16xi32>
    %add3A_1296 = arith.addi %or3A_1269, %add3A_1295 : vector<16xi32>
    tpu.vector_store_idx %arg6[%add3A_1293], %add3A_1296 : memref<4096xi32, #tpu.memory_space<vmem>>[vector<16xi32>], vector<16xi32>,
    %mul3A_1297 = arith.constant 8 : i32
    %mul3A_1298 = vector.broadcast %mul3A_1297 : i32 to vector<16xi32>
    %mul3A_1299 = arith.muli %iota3A, %mul3A_1298 : vector<16xi32>
    %add3A_1300 = arith.constant 1923 : i32
    %add3A_1301 = vector.broadcast %add3A_1300 : i32 to vector<16xi32>
    %add3A_1302 = arith.addi %mul3A_1299, %add3A_1301 : vector<16xi32>
    %add3A_1303 = arith.constant 24 : i32
    %add3A_1304 = vector.broadcast %add3A_1303 : i32 to vector<16xi32>
    %add3A_1305 = arith.addi %or3A_1269, %add3A_1304 : vector<16xi32>
    tpu.vector_store_idx %arg6[%add3A_1302], %add3A_1305 : memref<4096xi32, #tpu.memory_space<vmem>>[vector<16xi32>], vector<16xi32>,
    %mul3A_1306 = arith.constant 8 : i32
    %mul3A_1307 = vector.broadcast %mul3A_1306 : i32 to vector<16xi32>
    %mul3A_1308 = arith.muli %iota3A, %mul3A_1307 : vector<16xi32>
    %add3A_1309 = arith.constant 1924 : i32
    %add3A_1310 = vector.broadcast %add3A_1309 : i32 to vector<16xi32>
    %add3A_1311 = arith.addi %mul3A_1308, %add3A_1310 : vector<16xi32>
    %add3A_1312 = arith.constant 32 : i32
    %add3A_1313 = vector.broadcast %add3A_1312 : i32 to vector<16xi32>
    %add3A_1314 = arith.addi %or3A_1269, %add3A_1313 : vector<16xi32>
    tpu.vector_store_idx %arg6[%add3A_1311], %add3A_1314 : memref<4096xi32, #tpu.memory_space<vmem>>[vector<16xi32>], vector<16xi32>,
    %mul3A_1315 = arith.constant 8 : i32
    %mul3A_1316 = vector.broadcast %mul3A_1315 : i32 to vector<16xi32>
    %mul3A_1317 = arith.muli %iota3A, %mul3A_1316 : vector<16xi32>
    %add3A_1318 = arith.constant 1925 : i32
    %add3A_1319 = vector.broadcast %add3A_1318 : i32 to vector<16xi32>
    %add3A_1320 = arith.addi %mul3A_1317, %add3A_1319 : vector<16xi32>
    %add3A_1321 = arith.constant 40 : i32
    %add3A_1322 = vector.broadcast %add3A_1321 : i32 to vector<16xi32>
    %add3A_1323 = arith.addi %or3A_1269, %add3A_1322 : vector<16xi32>
    tpu.vector_store_idx %arg6[%add3A_1320], %add3A_1323 : memref<4096xi32, #tpu.memory_space<vmem>>[vector<16xi32>], vector<16xi32>,
    %mul3A_1324 = arith.constant 8 : i32
    %mul3A_1325 = vector.broadcast %mul3A_1324 : i32 to vector<16xi32>
    %mul3A_1326 = arith.muli %iota3A, %mul3A_1325 : vector<16xi32>
    %add3A_1327 = arith.constant 1926 : i32
    %add3A_1328 = vector.broadcast %add3A_1327 : i32 to vector<16xi32>
    %add3A_1329 = arith.addi %mul3A_1326, %add3A_1328 : vector<16xi32>
    %add3A_1330 = arith.constant 48 : i32
    %add3A_1331 = vector.broadcast %add3A_1330 : i32 to vector<16xi32>
    %add3A_1332 = arith.addi %or3A_1269, %add3A_1331 : vector<16xi32>
    tpu.vector_store_idx %arg6[%add3A_1329], %add3A_1332 : memref<4096xi32, #tpu.memory_space<vmem>>[vector<16xi32>], vector<16xi32>,
    %mul3A_1333 = arith.constant 8 : i32
    %mul3A_1334 = vector.broadcast %mul3A_1333 : i32 to vector<16xi32>
    %mul3A_1335 = arith.muli %iota3A, %mul3A_1334 : vector<16xi32>
    %add3A_1336 = arith.constant 1927 : i32
    %add3A_1337 = vector.broadcast %add3A_1336 : i32 to vector<16xi32>
    %add3A_1338 = arith.addi %mul3A_1335, %add3A_1337 : vector<16xi32>
    %add3A_1339 = arith.constant 56 : i32
    %add3A_1340 = vector.broadcast %add3A_1339 : i32 to vector<16xi32>
    %add3A_1341 = arith.addi %or3A_1269, %add3A_1340 : vector<16xi32>
    tpu.vector_store_idx %arg6[%add3A_1338], %add3A_1341 : memref<4096xi32, #tpu.memory_space<vmem>>[vector<16xi32>], vector<16xi32>,
    %get3A_1342 = arith.constant 256 : index
    %get3A_1343 = tpu.vector_load %arg5[%get3A_1342] {strides = array<i32>} : memref<512xi32, #tpu.memory_space<vmem>>, vector<16xi32>,
    %shift_right_arithmetic3A_1344 = arith.constant 3 : i32
    %shift_right_arithmetic3A_1345 = vector.broadcast %shift_right_arithmetic3A_1344 : i32 to vector<16xi32>
    %shift_right_arithmetic3A_1346 = arith.shrsi %get3A_1343, %shift_right_arithmetic3A_1345 : vector<16xi32>
    %shift_left3A_1347 = arith.constant 6 : i32
    %shift_left3A_1348 = vector.broadcast %shift_left3A_1347 : i32 to vector<16xi32>
    %shift_left3A_1349 = arith.shli %shift_right_arithmetic3A_1346, %shift_left3A_1348 : vector<16xi32>
    %and3A_1350 = arith.constant 7 : i32
    %and3A_1351 = vector.broadcast %and3A_1350 : i32 to vector<16xi32>
    %and3A_1352 = arith.andi %get3A_1343, %and3A_1351 : vector<16xi32>
    %or3A_1353 = arith.ori %shift_left3A_1349, %and3A_1352 : vector<16xi32>
    %mul3A_1354 = arith.constant 8 : i32
    %mul3A_1355 = vector.broadcast %mul3A_1354 : i32 to vector<16xi32>
    %mul3A_1356 = arith.muli %iota3A, %mul3A_1355 : vector<16xi32>
    %add3A_1357 = arith.constant 2048 : i32
    %add3A_1358 = vector.broadcast %add3A_1357 : i32 to vector<16xi32>
    %add3A_1359 = arith.addi %mul3A_1356, %add3A_1358 : vector<16xi32>
    %add3A_1360 = arith.constant 0 : i32
    %add3A_1361 = vector.broadcast %add3A_1360 : i32 to vector<16xi32>
    %add3A_1362 = arith.addi %or3A_1353, %add3A_1361 : vector<16xi32>
    tpu.vector_store_idx %arg6[%add3A_1359], %add3A_1362 : memref<4096xi32, #tpu.memory_space<vmem>>[vector<16xi32>], vector<16xi32>,
    %mul3A_1363 = arith.constant 8 : i32
    %mul3A_1364 = vector.broadcast %mul3A_1363 : i32 to vector<16xi32>
    %mul3A_1365 = arith.muli %iota3A, %mul3A_1364 : vector<16xi32>
    %add3A_1366 = arith.constant 2049 : i32
    %add3A_1367 = vector.broadcast %add3A_1366 : i32 to vector<16xi32>
    %add3A_1368 = arith.addi %mul3A_1365, %add3A_1367 : vector<16xi32>
    %add3A_1369 = arith.constant 8 : i32
    %add3A_1370 = vector.broadcast %add3A_1369 : i32 to vector<16xi32>
    %add3A_1371 = arith.addi %or3A_1353, %add3A_1370 : vector<16xi32>
    tpu.vector_store_idx %arg6[%add3A_1368], %add3A_1371 : memref<4096xi32, #tpu.memory_space<vmem>>[vector<16xi32>], vector<16xi32>,
    %mul3A_1372 = arith.constant 8 : i32
    %mul3A_1373 = vector.broadcast %mul3A_1372 : i32 to vector<16xi32>
    %mul3A_1374 = arith.muli %iota3A, %mul3A_1373 : vector<16xi32>
    %add3A_1375 = arith.constant 2050 : i32
    %add3A_1376 = vector.broadcast %add3A_1375 : i32 to vector<16xi32>
    %add3A_1377 = arith.addi %mul3A_1374, %add3A_1376 : vector<16xi32>
    %add3A_1378 = arith.constant 16 : i32
    %add3A_1379 = vector.broadcast %add3A_1378 : i32 to vector<16xi32>
    %add3A_1380 = arith.addi %or3A_1353, %add3A_1379 : vector<16xi32>
    tpu.vector_store_idx %arg6[%add3A_1377], %add3A_1380 : memref<4096xi32, #tpu.memory_space<vmem>>[vector<16xi32>], vector<16xi32>,
    %mul3A_1381 = arith.constant 8 : i32
    %mul3A_1382 = vector.broadcast %mul3A_1381 : i32 to vector<16xi32>
    %mul3A_1383 = arith.muli %iota3A, %mul3A_1382 : vector<16xi32>
    %add3A_1384 = arith.constant 2051 : i32
    %add3A_1385 = vector.broadcast %add3A_1384 : i32 to vector<16xi32>
    %add3A_1386 = arith.addi %mul3A_1383, %add3A_1385 : vector<16xi32>
    %add3A_1387 = arith.constant 24 : i32
    %add3A_1388 = vector.broadcast %add3A_1387 : i32 to vector<16xi32>
    %add3A_1389 = arith.addi %or3A_1353, %add3A_1388 : vector<16xi32>
    tpu.vector_store_idx %arg6[%add3A_1386], %add3A_1389 : memref<4096xi32, #tpu.memory_space<vmem>>[vector<16xi32>], vector<16xi32>,
    %mul3A_1390 = arith.constant 8 : i32
    %mul3A_1391 = vector.broadcast %mul3A_1390 : i32 to vector<16xi32>
    %mul3A_1392 = arith.muli %iota3A, %mul3A_1391 : vector<16xi32>
    %add3A_1393 = arith.constant 2052 : i32
    %add3A_1394 = vector.broadcast %add3A_1393 : i32 to vector<16xi32>
    %add3A_1395 = arith.addi %mul3A_1392, %add3A_1394 : vector<16xi32>
    %add3A_1396 = arith.constant 32 : i32
    %add3A_1397 = vector.broadcast %add3A_1396 : i32 to vector<16xi32>
    %add3A_1398 = arith.addi %or3A_1353, %add3A_1397 : vector<16xi32>
    tpu.vector_store_idx %arg6[%add3A_1395], %add3A_1398 : memref<4096xi32, #tpu.memory_space<vmem>>[vector<16xi32>], vector<16xi32>,
    %mul3A_1399 = arith.constant 8 : i32
    %mul3A_1400 = vector.broadcast %mul3A_1399 : i32 to vector<16xi32>
    %mul3A_1401 = arith.muli %iota3A, %mul3A_1400 : vector<16xi32>
    %add3A_1402 = arith.constant 2053 : i32
    %add3A_1403 = vector.broadcast %add3A_1402 : i32 to vector<16xi32>
    %add3A_1404 = arith.addi %mul3A_1401, %add3A_1403 : vector<16xi32>
    %add3A_1405 = arith.constant 40 : i32
    %add3A_1406 = vector.broadcast %add3A_1405 : i32 to vector<16xi32>
    %add3A_1407 = arith.addi %or3A_1353, %add3A_1406 : vector<16xi32>
    tpu.vector_store_idx %arg6[%add3A_1404], %add3A_1407 : memref<4096xi32, #tpu.memory_space<vmem>>[vector<16xi32>], vector<16xi32>,
    %mul3A_1408 = arith.constant 8 : i32
    %mul3A_1409 = vector.broadcast %mul3A_1408 : i32 to vector<16xi32>
    %mul3A_1410 = arith.muli %iota3A, %mul3A_1409 : vector<16xi32>
    %add3A_1411 = arith.constant 2054 : i32
    %add3A_1412 = vector.broadcast %add3A_1411 : i32 to vector<16xi32>
    %add3A_1413 = arith.addi %mul3A_1410, %add3A_1412 : vector<16xi32>
    %add3A_1414 = arith.constant 48 : i32
    %add3A_1415 = vector.broadcast %add3A_1414 : i32 to vector<16xi32>
    %add3A_1416 = arith.addi %or3A_1353, %add3A_1415 : vector<16xi32>
    tpu.vector_store_idx %arg6[%add3A_1413], %add3A_1416 : memref<4096xi32, #tpu.memory_space<vmem>>[vector<16xi32>], vector<16xi32>,
    %mul3A_1417 = arith.constant 8 : i32
    %mul3A_1418 = vector.broadcast %mul3A_1417 : i32 to vector<16xi32>
    %mul3A_1419 = arith.muli %iota3A, %mul3A_1418 : vector<16xi32>
    %add3A_1420 = arith.constant 2055 : i32
    %add3A_1421 = vector.broadcast %add3A_1420 : i32 to vector<16xi32>
    %add3A_1422 = arith.addi %mul3A_1419, %add3A_1421 : vector<16xi32>
    %add3A_1423 = arith.constant 56 : i32
    %add3A_1424 = vector.broadcast %add3A_1423 : i32 to vector<16xi32>
    %add3A_1425 = arith.addi %or3A_1353, %add3A_1424 : vector<16xi32>
    tpu.vector_store_idx %arg6[%add3A_1422], %add3A_1425 : memref<4096xi32, #tpu.memory_space<vmem>>[vector<16xi32>], vector<16xi32>,
    %get3A_1426 = arith.constant 272 : index
    %get3A_1427 = tpu.vector_load %arg5[%get3A_1426] {strides = array<i32>} : memref<512xi32, #tpu.memory_space<vmem>>, vector<16xi32>,
    %shift_right_arithmetic3A_1428 = arith.constant 3 : i32
    %shift_right_arithmetic3A_1429 = vector.broadcast %shift_right_arithmetic3A_1428 : i32 to vector<16xi32>
    %shift_right_arithmetic3A_1430 = arith.shrsi %get3A_1427, %shift_right_arithmetic3A_1429 : vector<16xi32>
    %shift_left3A_1431 = arith.constant 6 : i32
    %shift_left3A_1432 = vector.broadcast %shift_left3A_1431 : i32 to vector<16xi32>
    %shift_left3A_1433 = arith.shli %shift_right_arithmetic3A_1430, %shift_left3A_1432 : vector<16xi32>
    %and3A_1434 = arith.constant 7 : i32
    %and3A_1435 = vector.broadcast %and3A_1434 : i32 to vector<16xi32>
    %and3A_1436 = arith.andi %get3A_1427, %and3A_1435 : vector<16xi32>
    %or3A_1437 = arith.ori %shift_left3A_1433, %and3A_1436 : vector<16xi32>
    %mul3A_1438 = arith.constant 8 : i32
    %mul3A_1439 = vector.broadcast %mul3A_1438 : i32 to vector<16xi32>
    %mul3A_1440 = arith.muli %iota3A, %mul3A_1439 : vector<16xi32>
    %add3A_1441 = arith.constant 2176 : i32
    %add3A_1442 = vector.broadcast %add3A_1441 : i32 to vector<16xi32>
    %add3A_1443 = arith.addi %mul3A_1440, %add3A_1442 : vector<16xi32>
    %add3A_1444 = arith.constant 0 : i32
    %add3A_1445 = vector.broadcast %add3A_1444 : i32 to vector<16xi32>
    %add3A_1446 = arith.addi %or3A_1437, %add3A_1445 : vector<16xi32>
    tpu.vector_store_idx %arg6[%add3A_1443], %add3A_1446 : memref<4096xi32, #tpu.memory_space<vmem>>[vector<16xi32>], vector<16xi32>,
    %mul3A_1447 = arith.constant 8 : i32
    %mul3A_1448 = vector.broadcast %mul3A_1447 : i32 to vector<16xi32>
    %mul3A_1449 = arith.muli %iota3A, %mul3A_1448 : vector<16xi32>
    %add3A_1450 = arith.constant 2177 : i32
    %add3A_1451 = vector.broadcast %add3A_1450 : i32 to vector<16xi32>
    %add3A_1452 = arith.addi %mul3A_1449, %add3A_1451 : vector<16xi32>
    %add3A_1453 = arith.constant 8 : i32
    %add3A_1454 = vector.broadcast %add3A_1453 : i32 to vector<16xi32>
    %add3A_1455 = arith.addi %or3A_1437, %add3A_1454 : vector<16xi32>
    tpu.vector_store_idx %arg6[%add3A_1452], %add3A_1455 : memref<4096xi32, #tpu.memory_space<vmem>>[vector<16xi32>], vector<16xi32>,
    %mul3A_1456 = arith.constant 8 : i32
    %mul3A_1457 = vector.broadcast %mul3A_1456 : i32 to vector<16xi32>
    %mul3A_1458 = arith.muli %iota3A, %mul3A_1457 : vector<16xi32>
    %add3A_1459 = arith.constant 2178 : i32
    %add3A_1460 = vector.broadcast %add3A_1459 : i32 to vector<16xi32>
    %add3A_1461 = arith.addi %mul3A_1458, %add3A_1460 : vector<16xi32>
    %add3A_1462 = arith.constant 16 : i32
    %add3A_1463 = vector.broadcast %add3A_1462 : i32 to vector<16xi32>
    %add3A_1464 = arith.addi %or3A_1437, %add3A_1463 : vector<16xi32>
    tpu.vector_store_idx %arg6[%add3A_1461], %add3A_1464 : memref<4096xi32, #tpu.memory_space<vmem>>[vector<16xi32>], vector<16xi32>,
    %mul3A_1465 = arith.constant 8 : i32
    %mul3A_1466 = vector.broadcast %mul3A_1465 : i32 to vector<16xi32>
    %mul3A_1467 = arith.muli %iota3A, %mul3A_1466 : vector<16xi32>
    %add3A_1468 = arith.constant 2179 : i32
    %add3A_1469 = vector.broadcast %add3A_1468 : i32 to vector<16xi32>
    %add3A_1470 = arith.addi %mul3A_1467, %add3A_1469 : vector<16xi32>
    %add3A_1471 = arith.constant 24 : i32
    %add3A_1472 = vector.broadcast %add3A_1471 : i32 to vector<16xi32>
    %add3A_1473 = arith.addi %or3A_1437, %add3A_1472 : vector<16xi32>
    tpu.vector_store_idx %arg6[%add3A_1470], %add3A_1473 : memref<4096xi32, #tpu.memory_space<vmem>>[vector<16xi32>], vector<16xi32>,
    %mul3A_1474 = arith.constant 8 : i32
    %mul3A_1475 = vector.broadcast %mul3A_1474 : i32 to vector<16xi32>
    %mul3A_1476 = arith.muli %iota3A, %mul3A_1475 : vector<16xi32>
    %add3A_1477 = arith.constant 2180 : i32
    %add3A_1478 = vector.broadcast %add3A_1477 : i32 to vector<16xi32>
    %add3A_1479 = arith.addi %mul3A_1476, %add3A_1478 : vector<16xi32>
    %add3A_1480 = arith.constant 32 : i32
    %add3A_1481 = vector.broadcast %add3A_1480 : i32 to vector<16xi32>
    %add3A_1482 = arith.addi %or3A_1437, %add3A_1481 : vector<16xi32>
    tpu.vector_store_idx %arg6[%add3A_1479], %add3A_1482 : memref<4096xi32, #tpu.memory_space<vmem>>[vector<16xi32>], vector<16xi32>,
    %mul3A_1483 = arith.constant 8 : i32
    %mul3A_1484 = vector.broadcast %mul3A_1483 : i32 to vector<16xi32>
    %mul3A_1485 = arith.muli %iota3A, %mul3A_1484 : vector<16xi32>
    %add3A_1486 = arith.constant 2181 : i32
    %add3A_1487 = vector.broadcast %add3A_1486 : i32 to vector<16xi32>
    %add3A_1488 = arith.addi %mul3A_1485, %add3A_1487 : vector<16xi32>
    %add3A_1489 = arith.constant 40 : i32
    %add3A_1490 = vector.broadcast %add3A_1489 : i32 to vector<16xi32>
    %add3A_1491 = arith.addi %or3A_1437, %add3A_1490 : vector<16xi32>
    tpu.vector_store_idx %arg6[%add3A_1488], %add3A_1491 : memref<4096xi32, #tpu.memory_space<vmem>>[vector<16xi32>], vector<16xi32>,
    %mul3A_1492 = arith.constant 8 : i32
    %mul3A_1493 = vector.broadcast %mul3A_1492 : i32 to vector<16xi32>
    %mul3A_1494 = arith.muli %iota3A, %mul3A_1493 : vector<16xi32>
    %add3A_1495 = arith.constant 2182 : i32
    %add3A_1496 = vector.broadcast %add3A_1495 : i32 to vector<16xi32>
    %add3A_1497 = arith.addi %mul3A_1494, %add3A_1496 : vector<16xi32>
    %add3A_1498 = arith.constant 48 : i32
    %add3A_1499 = vector.broadcast %add3A_1498 : i32 to vector<16xi32>
    %add3A_1500 = arith.addi %or3A_1437, %add3A_1499 : vector<16xi32>
    tpu.vector_store_idx %arg6[%add3A_1497], %add3A_1500 : memref<4096xi32, #tpu.memory_space<vmem>>[vector<16xi32>], vector<16xi32>,
    %mul3A_1501 = arith.constant 8 : i32
    %mul3A_1502 = vector.broadcast %mul3A_1501 : i32 to vector<16xi32>
    %mul3A_1503 = arith.muli %iota3A, %mul3A_1502 : vector<16xi32>
    %add3A_1504 = arith.constant 2183 : i32
    %add3A_1505 = vector.broadcast %add3A_1504 : i32 to vector<16xi32>
    %add3A_1506 = arith.addi %mul3A_1503, %add3A_1505 : vector<16xi32>
    %add3A_1507 = arith.constant 56 : i32
    %add3A_1508 = vector.broadcast %add3A_1507 : i32 to vector<16xi32>
    %add3A_1509 = arith.addi %or3A_1437, %add3A_1508 : vector<16xi32>
    tpu.vector_store_idx %arg6[%add3A_1506], %add3A_1509 : memref<4096xi32, #tpu.memory_space<vmem>>[vector<16xi32>], vector<16xi32>,
    %get3A_1510 = arith.constant 288 : index
    %get3A_1511 = tpu.vector_load %arg5[%get3A_1510] {strides = array<i32>} : memref<512xi32, #tpu.memory_space<vmem>>, vector<16xi32>,
    %shift_right_arithmetic3A_1512 = arith.constant 3 : i32
    %shift_right_arithmetic3A_1513 = vector.broadcast %shift_right_arithmetic3A_1512 : i32 to vector<16xi32>
    %shift_right_arithmetic3A_1514 = arith.shrsi %get3A_1511, %shift_right_arithmetic3A_1513 : vector<16xi32>
    %shift_left3A_1515 = arith.constant 6 : i32
    %shift_left3A_1516 = vector.broadcast %shift_left3A_1515 : i32 to vector<16xi32>
    %shift_left3A_1517 = arith.shli %shift_right_arithmetic3A_1514, %shift_left3A_1516 : vector<16xi32>
    %and3A_1518 = arith.constant 7 : i32
    %and3A_1519 = vector.broadcast %and3A_1518 : i32 to vector<16xi32>
    %and3A_1520 = arith.andi %get3A_1511, %and3A_1519 : vector<16xi32>
    %or3A_1521 = arith.ori %shift_left3A_1517, %and3A_1520 : vector<16xi32>
    %mul3A_1522 = arith.constant 8 : i32
    %mul3A_1523 = vector.broadcast %mul3A_1522 : i32 to vector<16xi32>
    %mul3A_1524 = arith.muli %iota3A, %mul3A_1523 : vector<16xi32>
    %add3A_1525 = arith.constant 2304 : i32
    %add3A_1526 = vector.broadcast %add3A_1525 : i32 to vector<16xi32>
    %add3A_1527 = arith.addi %mul3A_1524, %add3A_1526 : vector<16xi32>
    %add3A_1528 = arith.constant 0 : i32
    %add3A_1529 = vector.broadcast %add3A_1528 : i32 to vector<16xi32>
    %add3A_1530 = arith.addi %or3A_1521, %add3A_1529 : vector<16xi32>
    tpu.vector_store_idx %arg6[%add3A_1527], %add3A_1530 : memref<4096xi32, #tpu.memory_space<vmem>>[vector<16xi32>], vector<16xi32>,
    %mul3A_1531 = arith.constant 8 : i32
    %mul3A_1532 = vector.broadcast %mul3A_1531 : i32 to vector<16xi32>
    %mul3A_1533 = arith.muli %iota3A, %mul3A_1532 : vector<16xi32>
    %add3A_1534 = arith.constant 2305 : i32
    %add3A_1535 = vector.broadcast %add3A_1534 : i32 to vector<16xi32>
    %add3A_1536 = arith.addi %mul3A_1533, %add3A_1535 : vector<16xi32>
    %add3A_1537 = arith.constant 8 : i32
    %add3A_1538 = vector.broadcast %add3A_1537 : i32 to vector<16xi32>
    %add3A_1539 = arith.addi %or3A_1521, %add3A_1538 : vector<16xi32>
    tpu.vector_store_idx %arg6[%add3A_1536], %add3A_1539 : memref<4096xi32, #tpu.memory_space<vmem>>[vector<16xi32>], vector<16xi32>,
    %mul3A_1540 = arith.constant 8 : i32
    %mul3A_1541 = vector.broadcast %mul3A_1540 : i32 to vector<16xi32>
    %mul3A_1542 = arith.muli %iota3A, %mul3A_1541 : vector<16xi32>
    %add3A_1543 = arith.constant 2306 : i32
    %add3A_1544 = vector.broadcast %add3A_1543 : i32 to vector<16xi32>
    %add3A_1545 = arith.addi %mul3A_1542, %add3A_1544 : vector<16xi32>
    %add3A_1546 = arith.constant 16 : i32
    %add3A_1547 = vector.broadcast %add3A_1546 : i32 to vector<16xi32>
    %add3A_1548 = arith.addi %or3A_1521, %add3A_1547 : vector<16xi32>
    tpu.vector_store_idx %arg6[%add3A_1545], %add3A_1548 : memref<4096xi32, #tpu.memory_space<vmem>>[vector<16xi32>], vector<16xi32>,
    %mul3A_1549 = arith.constant 8 : i32
    %mul3A_1550 = vector.broadcast %mul3A_1549 : i32 to vector<16xi32>
    %mul3A_1551 = arith.muli %iota3A, %mul3A_1550 : vector<16xi32>
    %add3A_1552 = arith.constant 2307 : i32
    %add3A_1553 = vector.broadcast %add3A_1552 : i32 to vector<16xi32>
    %add3A_1554 = arith.addi %mul3A_1551, %add3A_1553 : vector<16xi32>
    %add3A_1555 = arith.constant 24 : i32
    %add3A_1556 = vector.broadcast %add3A_1555 : i32 to vector<16xi32>
    %add3A_1557 = arith.addi %or3A_1521, %add3A_1556 : vector<16xi32>
    tpu.vector_store_idx %arg6[%add3A_1554], %add3A_1557 : memref<4096xi32, #tpu.memory_space<vmem>>[vector<16xi32>], vector<16xi32>,
    %mul3A_1558 = arith.constant 8 : i32
    %mul3A_1559 = vector.broadcast %mul3A_1558 : i32 to vector<16xi32>
    %mul3A_1560 = arith.muli %iota3A, %mul3A_1559 : vector<16xi32>
    %add3A_1561 = arith.constant 2308 : i32
    %add3A_1562 = vector.broadcast %add3A_1561 : i32 to vector<16xi32>
    %add3A_1563 = arith.addi %mul3A_1560, %add3A_1562 : vector<16xi32>
    %add3A_1564 = arith.constant 32 : i32
    %add3A_1565 = vector.broadcast %add3A_1564 : i32 to vector<16xi32>
    %add3A_1566 = arith.addi %or3A_1521, %add3A_1565 : vector<16xi32>
    tpu.vector_store_idx %arg6[%add3A_1563], %add3A_1566 : memref<4096xi32, #tpu.memory_space<vmem>>[vector<16xi32>], vector<16xi32>,
    %mul3A_1567 = arith.constant 8 : i32
    %mul3A_1568 = vector.broadcast %mul3A_1567 : i32 to vector<16xi32>
    %mul3A_1569 = arith.muli %iota3A, %mul3A_1568 : vector<16xi32>
    %add3A_1570 = arith.constant 2309 : i32
    %add3A_1571 = vector.broadcast %add3A_1570 : i32 to vector<16xi32>
    %add3A_1572 = arith.addi %mul3A_1569, %add3A_1571 : vector<16xi32>
    %add3A_1573 = arith.constant 40 : i32
    %add3A_1574 = vector.broadcast %add3A_1573 : i32 to vector<16xi32>
    %add3A_1575 = arith.addi %or3A_1521, %add3A_1574 : vector<16xi32>
    tpu.vector_store_idx %arg6[%add3A_1572], %add3A_1575 : memref<4096xi32, #tpu.memory_space<vmem>>[vector<16xi32>], vector<16xi32>,
    %mul3A_1576 = arith.constant 8 : i32
    %mul3A_1577 = vector.broadcast %mul3A_1576 : i32 to vector<16xi32>
    %mul3A_1578 = arith.muli %iota3A, %mul3A_1577 : vector<16xi32>
    %add3A_1579 = arith.constant 2310 : i32
    %add3A_1580 = vector.broadcast %add3A_1579 : i32 to vector<16xi32>
    %add3A_1581 = arith.addi %mul3A_1578, %add3A_1580 : vector<16xi32>
    %add3A_1582 = arith.constant 48 : i32
    %add3A_1583 = vector.broadcast %add3A_1582 : i32 to vector<16xi32>
    %add3A_1584 = arith.addi %or3A_1521, %add3A_1583 : vector<16xi32>
    tpu.vector_store_idx %arg6[%add3A_1581], %add3A_1584 : memref<4096xi32, #tpu.memory_space<vmem>>[vector<16xi32>], vector<16xi32>,
    %mul3A_1585 = arith.constant 8 : i32
    %mul3A_1586 = vector.broadcast %mul3A_1585 : i32 to vector<16xi32>
    %mul3A_1587 = arith.muli %iota3A, %mul3A_1586 : vector<16xi32>
    %add3A_1588 = arith.constant 2311 : i32
    %add3A_1589 = vector.broadcast %add3A_1588 : i32 to vector<16xi32>
    %add3A_1590 = arith.addi %mul3A_1587, %add3A_1589 : vector<16xi32>
    %add3A_1591 = arith.constant 56 : i32
    %add3A_1592 = vector.broadcast %add3A_1591 : i32 to vector<16xi32>
    %add3A_1593 = arith.addi %or3A_1521, %add3A_1592 : vector<16xi32>
    tpu.vector_store_idx %arg6[%add3A_1590], %add3A_1593 : memref<4096xi32, #tpu.memory_space<vmem>>[vector<16xi32>], vector<16xi32>,
    %get3A_1594 = arith.constant 304 : index
    %get3A_1595 = tpu.vector_load %arg5[%get3A_1594] {strides = array<i32>} : memref<512xi32, #tpu.memory_space<vmem>>, vector<16xi32>,
    %shift_right_arithmetic3A_1596 = arith.constant 3 : i32
    %shift_right_arithmetic3A_1597 = vector.broadcast %shift_right_arithmetic3A_1596 : i32 to vector<16xi32>
    %shift_right_arithmetic3A_1598 = arith.shrsi %get3A_1595, %shift_right_arithmetic3A_1597 : vector<16xi32>
    %shift_left3A_1599 = arith.constant 6 : i32
    %shift_left3A_1600 = vector.broadcast %shift_left3A_1599 : i32 to vector<16xi32>
    %shift_left3A_1601 = arith.shli %shift_right_arithmetic3A_1598, %shift_left3A_1600 : vector<16xi32>
    %and3A_1602 = arith.constant 7 : i32
    %and3A_1603 = vector.broadcast %and3A_1602 : i32 to vector<16xi32>
    %and3A_1604 = arith.andi %get3A_1595, %and3A_1603 : vector<16xi32>
    %or3A_1605 = arith.ori %shift_left3A_1601, %and3A_1604 : vector<16xi32>
    %mul3A_1606 = arith.constant 8 : i32
    %mul3A_1607 = vector.broadcast %mul3A_1606 : i32 to vector<16xi32>
    %mul3A_1608 = arith.muli %iota3A, %mul3A_1607 : vector<16xi32>
    %add3A_1609 = arith.constant 2432 : i32
    %add3A_1610 = vector.broadcast %add3A_1609 : i32 to vector<16xi32>
    %add3A_1611 = arith.addi %mul3A_1608, %add3A_1610 : vector<16xi32>
    %add3A_1612 = arith.constant 0 : i32
    %add3A_1613 = vector.broadcast %add3A_1612 : i32 to vector<16xi32>
    %add3A_1614 = arith.addi %or3A_1605, %add3A_1613 : vector<16xi32>
    tpu.vector_store_idx %arg6[%add3A_1611], %add3A_1614 : memref<4096xi32, #tpu.memory_space<vmem>>[vector<16xi32>], vector<16xi32>,
    %mul3A_1615 = arith.constant 8 : i32
    %mul3A_1616 = vector.broadcast %mul3A_1615 : i32 to vector<16xi32>
    %mul3A_1617 = arith.muli %iota3A, %mul3A_1616 : vector<16xi32>
    %add3A_1618 = arith.constant 2433 : i32
    %add3A_1619 = vector.broadcast %add3A_1618 : i32 to vector<16xi32>
    %add3A_1620 = arith.addi %mul3A_1617, %add3A_1619 : vector<16xi32>
    %add3A_1621 = arith.constant 8 : i32
    %add3A_1622 = vector.broadcast %add3A_1621 : i32 to vector<16xi32>
    %add3A_1623 = arith.addi %or3A_1605, %add3A_1622 : vector<16xi32>
    tpu.vector_store_idx %arg6[%add3A_1620], %add3A_1623 : memref<4096xi32, #tpu.memory_space<vmem>>[vector<16xi32>], vector<16xi32>,
    %mul3A_1624 = arith.constant 8 : i32
    %mul3A_1625 = vector.broadcast %mul3A_1624 : i32 to vector<16xi32>
    %mul3A_1626 = arith.muli %iota3A, %mul3A_1625 : vector<16xi32>
    %add3A_1627 = arith.constant 2434 : i32
    %add3A_1628 = vector.broadcast %add3A_1627 : i32 to vector<16xi32>
    %add3A_1629 = arith.addi %mul3A_1626, %add3A_1628 : vector<16xi32>
    %add3A_1630 = arith.constant 16 : i32
    %add3A_1631 = vector.broadcast %add3A_1630 : i32 to vector<16xi32>
    %add3A_1632 = arith.addi %or3A_1605, %add3A_1631 : vector<16xi32>
    tpu.vector_store_idx %arg6[%add3A_1629], %add3A_1632 : memref<4096xi32, #tpu.memory_space<vmem>>[vector<16xi32>], vector<16xi32>,
    %mul3A_1633 = arith.constant 8 : i32
    %mul3A_1634 = vector.broadcast %mul3A_1633 : i32 to vector<16xi32>
    %mul3A_1635 = arith.muli %iota3A, %mul3A_1634 : vector<16xi32>
    %add3A_1636 = arith.constant 2435 : i32
    %add3A_1637 = vector.broadcast %add3A_1636 : i32 to vector<16xi32>
    %add3A_1638 = arith.addi %mul3A_1635, %add3A_1637 : vector<16xi32>
    %add3A_1639 = arith.constant 24 : i32
    %add3A_1640 = vector.broadcast %add3A_1639 : i32 to vector<16xi32>
    %add3A_1641 = arith.addi %or3A_1605, %add3A_1640 : vector<16xi32>
    tpu.vector_store_idx %arg6[%add3A_1638], %add3A_1641 : memref<4096xi32, #tpu.memory_space<vmem>>[vector<16xi32>], vector<16xi32>,
    %mul3A_1642 = arith.constant 8 : i32
    %mul3A_1643 = vector.broadcast %mul3A_1642 : i32 to vector<16xi32>
    %mul3A_1644 = arith.muli %iota3A, %mul3A_1643 : vector<16xi32>
    %add3A_1645 = arith.constant 2436 : i32
    %add3A_1646 = vector.broadcast %add3A_1645 : i32 to vector<16xi32>
    %add3A_1647 = arith.addi %mul3A_1644, %add3A_1646 : vector<16xi32>
    %add3A_1648 = arith.constant 32 : i32
    %add3A_1649 = vector.broadcast %add3A_1648 : i32 to vector<16xi32>
    %add3A_1650 = arith.addi %or3A_1605, %add3A_1649 : vector<16xi32>
    tpu.vector_store_idx %arg6[%add3A_1647], %add3A_1650 : memref<4096xi32, #tpu.memory_space<vmem>>[vector<16xi32>], vector<16xi32>,
    %mul3A_1651 = arith.constant 8 : i32
    %mul3A_1652 = vector.broadcast %mul3A_1651 : i32 to vector<16xi32>
    %mul3A_1653 = arith.muli %iota3A, %mul3A_1652 : vector<16xi32>
    %add3A_1654 = arith.constant 2437 : i32
    %add3A_1655 = vector.broadcast %add3A_1654 : i32 to vector<16xi32>
    %add3A_1656 = arith.addi %mul3A_1653, %add3A_1655 : vector<16xi32>
    %add3A_1657 = arith.constant 40 : i32
    %add3A_1658 = vector.broadcast %add3A_1657 : i32 to vector<16xi32>
    %add3A_1659 = arith.addi %or3A_1605, %add3A_1658 : vector<16xi32>
    tpu.vector_store_idx %arg6[%add3A_1656], %add3A_1659 : memref<4096xi32, #tpu.memory_space<vmem>>[vector<16xi32>], vector<16xi32>,
    %mul3A_1660 = arith.constant 8 : i32
    %mul3A_1661 = vector.broadcast %mul3A_1660 : i32 to vector<16xi32>
    %mul3A_1662 = arith.muli %iota3A, %mul3A_1661 : vector<16xi32>
    %add3A_1663 = arith.constant 2438 : i32
    %add3A_1664 = vector.broadcast %add3A_1663 : i32 to vector<16xi32>
    %add3A_1665 = arith.addi %mul3A_1662, %add3A_1664 : vector<16xi32>
    %add3A_1666 = arith.constant 48 : i32
    %add3A_1667 = vector.broadcast %add3A_1666 : i32 to vector<16xi32>
    %add3A_1668 = arith.addi %or3A_1605, %add3A_1667 : vector<16xi32>
    tpu.vector_store_idx %arg6[%add3A_1665], %add3A_1668 : memref<4096xi32, #tpu.memory_space<vmem>>[vector<16xi32>], vector<16xi32>,
    %mul3A_1669 = arith.constant 8 : i32
    %mul3A_1670 = vector.broadcast %mul3A_1669 : i32 to vector<16xi32>
    %mul3A_1671 = arith.muli %iota3A, %mul3A_1670 : vector<16xi32>
    %add3A_1672 = arith.constant 2439 : i32
    %add3A_1673 = vector.broadcast %add3A_1672 : i32 to vector<16xi32>
    %add3A_1674 = arith.addi %mul3A_1671, %add3A_1673 : vector<16xi32>
    %add3A_1675 = arith.constant 56 : i32
    %add3A_1676 = vector.broadcast %add3A_1675 : i32 to vector<16xi32>
    %add3A_1677 = arith.addi %or3A_1605, %add3A_1676 : vector<16xi32>
    tpu.vector_store_idx %arg6[%add3A_1674], %add3A_1677 : memref<4096xi32, #tpu.memory_space<vmem>>[vector<16xi32>], vector<16xi32>,
    %get3A_1678 = arith.constant 320 : index
    %get3A_1679 = tpu.vector_load %arg5[%get3A_1678] {strides = array<i32>} : memref<512xi32, #tpu.memory_space<vmem>>, vector<16xi32>,
    %shift_right_arithmetic3A_1680 = arith.constant 3 : i32
    %shift_right_arithmetic3A_1681 = vector.broadcast %shift_right_arithmetic3A_1680 : i32 to vector<16xi32>
    %shift_right_arithmetic3A_1682 = arith.shrsi %get3A_1679, %shift_right_arithmetic3A_1681 : vector<16xi32>
    %shift_left3A_1683 = arith.constant 6 : i32
    %shift_left3A_1684 = vector.broadcast %shift_left3A_1683 : i32 to vector<16xi32>
    %shift_left3A_1685 = arith.shli %shift_right_arithmetic3A_1682, %shift_left3A_1684 : vector<16xi32>
    %and3A_1686 = arith.constant 7 : i32
    %and3A_1687 = vector.broadcast %and3A_1686 : i32 to vector<16xi32>
    %and3A_1688 = arith.andi %get3A_1679, %and3A_1687 : vector<16xi32>
    %or3A_1689 = arith.ori %shift_left3A_1685, %and3A_1688 : vector<16xi32>
    %mul3A_1690 = arith.constant 8 : i32
    %mul3A_1691 = vector.broadcast %mul3A_1690 : i32 to vector<16xi32>
    %mul3A_1692 = arith.muli %iota3A, %mul3A_1691 : vector<16xi32>
    %add3A_1693 = arith.constant 2560 : i32
    %add3A_1694 = vector.broadcast %add3A_1693 : i32 to vector<16xi32>
    %add3A_1695 = arith.addi %mul3A_1692, %add3A_1694 : vector<16xi32>
    %add3A_1696 = arith.constant 0 : i32
    %add3A_1697 = vector.broadcast %add3A_1696 : i32 to vector<16xi32>
    %add3A_1698 = arith.addi %or3A_1689, %add3A_1697 : vector<16xi32>
    tpu.vector_store_idx %arg6[%add3A_1695], %add3A_1698 : memref<4096xi32, #tpu.memory_space<vmem>>[vector<16xi32>], vector<16xi32>,
    %mul3A_1699 = arith.constant 8 : i32
    %mul3A_1700 = vector.broadcast %mul3A_1699 : i32 to vector<16xi32>
    %mul3A_1701 = arith.muli %iota3A, %mul3A_1700 : vector<16xi32>
    %add3A_1702 = arith.constant 2561 : i32
    %add3A_1703 = vector.broadcast %add3A_1702 : i32 to vector<16xi32>
    %add3A_1704 = arith.addi %mul3A_1701, %add3A_1703 : vector<16xi32>
    %add3A_1705 = arith.constant 8 : i32
    %add3A_1706 = vector.broadcast %add3A_1705 : i32 to vector<16xi32>
    %add3A_1707 = arith.addi %or3A_1689, %add3A_1706 : vector<16xi32>
    tpu.vector_store_idx %arg6[%add3A_1704], %add3A_1707 : memref<4096xi32, #tpu.memory_space<vmem>>[vector<16xi32>], vector<16xi32>,
    %mul3A_1708 = arith.constant 8 : i32
    %mul3A_1709 = vector.broadcast %mul3A_1708 : i32 to vector<16xi32>
    %mul3A_1710 = arith.muli %iota3A, %mul3A_1709 : vector<16xi32>
    %add3A_1711 = arith.constant 2562 : i32
    %add3A_1712 = vector.broadcast %add3A_1711 : i32 to vector<16xi32>
    %add3A_1713 = arith.addi %mul3A_1710, %add3A_1712 : vector<16xi32>
    %add3A_1714 = arith.constant 16 : i32
    %add3A_1715 = vector.broadcast %add3A_1714 : i32 to vector<16xi32>
    %add3A_1716 = arith.addi %or3A_1689, %add3A_1715 : vector<16xi32>
    tpu.vector_store_idx %arg6[%add3A_1713], %add3A_1716 : memref<4096xi32, #tpu.memory_space<vmem>>[vector<16xi32>], vector<16xi32>,
    %mul3A_1717 = arith.constant 8 : i32
    %mul3A_1718 = vector.broadcast %mul3A_1717 : i32 to vector<16xi32>
    %mul3A_1719 = arith.muli %iota3A, %mul3A_1718 : vector<16xi32>
    %add3A_1720 = arith.constant 2563 : i32
    %add3A_1721 = vector.broadcast %add3A_1720 : i32 to vector<16xi32>
    %add3A_1722 = arith.addi %mul3A_1719, %add3A_1721 : vector<16xi32>
    %add3A_1723 = arith.constant 24 : i32
    %add3A_1724 = vector.broadcast %add3A_1723 : i32 to vector<16xi32>
    %add3A_1725 = arith.addi %or3A_1689, %add3A_1724 : vector<16xi32>
    tpu.vector_store_idx %arg6[%add3A_1722], %add3A_1725 : memref<4096xi32, #tpu.memory_space<vmem>>[vector<16xi32>], vector<16xi32>,
    %mul3A_1726 = arith.constant 8 : i32
    %mul3A_1727 = vector.broadcast %mul3A_1726 : i32 to vector<16xi32>
    %mul3A_1728 = arith.muli %iota3A, %mul3A_1727 : vector<16xi32>
    %add3A_1729 = arith.constant 2564 : i32
    %add3A_1730 = vector.broadcast %add3A_1729 : i32 to vector<16xi32>
    %add3A_1731 = arith.addi %mul3A_1728, %add3A_1730 : vector<16xi32>
    %add3A_1732 = arith.constant 32 : i32
    %add3A_1733 = vector.broadcast %add3A_1732 : i32 to vector<16xi32>
    %add3A_1734 = arith.addi %or3A_1689, %add3A_1733 : vector<16xi32>
    tpu.vector_store_idx %arg6[%add3A_1731], %add3A_1734 : memref<4096xi32, #tpu.memory_space<vmem>>[vector<16xi32>], vector<16xi32>,
    %mul3A_1735 = arith.constant 8 : i32
    %mul3A_1736 = vector.broadcast %mul3A_1735 : i32 to vector<16xi32>
    %mul3A_1737 = arith.muli %iota3A, %mul3A_1736 : vector<16xi32>
    %add3A_1738 = arith.constant 2565 : i32
    %add3A_1739 = vector.broadcast %add3A_1738 : i32 to vector<16xi32>
    %add3A_1740 = arith.addi %mul3A_1737, %add3A_1739 : vector<16xi32>
    %add3A_1741 = arith.constant 40 : i32
    %add3A_1742 = vector.broadcast %add3A_1741 : i32 to vector<16xi32>
    %add3A_1743 = arith.addi %or3A_1689, %add3A_1742 : vector<16xi32>
    tpu.vector_store_idx %arg6[%add3A_1740], %add3A_1743 : memref<4096xi32, #tpu.memory_space<vmem>>[vector<16xi32>], vector<16xi32>,
    %mul3A_1744 = arith.constant 8 : i32
    %mul3A_1745 = vector.broadcast %mul3A_1744 : i32 to vector<16xi32>
    %mul3A_1746 = arith.muli %iota3A, %mul3A_1745 : vector<16xi32>
    %add3A_1747 = arith.constant 2566 : i32
    %add3A_1748 = vector.broadcast %add3A_1747 : i32 to vector<16xi32>
    %add3A_1749 = arith.addi %mul3A_1746, %add3A_1748 : vector<16xi32>
    %add3A_1750 = arith.constant 48 : i32
    %add3A_1751 = vector.broadcast %add3A_1750 : i32 to vector<16xi32>
    %add3A_1752 = arith.addi %or3A_1689, %add3A_1751 : vector<16xi32>
    tpu.vector_store_idx %arg6[%add3A_1749], %add3A_1752 : memref<4096xi32, #tpu.memory_space<vmem>>[vector<16xi32>], vector<16xi32>,
    %mul3A_1753 = arith.constant 8 : i32
    %mul3A_1754 = vector.broadcast %mul3A_1753 : i32 to vector<16xi32>
    %mul3A_1755 = arith.muli %iota3A, %mul3A_1754 : vector<16xi32>
    %add3A_1756 = arith.constant 2567 : i32
    %add3A_1757 = vector.broadcast %add3A_1756 : i32 to vector<16xi32>
    %add3A_1758 = arith.addi %mul3A_1755, %add3A_1757 : vector<16xi32>
    %add3A_1759 = arith.constant 56 : i32
    %add3A_1760 = vector.broadcast %add3A_1759 : i32 to vector<16xi32>
    %add3A_1761 = arith.addi %or3A_1689, %add3A_1760 : vector<16xi32>
    tpu.vector_store_idx %arg6[%add3A_1758], %add3A_1761 : memref<4096xi32, #tpu.memory_space<vmem>>[vector<16xi32>], vector<16xi32>,
    %get3A_1762 = arith.constant 336 : index
    %get3A_1763 = tpu.vector_load %arg5[%get3A_1762] {strides = array<i32>} : memref<512xi32, #tpu.memory_space<vmem>>, vector<16xi32>,
    %shift_right_arithmetic3A_1764 = arith.constant 3 : i32
    %shift_right_arithmetic3A_1765 = vector.broadcast %shift_right_arithmetic3A_1764 : i32 to vector<16xi32>
    %shift_right_arithmetic3A_1766 = arith.shrsi %get3A_1763, %shift_right_arithmetic3A_1765 : vector<16xi32>
    %shift_left3A_1767 = arith.constant 6 : i32
    %shift_left3A_1768 = vector.broadcast %shift_left3A_1767 : i32 to vector<16xi32>
    %shift_left3A_1769 = arith.shli %shift_right_arithmetic3A_1766, %shift_left3A_1768 : vector<16xi32>
    %and3A_1770 = arith.constant 7 : i32
    %and3A_1771 = vector.broadcast %and3A_1770 : i32 to vector<16xi32>
    %and3A_1772 = arith.andi %get3A_1763, %and3A_1771 : vector<16xi32>
    %or3A_1773 = arith.ori %shift_left3A_1769, %and3A_1772 : vector<16xi32>
    %mul3A_1774 = arith.constant 8 : i32
    %mul3A_1775 = vector.broadcast %mul3A_1774 : i32 to vector<16xi32>
    %mul3A_1776 = arith.muli %iota3A, %mul3A_1775 : vector<16xi32>
    %add3A_1777 = arith.constant 2688 : i32
    %add3A_1778 = vector.broadcast %add3A_1777 : i32 to vector<16xi32>
    %add3A_1779 = arith.addi %mul3A_1776, %add3A_1778 : vector<16xi32>
    %add3A_1780 = arith.constant 0 : i32
    %add3A_1781 = vector.broadcast %add3A_1780 : i32 to vector<16xi32>
    %add3A_1782 = arith.addi %or3A_1773, %add3A_1781 : vector<16xi32>
    tpu.vector_store_idx %arg6[%add3A_1779], %add3A_1782 : memref<4096xi32, #tpu.memory_space<vmem>>[vector<16xi32>], vector<16xi32>,
    %mul3A_1783 = arith.constant 8 : i32
    %mul3A_1784 = vector.broadcast %mul3A_1783 : i32 to vector<16xi32>
    %mul3A_1785 = arith.muli %iota3A, %mul3A_1784 : vector<16xi32>
    %add3A_1786 = arith.constant 2689 : i32
    %add3A_1787 = vector.broadcast %add3A_1786 : i32 to vector<16xi32>
    %add3A_1788 = arith.addi %mul3A_1785, %add3A_1787 : vector<16xi32>
    %add3A_1789 = arith.constant 8 : i32
    %add3A_1790 = vector.broadcast %add3A_1789 : i32 to vector<16xi32>
    %add3A_1791 = arith.addi %or3A_1773, %add3A_1790 : vector<16xi32>
    tpu.vector_store_idx %arg6[%add3A_1788], %add3A_1791 : memref<4096xi32, #tpu.memory_space<vmem>>[vector<16xi32>], vector<16xi32>,
    %mul3A_1792 = arith.constant 8 : i32
    %mul3A_1793 = vector.broadcast %mul3A_1792 : i32 to vector<16xi32>
    %mul3A_1794 = arith.muli %iota3A, %mul3A_1793 : vector<16xi32>
    %add3A_1795 = arith.constant 2690 : i32
    %add3A_1796 = vector.broadcast %add3A_1795 : i32 to vector<16xi32>
    %add3A_1797 = arith.addi %mul3A_1794, %add3A_1796 : vector<16xi32>
    %add3A_1798 = arith.constant 16 : i32
    %add3A_1799 = vector.broadcast %add3A_1798 : i32 to vector<16xi32>
    %add3A_1800 = arith.addi %or3A_1773, %add3A_1799 : vector<16xi32>
    tpu.vector_store_idx %arg6[%add3A_1797], %add3A_1800 : memref<4096xi32, #tpu.memory_space<vmem>>[vector<16xi32>], vector<16xi32>,
    %mul3A_1801 = arith.constant 8 : i32
    %mul3A_1802 = vector.broadcast %mul3A_1801 : i32 to vector<16xi32>
    %mul3A_1803 = arith.muli %iota3A, %mul3A_1802 : vector<16xi32>
    %add3A_1804 = arith.constant 2691 : i32
    %add3A_1805 = vector.broadcast %add3A_1804 : i32 to vector<16xi32>
    %add3A_1806 = arith.addi %mul3A_1803, %add3A_1805 : vector<16xi32>
    %add3A_1807 = arith.constant 24 : i32
    %add3A_1808 = vector.broadcast %add3A_1807 : i32 to vector<16xi32>
    %add3A_1809 = arith.addi %or3A_1773, %add3A_1808 : vector<16xi32>
    tpu.vector_store_idx %arg6[%add3A_1806], %add3A_1809 : memref<4096xi32, #tpu.memory_space<vmem>>[vector<16xi32>], vector<16xi32>,
    %mul3A_1810 = arith.constant 8 : i32
    %mul3A_1811 = vector.broadcast %mul3A_1810 : i32 to vector<16xi32>
    %mul3A_1812 = arith.muli %iota3A, %mul3A_1811 : vector<16xi32>
    %add3A_1813 = arith.constant 2692 : i32
    %add3A_1814 = vector.broadcast %add3A_1813 : i32 to vector<16xi32>
    %add3A_1815 = arith.addi %mul3A_1812, %add3A_1814 : vector<16xi32>
    %add3A_1816 = arith.constant 32 : i32
    %add3A_1817 = vector.broadcast %add3A_1816 : i32 to vector<16xi32>
    %add3A_1818 = arith.addi %or3A_1773, %add3A_1817 : vector<16xi32>
    tpu.vector_store_idx %arg6[%add3A_1815], %add3A_1818 : memref<4096xi32, #tpu.memory_space<vmem>>[vector<16xi32>], vector<16xi32>,
    %mul3A_1819 = arith.constant 8 : i32
    %mul3A_1820 = vector.broadcast %mul3A_1819 : i32 to vector<16xi32>
    %mul3A_1821 = arith.muli %iota3A, %mul3A_1820 : vector<16xi32>
    %add3A_1822 = arith.constant 2693 : i32
    %add3A_1823 = vector.broadcast %add3A_1822 : i32 to vector<16xi32>
    %add3A_1824 = arith.addi %mul3A_1821, %add3A_1823 : vector<16xi32>
    %add3A_1825 = arith.constant 40 : i32
    %add3A_1826 = vector.broadcast %add3A_1825 : i32 to vector<16xi32>
    %add3A_1827 = arith.addi %or3A_1773, %add3A_1826 : vector<16xi32>
    tpu.vector_store_idx %arg6[%add3A_1824], %add3A_1827 : memref<4096xi32, #tpu.memory_space<vmem>>[vector<16xi32>], vector<16xi32>,
    %mul3A_1828 = arith.constant 8 : i32
    %mul3A_1829 = vector.broadcast %mul3A_1828 : i32 to vector<16xi32>
    %mul3A_1830 = arith.muli %iota3A, %mul3A_1829 : vector<16xi32>
    %add3A_1831 = arith.constant 2694 : i32
    %add3A_1832 = vector.broadcast %add3A_1831 : i32 to vector<16xi32>
    %add3A_1833 = arith.addi %mul3A_1830, %add3A_1832 : vector<16xi32>
    %add3A_1834 = arith.constant 48 : i32
    %add3A_1835 = vector.broadcast %add3A_1834 : i32 to vector<16xi32>
    %add3A_1836 = arith.addi %or3A_1773, %add3A_1835 : vector<16xi32>
    tpu.vector_store_idx %arg6[%add3A_1833], %add3A_1836 : memref<4096xi32, #tpu.memory_space<vmem>>[vector<16xi32>], vector<16xi32>,
    %mul3A_1837 = arith.constant 8 : i32
    %mul3A_1838 = vector.broadcast %mul3A_1837 : i32 to vector<16xi32>
    %mul3A_1839 = arith.muli %iota3A, %mul3A_1838 : vector<16xi32>
    %add3A_1840 = arith.constant 2695 : i32
    %add3A_1841 = vector.broadcast %add3A_1840 : i32 to vector<16xi32>
    %add3A_1842 = arith.addi %mul3A_1839, %add3A_1841 : vector<16xi32>
    %add3A_1843 = arith.constant 56 : i32
    %add3A_1844 = vector.broadcast %add3A_1843 : i32 to vector<16xi32>
    %add3A_1845 = arith.addi %or3A_1773, %add3A_1844 : vector<16xi32>
    tpu.vector_store_idx %arg6[%add3A_1842], %add3A_1845 : memref<4096xi32, #tpu.memory_space<vmem>>[vector<16xi32>], vector<16xi32>,
    %get3A_1846 = arith.constant 352 : index
    %get3A_1847 = tpu.vector_load %arg5[%get3A_1846] {strides = array<i32>} : memref<512xi32, #tpu.memory_space<vmem>>, vector<16xi32>,
    %shift_right_arithmetic3A_1848 = arith.constant 3 : i32
    %shift_right_arithmetic3A_1849 = vector.broadcast %shift_right_arithmetic3A_1848 : i32 to vector<16xi32>
    %shift_right_arithmetic3A_1850 = arith.shrsi %get3A_1847, %shift_right_arithmetic3A_1849 : vector<16xi32>
    %shift_left3A_1851 = arith.constant 6 : i32
    %shift_left3A_1852 = vector.broadcast %shift_left3A_1851 : i32 to vector<16xi32>
    %shift_left3A_1853 = arith.shli %shift_right_arithmetic3A_1850, %shift_left3A_1852 : vector<16xi32>
    %and3A_1854 = arith.constant 7 : i32
    %and3A_1855 = vector.broadcast %and3A_1854 : i32 to vector<16xi32>
    %and3A_1856 = arith.andi %get3A_1847, %and3A_1855 : vector<16xi32>
    %or3A_1857 = arith.ori %shift_left3A_1853, %and3A_1856 : vector<16xi32>
    %mul3A_1858 = arith.constant 8 : i32
    %mul3A_1859 = vector.broadcast %mul3A_1858 : i32 to vector<16xi32>
    %mul3A_1860 = arith.muli %iota3A, %mul3A_1859 : vector<16xi32>
    %add3A_1861 = arith.constant 2816 : i32
    %add3A_1862 = vector.broadcast %add3A_1861 : i32 to vector<16xi32>
    %add3A_1863 = arith.addi %mul3A_1860, %add3A_1862 : vector<16xi32>
    %add3A_1864 = arith.constant 0 : i32
    %add3A_1865 = vector.broadcast %add3A_1864 : i32 to vector<16xi32>
    %add3A_1866 = arith.addi %or3A_1857, %add3A_1865 : vector<16xi32>
    tpu.vector_store_idx %arg6[%add3A_1863], %add3A_1866 : memref<4096xi32, #tpu.memory_space<vmem>>[vector<16xi32>], vector<16xi32>,
    %mul3A_1867 = arith.constant 8 : i32
    %mul3A_1868 = vector.broadcast %mul3A_1867 : i32 to vector<16xi32>
    %mul3A_1869 = arith.muli %iota3A, %mul3A_1868 : vector<16xi32>
    %add3A_1870 = arith.constant 2817 : i32
    %add3A_1871 = vector.broadcast %add3A_1870 : i32 to vector<16xi32>
    %add3A_1872 = arith.addi %mul3A_1869, %add3A_1871 : vector<16xi32>
    %add3A_1873 = arith.constant 8 : i32
    %add3A_1874 = vector.broadcast %add3A_1873 : i32 to vector<16xi32>
    %add3A_1875 = arith.addi %or3A_1857, %add3A_1874 : vector<16xi32>
    tpu.vector_store_idx %arg6[%add3A_1872], %add3A_1875 : memref<4096xi32, #tpu.memory_space<vmem>>[vector<16xi32>], vector<16xi32>,
    %mul3A_1876 = arith.constant 8 : i32
    %mul3A_1877 = vector.broadcast %mul3A_1876 : i32 to vector<16xi32>
    %mul3A_1878 = arith.muli %iota3A, %mul3A_1877 : vector<16xi32>
    %add3A_1879 = arith.constant 2818 : i32
    %add3A_1880 = vector.broadcast %add3A_1879 : i32 to vector<16xi32>
    %add3A_1881 = arith.addi %mul3A_1878, %add3A_1880 : vector<16xi32>
    %add3A_1882 = arith.constant 16 : i32
    %add3A_1883 = vector.broadcast %add3A_1882 : i32 to vector<16xi32>
    %add3A_1884 = arith.addi %or3A_1857, %add3A_1883 : vector<16xi32>
    tpu.vector_store_idx %arg6[%add3A_1881], %add3A_1884 : memref<4096xi32, #tpu.memory_space<vmem>>[vector<16xi32>], vector<16xi32>,
    %mul3A_1885 = arith.constant 8 : i32
    %mul3A_1886 = vector.broadcast %mul3A_1885 : i32 to vector<16xi32>
    %mul3A_1887 = arith.muli %iota3A, %mul3A_1886 : vector<16xi32>
    %add3A_1888 = arith.constant 2819 : i32
    %add3A_1889 = vector.broadcast %add3A_1888 : i32 to vector<16xi32>
    %add3A_1890 = arith.addi %mul3A_1887, %add3A_1889 : vector<16xi32>
    %add3A_1891 = arith.constant 24 : i32
    %add3A_1892 = vector.broadcast %add3A_1891 : i32 to vector<16xi32>
    %add3A_1893 = arith.addi %or3A_1857, %add3A_1892 : vector<16xi32>
    tpu.vector_store_idx %arg6[%add3A_1890], %add3A_1893 : memref<4096xi32, #tpu.memory_space<vmem>>[vector<16xi32>], vector<16xi32>,
    %mul3A_1894 = arith.constant 8 : i32
    %mul3A_1895 = vector.broadcast %mul3A_1894 : i32 to vector<16xi32>
    %mul3A_1896 = arith.muli %iota3A, %mul3A_1895 : vector<16xi32>
    %add3A_1897 = arith.constant 2820 : i32
    %add3A_1898 = vector.broadcast %add3A_1897 : i32 to vector<16xi32>
    %add3A_1899 = arith.addi %mul3A_1896, %add3A_1898 : vector<16xi32>
    %add3A_1900 = arith.constant 32 : i32
    %add3A_1901 = vector.broadcast %add3A_1900 : i32 to vector<16xi32>
    %add3A_1902 = arith.addi %or3A_1857, %add3A_1901 : vector<16xi32>
    tpu.vector_store_idx %arg6[%add3A_1899], %add3A_1902 : memref<4096xi32, #tpu.memory_space<vmem>>[vector<16xi32>], vector<16xi32>,
    %mul3A_1903 = arith.constant 8 : i32
    %mul3A_1904 = vector.broadcast %mul3A_1903 : i32 to vector<16xi32>
    %mul3A_1905 = arith.muli %iota3A, %mul3A_1904 : vector<16xi32>
    %add3A_1906 = arith.constant 2821 : i32
    %add3A_1907 = vector.broadcast %add3A_1906 : i32 to vector<16xi32>
    %add3A_1908 = arith.addi %mul3A_1905, %add3A_1907 : vector<16xi32>
    %add3A_1909 = arith.constant 40 : i32
    %add3A_1910 = vector.broadcast %add3A_1909 : i32 to vector<16xi32>
    %add3A_1911 = arith.addi %or3A_1857, %add3A_1910 : vector<16xi32>
    tpu.vector_store_idx %arg6[%add3A_1908], %add3A_1911 : memref<4096xi32, #tpu.memory_space<vmem>>[vector<16xi32>], vector<16xi32>,
    %mul3A_1912 = arith.constant 8 : i32
    %mul3A_1913 = vector.broadcast %mul3A_1912 : i32 to vector<16xi32>
    %mul3A_1914 = arith.muli %iota3A, %mul3A_1913 : vector<16xi32>
    %add3A_1915 = arith.constant 2822 : i32
    %add3A_1916 = vector.broadcast %add3A_1915 : i32 to vector<16xi32>
    %add3A_1917 = arith.addi %mul3A_1914, %add3A_1916 : vector<16xi32>
    %add3A_1918 = arith.constant 48 : i32
    %add3A_1919 = vector.broadcast %add3A_1918 : i32 to vector<16xi32>
    %add3A_1920 = arith.addi %or3A_1857, %add3A_1919 : vector<16xi32>
    tpu.vector_store_idx %arg6[%add3A_1917], %add3A_1920 : memref<4096xi32, #tpu.memory_space<vmem>>[vector<16xi32>], vector<16xi32>,
    %mul3A_1921 = arith.constant 8 : i32
    %mul3A_1922 = vector.broadcast %mul3A_1921 : i32 to vector<16xi32>
    %mul3A_1923 = arith.muli %iota3A, %mul3A_1922 : vector<16xi32>
    %add3A_1924 = arith.constant 2823 : i32
    %add3A_1925 = vector.broadcast %add3A_1924 : i32 to vector<16xi32>
    %add3A_1926 = arith.addi %mul3A_1923, %add3A_1925 : vector<16xi32>
    %add3A_1927 = arith.constant 56 : i32
    %add3A_1928 = vector.broadcast %add3A_1927 : i32 to vector<16xi32>
    %add3A_1929 = arith.addi %or3A_1857, %add3A_1928 : vector<16xi32>
    tpu.vector_store_idx %arg6[%add3A_1926], %add3A_1929 : memref<4096xi32, #tpu.memory_space<vmem>>[vector<16xi32>], vector<16xi32>,
    %get3A_1930 = arith.constant 368 : index
    %get3A_1931 = tpu.vector_load %arg5[%get3A_1930] {strides = array<i32>} : memref<512xi32, #tpu.memory_space<vmem>>, vector<16xi32>,
    %shift_right_arithmetic3A_1932 = arith.constant 3 : i32
    %shift_right_arithmetic3A_1933 = vector.broadcast %shift_right_arithmetic3A_1932 : i32 to vector<16xi32>
    %shift_right_arithmetic3A_1934 = arith.shrsi %get3A_1931, %shift_right_arithmetic3A_1933 : vector<16xi32>
    %shift_left3A_1935 = arith.constant 6 : i32
    %shift_left3A_1936 = vector.broadcast %shift_left3A_1935 : i32 to vector<16xi32>
    %shift_left3A_1937 = arith.shli %shift_right_arithmetic3A_1934, %shift_left3A_1936 : vector<16xi32>
    %and3A_1938 = arith.constant 7 : i32
    %and3A_1939 = vector.broadcast %and3A_1938 : i32 to vector<16xi32>
    %and3A_1940 = arith.andi %get3A_1931, %and3A_1939 : vector<16xi32>
    %or3A_1941 = arith.ori %shift_left3A_1937, %and3A_1940 : vector<16xi32>
    %mul3A_1942 = arith.constant 8 : i32
    %mul3A_1943 = vector.broadcast %mul3A_1942 : i32 to vector<16xi32>
    %mul3A_1944 = arith.muli %iota3A, %mul3A_1943 : vector<16xi32>
    %add3A_1945 = arith.constant 2944 : i32
    %add3A_1946 = vector.broadcast %add3A_1945 : i32 to vector<16xi32>
    %add3A_1947 = arith.addi %mul3A_1944, %add3A_1946 : vector<16xi32>
    %add3A_1948 = arith.constant 0 : i32
    %add3A_1949 = vector.broadcast %add3A_1948 : i32 to vector<16xi32>
    %add3A_1950 = arith.addi %or3A_1941, %add3A_1949 : vector<16xi32>
    tpu.vector_store_idx %arg6[%add3A_1947], %add3A_1950 : memref<4096xi32, #tpu.memory_space<vmem>>[vector<16xi32>], vector<16xi32>,
    %mul3A_1951 = arith.constant 8 : i32
    %mul3A_1952 = vector.broadcast %mul3A_1951 : i32 to vector<16xi32>
    %mul3A_1953 = arith.muli %iota3A, %mul3A_1952 : vector<16xi32>
    %add3A_1954 = arith.constant 2945 : i32
    %add3A_1955 = vector.broadcast %add3A_1954 : i32 to vector<16xi32>
    %add3A_1956 = arith.addi %mul3A_1953, %add3A_1955 : vector<16xi32>
    %add3A_1957 = arith.constant 8 : i32
    %add3A_1958 = vector.broadcast %add3A_1957 : i32 to vector<16xi32>
    %add3A_1959 = arith.addi %or3A_1941, %add3A_1958 : vector<16xi32>
    tpu.vector_store_idx %arg6[%add3A_1956], %add3A_1959 : memref<4096xi32, #tpu.memory_space<vmem>>[vector<16xi32>], vector<16xi32>,
    %mul3A_1960 = arith.constant 8 : i32
    %mul3A_1961 = vector.broadcast %mul3A_1960 : i32 to vector<16xi32>
    %mul3A_1962 = arith.muli %iota3A, %mul3A_1961 : vector<16xi32>
    %add3A_1963 = arith.constant 2946 : i32
    %add3A_1964 = vector.broadcast %add3A_1963 : i32 to vector<16xi32>
    %add3A_1965 = arith.addi %mul3A_1962, %add3A_1964 : vector<16xi32>
    %add3A_1966 = arith.constant 16 : i32
    %add3A_1967 = vector.broadcast %add3A_1966 : i32 to vector<16xi32>
    %add3A_1968 = arith.addi %or3A_1941, %add3A_1967 : vector<16xi32>
    tpu.vector_store_idx %arg6[%add3A_1965], %add3A_1968 : memref<4096xi32, #tpu.memory_space<vmem>>[vector<16xi32>], vector<16xi32>,
    %mul3A_1969 = arith.constant 8 : i32
    %mul3A_1970 = vector.broadcast %mul3A_1969 : i32 to vector<16xi32>
    %mul3A_1971 = arith.muli %iota3A, %mul3A_1970 : vector<16xi32>
    %add3A_1972 = arith.constant 2947 : i32
    %add3A_1973 = vector.broadcast %add3A_1972 : i32 to vector<16xi32>
    %add3A_1974 = arith.addi %mul3A_1971, %add3A_1973 : vector<16xi32>
    %add3A_1975 = arith.constant 24 : i32
    %add3A_1976 = vector.broadcast %add3A_1975 : i32 to vector<16xi32>
    %add3A_1977 = arith.addi %or3A_1941, %add3A_1976 : vector<16xi32>
    tpu.vector_store_idx %arg6[%add3A_1974], %add3A_1977 : memref<4096xi32, #tpu.memory_space<vmem>>[vector<16xi32>], vector<16xi32>,
    %mul3A_1978 = arith.constant 8 : i32
    %mul3A_1979 = vector.broadcast %mul3A_1978 : i32 to vector<16xi32>
    %mul3A_1980 = arith.muli %iota3A, %mul3A_1979 : vector<16xi32>
    %add3A_1981 = arith.constant 2948 : i32
    %add3A_1982 = vector.broadcast %add3A_1981 : i32 to vector<16xi32>
    %add3A_1983 = arith.addi %mul3A_1980, %add3A_1982 : vector<16xi32>
    %add3A_1984 = arith.constant 32 : i32
    %add3A_1985 = vector.broadcast %add3A_1984 : i32 to vector<16xi32>
    %add3A_1986 = arith.addi %or3A_1941, %add3A_1985 : vector<16xi32>
    tpu.vector_store_idx %arg6[%add3A_1983], %add3A_1986 : memref<4096xi32, #tpu.memory_space<vmem>>[vector<16xi32>], vector<16xi32>,
    %mul3A_1987 = arith.constant 8 : i32
    %mul3A_1988 = vector.broadcast %mul3A_1987 : i32 to vector<16xi32>
    %mul3A_1989 = arith.muli %iota3A, %mul3A_1988 : vector<16xi32>
    %add3A_1990 = arith.constant 2949 : i32
    %add3A_1991 = vector.broadcast %add3A_1990 : i32 to vector<16xi32>
    %add3A_1992 = arith.addi %mul3A_1989, %add3A_1991 : vector<16xi32>
    %add3A_1993 = arith.constant 40 : i32
    %add3A_1994 = vector.broadcast %add3A_1993 : i32 to vector<16xi32>
    %add3A_1995 = arith.addi %or3A_1941, %add3A_1994 : vector<16xi32>
    tpu.vector_store_idx %arg6[%add3A_1992], %add3A_1995 : memref<4096xi32, #tpu.memory_space<vmem>>[vector<16xi32>], vector<16xi32>,
    %mul3A_1996 = arith.constant 8 : i32
    %mul3A_1997 = vector.broadcast %mul3A_1996 : i32 to vector<16xi32>
    %mul3A_1998 = arith.muli %iota3A, %mul3A_1997 : vector<16xi32>
    %add3A_1999 = arith.constant 2950 : i32
    %add3A_2000 = vector.broadcast %add3A_1999 : i32 to vector<16xi32>
    %add3A_2001 = arith.addi %mul3A_1998, %add3A_2000 : vector<16xi32>
    %add3A_2002 = arith.constant 48 : i32
    %add3A_2003 = vector.broadcast %add3A_2002 : i32 to vector<16xi32>
    %add3A_2004 = arith.addi %or3A_1941, %add3A_2003 : vector<16xi32>
    tpu.vector_store_idx %arg6[%add3A_2001], %add3A_2004 : memref<4096xi32, #tpu.memory_space<vmem>>[vector<16xi32>], vector<16xi32>,
    %mul3A_2005 = arith.constant 8 : i32
    %mul3A_2006 = vector.broadcast %mul3A_2005 : i32 to vector<16xi32>
    %mul3A_2007 = arith.muli %iota3A, %mul3A_2006 : vector<16xi32>
    %add3A_2008 = arith.constant 2951 : i32
    %add3A_2009 = vector.broadcast %add3A_2008 : i32 to vector<16xi32>
    %add3A_2010 = arith.addi %mul3A_2007, %add3A_2009 : vector<16xi32>
    %add3A_2011 = arith.constant 56 : i32
    %add3A_2012 = vector.broadcast %add3A_2011 : i32 to vector<16xi32>
    %add3A_2013 = arith.addi %or3A_1941, %add3A_2012 : vector<16xi32>
    tpu.vector_store_idx %arg6[%add3A_2010], %add3A_2013 : memref<4096xi32, #tpu.memory_space<vmem>>[vector<16xi32>], vector<16xi32>,
    %get3A_2014 = arith.constant 384 : index
    %get3A_2015 = tpu.vector_load %arg5[%get3A_2014] {strides = array<i32>} : memref<512xi32, #tpu.memory_space<vmem>>, vector<16xi32>,
    %shift_right_arithmetic3A_2016 = arith.constant 3 : i32
    %shift_right_arithmetic3A_2017 = vector.broadcast %shift_right_arithmetic3A_2016 : i32 to vector<16xi32>
    %shift_right_arithmetic3A_2018 = arith.shrsi %get3A_2015, %shift_right_arithmetic3A_2017 : vector<16xi32>
    %shift_left3A_2019 = arith.constant 6 : i32
    %shift_left3A_2020 = vector.broadcast %shift_left3A_2019 : i32 to vector<16xi32>
    %shift_left3A_2021 = arith.shli %shift_right_arithmetic3A_2018, %shift_left3A_2020 : vector<16xi32>
    %and3A_2022 = arith.constant 7 : i32
    %and3A_2023 = vector.broadcast %and3A_2022 : i32 to vector<16xi32>
    %and3A_2024 = arith.andi %get3A_2015, %and3A_2023 : vector<16xi32>
    %or3A_2025 = arith.ori %shift_left3A_2021, %and3A_2024 : vector<16xi32>
    %mul3A_2026 = arith.constant 8 : i32
    %mul3A_2027 = vector.broadcast %mul3A_2026 : i32 to vector<16xi32>
    %mul3A_2028 = arith.muli %iota3A, %mul3A_2027 : vector<16xi32>
    %add3A_2029 = arith.constant 3072 : i32
    %add3A_2030 = vector.broadcast %add3A_2029 : i32 to vector<16xi32>
    %add3A_2031 = arith.addi %mul3A_2028, %add3A_2030 : vector<16xi32>
    %add3A_2032 = arith.constant 0 : i32
    %add3A_2033 = vector.broadcast %add3A_2032 : i32 to vector<16xi32>
    %add3A_2034 = arith.addi %or3A_2025, %add3A_2033 : vector<16xi32>
    tpu.vector_store_idx %arg6[%add3A_2031], %add3A_2034 : memref<4096xi32, #tpu.memory_space<vmem>>[vector<16xi32>], vector<16xi32>,
    %mul3A_2035 = arith.constant 8 : i32
    %mul3A_2036 = vector.broadcast %mul3A_2035 : i32 to vector<16xi32>
    %mul3A_2037 = arith.muli %iota3A, %mul3A_2036 : vector<16xi32>
    %add3A_2038 = arith.constant 3073 : i32
    %add3A_2039 = vector.broadcast %add3A_2038 : i32 to vector<16xi32>
    %add3A_2040 = arith.addi %mul3A_2037, %add3A_2039 : vector<16xi32>
    %add3A_2041 = arith.constant 8 : i32
    %add3A_2042 = vector.broadcast %add3A_2041 : i32 to vector<16xi32>
    %add3A_2043 = arith.addi %or3A_2025, %add3A_2042 : vector<16xi32>
    tpu.vector_store_idx %arg6[%add3A_2040], %add3A_2043 : memref<4096xi32, #tpu.memory_space<vmem>>[vector<16xi32>], vector<16xi32>,
    %mul3A_2044 = arith.constant 8 : i32
    %mul3A_2045 = vector.broadcast %mul3A_2044 : i32 to vector<16xi32>
    %mul3A_2046 = arith.muli %iota3A, %mul3A_2045 : vector<16xi32>
    %add3A_2047 = arith.constant 3074 : i32
    %add3A_2048 = vector.broadcast %add3A_2047 : i32 to vector<16xi32>
    %add3A_2049 = arith.addi %mul3A_2046, %add3A_2048 : vector<16xi32>
    %add3A_2050 = arith.constant 16 : i32
    %add3A_2051 = vector.broadcast %add3A_2050 : i32 to vector<16xi32>
    %add3A_2052 = arith.addi %or3A_2025, %add3A_2051 : vector<16xi32>
    tpu.vector_store_idx %arg6[%add3A_2049], %add3A_2052 : memref<4096xi32, #tpu.memory_space<vmem>>[vector<16xi32>], vector<16xi32>,
    %mul3A_2053 = arith.constant 8 : i32
    %mul3A_2054 = vector.broadcast %mul3A_2053 : i32 to vector<16xi32>
    %mul3A_2055 = arith.muli %iota3A, %mul3A_2054 : vector<16xi32>
    %add3A_2056 = arith.constant 3075 : i32
    %add3A_2057 = vector.broadcast %add3A_2056 : i32 to vector<16xi32>
    %add3A_2058 = arith.addi %mul3A_2055, %add3A_2057 : vector<16xi32>
    %add3A_2059 = arith.constant 24 : i32
    %add3A_2060 = vector.broadcast %add3A_2059 : i32 to vector<16xi32>
    %add3A_2061 = arith.addi %or3A_2025, %add3A_2060 : vector<16xi32>
    tpu.vector_store_idx %arg6[%add3A_2058], %add3A_2061 : memref<4096xi32, #tpu.memory_space<vmem>>[vector<16xi32>], vector<16xi32>,
    %mul3A_2062 = arith.constant 8 : i32
    %mul3A_2063 = vector.broadcast %mul3A_2062 : i32 to vector<16xi32>
    %mul3A_2064 = arith.muli %iota3A, %mul3A_2063 : vector<16xi32>
    %add3A_2065 = arith.constant 3076 : i32
    %add3A_2066 = vector.broadcast %add3A_2065 : i32 to vector<16xi32>
    %add3A_2067 = arith.addi %mul3A_2064, %add3A_2066 : vector<16xi32>
    %add3A_2068 = arith.constant 32 : i32
    %add3A_2069 = vector.broadcast %add3A_2068 : i32 to vector<16xi32>
    %add3A_2070 = arith.addi %or3A_2025, %add3A_2069 : vector<16xi32>
    tpu.vector_store_idx %arg6[%add3A_2067], %add3A_2070 : memref<4096xi32, #tpu.memory_space<vmem>>[vector<16xi32>], vector<16xi32>,
    %mul3A_2071 = arith.constant 8 : i32
    %mul3A_2072 = vector.broadcast %mul3A_2071 : i32 to vector<16xi32>
    %mul3A_2073 = arith.muli %iota3A, %mul3A_2072 : vector<16xi32>
    %add3A_2074 = arith.constant 3077 : i32
    %add3A_2075 = vector.broadcast %add3A_2074 : i32 to vector<16xi32>
    %add3A_2076 = arith.addi %mul3A_2073, %add3A_2075 : vector<16xi32>
    %add3A_2077 = arith.constant 40 : i32
    %add3A_2078 = vector.broadcast %add3A_2077 : i32 to vector<16xi32>
    %add3A_2079 = arith.addi %or3A_2025, %add3A_2078 : vector<16xi32>
    tpu.vector_store_idx %arg6[%add3A_2076], %add3A_2079 : memref<4096xi32, #tpu.memory_space<vmem>>[vector<16xi32>], vector<16xi32>,
    %mul3A_2080 = arith.constant 8 : i32
    %mul3A_2081 = vector.broadcast %mul3A_2080 : i32 to vector<16xi32>
    %mul3A_2082 = arith.muli %iota3A, %mul3A_2081 : vector<16xi32>
    %add3A_2083 = arith.constant 3078 : i32
    %add3A_2084 = vector.broadcast %add3A_2083 : i32 to vector<16xi32>
    %add3A_2085 = arith.addi %mul3A_2082, %add3A_2084 : vector<16xi32>
    %add3A_2086 = arith.constant 48 : i32
    %add3A_2087 = vector.broadcast %add3A_2086 : i32 to vector<16xi32>
    %add3A_2088 = arith.addi %or3A_2025, %add3A_2087 : vector<16xi32>
    tpu.vector_store_idx %arg6[%add3A_2085], %add3A_2088 : memref<4096xi32, #tpu.memory_space<vmem>>[vector<16xi32>], vector<16xi32>,
    %mul3A_2089 = arith.constant 8 : i32
    %mul3A_2090 = vector.broadcast %mul3A_2089 : i32 to vector<16xi32>
    %mul3A_2091 = arith.muli %iota3A, %mul3A_2090 : vector<16xi32>
    %add3A_2092 = arith.constant 3079 : i32
    %add3A_2093 = vector.broadcast %add3A_2092 : i32 to vector<16xi32>
    %add3A_2094 = arith.addi %mul3A_2091, %add3A_2093 : vector<16xi32>
    %add3A_2095 = arith.constant 56 : i32
    %add3A_2096 = vector.broadcast %add3A_2095 : i32 to vector<16xi32>
    %add3A_2097 = arith.addi %or3A_2025, %add3A_2096 : vector<16xi32>
    tpu.vector_store_idx %arg6[%add3A_2094], %add3A_2097 : memref<4096xi32, #tpu.memory_space<vmem>>[vector<16xi32>], vector<16xi32>,
    %get3A_2098 = arith.constant 400 : index
    %get3A_2099 = tpu.vector_load %arg5[%get3A_2098] {strides = array<i32>} : memref<512xi32, #tpu.memory_space<vmem>>, vector<16xi32>,
    %shift_right_arithmetic3A_2100 = arith.constant 3 : i32
    %shift_right_arithmetic3A_2101 = vector.broadcast %shift_right_arithmetic3A_2100 : i32 to vector<16xi32>
    %shift_right_arithmetic3A_2102 = arith.shrsi %get3A_2099, %shift_right_arithmetic3A_2101 : vector<16xi32>
    %shift_left3A_2103 = arith.constant 6 : i32
    %shift_left3A_2104 = vector.broadcast %shift_left3A_2103 : i32 to vector<16xi32>
    %shift_left3A_2105 = arith.shli %shift_right_arithmetic3A_2102, %shift_left3A_2104 : vector<16xi32>
    %and3A_2106 = arith.constant 7 : i32
    %and3A_2107 = vector.broadcast %and3A_2106 : i32 to vector<16xi32>
    %and3A_2108 = arith.andi %get3A_2099, %and3A_2107 : vector<16xi32>
    %or3A_2109 = arith.ori %shift_left3A_2105, %and3A_2108 : vector<16xi32>
    %mul3A_2110 = arith.constant 8 : i32
    %mul3A_2111 = vector.broadcast %mul3A_2110 : i32 to vector<16xi32>
    %mul3A_2112 = arith.muli %iota3A, %mul3A_2111 : vector<16xi32>
    %add3A_2113 = arith.constant 3200 : i32
    %add3A_2114 = vector.broadcast %add3A_2113 : i32 to vector<16xi32>
    %add3A_2115 = arith.addi %mul3A_2112, %add3A_2114 : vector<16xi32>
    %add3A_2116 = arith.constant 0 : i32
    %add3A_2117 = vector.broadcast %add3A_2116 : i32 to vector<16xi32>
    %add3A_2118 = arith.addi %or3A_2109, %add3A_2117 : vector<16xi32>
    tpu.vector_store_idx %arg6[%add3A_2115], %add3A_2118 : memref<4096xi32, #tpu.memory_space<vmem>>[vector<16xi32>], vector<16xi32>,
    %mul3A_2119 = arith.constant 8 : i32
    %mul3A_2120 = vector.broadcast %mul3A_2119 : i32 to vector<16xi32>
    %mul3A_2121 = arith.muli %iota3A, %mul3A_2120 : vector<16xi32>
    %add3A_2122 = arith.constant 3201 : i32
    %add3A_2123 = vector.broadcast %add3A_2122 : i32 to vector<16xi32>
    %add3A_2124 = arith.addi %mul3A_2121, %add3A_2123 : vector<16xi32>
    %add3A_2125 = arith.constant 8 : i32
    %add3A_2126 = vector.broadcast %add3A_2125 : i32 to vector<16xi32>
    %add3A_2127 = arith.addi %or3A_2109, %add3A_2126 : vector<16xi32>
    tpu.vector_store_idx %arg6[%add3A_2124], %add3A_2127 : memref<4096xi32, #tpu.memory_space<vmem>>[vector<16xi32>], vector<16xi32>,
    %mul3A_2128 = arith.constant 8 : i32
    %mul3A_2129 = vector.broadcast %mul3A_2128 : i32 to vector<16xi32>
    %mul3A_2130 = arith.muli %iota3A, %mul3A_2129 : vector<16xi32>
    %add3A_2131 = arith.constant 3202 : i32
    %add3A_2132 = vector.broadcast %add3A_2131 : i32 to vector<16xi32>
    %add3A_2133 = arith.addi %mul3A_2130, %add3A_2132 : vector<16xi32>
    %add3A_2134 = arith.constant 16 : i32
    %add3A_2135 = vector.broadcast %add3A_2134 : i32 to vector<16xi32>
    %add3A_2136 = arith.addi %or3A_2109, %add3A_2135 : vector<16xi32>
    tpu.vector_store_idx %arg6[%add3A_2133], %add3A_2136 : memref<4096xi32, #tpu.memory_space<vmem>>[vector<16xi32>], vector<16xi32>,
    %mul3A_2137 = arith.constant 8 : i32
    %mul3A_2138 = vector.broadcast %mul3A_2137 : i32 to vector<16xi32>
    %mul3A_2139 = arith.muli %iota3A, %mul3A_2138 : vector<16xi32>
    %add3A_2140 = arith.constant 3203 : i32
    %add3A_2141 = vector.broadcast %add3A_2140 : i32 to vector<16xi32>
    %add3A_2142 = arith.addi %mul3A_2139, %add3A_2141 : vector<16xi32>
    %add3A_2143 = arith.constant 24 : i32
    %add3A_2144 = vector.broadcast %add3A_2143 : i32 to vector<16xi32>
    %add3A_2145 = arith.addi %or3A_2109, %add3A_2144 : vector<16xi32>
    tpu.vector_store_idx %arg6[%add3A_2142], %add3A_2145 : memref<4096xi32, #tpu.memory_space<vmem>>[vector<16xi32>], vector<16xi32>,
    %mul3A_2146 = arith.constant 8 : i32
    %mul3A_2147 = vector.broadcast %mul3A_2146 : i32 to vector<16xi32>
    %mul3A_2148 = arith.muli %iota3A, %mul3A_2147 : vector<16xi32>
    %add3A_2149 = arith.constant 3204 : i32
    %add3A_2150 = vector.broadcast %add3A_2149 : i32 to vector<16xi32>
    %add3A_2151 = arith.addi %mul3A_2148, %add3A_2150 : vector<16xi32>
    %add3A_2152 = arith.constant 32 : i32
    %add3A_2153 = vector.broadcast %add3A_2152 : i32 to vector<16xi32>
    %add3A_2154 = arith.addi %or3A_2109, %add3A_2153 : vector<16xi32>
    tpu.vector_store_idx %arg6[%add3A_2151], %add3A_2154 : memref<4096xi32, #tpu.memory_space<vmem>>[vector<16xi32>], vector<16xi32>,
    %mul3A_2155 = arith.constant 8 : i32
    %mul3A_2156 = vector.broadcast %mul3A_2155 : i32 to vector<16xi32>
    %mul3A_2157 = arith.muli %iota3A, %mul3A_2156 : vector<16xi32>
    %add3A_2158 = arith.constant 3205 : i32
    %add3A_2159 = vector.broadcast %add3A_2158 : i32 to vector<16xi32>
    %add3A_2160 = arith.addi %mul3A_2157, %add3A_2159 : vector<16xi32>
    %add3A_2161 = arith.constant 40 : i32
    %add3A_2162 = vector.broadcast %add3A_2161 : i32 to vector<16xi32>
    %add3A_2163 = arith.addi %or3A_2109, %add3A_2162 : vector<16xi32>
    tpu.vector_store_idx %arg6[%add3A_2160], %add3A_2163 : memref<4096xi32, #tpu.memory_space<vmem>>[vector<16xi32>], vector<16xi32>,
    %mul3A_2164 = arith.constant 8 : i32
    %mul3A_2165 = vector.broadcast %mul3A_2164 : i32 to vector<16xi32>
    %mul3A_2166 = arith.muli %iota3A, %mul3A_2165 : vector<16xi32>
    %add3A_2167 = arith.constant 3206 : i32
    %add3A_2168 = vector.broadcast %add3A_2167 : i32 to vector<16xi32>
    %add3A_2169 = arith.addi %mul3A_2166, %add3A_2168 : vector<16xi32>
    %add3A_2170 = arith.constant 48 : i32
    %add3A_2171 = vector.broadcast %add3A_2170 : i32 to vector<16xi32>
    %add3A_2172 = arith.addi %or3A_2109, %add3A_2171 : vector<16xi32>
    tpu.vector_store_idx %arg6[%add3A_2169], %add3A_2172 : memref<4096xi32, #tpu.memory_space<vmem>>[vector<16xi32>], vector<16xi32>,
    %mul3A_2173 = arith.constant 8 : i32
    %mul3A_2174 = vector.broadcast %mul3A_2173 : i32 to vector<16xi32>
    %mul3A_2175 = arith.muli %iota3A, %mul3A_2174 : vector<16xi32>
    %add3A_2176 = arith.constant 3207 : i32
    %add3A_2177 = vector.broadcast %add3A_2176 : i32 to vector<16xi32>
    %add3A_2178 = arith.addi %mul3A_2175, %add3A_2177 : vector<16xi32>
    %add3A_2179 = arith.constant 56 : i32
    %add3A_2180 = vector.broadcast %add3A_2179 : i32 to vector<16xi32>
    %add3A_2181 = arith.addi %or3A_2109, %add3A_2180 : vector<16xi32>
    tpu.vector_store_idx %arg6[%add3A_2178], %add3A_2181 : memref<4096xi32, #tpu.memory_space<vmem>>[vector<16xi32>], vector<16xi32>,
    %get3A_2182 = arith.constant 416 : index
    %get3A_2183 = tpu.vector_load %arg5[%get3A_2182] {strides = array<i32>} : memref<512xi32, #tpu.memory_space<vmem>>, vector<16xi32>,
    %shift_right_arithmetic3A_2184 = arith.constant 3 : i32
    %shift_right_arithmetic3A_2185 = vector.broadcast %shift_right_arithmetic3A_2184 : i32 to vector<16xi32>
    %shift_right_arithmetic3A_2186 = arith.shrsi %get3A_2183, %shift_right_arithmetic3A_2185 : vector<16xi32>
    %shift_left3A_2187 = arith.constant 6 : i32
    %shift_left3A_2188 = vector.broadcast %shift_left3A_2187 : i32 to vector<16xi32>
    %shift_left3A_2189 = arith.shli %shift_right_arithmetic3A_2186, %shift_left3A_2188 : vector<16xi32>
    %and3A_2190 = arith.constant 7 : i32
    %and3A_2191 = vector.broadcast %and3A_2190 : i32 to vector<16xi32>
    %and3A_2192 = arith.andi %get3A_2183, %and3A_2191 : vector<16xi32>
    %or3A_2193 = arith.ori %shift_left3A_2189, %and3A_2192 : vector<16xi32>
    %mul3A_2194 = arith.constant 8 : i32
    %mul3A_2195 = vector.broadcast %mul3A_2194 : i32 to vector<16xi32>
    %mul3A_2196 = arith.muli %iota3A, %mul3A_2195 : vector<16xi32>
    %add3A_2197 = arith.constant 3328 : i32
    %add3A_2198 = vector.broadcast %add3A_2197 : i32 to vector<16xi32>
    %add3A_2199 = arith.addi %mul3A_2196, %add3A_2198 : vector<16xi32>
    %add3A_2200 = arith.constant 0 : i32
    %add3A_2201 = vector.broadcast %add3A_2200 : i32 to vector<16xi32>
    %add3A_2202 = arith.addi %or3A_2193, %add3A_2201 : vector<16xi32>
    tpu.vector_store_idx %arg6[%add3A_2199], %add3A_2202 : memref<4096xi32, #tpu.memory_space<vmem>>[vector<16xi32>], vector<16xi32>,
    %mul3A_2203 = arith.constant 8 : i32
    %mul3A_2204 = vector.broadcast %mul3A_2203 : i32 to vector<16xi32>
    %mul3A_2205 = arith.muli %iota3A, %mul3A_2204 : vector<16xi32>
    %add3A_2206 = arith.constant 3329 : i32
    %add3A_2207 = vector.broadcast %add3A_2206 : i32 to vector<16xi32>
    %add3A_2208 = arith.addi %mul3A_2205, %add3A_2207 : vector<16xi32>
    %add3A_2209 = arith.constant 8 : i32
    %add3A_2210 = vector.broadcast %add3A_2209 : i32 to vector<16xi32>
    %add3A_2211 = arith.addi %or3A_2193, %add3A_2210 : vector<16xi32>
    tpu.vector_store_idx %arg6[%add3A_2208], %add3A_2211 : memref<4096xi32, #tpu.memory_space<vmem>>[vector<16xi32>], vector<16xi32>,
    %mul3A_2212 = arith.constant 8 : i32
    %mul3A_2213 = vector.broadcast %mul3A_2212 : i32 to vector<16xi32>
    %mul3A_2214 = arith.muli %iota3A, %mul3A_2213 : vector<16xi32>
    %add3A_2215 = arith.constant 3330 : i32
    %add3A_2216 = vector.broadcast %add3A_2215 : i32 to vector<16xi32>
    %add3A_2217 = arith.addi %mul3A_2214, %add3A_2216 : vector<16xi32>
    %add3A_2218 = arith.constant 16 : i32
    %add3A_2219 = vector.broadcast %add3A_2218 : i32 to vector<16xi32>
    %add3A_2220 = arith.addi %or3A_2193, %add3A_2219 : vector<16xi32>
    tpu.vector_store_idx %arg6[%add3A_2217], %add3A_2220 : memref<4096xi32, #tpu.memory_space<vmem>>[vector<16xi32>], vector<16xi32>,
    %mul3A_2221 = arith.constant 8 : i32
    %mul3A_2222 = vector.broadcast %mul3A_2221 : i32 to vector<16xi32>
    %mul3A_2223 = arith.muli %iota3A, %mul3A_2222 : vector<16xi32>
    %add3A_2224 = arith.constant 3331 : i32
    %add3A_2225 = vector.broadcast %add3A_2224 : i32 to vector<16xi32>
    %add3A_2226 = arith.addi %mul3A_2223, %add3A_2225 : vector<16xi32>
    %add3A_2227 = arith.constant 24 : i32
    %add3A_2228 = vector.broadcast %add3A_2227 : i32 to vector<16xi32>
    %add3A_2229 = arith.addi %or3A_2193, %add3A_2228 : vector<16xi32>
    tpu.vector_store_idx %arg6[%add3A_2226], %add3A_2229 : memref<4096xi32, #tpu.memory_space<vmem>>[vector<16xi32>], vector<16xi32>,
    %mul3A_2230 = arith.constant 8 : i32
    %mul3A_2231 = vector.broadcast %mul3A_2230 : i32 to vector<16xi32>
    %mul3A_2232 = arith.muli %iota3A, %mul3A_2231 : vector<16xi32>
    %add3A_2233 = arith.constant 3332 : i32
    %add3A_2234 = vector.broadcast %add3A_2233 : i32 to vector<16xi32>
    %add3A_2235 = arith.addi %mul3A_2232, %add3A_2234 : vector<16xi32>
    %add3A_2236 = arith.constant 32 : i32
    %add3A_2237 = vector.broadcast %add3A_2236 : i32 to vector<16xi32>
    %add3A_2238 = arith.addi %or3A_2193, %add3A_2237 : vector<16xi32>
    tpu.vector_store_idx %arg6[%add3A_2235], %add3A_2238 : memref<4096xi32, #tpu.memory_space<vmem>>[vector<16xi32>], vector<16xi32>,
    %mul3A_2239 = arith.constant 8 : i32
    %mul3A_2240 = vector.broadcast %mul3A_2239 : i32 to vector<16xi32>
    %mul3A_2241 = arith.muli %iota3A, %mul3A_2240 : vector<16xi32>
    %add3A_2242 = arith.constant 3333 : i32
    %add3A_2243 = vector.broadcast %add3A_2242 : i32 to vector<16xi32>
    %add3A_2244 = arith.addi %mul3A_2241, %add3A_2243 : vector<16xi32>
    %add3A_2245 = arith.constant 40 : i32
    %add3A_2246 = vector.broadcast %add3A_2245 : i32 to vector<16xi32>
    %add3A_2247 = arith.addi %or3A_2193, %add3A_2246 : vector<16xi32>
    tpu.vector_store_idx %arg6[%add3A_2244], %add3A_2247 : memref<4096xi32, #tpu.memory_space<vmem>>[vector<16xi32>], vector<16xi32>,
    %mul3A_2248 = arith.constant 8 : i32
    %mul3A_2249 = vector.broadcast %mul3A_2248 : i32 to vector<16xi32>
    %mul3A_2250 = arith.muli %iota3A, %mul3A_2249 : vector<16xi32>
    %add3A_2251 = arith.constant 3334 : i32
    %add3A_2252 = vector.broadcast %add3A_2251 : i32 to vector<16xi32>
    %add3A_2253 = arith.addi %mul3A_2250, %add3A_2252 : vector<16xi32>
    %add3A_2254 = arith.constant 48 : i32
    %add3A_2255 = vector.broadcast %add3A_2254 : i32 to vector<16xi32>
    %add3A_2256 = arith.addi %or3A_2193, %add3A_2255 : vector<16xi32>
    tpu.vector_store_idx %arg6[%add3A_2253], %add3A_2256 : memref<4096xi32, #tpu.memory_space<vmem>>[vector<16xi32>], vector<16xi32>,
    %mul3A_2257 = arith.constant 8 : i32
    %mul3A_2258 = vector.broadcast %mul3A_2257 : i32 to vector<16xi32>
    %mul3A_2259 = arith.muli %iota3A, %mul3A_2258 : vector<16xi32>
    %add3A_2260 = arith.constant 3335 : i32
    %add3A_2261 = vector.broadcast %add3A_2260 : i32 to vector<16xi32>
    %add3A_2262 = arith.addi %mul3A_2259, %add3A_2261 : vector<16xi32>
    %add3A_2263 = arith.constant 56 : i32
    %add3A_2264 = vector.broadcast %add3A_2263 : i32 to vector<16xi32>
    %add3A_2265 = arith.addi %or3A_2193, %add3A_2264 : vector<16xi32>
    tpu.vector_store_idx %arg6[%add3A_2262], %add3A_2265 : memref<4096xi32, #tpu.memory_space<vmem>>[vector<16xi32>], vector<16xi32>,
    %get3A_2266 = arith.constant 432 : index
    %get3A_2267 = tpu.vector_load %arg5[%get3A_2266] {strides = array<i32>} : memref<512xi32, #tpu.memory_space<vmem>>, vector<16xi32>,
    %shift_right_arithmetic3A_2268 = arith.constant 3 : i32
    %shift_right_arithmetic3A_2269 = vector.broadcast %shift_right_arithmetic3A_2268 : i32 to vector<16xi32>
    %shift_right_arithmetic3A_2270 = arith.shrsi %get3A_2267, %shift_right_arithmetic3A_2269 : vector<16xi32>
    %shift_left3A_2271 = arith.constant 6 : i32
    %shift_left3A_2272 = vector.broadcast %shift_left3A_2271 : i32 to vector<16xi32>
    %shift_left3A_2273 = arith.shli %shift_right_arithmetic3A_2270, %shift_left3A_2272 : vector<16xi32>
    %and3A_2274 = arith.constant 7 : i32
    %and3A_2275 = vector.broadcast %and3A_2274 : i32 to vector<16xi32>
    %and3A_2276 = arith.andi %get3A_2267, %and3A_2275 : vector<16xi32>
    %or3A_2277 = arith.ori %shift_left3A_2273, %and3A_2276 : vector<16xi32>
    %mul3A_2278 = arith.constant 8 : i32
    %mul3A_2279 = vector.broadcast %mul3A_2278 : i32 to vector<16xi32>
    %mul3A_2280 = arith.muli %iota3A, %mul3A_2279 : vector<16xi32>
    %add3A_2281 = arith.constant 3456 : i32
    %add3A_2282 = vector.broadcast %add3A_2281 : i32 to vector<16xi32>
    %add3A_2283 = arith.addi %mul3A_2280, %add3A_2282 : vector<16xi32>
    %add3A_2284 = arith.constant 0 : i32
    %add3A_2285 = vector.broadcast %add3A_2284 : i32 to vector<16xi32>
    %add3A_2286 = arith.addi %or3A_2277, %add3A_2285 : vector<16xi32>
    tpu.vector_store_idx %arg6[%add3A_2283], %add3A_2286 : memref<4096xi32, #tpu.memory_space<vmem>>[vector<16xi32>], vector<16xi32>,
    %mul3A_2287 = arith.constant 8 : i32
    %mul3A_2288 = vector.broadcast %mul3A_2287 : i32 to vector<16xi32>
    %mul3A_2289 = arith.muli %iota3A, %mul3A_2288 : vector<16xi32>
    %add3A_2290 = arith.constant 3457 : i32
    %add3A_2291 = vector.broadcast %add3A_2290 : i32 to vector<16xi32>
    %add3A_2292 = arith.addi %mul3A_2289, %add3A_2291 : vector<16xi32>
    %add3A_2293 = arith.constant 8 : i32
    %add3A_2294 = vector.broadcast %add3A_2293 : i32 to vector<16xi32>
    %add3A_2295 = arith.addi %or3A_2277, %add3A_2294 : vector<16xi32>
    tpu.vector_store_idx %arg6[%add3A_2292], %add3A_2295 : memref<4096xi32, #tpu.memory_space<vmem>>[vector<16xi32>], vector<16xi32>,
    %mul3A_2296 = arith.constant 8 : i32
    %mul3A_2297 = vector.broadcast %mul3A_2296 : i32 to vector<16xi32>
    %mul3A_2298 = arith.muli %iota3A, %mul3A_2297 : vector<16xi32>
    %add3A_2299 = arith.constant 3458 : i32
    %add3A_2300 = vector.broadcast %add3A_2299 : i32 to vector<16xi32>
    %add3A_2301 = arith.addi %mul3A_2298, %add3A_2300 : vector<16xi32>
    %add3A_2302 = arith.constant 16 : i32
    %add3A_2303 = vector.broadcast %add3A_2302 : i32 to vector<16xi32>
    %add3A_2304 = arith.addi %or3A_2277, %add3A_2303 : vector<16xi32>
    tpu.vector_store_idx %arg6[%add3A_2301], %add3A_2304 : memref<4096xi32, #tpu.memory_space<vmem>>[vector<16xi32>], vector<16xi32>,
    %mul3A_2305 = arith.constant 8 : i32
    %mul3A_2306 = vector.broadcast %mul3A_2305 : i32 to vector<16xi32>
    %mul3A_2307 = arith.muli %iota3A, %mul3A_2306 : vector<16xi32>
    %add3A_2308 = arith.constant 3459 : i32
    %add3A_2309 = vector.broadcast %add3A_2308 : i32 to vector<16xi32>
    %add3A_2310 = arith.addi %mul3A_2307, %add3A_2309 : vector<16xi32>
    %add3A_2311 = arith.constant 24 : i32
    %add3A_2312 = vector.broadcast %add3A_2311 : i32 to vector<16xi32>
    %add3A_2313 = arith.addi %or3A_2277, %add3A_2312 : vector<16xi32>
    tpu.vector_store_idx %arg6[%add3A_2310], %add3A_2313 : memref<4096xi32, #tpu.memory_space<vmem>>[vector<16xi32>], vector<16xi32>,
    %mul3A_2314 = arith.constant 8 : i32
    %mul3A_2315 = vector.broadcast %mul3A_2314 : i32 to vector<16xi32>
    %mul3A_2316 = arith.muli %iota3A, %mul3A_2315 : vector<16xi32>
    %add3A_2317 = arith.constant 3460 : i32
    %add3A_2318 = vector.broadcast %add3A_2317 : i32 to vector<16xi32>
    %add3A_2319 = arith.addi %mul3A_2316, %add3A_2318 : vector<16xi32>
    %add3A_2320 = arith.constant 32 : i32
    %add3A_2321 = vector.broadcast %add3A_2320 : i32 to vector<16xi32>
    %add3A_2322 = arith.addi %or3A_2277, %add3A_2321 : vector<16xi32>
    tpu.vector_store_idx %arg6[%add3A_2319], %add3A_2322 : memref<4096xi32, #tpu.memory_space<vmem>>[vector<16xi32>], vector<16xi32>,
    %mul3A_2323 = arith.constant 8 : i32
    %mul3A_2324 = vector.broadcast %mul3A_2323 : i32 to vector<16xi32>
    %mul3A_2325 = arith.muli %iota3A, %mul3A_2324 : vector<16xi32>
    %add3A_2326 = arith.constant 3461 : i32
    %add3A_2327 = vector.broadcast %add3A_2326 : i32 to vector<16xi32>
    %add3A_2328 = arith.addi %mul3A_2325, %add3A_2327 : vector<16xi32>
    %add3A_2329 = arith.constant 40 : i32
    %add3A_2330 = vector.broadcast %add3A_2329 : i32 to vector<16xi32>
    %add3A_2331 = arith.addi %or3A_2277, %add3A_2330 : vector<16xi32>
    tpu.vector_store_idx %arg6[%add3A_2328], %add3A_2331 : memref<4096xi32, #tpu.memory_space<vmem>>[vector<16xi32>], vector<16xi32>,
    %mul3A_2332 = arith.constant 8 : i32
    %mul3A_2333 = vector.broadcast %mul3A_2332 : i32 to vector<16xi32>
    %mul3A_2334 = arith.muli %iota3A, %mul3A_2333 : vector<16xi32>
    %add3A_2335 = arith.constant 3462 : i32
    %add3A_2336 = vector.broadcast %add3A_2335 : i32 to vector<16xi32>
    %add3A_2337 = arith.addi %mul3A_2334, %add3A_2336 : vector<16xi32>
    %add3A_2338 = arith.constant 48 : i32
    %add3A_2339 = vector.broadcast %add3A_2338 : i32 to vector<16xi32>
    %add3A_2340 = arith.addi %or3A_2277, %add3A_2339 : vector<16xi32>
    tpu.vector_store_idx %arg6[%add3A_2337], %add3A_2340 : memref<4096xi32, #tpu.memory_space<vmem>>[vector<16xi32>], vector<16xi32>,
    %mul3A_2341 = arith.constant 8 : i32
    %mul3A_2342 = vector.broadcast %mul3A_2341 : i32 to vector<16xi32>
    %mul3A_2343 = arith.muli %iota3A, %mul3A_2342 : vector<16xi32>
    %add3A_2344 = arith.constant 3463 : i32
    %add3A_2345 = vector.broadcast %add3A_2344 : i32 to vector<16xi32>
    %add3A_2346 = arith.addi %mul3A_2343, %add3A_2345 : vector<16xi32>
    %add3A_2347 = arith.constant 56 : i32
    %add3A_2348 = vector.broadcast %add3A_2347 : i32 to vector<16xi32>
    %add3A_2349 = arith.addi %or3A_2277, %add3A_2348 : vector<16xi32>
    tpu.vector_store_idx %arg6[%add3A_2346], %add3A_2349 : memref<4096xi32, #tpu.memory_space<vmem>>[vector<16xi32>], vector<16xi32>,
    %get3A_2350 = arith.constant 448 : index
    %get3A_2351 = tpu.vector_load %arg5[%get3A_2350] {strides = array<i32>} : memref<512xi32, #tpu.memory_space<vmem>>, vector<16xi32>,
    %shift_right_arithmetic3A_2352 = arith.constant 3 : i32
    %shift_right_arithmetic3A_2353 = vector.broadcast %shift_right_arithmetic3A_2352 : i32 to vector<16xi32>
    %shift_right_arithmetic3A_2354 = arith.shrsi %get3A_2351, %shift_right_arithmetic3A_2353 : vector<16xi32>
    %shift_left3A_2355 = arith.constant 6 : i32
    %shift_left3A_2356 = vector.broadcast %shift_left3A_2355 : i32 to vector<16xi32>
    %shift_left3A_2357 = arith.shli %shift_right_arithmetic3A_2354, %shift_left3A_2356 : vector<16xi32>
    %and3A_2358 = arith.constant 7 : i32
    %and3A_2359 = vector.broadcast %and3A_2358 : i32 to vector<16xi32>
    %and3A_2360 = arith.andi %get3A_2351, %and3A_2359 : vector<16xi32>
    %or3A_2361 = arith.ori %shift_left3A_2357, %and3A_2360 : vector<16xi32>
    %mul3A_2362 = arith.constant 8 : i32
    %mul3A_2363 = vector.broadcast %mul3A_2362 : i32 to vector<16xi32>
    %mul3A_2364 = arith.muli %iota3A, %mul3A_2363 : vector<16xi32>
    %add3A_2365 = arith.constant 3584 : i32
    %add3A_2366 = vector.broadcast %add3A_2365 : i32 to vector<16xi32>
    %add3A_2367 = arith.addi %mul3A_2364, %add3A_2366 : vector<16xi32>
    %add3A_2368 = arith.constant 0 : i32
    %add3A_2369 = vector.broadcast %add3A_2368 : i32 to vector<16xi32>
    %add3A_2370 = arith.addi %or3A_2361, %add3A_2369 : vector<16xi32>
    tpu.vector_store_idx %arg6[%add3A_2367], %add3A_2370 : memref<4096xi32, #tpu.memory_space<vmem>>[vector<16xi32>], vector<16xi32>,
    %mul3A_2371 = arith.constant 8 : i32
    %mul3A_2372 = vector.broadcast %mul3A_2371 : i32 to vector<16xi32>
    %mul3A_2373 = arith.muli %iota3A, %mul3A_2372 : vector<16xi32>
    %add3A_2374 = arith.constant 3585 : i32
    %add3A_2375 = vector.broadcast %add3A_2374 : i32 to vector<16xi32>
    %add3A_2376 = arith.addi %mul3A_2373, %add3A_2375 : vector<16xi32>
    %add3A_2377 = arith.constant 8 : i32
    %add3A_2378 = vector.broadcast %add3A_2377 : i32 to vector<16xi32>
    %add3A_2379 = arith.addi %or3A_2361, %add3A_2378 : vector<16xi32>
    tpu.vector_store_idx %arg6[%add3A_2376], %add3A_2379 : memref<4096xi32, #tpu.memory_space<vmem>>[vector<16xi32>], vector<16xi32>,
    %mul3A_2380 = arith.constant 8 : i32
    %mul3A_2381 = vector.broadcast %mul3A_2380 : i32 to vector<16xi32>
    %mul3A_2382 = arith.muli %iota3A, %mul3A_2381 : vector<16xi32>
    %add3A_2383 = arith.constant 3586 : i32
    %add3A_2384 = vector.broadcast %add3A_2383 : i32 to vector<16xi32>
    %add3A_2385 = arith.addi %mul3A_2382, %add3A_2384 : vector<16xi32>
    %add3A_2386 = arith.constant 16 : i32
    %add3A_2387 = vector.broadcast %add3A_2386 : i32 to vector<16xi32>
    %add3A_2388 = arith.addi %or3A_2361, %add3A_2387 : vector<16xi32>
    tpu.vector_store_idx %arg6[%add3A_2385], %add3A_2388 : memref<4096xi32, #tpu.memory_space<vmem>>[vector<16xi32>], vector<16xi32>,
    %mul3A_2389 = arith.constant 8 : i32
    %mul3A_2390 = vector.broadcast %mul3A_2389 : i32 to vector<16xi32>
    %mul3A_2391 = arith.muli %iota3A, %mul3A_2390 : vector<16xi32>
    %add3A_2392 = arith.constant 3587 : i32
    %add3A_2393 = vector.broadcast %add3A_2392 : i32 to vector<16xi32>
    %add3A_2394 = arith.addi %mul3A_2391, %add3A_2393 : vector<16xi32>
    %add3A_2395 = arith.constant 24 : i32
    %add3A_2396 = vector.broadcast %add3A_2395 : i32 to vector<16xi32>
    %add3A_2397 = arith.addi %or3A_2361, %add3A_2396 : vector<16xi32>
    tpu.vector_store_idx %arg6[%add3A_2394], %add3A_2397 : memref<4096xi32, #tpu.memory_space<vmem>>[vector<16xi32>], vector<16xi32>,
    %mul3A_2398 = arith.constant 8 : i32
    %mul3A_2399 = vector.broadcast %mul3A_2398 : i32 to vector<16xi32>
    %mul3A_2400 = arith.muli %iota3A, %mul3A_2399 : vector<16xi32>
    %add3A_2401 = arith.constant 3588 : i32
    %add3A_2402 = vector.broadcast %add3A_2401 : i32 to vector<16xi32>
    %add3A_2403 = arith.addi %mul3A_2400, %add3A_2402 : vector<16xi32>
    %add3A_2404 = arith.constant 32 : i32
    %add3A_2405 = vector.broadcast %add3A_2404 : i32 to vector<16xi32>
    %add3A_2406 = arith.addi %or3A_2361, %add3A_2405 : vector<16xi32>
    tpu.vector_store_idx %arg6[%add3A_2403], %add3A_2406 : memref<4096xi32, #tpu.memory_space<vmem>>[vector<16xi32>], vector<16xi32>,
    %mul3A_2407 = arith.constant 8 : i32
    %mul3A_2408 = vector.broadcast %mul3A_2407 : i32 to vector<16xi32>
    %mul3A_2409 = arith.muli %iota3A, %mul3A_2408 : vector<16xi32>
    %add3A_2410 = arith.constant 3589 : i32
    %add3A_2411 = vector.broadcast %add3A_2410 : i32 to vector<16xi32>
    %add3A_2412 = arith.addi %mul3A_2409, %add3A_2411 : vector<16xi32>
    %add3A_2413 = arith.constant 40 : i32
    %add3A_2414 = vector.broadcast %add3A_2413 : i32 to vector<16xi32>
    %add3A_2415 = arith.addi %or3A_2361, %add3A_2414 : vector<16xi32>
    tpu.vector_store_idx %arg6[%add3A_2412], %add3A_2415 : memref<4096xi32, #tpu.memory_space<vmem>>[vector<16xi32>], vector<16xi32>,
    %mul3A_2416 = arith.constant 8 : i32
    %mul3A_2417 = vector.broadcast %mul3A_2416 : i32 to vector<16xi32>
    %mul3A_2418 = arith.muli %iota3A, %mul3A_2417 : vector<16xi32>
    %add3A_2419 = arith.constant 3590 : i32
    %add3A_2420 = vector.broadcast %add3A_2419 : i32 to vector<16xi32>
    %add3A_2421 = arith.addi %mul3A_2418, %add3A_2420 : vector<16xi32>
    %add3A_2422 = arith.constant 48 : i32
    %add3A_2423 = vector.broadcast %add3A_2422 : i32 to vector<16xi32>
    %add3A_2424 = arith.addi %or3A_2361, %add3A_2423 : vector<16xi32>
    tpu.vector_store_idx %arg6[%add3A_2421], %add3A_2424 : memref<4096xi32, #tpu.memory_space<vmem>>[vector<16xi32>], vector<16xi32>,
    %mul3A_2425 = arith.constant 8 : i32
    %mul3A_2426 = vector.broadcast %mul3A_2425 : i32 to vector<16xi32>
    %mul3A_2427 = arith.muli %iota3A, %mul3A_2426 : vector<16xi32>
    %add3A_2428 = arith.constant 3591 : i32
    %add3A_2429 = vector.broadcast %add3A_2428 : i32 to vector<16xi32>
    %add3A_2430 = arith.addi %mul3A_2427, %add3A_2429 : vector<16xi32>
    %add3A_2431 = arith.constant 56 : i32
    %add3A_2432 = vector.broadcast %add3A_2431 : i32 to vector<16xi32>
    %add3A_2433 = arith.addi %or3A_2361, %add3A_2432 : vector<16xi32>
    tpu.vector_store_idx %arg6[%add3A_2430], %add3A_2433 : memref<4096xi32, #tpu.memory_space<vmem>>[vector<16xi32>], vector<16xi32>,
    %get3A_2434 = arith.constant 464 : index
    %get3A_2435 = tpu.vector_load %arg5[%get3A_2434] {strides = array<i32>} : memref<512xi32, #tpu.memory_space<vmem>>, vector<16xi32>,
    %shift_right_arithmetic3A_2436 = arith.constant 3 : i32
    %shift_right_arithmetic3A_2437 = vector.broadcast %shift_right_arithmetic3A_2436 : i32 to vector<16xi32>
    %shift_right_arithmetic3A_2438 = arith.shrsi %get3A_2435, %shift_right_arithmetic3A_2437 : vector<16xi32>
    %shift_left3A_2439 = arith.constant 6 : i32
    %shift_left3A_2440 = vector.broadcast %shift_left3A_2439 : i32 to vector<16xi32>
    %shift_left3A_2441 = arith.shli %shift_right_arithmetic3A_2438, %shift_left3A_2440 : vector<16xi32>
    %and3A_2442 = arith.constant 7 : i32
    %and3A_2443 = vector.broadcast %and3A_2442 : i32 to vector<16xi32>
    %and3A_2444 = arith.andi %get3A_2435, %and3A_2443 : vector<16xi32>
    %or3A_2445 = arith.ori %shift_left3A_2441, %and3A_2444 : vector<16xi32>
    %mul3A_2446 = arith.constant 8 : i32
    %mul3A_2447 = vector.broadcast %mul3A_2446 : i32 to vector<16xi32>
    %mul3A_2448 = arith.muli %iota3A, %mul3A_2447 : vector<16xi32>
    %add3A_2449 = arith.constant 3712 : i32
    %add3A_2450 = vector.broadcast %add3A_2449 : i32 to vector<16xi32>
    %add3A_2451 = arith.addi %mul3A_2448, %add3A_2450 : vector<16xi32>
    %add3A_2452 = arith.constant 0 : i32
    %add3A_2453 = vector.broadcast %add3A_2452 : i32 to vector<16xi32>
    %add3A_2454 = arith.addi %or3A_2445, %add3A_2453 : vector<16xi32>
    tpu.vector_store_idx %arg6[%add3A_2451], %add3A_2454 : memref<4096xi32, #tpu.memory_space<vmem>>[vector<16xi32>], vector<16xi32>,
    %mul3A_2455 = arith.constant 8 : i32
    %mul3A_2456 = vector.broadcast %mul3A_2455 : i32 to vector<16xi32>
    %mul3A_2457 = arith.muli %iota3A, %mul3A_2456 : vector<16xi32>
    %add3A_2458 = arith.constant 3713 : i32
    %add3A_2459 = vector.broadcast %add3A_2458 : i32 to vector<16xi32>
    %add3A_2460 = arith.addi %mul3A_2457, %add3A_2459 : vector<16xi32>
    %add3A_2461 = arith.constant 8 : i32
    %add3A_2462 = vector.broadcast %add3A_2461 : i32 to vector<16xi32>
    %add3A_2463 = arith.addi %or3A_2445, %add3A_2462 : vector<16xi32>
    tpu.vector_store_idx %arg6[%add3A_2460], %add3A_2463 : memref<4096xi32, #tpu.memory_space<vmem>>[vector<16xi32>], vector<16xi32>,
    %mul3A_2464 = arith.constant 8 : i32
    %mul3A_2465 = vector.broadcast %mul3A_2464 : i32 to vector<16xi32>
    %mul3A_2466 = arith.muli %iota3A, %mul3A_2465 : vector<16xi32>
    %add3A_2467 = arith.constant 3714 : i32
    %add3A_2468 = vector.broadcast %add3A_2467 : i32 to vector<16xi32>
    %add3A_2469 = arith.addi %mul3A_2466, %add3A_2468 : vector<16xi32>
    %add3A_2470 = arith.constant 16 : i32
    %add3A_2471 = vector.broadcast %add3A_2470 : i32 to vector<16xi32>
    %add3A_2472 = arith.addi %or3A_2445, %add3A_2471 : vector<16xi32>
    tpu.vector_store_idx %arg6[%add3A_2469], %add3A_2472 : memref<4096xi32, #tpu.memory_space<vmem>>[vector<16xi32>], vector<16xi32>,
    %mul3A_2473 = arith.constant 8 : i32
    %mul3A_2474 = vector.broadcast %mul3A_2473 : i32 to vector<16xi32>
    %mul3A_2475 = arith.muli %iota3A, %mul3A_2474 : vector<16xi32>
    %add3A_2476 = arith.constant 3715 : i32
    %add3A_2477 = vector.broadcast %add3A_2476 : i32 to vector<16xi32>
    %add3A_2478 = arith.addi %mul3A_2475, %add3A_2477 : vector<16xi32>
    %add3A_2479 = arith.constant 24 : i32
    %add3A_2480 = vector.broadcast %add3A_2479 : i32 to vector<16xi32>
    %add3A_2481 = arith.addi %or3A_2445, %add3A_2480 : vector<16xi32>
    tpu.vector_store_idx %arg6[%add3A_2478], %add3A_2481 : memref<4096xi32, #tpu.memory_space<vmem>>[vector<16xi32>], vector<16xi32>,
    %mul3A_2482 = arith.constant 8 : i32
    %mul3A_2483 = vector.broadcast %mul3A_2482 : i32 to vector<16xi32>
    %mul3A_2484 = arith.muli %iota3A, %mul3A_2483 : vector<16xi32>
    %add3A_2485 = arith.constant 3716 : i32
    %add3A_2486 = vector.broadcast %add3A_2485 : i32 to vector<16xi32>
    %add3A_2487 = arith.addi %mul3A_2484, %add3A_2486 : vector<16xi32>
    %add3A_2488 = arith.constant 32 : i32
    %add3A_2489 = vector.broadcast %add3A_2488 : i32 to vector<16xi32>
    %add3A_2490 = arith.addi %or3A_2445, %add3A_2489 : vector<16xi32>
    tpu.vector_store_idx %arg6[%add3A_2487], %add3A_2490 : memref<4096xi32, #tpu.memory_space<vmem>>[vector<16xi32>], vector<16xi32>,
    %mul3A_2491 = arith.constant 8 : i32
    %mul3A_2492 = vector.broadcast %mul3A_2491 : i32 to vector<16xi32>
    %mul3A_2493 = arith.muli %iota3A, %mul3A_2492 : vector<16xi32>
    %add3A_2494 = arith.constant 3717 : i32
    %add3A_2495 = vector.broadcast %add3A_2494 : i32 to vector<16xi32>
    %add3A_2496 = arith.addi %mul3A_2493, %add3A_2495 : vector<16xi32>
    %add3A_2497 = arith.constant 40 : i32
    %add3A_2498 = vector.broadcast %add3A_2497 : i32 to vector<16xi32>
    %add3A_2499 = arith.addi %or3A_2445, %add3A_2498 : vector<16xi32>
    tpu.vector_store_idx %arg6[%add3A_2496], %add3A_2499 : memref<4096xi32, #tpu.memory_space<vmem>>[vector<16xi32>], vector<16xi32>,
    %mul3A_2500 = arith.constant 8 : i32
    %mul3A_2501 = vector.broadcast %mul3A_2500 : i32 to vector<16xi32>
    %mul3A_2502 = arith.muli %iota3A, %mul3A_2501 : vector<16xi32>
    %add3A_2503 = arith.constant 3718 : i32
    %add3A_2504 = vector.broadcast %add3A_2503 : i32 to vector<16xi32>
    %add3A_2505 = arith.addi %mul3A_2502, %add3A_2504 : vector<16xi32>
    %add3A_2506 = arith.constant 48 : i32
    %add3A_2507 = vector.broadcast %add3A_2506 : i32 to vector<16xi32>
    %add3A_2508 = arith.addi %or3A_2445, %add3A_2507 : vector<16xi32>
    tpu.vector_store_idx %arg6[%add3A_2505], %add3A_2508 : memref<4096xi32, #tpu.memory_space<vmem>>[vector<16xi32>], vector<16xi32>,
    %mul3A_2509 = arith.constant 8 : i32
    %mul3A_2510 = vector.broadcast %mul3A_2509 : i32 to vector<16xi32>
    %mul3A_2511 = arith.muli %iota3A, %mul3A_2510 : vector<16xi32>
    %add3A_2512 = arith.constant 3719 : i32
    %add3A_2513 = vector.broadcast %add3A_2512 : i32 to vector<16xi32>
    %add3A_2514 = arith.addi %mul3A_2511, %add3A_2513 : vector<16xi32>
    %add3A_2515 = arith.constant 56 : i32
    %add3A_2516 = vector.broadcast %add3A_2515 : i32 to vector<16xi32>
    %add3A_2517 = arith.addi %or3A_2445, %add3A_2516 : vector<16xi32>
    tpu.vector_store_idx %arg6[%add3A_2514], %add3A_2517 : memref<4096xi32, #tpu.memory_space<vmem>>[vector<16xi32>], vector<16xi32>,
    %get3A_2518 = arith.constant 480 : index
    %get3A_2519 = tpu.vector_load %arg5[%get3A_2518] {strides = array<i32>} : memref<512xi32, #tpu.memory_space<vmem>>, vector<16xi32>,
    %shift_right_arithmetic3A_2520 = arith.constant 3 : i32
    %shift_right_arithmetic3A_2521 = vector.broadcast %shift_right_arithmetic3A_2520 : i32 to vector<16xi32>
    %shift_right_arithmetic3A_2522 = arith.shrsi %get3A_2519, %shift_right_arithmetic3A_2521 : vector<16xi32>
    %shift_left3A_2523 = arith.constant 6 : i32
    %shift_left3A_2524 = vector.broadcast %shift_left3A_2523 : i32 to vector<16xi32>
    %shift_left3A_2525 = arith.shli %shift_right_arithmetic3A_2522, %shift_left3A_2524 : vector<16xi32>
    %and3A_2526 = arith.constant 7 : i32
    %and3A_2527 = vector.broadcast %and3A_2526 : i32 to vector<16xi32>
    %and3A_2528 = arith.andi %get3A_2519, %and3A_2527 : vector<16xi32>
    %or3A_2529 = arith.ori %shift_left3A_2525, %and3A_2528 : vector<16xi32>
    %mul3A_2530 = arith.constant 8 : i32
    %mul3A_2531 = vector.broadcast %mul3A_2530 : i32 to vector<16xi32>
    %mul3A_2532 = arith.muli %iota3A, %mul3A_2531 : vector<16xi32>
    %add3A_2533 = arith.constant 3840 : i32
    %add3A_2534 = vector.broadcast %add3A_2533 : i32 to vector<16xi32>
    %add3A_2535 = arith.addi %mul3A_2532, %add3A_2534 : vector<16xi32>
    %add3A_2536 = arith.constant 0 : i32
    %add3A_2537 = vector.broadcast %add3A_2536 : i32 to vector<16xi32>
    %add3A_2538 = arith.addi %or3A_2529, %add3A_2537 : vector<16xi32>
    tpu.vector_store_idx %arg6[%add3A_2535], %add3A_2538 : memref<4096xi32, #tpu.memory_space<vmem>>[vector<16xi32>], vector<16xi32>,
    %mul3A_2539 = arith.constant 8 : i32
    %mul3A_2540 = vector.broadcast %mul3A_2539 : i32 to vector<16xi32>
    %mul3A_2541 = arith.muli %iota3A, %mul3A_2540 : vector<16xi32>
    %add3A_2542 = arith.constant 3841 : i32
    %add3A_2543 = vector.broadcast %add3A_2542 : i32 to vector<16xi32>
    %add3A_2544 = arith.addi %mul3A_2541, %add3A_2543 : vector<16xi32>
    %add3A_2545 = arith.constant 8 : i32
    %add3A_2546 = vector.broadcast %add3A_2545 : i32 to vector<16xi32>
    %add3A_2547 = arith.addi %or3A_2529, %add3A_2546 : vector<16xi32>
    tpu.vector_store_idx %arg6[%add3A_2544], %add3A_2547 : memref<4096xi32, #tpu.memory_space<vmem>>[vector<16xi32>], vector<16xi32>,
    %mul3A_2548 = arith.constant 8 : i32
    %mul3A_2549 = vector.broadcast %mul3A_2548 : i32 to vector<16xi32>
    %mul3A_2550 = arith.muli %iota3A, %mul3A_2549 : vector<16xi32>
    %add3A_2551 = arith.constant 3842 : i32
    %add3A_2552 = vector.broadcast %add3A_2551 : i32 to vector<16xi32>
    %add3A_2553 = arith.addi %mul3A_2550, %add3A_2552 : vector<16xi32>
    %add3A_2554 = arith.constant 16 : i32
    %add3A_2555 = vector.broadcast %add3A_2554 : i32 to vector<16xi32>
    %add3A_2556 = arith.addi %or3A_2529, %add3A_2555 : vector<16xi32>
    tpu.vector_store_idx %arg6[%add3A_2553], %add3A_2556 : memref<4096xi32, #tpu.memory_space<vmem>>[vector<16xi32>], vector<16xi32>,
    %mul3A_2557 = arith.constant 8 : i32
    %mul3A_2558 = vector.broadcast %mul3A_2557 : i32 to vector<16xi32>
    %mul3A_2559 = arith.muli %iota3A, %mul3A_2558 : vector<16xi32>
    %add3A_2560 = arith.constant 3843 : i32
    %add3A_2561 = vector.broadcast %add3A_2560 : i32 to vector<16xi32>
    %add3A_2562 = arith.addi %mul3A_2559, %add3A_2561 : vector<16xi32>
    %add3A_2563 = arith.constant 24 : i32
    %add3A_2564 = vector.broadcast %add3A_2563 : i32 to vector<16xi32>
    %add3A_2565 = arith.addi %or3A_2529, %add3A_2564 : vector<16xi32>
    tpu.vector_store_idx %arg6[%add3A_2562], %add3A_2565 : memref<4096xi32, #tpu.memory_space<vmem>>[vector<16xi32>], vector<16xi32>,
    %mul3A_2566 = arith.constant 8 : i32
    %mul3A_2567 = vector.broadcast %mul3A_2566 : i32 to vector<16xi32>
    %mul3A_2568 = arith.muli %iota3A, %mul3A_2567 : vector<16xi32>
    %add3A_2569 = arith.constant 3844 : i32
    %add3A_2570 = vector.broadcast %add3A_2569 : i32 to vector<16xi32>
    %add3A_2571 = arith.addi %mul3A_2568, %add3A_2570 : vector<16xi32>
    %add3A_2572 = arith.constant 32 : i32
    %add3A_2573 = vector.broadcast %add3A_2572 : i32 to vector<16xi32>
    %add3A_2574 = arith.addi %or3A_2529, %add3A_2573 : vector<16xi32>
    tpu.vector_store_idx %arg6[%add3A_2571], %add3A_2574 : memref<4096xi32, #tpu.memory_space<vmem>>[vector<16xi32>], vector<16xi32>,
    %mul3A_2575 = arith.constant 8 : i32
    %mul3A_2576 = vector.broadcast %mul3A_2575 : i32 to vector<16xi32>
    %mul3A_2577 = arith.muli %iota3A, %mul3A_2576 : vector<16xi32>
    %add3A_2578 = arith.constant 3845 : i32
    %add3A_2579 = vector.broadcast %add3A_2578 : i32 to vector<16xi32>
    %add3A_2580 = arith.addi %mul3A_2577, %add3A_2579 : vector<16xi32>
    %add3A_2581 = arith.constant 40 : i32
    %add3A_2582 = vector.broadcast %add3A_2581 : i32 to vector<16xi32>
    %add3A_2583 = arith.addi %or3A_2529, %add3A_2582 : vector<16xi32>
    tpu.vector_store_idx %arg6[%add3A_2580], %add3A_2583 : memref<4096xi32, #tpu.memory_space<vmem>>[vector<16xi32>], vector<16xi32>,
    %mul3A_2584 = arith.constant 8 : i32
    %mul3A_2585 = vector.broadcast %mul3A_2584 : i32 to vector<16xi32>
    %mul3A_2586 = arith.muli %iota3A, %mul3A_2585 : vector<16xi32>
    %add3A_2587 = arith.constant 3846 : i32
    %add3A_2588 = vector.broadcast %add3A_2587 : i32 to vector<16xi32>
    %add3A_2589 = arith.addi %mul3A_2586, %add3A_2588 : vector<16xi32>
    %add3A_2590 = arith.constant 48 : i32
    %add3A_2591 = vector.broadcast %add3A_2590 : i32 to vector<16xi32>
    %add3A_2592 = arith.addi %or3A_2529, %add3A_2591 : vector<16xi32>
    tpu.vector_store_idx %arg6[%add3A_2589], %add3A_2592 : memref<4096xi32, #tpu.memory_space<vmem>>[vector<16xi32>], vector<16xi32>,
    %mul3A_2593 = arith.constant 8 : i32
    %mul3A_2594 = vector.broadcast %mul3A_2593 : i32 to vector<16xi32>
    %mul3A_2595 = arith.muli %iota3A, %mul3A_2594 : vector<16xi32>
    %add3A_2596 = arith.constant 3847 : i32
    %add3A_2597 = vector.broadcast %add3A_2596 : i32 to vector<16xi32>
    %add3A_2598 = arith.addi %mul3A_2595, %add3A_2597 : vector<16xi32>
    %add3A_2599 = arith.constant 56 : i32
    %add3A_2600 = vector.broadcast %add3A_2599 : i32 to vector<16xi32>
    %add3A_2601 = arith.addi %or3A_2529, %add3A_2600 : vector<16xi32>
    tpu.vector_store_idx %arg6[%add3A_2598], %add3A_2601 : memref<4096xi32, #tpu.memory_space<vmem>>[vector<16xi32>], vector<16xi32>,
    %get3A_2602 = arith.constant 496 : index
    %get3A_2603 = tpu.vector_load %arg5[%get3A_2602] {strides = array<i32>} : memref<512xi32, #tpu.memory_space<vmem>>, vector<16xi32>,
    %shift_right_arithmetic3A_2604 = arith.constant 3 : i32
    %shift_right_arithmetic3A_2605 = vector.broadcast %shift_right_arithmetic3A_2604 : i32 to vector<16xi32>
    %shift_right_arithmetic3A_2606 = arith.shrsi %get3A_2603, %shift_right_arithmetic3A_2605 : vector<16xi32>
    %shift_left3A_2607 = arith.constant 6 : i32
    %shift_left3A_2608 = vector.broadcast %shift_left3A_2607 : i32 to vector<16xi32>
    %shift_left3A_2609 = arith.shli %shift_right_arithmetic3A_2606, %shift_left3A_2608 : vector<16xi32>
    %and3A_2610 = arith.constant 7 : i32
    %and3A_2611 = vector.broadcast %and3A_2610 : i32 to vector<16xi32>
    %and3A_2612 = arith.andi %get3A_2603, %and3A_2611 : vector<16xi32>
    %or3A_2613 = arith.ori %shift_left3A_2609, %and3A_2612 : vector<16xi32>
    %mul3A_2614 = arith.constant 8 : i32
    %mul3A_2615 = vector.broadcast %mul3A_2614 : i32 to vector<16xi32>
    %mul3A_2616 = arith.muli %iota3A, %mul3A_2615 : vector<16xi32>
    %add3A_2617 = arith.constant 3968 : i32
    %add3A_2618 = vector.broadcast %add3A_2617 : i32 to vector<16xi32>
    %add3A_2619 = arith.addi %mul3A_2616, %add3A_2618 : vector<16xi32>
    %add3A_2620 = arith.constant 0 : i32
    %add3A_2621 = vector.broadcast %add3A_2620 : i32 to vector<16xi32>
    %add3A_2622 = arith.addi %or3A_2613, %add3A_2621 : vector<16xi32>
    tpu.vector_store_idx %arg6[%add3A_2619], %add3A_2622 : memref<4096xi32, #tpu.memory_space<vmem>>[vector<16xi32>], vector<16xi32>,
    %mul3A_2623 = arith.constant 8 : i32
    %mul3A_2624 = vector.broadcast %mul3A_2623 : i32 to vector<16xi32>
    %mul3A_2625 = arith.muli %iota3A, %mul3A_2624 : vector<16xi32>
    %add3A_2626 = arith.constant 3969 : i32
    %add3A_2627 = vector.broadcast %add3A_2626 : i32 to vector<16xi32>
    %add3A_2628 = arith.addi %mul3A_2625, %add3A_2627 : vector<16xi32>
    %add3A_2629 = arith.constant 8 : i32
    %add3A_2630 = vector.broadcast %add3A_2629 : i32 to vector<16xi32>
    %add3A_2631 = arith.addi %or3A_2613, %add3A_2630 : vector<16xi32>
    tpu.vector_store_idx %arg6[%add3A_2628], %add3A_2631 : memref<4096xi32, #tpu.memory_space<vmem>>[vector<16xi32>], vector<16xi32>,
    %mul3A_2632 = arith.constant 8 : i32
    %mul3A_2633 = vector.broadcast %mul3A_2632 : i32 to vector<16xi32>
    %mul3A_2634 = arith.muli %iota3A, %mul3A_2633 : vector<16xi32>
    %add3A_2635 = arith.constant 3970 : i32
    %add3A_2636 = vector.broadcast %add3A_2635 : i32 to vector<16xi32>
    %add3A_2637 = arith.addi %mul3A_2634, %add3A_2636 : vector<16xi32>
    %add3A_2638 = arith.constant 16 : i32
    %add3A_2639 = vector.broadcast %add3A_2638 : i32 to vector<16xi32>
    %add3A_2640 = arith.addi %or3A_2613, %add3A_2639 : vector<16xi32>
    tpu.vector_store_idx %arg6[%add3A_2637], %add3A_2640 : memref<4096xi32, #tpu.memory_space<vmem>>[vector<16xi32>], vector<16xi32>,
    %mul3A_2641 = arith.constant 8 : i32
    %mul3A_2642 = vector.broadcast %mul3A_2641 : i32 to vector<16xi32>
    %mul3A_2643 = arith.muli %iota3A, %mul3A_2642 : vector<16xi32>
    %add3A_2644 = arith.constant 3971 : i32
    %add3A_2645 = vector.broadcast %add3A_2644 : i32 to vector<16xi32>
    %add3A_2646 = arith.addi %mul3A_2643, %add3A_2645 : vector<16xi32>
    %add3A_2647 = arith.constant 24 : i32
    %add3A_2648 = vector.broadcast %add3A_2647 : i32 to vector<16xi32>
    %add3A_2649 = arith.addi %or3A_2613, %add3A_2648 : vector<16xi32>
    tpu.vector_store_idx %arg6[%add3A_2646], %add3A_2649 : memref<4096xi32, #tpu.memory_space<vmem>>[vector<16xi32>], vector<16xi32>,
    %mul3A_2650 = arith.constant 8 : i32
    %mul3A_2651 = vector.broadcast %mul3A_2650 : i32 to vector<16xi32>
    %mul3A_2652 = arith.muli %iota3A, %mul3A_2651 : vector<16xi32>
    %add3A_2653 = arith.constant 3972 : i32
    %add3A_2654 = vector.broadcast %add3A_2653 : i32 to vector<16xi32>
    %add3A_2655 = arith.addi %mul3A_2652, %add3A_2654 : vector<16xi32>
    %add3A_2656 = arith.constant 32 : i32
    %add3A_2657 = vector.broadcast %add3A_2656 : i32 to vector<16xi32>
    %add3A_2658 = arith.addi %or3A_2613, %add3A_2657 : vector<16xi32>
    tpu.vector_store_idx %arg6[%add3A_2655], %add3A_2658 : memref<4096xi32, #tpu.memory_space<vmem>>[vector<16xi32>], vector<16xi32>,
    %mul3A_2659 = arith.constant 8 : i32
    %mul3A_2660 = vector.broadcast %mul3A_2659 : i32 to vector<16xi32>
    %mul3A_2661 = arith.muli %iota3A, %mul3A_2660 : vector<16xi32>
    %add3A_2662 = arith.constant 3973 : i32
    %add3A_2663 = vector.broadcast %add3A_2662 : i32 to vector<16xi32>
    %add3A_2664 = arith.addi %mul3A_2661, %add3A_2663 : vector<16xi32>
    %add3A_2665 = arith.constant 40 : i32
    %add3A_2666 = vector.broadcast %add3A_2665 : i32 to vector<16xi32>
    %add3A_2667 = arith.addi %or3A_2613, %add3A_2666 : vector<16xi32>
    tpu.vector_store_idx %arg6[%add3A_2664], %add3A_2667 : memref<4096xi32, #tpu.memory_space<vmem>>[vector<16xi32>], vector<16xi32>,
    %mul3A_2668 = arith.constant 8 : i32
    %mul3A_2669 = vector.broadcast %mul3A_2668 : i32 to vector<16xi32>
    %mul3A_2670 = arith.muli %iota3A, %mul3A_2669 : vector<16xi32>
    %add3A_2671 = arith.constant 3974 : i32
    %add3A_2672 = vector.broadcast %add3A_2671 : i32 to vector<16xi32>
    %add3A_2673 = arith.addi %mul3A_2670, %add3A_2672 : vector<16xi32>
    %add3A_2674 = arith.constant 48 : i32
    %add3A_2675 = vector.broadcast %add3A_2674 : i32 to vector<16xi32>
    %add3A_2676 = arith.addi %or3A_2613, %add3A_2675 : vector<16xi32>
    tpu.vector_store_idx %arg6[%add3A_2673], %add3A_2676 : memref<4096xi32, #tpu.memory_space<vmem>>[vector<16xi32>], vector<16xi32>,
    %mul3A_2677 = arith.constant 8 : i32
    %mul3A_2678 = vector.broadcast %mul3A_2677 : i32 to vector<16xi32>
    %mul3A_2679 = arith.muli %iota3A, %mul3A_2678 : vector<16xi32>
    %add3A_2680 = arith.constant 3975 : i32
    %add3A_2681 = vector.broadcast %add3A_2680 : i32 to vector<16xi32>
    %add3A_2682 = arith.addi %mul3A_2679, %add3A_2681 : vector<16xi32>
    %add3A_2683 = arith.constant 56 : i32
    %add3A_2684 = vector.broadcast %add3A_2683 : i32 to vector<16xi32>
    %add3A_2685 = arith.addi %or3A_2613, %add3A_2684 : vector<16xi32>
    tpu.vector_store_idx %arg6[%add3A_2682], %add3A_2685 : memref<4096xi32, #tpu.memory_space<vmem>>[vector<16xi32>], vector<16xi32>,
    %dma_start3A = arith.constant 0 : i32
    %dma_start3A_2686 = tpu.memref_slice %arg6[%dma_start3A] : memref<4096xi32, #tpu.memory_space<vmem>> -> memref<128xi32, #tpu.memory_space<vmem>>
    %dma_start3A_2687 = arith.constant 0 : i32
    %dma_start3A_2688 = arith.constant 0 : i32
    %dma_start3A_2689 = tpu.memref_slice %arg3[%dma_start3A_2687, %dma_start3A_2688] : memref<245760x128xf32, #tpu.memory_space<hbm>> -> memref<245760x128xf32, #tpu.memory_space<hbm>>
    tpu.enqueue_indirect_dma source(%dma_start3A_2689 : memref<245760x128xf32, #tpu.memory_space<hbm>>) target(%arg7 : memref<128x128xf32, #tpu.memory_space<vmem>>) offsets(%dma_start3A_2686 : memref<128xi32, #tpu.memory_space<vmem>>) semaphore(%arg13 : memref<!tpu.dma_semaphore, #tpu.memory_space<semaphore_mem>>)
    %dma_start3A_2690 = arith.constant 128 : i32
    %dma_start3A_2691 = tpu.memref_slice %arg6[%dma_start3A_2690] : memref<4096xi32, #tpu.memory_space<vmem>> -> memref<128xi32, #tpu.memory_space<vmem>>
    %dma_start3A_2692 = arith.constant 0 : i32
    %dma_start3A_2693 = arith.constant 0 : i32
    %dma_start3A_2694 = tpu.memref_slice %arg3[%dma_start3A_2692, %dma_start3A_2693] : memref<245760x128xf32, #tpu.memory_space<hbm>> -> memref<245760x128xf32, #tpu.memory_space<hbm>>
    tpu.enqueue_indirect_dma source(%dma_start3A_2694 : memref<245760x128xf32, #tpu.memory_space<hbm>>) target(%arg8 : memref<128x128xf32, #tpu.memory_space<vmem>>) offsets(%dma_start3A_2691 : memref<128xi32, #tpu.memory_space<vmem>>) semaphore(%arg14 : memref<!tpu.dma_semaphore, #tpu.memory_space<semaphore_mem>>)
    %dma_start3A_2695 = arith.constant 256 : i32
    %dma_start3A_2696 = tpu.memref_slice %arg6[%dma_start3A_2695] : memref<4096xi32, #tpu.memory_space<vmem>> -> memref<128xi32, #tpu.memory_space<vmem>>
    %dma_start3A_2697 = arith.constant 0 : i32
    %dma_start3A_2698 = arith.constant 0 : i32
    %dma_start3A_2699 = tpu.memref_slice %arg3[%dma_start3A_2697, %dma_start3A_2698] : memref<245760x128xf32, #tpu.memory_space<hbm>> -> memref<245760x128xf32, #tpu.memory_space<hbm>>
    tpu.enqueue_indirect_dma source(%dma_start3A_2699 : memref<245760x128xf32, #tpu.memory_space<hbm>>) target(%arg9 : memref<128x128xf32, #tpu.memory_space<vmem>>) offsets(%dma_start3A_2696 : memref<128xi32, #tpu.memory_space<vmem>>) semaphore(%arg15 : memref<!tpu.dma_semaphore, #tpu.memory_space<semaphore_mem>>)
    %dma_start3A_2700 = arith.constant 384 : i32
    %dma_start3A_2701 = tpu.memref_slice %arg6[%dma_start3A_2700] : memref<4096xi32, #tpu.memory_space<vmem>> -> memref<128xi32, #tpu.memory_space<vmem>>
    %dma_start3A_2702 = arith.constant 0 : i32
    %dma_start3A_2703 = arith.constant 0 : i32
    %dma_start3A_2704 = tpu.memref_slice %arg3[%dma_start3A_2702, %dma_start3A_2703] : memref<245760x128xf32, #tpu.memory_space<hbm>> -> memref<245760x128xf32, #tpu.memory_space<hbm>>
    tpu.enqueue_indirect_dma source(%dma_start3A_2704 : memref<245760x128xf32, #tpu.memory_space<hbm>>) target(%arg10 : memref<128x128xf32, #tpu.memory_space<vmem>>) offsets(%dma_start3A_2701 : memref<128xi32, #tpu.memory_space<vmem>>) semaphore(%arg16 : memref<!tpu.dma_semaphore, #tpu.memory_space<semaphore_mem>>)
    %dma_start3A_2705 = arith.constant 512 : i32
    %dma_start3A_2706 = tpu.memref_slice %arg6[%dma_start3A_2705] : memref<4096xi32, #tpu.memory_space<vmem>> -> memref<128xi32, #tpu.memory_space<vmem>>
    %dma_start3A_2707 = arith.constant 0 : i32
    %dma_start3A_2708 = arith.constant 0 : i32
    %dma_start3A_2709 = tpu.memref_slice %arg3[%dma_start3A_2707, %dma_start3A_2708] : memref<245760x128xf32, #tpu.memory_space<hbm>> -> memref<245760x128xf32, #tpu.memory_space<hbm>>
    tpu.enqueue_indirect_dma source(%dma_start3A_2709 : memref<245760x128xf32, #tpu.memory_space<hbm>>) target(%arg11 : memref<128x128xf32, #tpu.memory_space<vmem>>) offsets(%dma_start3A_2706 : memref<128xi32, #tpu.memory_space<vmem>>) semaphore(%arg17 : memref<!tpu.dma_semaphore, #tpu.memory_space<semaphore_mem>>)
    %dma_start3A_2710 = arith.constant 640 : i32
    %dma_start3A_2711 = tpu.memref_slice %arg6[%dma_start3A_2710] : memref<4096xi32, #tpu.memory_space<vmem>> -> memref<128xi32, #tpu.memory_space<vmem>>
    %dma_start3A_2712 = arith.constant 0 : i32
    %dma_start3A_2713 = arith.constant 0 : i32
    %dma_start3A_2714 = tpu.memref_slice %arg3[%dma_start3A_2712, %dma_start3A_2713] : memref<245760x128xf32, #tpu.memory_space<hbm>> -> memref<245760x128xf32, #tpu.memory_space<hbm>>
    tpu.enqueue_indirect_dma source(%dma_start3A_2714 : memref<245760x128xf32, #tpu.memory_space<hbm>>) target(%arg12 : memref<128x128xf32, #tpu.memory_space<vmem>>) offsets(%dma_start3A_2711 : memref<128xi32, #tpu.memory_space<vmem>>) semaphore(%arg18 : memref<!tpu.dma_semaphore, #tpu.memory_space<semaphore_mem>>)
    %dma_wait3A = arith.constant 0 : i32
    %dma_wait3A_2715 = tpu.memref_slice %arg6[%dma_wait3A] : memref<4096xi32, #tpu.memory_space<vmem>> -> memref<128xi32, #tpu.memory_space<vmem>>
    %dma_wait3A_2716 = arith.constant 0 : i32
    %dma_wait3A_2717 = arith.constant 0 : i32
    %dma_wait3A_2718 = tpu.memref_slice %arg3[%dma_wait3A_2716, %dma_wait3A_2717] : memref<245760x128xf32, #tpu.memory_space<hbm>> -> memref<245760x128xf32, #tpu.memory_space<hbm>>
    tpu.wait_indirect_dma semaphore(%arg13 : memref<!tpu.dma_semaphore, #tpu.memory_space<semaphore_mem>>) src(%dma_wait3A_2718 : memref<245760x128xf32, #tpu.memory_space<hbm>>) dst(%arg7 : memref<128x128xf32, #tpu.memory_space<vmem>>)
    %add3A_2719 = arith.constant 0 : i32
    %add3A_2720 = arith.addi %mul3A_2, %add3A_2719 : i32
    %mul3A_2721 = arith.constant 8 : i32
    %mul3A_2722 = arith.muli %add3A_2720, %mul3A_2721 : i32
    %dma_start3A_2723 = arith.constant 0 : i32
    %dma_start3A_2724 = tpu.memref_slice %arg4[%mul3A_2722, %dma_start3A_2723] : memref<131072x128xf32, #tpu.memory_space<hbm>> -> memref<128x128xf32, #tpu.memory_space<hbm>>
    %dma_start3A_2725 = arith.constant 0 : i32
    %dma_start3A_2726 = tpu.memref_slice %arg4[%mul3A_2722, %dma_start3A_2725] : memref<131072x128xf32, #tpu.memory_space<hbm>> -> memref<128x128xf32, #tpu.memory_space<hbm>>
    tpu.enqueue_dma source(%arg7 : memref<128x128xf32, #tpu.memory_space<vmem>>) target(%dma_start3A_2726 : memref<128x128xf32, #tpu.memory_space<hbm>>) target_semaphore(%arg19 : memref<!tpu.dma_semaphore, #tpu.memory_space<semaphore_mem>>)
    %dma_wait3A_2727 = arith.constant 0 : i32
    %dma_wait3A_2728 = tpu.memref_slice %arg4[%mul3A_2722, %dma_wait3A_2727] : memref<131072x128xf32, #tpu.memory_space<hbm>> -> memref<128x128xf32, #tpu.memory_space<hbm>>
    %dma_wait3A_2729 = arith.constant 0 : i32
    %dma_wait3A_2730 = tpu.memref_slice %arg4[%mul3A_2722, %dma_wait3A_2729] : memref<131072x128xf32, #tpu.memory_space<hbm>> -> memref<128x128xf32, #tpu.memory_space<hbm>>
    tpu.wait_dma2 semaphore(%arg19 : memref<!tpu.dma_semaphore, #tpu.memory_space<semaphore_mem>>) src(%arg7 : memref<128x128xf32, #tpu.memory_space<vmem>>) dst(%dma_wait3A_2730 : memref<128x128xf32, #tpu.memory_space<hbm>>)
    %dma_start3A_2731 = arith.constant 768 : i32
    %dma_start3A_2732 = tpu.memref_slice %arg6[%dma_start3A_2731] : memref<4096xi32, #tpu.memory_space<vmem>> -> memref<128xi32, #tpu.memory_space<vmem>>
    %dma_start3A_2733 = arith.constant 0 : i32
    %dma_start3A_2734 = arith.constant 0 : i32
    %dma_start3A_2735 = tpu.memref_slice %arg3[%dma_start3A_2733, %dma_start3A_2734] : memref<245760x128xf32, #tpu.memory_space<hbm>> -> memref<245760x128xf32, #tpu.memory_space<hbm>>
    tpu.enqueue_indirect_dma source(%dma_start3A_2735 : memref<245760x128xf32, #tpu.memory_space<hbm>>) target(%arg7 : memref<128x128xf32, #tpu.memory_space<vmem>>) offsets(%dma_start3A_2732 : memref<128xi32, #tpu.memory_space<vmem>>) semaphore(%arg13 : memref<!tpu.dma_semaphore, #tpu.memory_space<semaphore_mem>>)
    %dma_wait3A_2736 = arith.constant 128 : i32
    %dma_wait3A_2737 = tpu.memref_slice %arg6[%dma_wait3A_2736] : memref<4096xi32, #tpu.memory_space<vmem>> -> memref<128xi32, #tpu.memory_space<vmem>>
    %dma_wait3A_2738 = arith.constant 0 : i32
    %dma_wait3A_2739 = arith.constant 0 : i32
    %dma_wait3A_2740 = tpu.memref_slice %arg3[%dma_wait3A_2738, %dma_wait3A_2739] : memref<245760x128xf32, #tpu.memory_space<hbm>> -> memref<245760x128xf32, #tpu.memory_space<hbm>>
    tpu.wait_indirect_dma semaphore(%arg14 : memref<!tpu.dma_semaphore, #tpu.memory_space<semaphore_mem>>) src(%dma_wait3A_2740 : memref<245760x128xf32, #tpu.memory_space<hbm>>) dst(%arg8 : memref<128x128xf32, #tpu.memory_space<vmem>>)
    %add3A_2741 = arith.constant 16 : i32
    %add3A_2742 = arith.addi %mul3A_2, %add3A_2741 : i32
    %mul3A_2743 = arith.constant 8 : i32
    %mul3A_2744 = arith.muli %add3A_2742, %mul3A_2743 : i32
    %dma_start3A_2745 = arith.constant 0 : i32
    %dma_start3A_2746 = tpu.memref_slice %arg4[%mul3A_2744, %dma_start3A_2745] : memref<131072x128xf32, #tpu.memory_space<hbm>> -> memref<128x128xf32, #tpu.memory_space<hbm>>
    %dma_start3A_2747 = arith.constant 0 : i32
    %dma_start3A_2748 = tpu.memref_slice %arg4[%mul3A_2744, %dma_start3A_2747] : memref<131072x128xf32, #tpu.memory_space<hbm>> -> memref<128x128xf32, #tpu.memory_space<hbm>>
    tpu.enqueue_dma source(%arg8 : memref<128x128xf32, #tpu.memory_space<vmem>>) target(%dma_start3A_2748 : memref<128x128xf32, #tpu.memory_space<hbm>>) target_semaphore(%arg20 : memref<!tpu.dma_semaphore, #tpu.memory_space<semaphore_mem>>)
    %dma_wait3A_2749 = arith.constant 0 : i32
    %dma_wait3A_2750 = tpu.memref_slice %arg4[%mul3A_2744, %dma_wait3A_2749] : memref<131072x128xf32, #tpu.memory_space<hbm>> -> memref<128x128xf32, #tpu.memory_space<hbm>>
    %dma_wait3A_2751 = arith.constant 0 : i32
    %dma_wait3A_2752 = tpu.memref_slice %arg4[%mul3A_2744, %dma_wait3A_2751] : memref<131072x128xf32, #tpu.memory_space<hbm>> -> memref<128x128xf32, #tpu.memory_space<hbm>>
    tpu.wait_dma2 semaphore(%arg20 : memref<!tpu.dma_semaphore, #tpu.memory_space<semaphore_mem>>) src(%arg8 : memref<128x128xf32, #tpu.memory_space<vmem>>) dst(%dma_wait3A_2752 : memref<128x128xf32, #tpu.memory_space<hbm>>)
    %dma_start3A_2753 = arith.constant 896 : i32
    %dma_start3A_2754 = tpu.memref_slice %arg6[%dma_start3A_2753] : memref<4096xi32, #tpu.memory_space<vmem>> -> memref<128xi32, #tpu.memory_space<vmem>>
    %dma_start3A_2755 = arith.constant 0 : i32
    %dma_start3A_2756 = arith.constant 0 : i32
    %dma_start3A_2757 = tpu.memref_slice %arg3[%dma_start3A_2755, %dma_start3A_2756] : memref<245760x128xf32, #tpu.memory_space<hbm>> -> memref<245760x128xf32, #tpu.memory_space<hbm>>
    tpu.enqueue_indirect_dma source(%dma_start3A_2757 : memref<245760x128xf32, #tpu.memory_space<hbm>>) target(%arg8 : memref<128x128xf32, #tpu.memory_space<vmem>>) offsets(%dma_start3A_2754 : memref<128xi32, #tpu.memory_space<vmem>>) semaphore(%arg14 : memref<!tpu.dma_semaphore, #tpu.memory_space<semaphore_mem>>)
    %dma_wait3A_2758 = arith.constant 256 : i32
    %dma_wait3A_2759 = tpu.memref_slice %arg6[%dma_wait3A_2758] : memref<4096xi32, #tpu.memory_space<vmem>> -> memref<128xi32, #tpu.memory_space<vmem>>
    %dma_wait3A_2760 = arith.constant 0 : i32
    %dma_wait3A_2761 = arith.constant 0 : i32
    %dma_wait3A_2762 = tpu.memref_slice %arg3[%dma_wait3A_2760, %dma_wait3A_2761] : memref<245760x128xf32, #tpu.memory_space<hbm>> -> memref<245760x128xf32, #tpu.memory_space<hbm>>
    tpu.wait_indirect_dma semaphore(%arg15 : memref<!tpu.dma_semaphore, #tpu.memory_space<semaphore_mem>>) src(%dma_wait3A_2762 : memref<245760x128xf32, #tpu.memory_space<hbm>>) dst(%arg9 : memref<128x128xf32, #tpu.memory_space<vmem>>)
    %add3A_2763 = arith.constant 32 : i32
    %add3A_2764 = arith.addi %mul3A_2, %add3A_2763 : i32
    %mul3A_2765 = arith.constant 8 : i32
    %mul3A_2766 = arith.muli %add3A_2764, %mul3A_2765 : i32
    %dma_start3A_2767 = arith.constant 0 : i32
    %dma_start3A_2768 = tpu.memref_slice %arg4[%mul3A_2766, %dma_start3A_2767] : memref<131072x128xf32, #tpu.memory_space<hbm>> -> memref<128x128xf32, #tpu.memory_space<hbm>>
    %dma_start3A_2769 = arith.constant 0 : i32
    %dma_start3A_2770 = tpu.memref_slice %arg4[%mul3A_2766, %dma_start3A_2769] : memref<131072x128xf32, #tpu.memory_space<hbm>> -> memref<128x128xf32, #tpu.memory_space<hbm>>
    tpu.enqueue_dma source(%arg9 : memref<128x128xf32, #tpu.memory_space<vmem>>) target(%dma_start3A_2770 : memref<128x128xf32, #tpu.memory_space<hbm>>) target_semaphore(%arg21 : memref<!tpu.dma_semaphore, #tpu.memory_space<semaphore_mem>>)
    %dma_wait3A_2771 = arith.constant 0 : i32
    %dma_wait3A_2772 = tpu.memref_slice %arg4[%mul3A_2766, %dma_wait3A_2771] : memref<131072x128xf32, #tpu.memory_space<hbm>> -> memref<128x128xf32, #tpu.memory_space<hbm>>
    %dma_wait3A_2773 = arith.constant 0 : i32
    %dma_wait3A_2774 = tpu.memref_slice %arg4[%mul3A_2766, %dma_wait3A_2773] : memref<131072x128xf32, #tpu.memory_space<hbm>> -> memref<128x128xf32, #tpu.memory_space<hbm>>
    tpu.wait_dma2 semaphore(%arg21 : memref<!tpu.dma_semaphore, #tpu.memory_space<semaphore_mem>>) src(%arg9 : memref<128x128xf32, #tpu.memory_space<vmem>>) dst(%dma_wait3A_2774 : memref<128x128xf32, #tpu.memory_space<hbm>>)
    %dma_start3A_2775 = arith.constant 1024 : i32
    %dma_start3A_2776 = tpu.memref_slice %arg6[%dma_start3A_2775] : memref<4096xi32, #tpu.memory_space<vmem>> -> memref<128xi32, #tpu.memory_space<vmem>>
    %dma_start3A_2777 = arith.constant 0 : i32
    %dma_start3A_2778 = arith.constant 0 : i32
    %dma_start3A_2779 = tpu.memref_slice %arg3[%dma_start3A_2777, %dma_start3A_2778] : memref<245760x128xf32, #tpu.memory_space<hbm>> -> memref<245760x128xf32, #tpu.memory_space<hbm>>
    tpu.enqueue_indirect_dma source(%dma_start3A_2779 : memref<245760x128xf32, #tpu.memory_space<hbm>>) target(%arg9 : memref<128x128xf32, #tpu.memory_space<vmem>>) offsets(%dma_start3A_2776 : memref<128xi32, #tpu.memory_space<vmem>>) semaphore(%arg15 : memref<!tpu.dma_semaphore, #tpu.memory_space<semaphore_mem>>)
    %dma_wait3A_2780 = arith.constant 384 : i32
    %dma_wait3A_2781 = tpu.memref_slice %arg6[%dma_wait3A_2780] : memref<4096xi32, #tpu.memory_space<vmem>> -> memref<128xi32, #tpu.memory_space<vmem>>
    %dma_wait3A_2782 = arith.constant 0 : i32
    %dma_wait3A_2783 = arith.constant 0 : i32
    %dma_wait3A_2784 = tpu.memref_slice %arg3[%dma_wait3A_2782, %dma_wait3A_2783] : memref<245760x128xf32, #tpu.memory_space<hbm>> -> memref<245760x128xf32, #tpu.memory_space<hbm>>
    tpu.wait_indirect_dma semaphore(%arg16 : memref<!tpu.dma_semaphore, #tpu.memory_space<semaphore_mem>>) src(%dma_wait3A_2784 : memref<245760x128xf32, #tpu.memory_space<hbm>>) dst(%arg10 : memref<128x128xf32, #tpu.memory_space<vmem>>)
    %add3A_2785 = arith.constant 48 : i32
    %add3A_2786 = arith.addi %mul3A_2, %add3A_2785 : i32
    %mul3A_2787 = arith.constant 8 : i32
    %mul3A_2788 = arith.muli %add3A_2786, %mul3A_2787 : i32
    %dma_start3A_2789 = arith.constant 0 : i32
    %dma_start3A_2790 = tpu.memref_slice %arg4[%mul3A_2788, %dma_start3A_2789] : memref<131072x128xf32, #tpu.memory_space<hbm>> -> memref<128x128xf32, #tpu.memory_space<hbm>>
    %dma_start3A_2791 = arith.constant 0 : i32
    %dma_start3A_2792 = tpu.memref_slice %arg4[%mul3A_2788, %dma_start3A_2791] : memref<131072x128xf32, #tpu.memory_space<hbm>> -> memref<128x128xf32, #tpu.memory_space<hbm>>
    tpu.enqueue_dma source(%arg10 : memref<128x128xf32, #tpu.memory_space<vmem>>) target(%dma_start3A_2792 : memref<128x128xf32, #tpu.memory_space<hbm>>) target_semaphore(%arg22 : memref<!tpu.dma_semaphore, #tpu.memory_space<semaphore_mem>>)
    %dma_wait3A_2793 = arith.constant 0 : i32
    %dma_wait3A_2794 = tpu.memref_slice %arg4[%mul3A_2788, %dma_wait3A_2793] : memref<131072x128xf32, #tpu.memory_space<hbm>> -> memref<128x128xf32, #tpu.memory_space<hbm>>
    %dma_wait3A_2795 = arith.constant 0 : i32
    %dma_wait3A_2796 = tpu.memref_slice %arg4[%mul3A_2788, %dma_wait3A_2795] : memref<131072x128xf32, #tpu.memory_space<hbm>> -> memref<128x128xf32, #tpu.memory_space<hbm>>
    tpu.wait_dma2 semaphore(%arg22 : memref<!tpu.dma_semaphore, #tpu.memory_space<semaphore_mem>>) src(%arg10 : memref<128x128xf32, #tpu.memory_space<vmem>>) dst(%dma_wait3A_2796 : memref<128x128xf32, #tpu.memory_space<hbm>>)
    %dma_start3A_2797 = arith.constant 1152 : i32
    %dma_start3A_2798 = tpu.memref_slice %arg6[%dma_start3A_2797] : memref<4096xi32, #tpu.memory_space<vmem>> -> memref<128xi32, #tpu.memory_space<vmem>>
    %dma_start3A_2799 = arith.constant 0 : i32
    %dma_start3A_2800 = arith.constant 0 : i32
    %dma_start3A_2801 = tpu.memref_slice %arg3[%dma_start3A_2799, %dma_start3A_2800] : memref<245760x128xf32, #tpu.memory_space<hbm>> -> memref<245760x128xf32, #tpu.memory_space<hbm>>
    tpu.enqueue_indirect_dma source(%dma_start3A_2801 : memref<245760x128xf32, #tpu.memory_space<hbm>>) target(%arg10 : memref<128x128xf32, #tpu.memory_space<vmem>>) offsets(%dma_start3A_2798 : memref<128xi32, #tpu.memory_space<vmem>>) semaphore(%arg16 : memref<!tpu.dma_semaphore, #tpu.memory_space<semaphore_mem>>)
    %dma_wait3A_2802 = arith.constant 512 : i32
    %dma_wait3A_2803 = tpu.memref_slice %arg6[%dma_wait3A_2802] : memref<4096xi32, #tpu.memory_space<vmem>> -> memref<128xi32, #tpu.memory_space<vmem>>
    %dma_wait3A_2804 = arith.constant 0 : i32
    %dma_wait3A_2805 = arith.constant 0 : i32
    %dma_wait3A_2806 = tpu.memref_slice %arg3[%dma_wait3A_2804, %dma_wait3A_2805] : memref<245760x128xf32, #tpu.memory_space<hbm>> -> memref<245760x128xf32, #tpu.memory_space<hbm>>
    tpu.wait_indirect_dma semaphore(%arg17 : memref<!tpu.dma_semaphore, #tpu.memory_space<semaphore_mem>>) src(%dma_wait3A_2806 : memref<245760x128xf32, #tpu.memory_space<hbm>>) dst(%arg11 : memref<128x128xf32, #tpu.memory_space<vmem>>)
    %add3A_2807 = arith.constant 64 : i32
    %add3A_2808 = arith.addi %mul3A_2, %add3A_2807 : i32
    %mul3A_2809 = arith.constant 8 : i32
    %mul3A_2810 = arith.muli %add3A_2808, %mul3A_2809 : i32
    %dma_start3A_2811 = arith.constant 0 : i32
    %dma_start3A_2812 = tpu.memref_slice %arg4[%mul3A_2810, %dma_start3A_2811] : memref<131072x128xf32, #tpu.memory_space<hbm>> -> memref<128x128xf32, #tpu.memory_space<hbm>>
    %dma_start3A_2813 = arith.constant 0 : i32
    %dma_start3A_2814 = tpu.memref_slice %arg4[%mul3A_2810, %dma_start3A_2813] : memref<131072x128xf32, #tpu.memory_space<hbm>> -> memref<128x128xf32, #tpu.memory_space<hbm>>
    tpu.enqueue_dma source(%arg11 : memref<128x128xf32, #tpu.memory_space<vmem>>) target(%dma_start3A_2814 : memref<128x128xf32, #tpu.memory_space<hbm>>) target_semaphore(%arg23 : memref<!tpu.dma_semaphore, #tpu.memory_space<semaphore_mem>>)
    %dma_wait3A_2815 = arith.constant 0 : i32
    %dma_wait3A_2816 = tpu.memref_slice %arg4[%mul3A_2810, %dma_wait3A_2815] : memref<131072x128xf32, #tpu.memory_space<hbm>> -> memref<128x128xf32, #tpu.memory_space<hbm>>
    %dma_wait3A_2817 = arith.constant 0 : i32
    %dma_wait3A_2818 = tpu.memref_slice %arg4[%mul3A_2810, %dma_wait3A_2817] : memref<131072x128xf32, #tpu.memory_space<hbm>> -> memref<128x128xf32, #tpu.memory_space<hbm>>
    tpu.wait_dma2 semaphore(%arg23 : memref<!tpu.dma_semaphore, #tpu.memory_space<semaphore_mem>>) src(%arg11 : memref<128x128xf32, #tpu.memory_space<vmem>>) dst(%dma_wait3A_2818 : memref<128x128xf32, #tpu.memory_space<hbm>>)
    %dma_start3A_2819 = arith.constant 1280 : i32
    %dma_start3A_2820 = tpu.memref_slice %arg6[%dma_start3A_2819] : memref<4096xi32, #tpu.memory_space<vmem>> -> memref<128xi32, #tpu.memory_space<vmem>>
    %dma_start3A_2821 = arith.constant 0 : i32
    %dma_start3A_2822 = arith.constant 0 : i32
    %dma_start3A_2823 = tpu.memref_slice %arg3[%dma_start3A_2821, %dma_start3A_2822] : memref<245760x128xf32, #tpu.memory_space<hbm>> -> memref<245760x128xf32, #tpu.memory_space<hbm>>
    tpu.enqueue_indirect_dma source(%dma_start3A_2823 : memref<245760x128xf32, #tpu.memory_space<hbm>>) target(%arg11 : memref<128x128xf32, #tpu.memory_space<vmem>>) offsets(%dma_start3A_2820 : memref<128xi32, #tpu.memory_space<vmem>>) semaphore(%arg17 : memref<!tpu.dma_semaphore, #tpu.memory_space<semaphore_mem>>)
    %dma_wait3A_2824 = arith.constant 640 : i32
    %dma_wait3A_2825 = tpu.memref_slice %arg6[%dma_wait3A_2824] : memref<4096xi32, #tpu.memory_space<vmem>> -> memref<128xi32, #tpu.memory_space<vmem>>
    %dma_wait3A_2826 = arith.constant 0 : i32
    %dma_wait3A_2827 = arith.constant 0 : i32
    %dma_wait3A_2828 = tpu.memref_slice %arg3[%dma_wait3A_2826, %dma_wait3A_2827] : memref<245760x128xf32, #tpu.memory_space<hbm>> -> memref<245760x128xf32, #tpu.memory_space<hbm>>
    tpu.wait_indirect_dma semaphore(%arg18 : memref<!tpu.dma_semaphore, #tpu.memory_space<semaphore_mem>>) src(%dma_wait3A_2828 : memref<245760x128xf32, #tpu.memory_space<hbm>>) dst(%arg12 : memref<128x128xf32, #tpu.memory_space<vmem>>)
    %add3A_2829 = arith.constant 80 : i32
    %add3A_2830 = arith.addi %mul3A_2, %add3A_2829 : i32
    %mul3A_2831 = arith.constant 8 : i32
    %mul3A_2832 = arith.muli %add3A_2830, %mul3A_2831 : i32
    %dma_start3A_2833 = arith.constant 0 : i32
    %dma_start3A_2834 = tpu.memref_slice %arg4[%mul3A_2832, %dma_start3A_2833] : memref<131072x128xf32, #tpu.memory_space<hbm>> -> memref<128x128xf32, #tpu.memory_space<hbm>>
    %dma_start3A_2835 = arith.constant 0 : i32
    %dma_start3A_2836 = tpu.memref_slice %arg4[%mul3A_2832, %dma_start3A_2835] : memref<131072x128xf32, #tpu.memory_space<hbm>> -> memref<128x128xf32, #tpu.memory_space<hbm>>
    tpu.enqueue_dma source(%arg12 : memref<128x128xf32, #tpu.memory_space<vmem>>) target(%dma_start3A_2836 : memref<128x128xf32, #tpu.memory_space<hbm>>) target_semaphore(%arg24 : memref<!tpu.dma_semaphore, #tpu.memory_space<semaphore_mem>>)
    %dma_wait3A_2837 = arith.constant 0 : i32
    %dma_wait3A_2838 = tpu.memref_slice %arg4[%mul3A_2832, %dma_wait3A_2837] : memref<131072x128xf32, #tpu.memory_space<hbm>> -> memref<128x128xf32, #tpu.memory_space<hbm>>
    %dma_wait3A_2839 = arith.constant 0 : i32
    %dma_wait3A_2840 = tpu.memref_slice %arg4[%mul3A_2832, %dma_wait3A_2839] : memref<131072x128xf32, #tpu.memory_space<hbm>> -> memref<128x128xf32, #tpu.memory_space<hbm>>
    tpu.wait_dma2 semaphore(%arg24 : memref<!tpu.dma_semaphore, #tpu.memory_space<semaphore_mem>>) src(%arg12 : memref<128x128xf32, #tpu.memory_space<vmem>>) dst(%dma_wait3A_2840 : memref<128x128xf32, #tpu.memory_space<hbm>>)
    %dma_start3A_2841 = arith.constant 1408 : i32
    %dma_start3A_2842 = tpu.memref_slice %arg6[%dma_start3A_2841] : memref<4096xi32, #tpu.memory_space<vmem>> -> memref<128xi32, #tpu.memory_space<vmem>>
    %dma_start3A_2843 = arith.constant 0 : i32
    %dma_start3A_2844 = arith.constant 0 : i32
    %dma_start3A_2845 = tpu.memref_slice %arg3[%dma_start3A_2843, %dma_start3A_2844] : memref<245760x128xf32, #tpu.memory_space<hbm>> -> memref<245760x128xf32, #tpu.memory_space<hbm>>
    tpu.enqueue_indirect_dma source(%dma_start3A_2845 : memref<245760x128xf32, #tpu.memory_space<hbm>>) target(%arg12 : memref<128x128xf32, #tpu.memory_space<vmem>>) offsets(%dma_start3A_2842 : memref<128xi32, #tpu.memory_space<vmem>>) semaphore(%arg18 : memref<!tpu.dma_semaphore, #tpu.memory_space<semaphore_mem>>)
    %dma_wait3A_2846 = arith.constant 768 : i32
    %dma_wait3A_2847 = tpu.memref_slice %arg6[%dma_wait3A_2846] : memref<4096xi32, #tpu.memory_space<vmem>> -> memref<128xi32, #tpu.memory_space<vmem>>
    %dma_wait3A_2848 = arith.constant 0 : i32
    %dma_wait3A_2849 = arith.constant 0 : i32
    %dma_wait3A_2850 = tpu.memref_slice %arg3[%dma_wait3A_2848, %dma_wait3A_2849] : memref<245760x128xf32, #tpu.memory_space<hbm>> -> memref<245760x128xf32, #tpu.memory_space<hbm>>
    tpu.wait_indirect_dma semaphore(%arg13 : memref<!tpu.dma_semaphore, #tpu.memory_space<semaphore_mem>>) src(%dma_wait3A_2850 : memref<245760x128xf32, #tpu.memory_space<hbm>>) dst(%arg7 : memref<128x128xf32, #tpu.memory_space<vmem>>)
    %add3A_2851 = arith.constant 96 : i32
    %add3A_2852 = arith.addi %mul3A_2, %add3A_2851 : i32
    %mul3A_2853 = arith.constant 8 : i32
    %mul3A_2854 = arith.muli %add3A_2852, %mul3A_2853 : i32
    %dma_start3A_2855 = arith.constant 0 : i32
    %dma_start3A_2856 = tpu.memref_slice %arg4[%mul3A_2854, %dma_start3A_2855] : memref<131072x128xf32, #tpu.memory_space<hbm>> -> memref<128x128xf32, #tpu.memory_space<hbm>>
    %dma_start3A_2857 = arith.constant 0 : i32
    %dma_start3A_2858 = tpu.memref_slice %arg4[%mul3A_2854, %dma_start3A_2857] : memref<131072x128xf32, #tpu.memory_space<hbm>> -> memref<128x128xf32, #tpu.memory_space<hbm>>
    tpu.enqueue_dma source(%arg7 : memref<128x128xf32, #tpu.memory_space<vmem>>) target(%dma_start3A_2858 : memref<128x128xf32, #tpu.memory_space<hbm>>) target_semaphore(%arg19 : memref<!tpu.dma_semaphore, #tpu.memory_space<semaphore_mem>>)
    %dma_wait3A_2859 = arith.constant 0 : i32
    %dma_wait3A_2860 = tpu.memref_slice %arg4[%mul3A_2854, %dma_wait3A_2859] : memref<131072x128xf32, #tpu.memory_space<hbm>> -> memref<128x128xf32, #tpu.memory_space<hbm>>
    %dma_wait3A_2861 = arith.constant 0 : i32
    %dma_wait3A_2862 = tpu.memref_slice %arg4[%mul3A_2854, %dma_wait3A_2861] : memref<131072x128xf32, #tpu.memory_space<hbm>> -> memref<128x128xf32, #tpu.memory_space<hbm>>
    tpu.wait_dma2 semaphore(%arg19 : memref<!tpu.dma_semaphore, #tpu.memory_space<semaphore_mem>>) src(%arg7 : memref<128x128xf32, #tpu.memory_space<vmem>>) dst(%dma_wait3A_2862 : memref<128x128xf32, #tpu.memory_space<hbm>>)
    %dma_start3A_2863 = arith.constant 1536 : i32
    %dma_start3A_2864 = tpu.memref_slice %arg6[%dma_start3A_2863] : memref<4096xi32, #tpu.memory_space<vmem>> -> memref<128xi32, #tpu.memory_space<vmem>>
    %dma_start3A_2865 = arith.constant 0 : i32
    %dma_start3A_2866 = arith.constant 0 : i32
    %dma_start3A_2867 = tpu.memref_slice %arg3[%dma_start3A_2865, %dma_start3A_2866] : memref<245760x128xf32, #tpu.memory_space<hbm>> -> memref<245760x128xf32, #tpu.memory_space<hbm>>
    tpu.enqueue_indirect_dma source(%dma_start3A_2867 : memref<245760x128xf32, #tpu.memory_space<hbm>>) target(%arg7 : memref<128x128xf32, #tpu.memory_space<vmem>>) offsets(%dma_start3A_2864 : memref<128xi32, #tpu.memory_space<vmem>>) semaphore(%arg13 : memref<!tpu.dma_semaphore, #tpu.memory_space<semaphore_mem>>)
    %dma_wait3A_2868 = arith.constant 896 : i32
    %dma_wait3A_2869 = tpu.memref_slice %arg6[%dma_wait3A_2868] : memref<4096xi32, #tpu.memory_space<vmem>> -> memref<128xi32, #tpu.memory_space<vmem>>
    %dma_wait3A_2870 = arith.constant 0 : i32
    %dma_wait3A_2871 = arith.constant 0 : i32
    %dma_wait3A_2872 = tpu.memref_slice %arg3[%dma_wait3A_2870, %dma_wait3A_2871] : memref<245760x128xf32, #tpu.memory_space<hbm>> -> memref<245760x128xf32, #tpu.memory_space<hbm>>
    tpu.wait_indirect_dma semaphore(%arg14 : memref<!tpu.dma_semaphore, #tpu.memory_space<semaphore_mem>>) src(%dma_wait3A_2872 : memref<245760x128xf32, #tpu.memory_space<hbm>>) dst(%arg8 : memref<128x128xf32, #tpu.memory_space<vmem>>)
    %add3A_2873 = arith.constant 112 : i32
    %add3A_2874 = arith.addi %mul3A_2, %add3A_2873 : i32
    %mul3A_2875 = arith.constant 8 : i32
    %mul3A_2876 = arith.muli %add3A_2874, %mul3A_2875 : i32
    %dma_start3A_2877 = arith.constant 0 : i32
    %dma_start3A_2878 = tpu.memref_slice %arg4[%mul3A_2876, %dma_start3A_2877] : memref<131072x128xf32, #tpu.memory_space<hbm>> -> memref<128x128xf32, #tpu.memory_space<hbm>>
    %dma_start3A_2879 = arith.constant 0 : i32
    %dma_start3A_2880 = tpu.memref_slice %arg4[%mul3A_2876, %dma_start3A_2879] : memref<131072x128xf32, #tpu.memory_space<hbm>> -> memref<128x128xf32, #tpu.memory_space<hbm>>
    tpu.enqueue_dma source(%arg8 : memref<128x128xf32, #tpu.memory_space<vmem>>) target(%dma_start3A_2880 : memref<128x128xf32, #tpu.memory_space<hbm>>) target_semaphore(%arg20 : memref<!tpu.dma_semaphore, #tpu.memory_space<semaphore_mem>>)
    %dma_wait3A_2881 = arith.constant 0 : i32
    %dma_wait3A_2882 = tpu.memref_slice %arg4[%mul3A_2876, %dma_wait3A_2881] : memref<131072x128xf32, #tpu.memory_space<hbm>> -> memref<128x128xf32, #tpu.memory_space<hbm>>
    %dma_wait3A_2883 = arith.constant 0 : i32
    %dma_wait3A_2884 = tpu.memref_slice %arg4[%mul3A_2876, %dma_wait3A_2883] : memref<131072x128xf32, #tpu.memory_space<hbm>> -> memref<128x128xf32, #tpu.memory_space<hbm>>
    tpu.wait_dma2 semaphore(%arg20 : memref<!tpu.dma_semaphore, #tpu.memory_space<semaphore_mem>>) src(%arg8 : memref<128x128xf32, #tpu.memory_space<vmem>>) dst(%dma_wait3A_2884 : memref<128x128xf32, #tpu.memory_space<hbm>>)
    %dma_start3A_2885 = arith.constant 1664 : i32
    %dma_start3A_2886 = tpu.memref_slice %arg6[%dma_start3A_2885] : memref<4096xi32, #tpu.memory_space<vmem>> -> memref<128xi32, #tpu.memory_space<vmem>>
    %dma_start3A_2887 = arith.constant 0 : i32
    %dma_start3A_2888 = arith.constant 0 : i32
    %dma_start3A_2889 = tpu.memref_slice %arg3[%dma_start3A_2887, %dma_start3A_2888] : memref<245760x128xf32, #tpu.memory_space<hbm>> -> memref<245760x128xf32, #tpu.memory_space<hbm>>
    tpu.enqueue_indirect_dma source(%dma_start3A_2889 : memref<245760x128xf32, #tpu.memory_space<hbm>>) target(%arg8 : memref<128x128xf32, #tpu.memory_space<vmem>>) offsets(%dma_start3A_2886 : memref<128xi32, #tpu.memory_space<vmem>>) semaphore(%arg14 : memref<!tpu.dma_semaphore, #tpu.memory_space<semaphore_mem>>)
    %dma_wait3A_2890 = arith.constant 1024 : i32
    %dma_wait3A_2891 = tpu.memref_slice %arg6[%dma_wait3A_2890] : memref<4096xi32, #tpu.memory_space<vmem>> -> memref<128xi32, #tpu.memory_space<vmem>>
    %dma_wait3A_2892 = arith.constant 0 : i32
    %dma_wait3A_2893 = arith.constant 0 : i32
    %dma_wait3A_2894 = tpu.memref_slice %arg3[%dma_wait3A_2892, %dma_wait3A_2893] : memref<245760x128xf32, #tpu.memory_space<hbm>> -> memref<245760x128xf32, #tpu.memory_space<hbm>>
    tpu.wait_indirect_dma semaphore(%arg15 : memref<!tpu.dma_semaphore, #tpu.memory_space<semaphore_mem>>) src(%dma_wait3A_2894 : memref<245760x128xf32, #tpu.memory_space<hbm>>) dst(%arg9 : memref<128x128xf32, #tpu.memory_space<vmem>>)
    %add3A_2895 = arith.constant 128 : i32
    %add3A_2896 = arith.addi %mul3A_2, %add3A_2895 : i32
    %mul3A_2897 = arith.constant 8 : i32
    %mul3A_2898 = arith.muli %add3A_2896, %mul3A_2897 : i32
    %dma_start3A_2899 = arith.constant 0 : i32
    %dma_start3A_2900 = tpu.memref_slice %arg4[%mul3A_2898, %dma_start3A_2899] : memref<131072x128xf32, #tpu.memory_space<hbm>> -> memref<128x128xf32, #tpu.memory_space<hbm>>
    %dma_start3A_2901 = arith.constant 0 : i32
    %dma_start3A_2902 = tpu.memref_slice %arg4[%mul3A_2898, %dma_start3A_2901] : memref<131072x128xf32, #tpu.memory_space<hbm>> -> memref<128x128xf32, #tpu.memory_space<hbm>>
    tpu.enqueue_dma source(%arg9 : memref<128x128xf32, #tpu.memory_space<vmem>>) target(%dma_start3A_2902 : memref<128x128xf32, #tpu.memory_space<hbm>>) target_semaphore(%arg21 : memref<!tpu.dma_semaphore, #tpu.memory_space<semaphore_mem>>)
    %dma_wait3A_2903 = arith.constant 0 : i32
    %dma_wait3A_2904 = tpu.memref_slice %arg4[%mul3A_2898, %dma_wait3A_2903] : memref<131072x128xf32, #tpu.memory_space<hbm>> -> memref<128x128xf32, #tpu.memory_space<hbm>>
    %dma_wait3A_2905 = arith.constant 0 : i32
    %dma_wait3A_2906 = tpu.memref_slice %arg4[%mul3A_2898, %dma_wait3A_2905] : memref<131072x128xf32, #tpu.memory_space<hbm>> -> memref<128x128xf32, #tpu.memory_space<hbm>>
    tpu.wait_dma2 semaphore(%arg21 : memref<!tpu.dma_semaphore, #tpu.memory_space<semaphore_mem>>) src(%arg9 : memref<128x128xf32, #tpu.memory_space<vmem>>) dst(%dma_wait3A_2906 : memref<128x128xf32, #tpu.memory_space<hbm>>)
    %dma_start3A_2907 = arith.constant 1792 : i32
    %dma_start3A_2908 = tpu.memref_slice %arg6[%dma_start3A_2907] : memref<4096xi32, #tpu.memory_space<vmem>> -> memref<128xi32, #tpu.memory_space<vmem>>
    %dma_start3A_2909 = arith.constant 0 : i32
    %dma_start3A_2910 = arith.constant 0 : i32
    %dma_start3A_2911 = tpu.memref_slice %arg3[%dma_start3A_2909, %dma_start3A_2910] : memref<245760x128xf32, #tpu.memory_space<hbm>> -> memref<245760x128xf32, #tpu.memory_space<hbm>>
    tpu.enqueue_indirect_dma source(%dma_start3A_2911 : memref<245760x128xf32, #tpu.memory_space<hbm>>) target(%arg9 : memref<128x128xf32, #tpu.memory_space<vmem>>) offsets(%dma_start3A_2908 : memref<128xi32, #tpu.memory_space<vmem>>) semaphore(%arg15 : memref<!tpu.dma_semaphore, #tpu.memory_space<semaphore_mem>>)
    %dma_wait3A_2912 = arith.constant 1152 : i32
    %dma_wait3A_2913 = tpu.memref_slice %arg6[%dma_wait3A_2912] : memref<4096xi32, #tpu.memory_space<vmem>> -> memref<128xi32, #tpu.memory_space<vmem>>
    %dma_wait3A_2914 = arith.constant 0 : i32
    %dma_wait3A_2915 = arith.constant 0 : i32
    %dma_wait3A_2916 = tpu.memref_slice %arg3[%dma_wait3A_2914, %dma_wait3A_2915] : memref<245760x128xf32, #tpu.memory_space<hbm>> -> memref<245760x128xf32, #tpu.memory_space<hbm>>
    tpu.wait_indirect_dma semaphore(%arg16 : memref<!tpu.dma_semaphore, #tpu.memory_space<semaphore_mem>>) src(%dma_wait3A_2916 : memref<245760x128xf32, #tpu.memory_space<hbm>>) dst(%arg10 : memref<128x128xf32, #tpu.memory_space<vmem>>)
    %add3A_2917 = arith.constant 144 : i32
    %add3A_2918 = arith.addi %mul3A_2, %add3A_2917 : i32
    %mul3A_2919 = arith.constant 8 : i32
    %mul3A_2920 = arith.muli %add3A_2918, %mul3A_2919 : i32
    %dma_start3A_2921 = arith.constant 0 : i32
    %dma_start3A_2922 = tpu.memref_slice %arg4[%mul3A_2920, %dma_start3A_2921] : memref<131072x128xf32, #tpu.memory_space<hbm>> -> memref<128x128xf32, #tpu.memory_space<hbm>>
    %dma_start3A_2923 = arith.constant 0 : i32
    %dma_start3A_2924 = tpu.memref_slice %arg4[%mul3A_2920, %dma_start3A_2923] : memref<131072x128xf32, #tpu.memory_space<hbm>> -> memref<128x128xf32, #tpu.memory_space<hbm>>
    tpu.enqueue_dma source(%arg10 : memref<128x128xf32, #tpu.memory_space<vmem>>) target(%dma_start3A_2924 : memref<128x128xf32, #tpu.memory_space<hbm>>) target_semaphore(%arg22 : memref<!tpu.dma_semaphore, #tpu.memory_space<semaphore_mem>>)
    %dma_wait3A_2925 = arith.constant 0 : i32
    %dma_wait3A_2926 = tpu.memref_slice %arg4[%mul3A_2920, %dma_wait3A_2925] : memref<131072x128xf32, #tpu.memory_space<hbm>> -> memref<128x128xf32, #tpu.memory_space<hbm>>
    %dma_wait3A_2927 = arith.constant 0 : i32
    %dma_wait3A_2928 = tpu.memref_slice %arg4[%mul3A_2920, %dma_wait3A_2927] : memref<131072x128xf32, #tpu.memory_space<hbm>> -> memref<128x128xf32, #tpu.memory_space<hbm>>
    tpu.wait_dma2 semaphore(%arg22 : memref<!tpu.dma_semaphore, #tpu.memory_space<semaphore_mem>>) src(%arg10 : memref<128x128xf32, #tpu.memory_space<vmem>>) dst(%dma_wait3A_2928 : memref<128x128xf32, #tpu.memory_space<hbm>>)
    %dma_start3A_2929 = arith.constant 1920 : i32
    %dma_start3A_2930 = tpu.memref_slice %arg6[%dma_start3A_2929] : memref<4096xi32, #tpu.memory_space<vmem>> -> memref<128xi32, #tpu.memory_space<vmem>>
    %dma_start3A_2931 = arith.constant 0 : i32
    %dma_start3A_2932 = arith.constant 0 : i32
    %dma_start3A_2933 = tpu.memref_slice %arg3[%dma_start3A_2931, %dma_start3A_2932] : memref<245760x128xf32, #tpu.memory_space<hbm>> -> memref<245760x128xf32, #tpu.memory_space<hbm>>
    tpu.enqueue_indirect_dma source(%dma_start3A_2933 : memref<245760x128xf32, #tpu.memory_space<hbm>>) target(%arg10 : memref<128x128xf32, #tpu.memory_space<vmem>>) offsets(%dma_start3A_2930 : memref<128xi32, #tpu.memory_space<vmem>>) semaphore(%arg16 : memref<!tpu.dma_semaphore, #tpu.memory_space<semaphore_mem>>)
    %dma_wait3A_2934 = arith.constant 1280 : i32
    %dma_wait3A_2935 = tpu.memref_slice %arg6[%dma_wait3A_2934] : memref<4096xi32, #tpu.memory_space<vmem>> -> memref<128xi32, #tpu.memory_space<vmem>>
    %dma_wait3A_2936 = arith.constant 0 : i32
    %dma_wait3A_2937 = arith.constant 0 : i32
    %dma_wait3A_2938 = tpu.memref_slice %arg3[%dma_wait3A_2936, %dma_wait3A_2937] : memref<245760x128xf32, #tpu.memory_space<hbm>> -> memref<245760x128xf32, #tpu.memory_space<hbm>>
    tpu.wait_indirect_dma semaphore(%arg17 : memref<!tpu.dma_semaphore, #tpu.memory_space<semaphore_mem>>) src(%dma_wait3A_2938 : memref<245760x128xf32, #tpu.memory_space<hbm>>) dst(%arg11 : memref<128x128xf32, #tpu.memory_space<vmem>>)
    %add3A_2939 = arith.constant 160 : i32
    %add3A_2940 = arith.addi %mul3A_2, %add3A_2939 : i32
    %mul3A_2941 = arith.constant 8 : i32
    %mul3A_2942 = arith.muli %add3A_2940, %mul3A_2941 : i32
    %dma_start3A_2943 = arith.constant 0 : i32
    %dma_start3A_2944 = tpu.memref_slice %arg4[%mul3A_2942, %dma_start3A_2943] : memref<131072x128xf32, #tpu.memory_space<hbm>> -> memref<128x128xf32, #tpu.memory_space<hbm>>
    %dma_start3A_2945 = arith.constant 0 : i32
    %dma_start3A_2946 = tpu.memref_slice %arg4[%mul3A_2942, %dma_start3A_2945] : memref<131072x128xf32, #tpu.memory_space<hbm>> -> memref<128x128xf32, #tpu.memory_space<hbm>>
    tpu.enqueue_dma source(%arg11 : memref<128x128xf32, #tpu.memory_space<vmem>>) target(%dma_start3A_2946 : memref<128x128xf32, #tpu.memory_space<hbm>>) target_semaphore(%arg23 : memref<!tpu.dma_semaphore, #tpu.memory_space<semaphore_mem>>)
    %dma_wait3A_2947 = arith.constant 0 : i32
    %dma_wait3A_2948 = tpu.memref_slice %arg4[%mul3A_2942, %dma_wait3A_2947] : memref<131072x128xf32, #tpu.memory_space<hbm>> -> memref<128x128xf32, #tpu.memory_space<hbm>>
    %dma_wait3A_2949 = arith.constant 0 : i32
    %dma_wait3A_2950 = tpu.memref_slice %arg4[%mul3A_2942, %dma_wait3A_2949] : memref<131072x128xf32, #tpu.memory_space<hbm>> -> memref<128x128xf32, #tpu.memory_space<hbm>>
    tpu.wait_dma2 semaphore(%arg23 : memref<!tpu.dma_semaphore, #tpu.memory_space<semaphore_mem>>) src(%arg11 : memref<128x128xf32, #tpu.memory_space<vmem>>) dst(%dma_wait3A_2950 : memref<128x128xf32, #tpu.memory_space<hbm>>)
    %dma_start3A_2951 = arith.constant 2048 : i32
    %dma_start3A_2952 = tpu.memref_slice %arg6[%dma_start3A_2951] : memref<4096xi32, #tpu.memory_space<vmem>> -> memref<128xi32, #tpu.memory_space<vmem>>
    %dma_start3A_2953 = arith.constant 0 : i32
    %dma_start3A_2954 = arith.constant 0 : i32
    %dma_start3A_2955 = tpu.memref_slice %arg3[%dma_start3A_2953, %dma_start3A_2954] : memref<245760x128xf32, #tpu.memory_space<hbm>> -> memref<245760x128xf32, #tpu.memory_space<hbm>>
    tpu.enqueue_indirect_dma source(%dma_start3A_2955 : memref<245760x128xf32, #tpu.memory_space<hbm>>) target(%arg11 : memref<128x128xf32, #tpu.memory_space<vmem>>) offsets(%dma_start3A_2952 : memref<128xi32, #tpu.memory_space<vmem>>) semaphore(%arg17 : memref<!tpu.dma_semaphore, #tpu.memory_space<semaphore_mem>>)
    %dma_wait3A_2956 = arith.constant 1408 : i32
    %dma_wait3A_2957 = tpu.memref_slice %arg6[%dma_wait3A_2956] : memref<4096xi32, #tpu.memory_space<vmem>> -> memref<128xi32, #tpu.memory_space<vmem>>
    %dma_wait3A_2958 = arith.constant 0 : i32
    %dma_wait3A_2959 = arith.constant 0 : i32
    %dma_wait3A_2960 = tpu.memref_slice %arg3[%dma_wait3A_2958, %dma_wait3A_2959] : memref<245760x128xf32, #tpu.memory_space<hbm>> -> memref<245760x128xf32, #tpu.memory_space<hbm>>
    tpu.wait_indirect_dma semaphore(%arg18 : memref<!tpu.dma_semaphore, #tpu.memory_space<semaphore_mem>>) src(%dma_wait3A_2960 : memref<245760x128xf32, #tpu.memory_space<hbm>>) dst(%arg12 : memref<128x128xf32, #tpu.memory_space<vmem>>)
    %add3A_2961 = arith.constant 176 : i32
    %add3A_2962 = arith.addi %mul3A_2, %add3A_2961 : i32
    %mul3A_2963 = arith.constant 8 : i32
    %mul3A_2964 = arith.muli %add3A_2962, %mul3A_2963 : i32
    %dma_start3A_2965 = arith.constant 0 : i32
    %dma_start3A_2966 = tpu.memref_slice %arg4[%mul3A_2964, %dma_start3A_2965] : memref<131072x128xf32, #tpu.memory_space<hbm>> -> memref<128x128xf32, #tpu.memory_space<hbm>>
    %dma_start3A_2967 = arith.constant 0 : i32
    %dma_start3A_2968 = tpu.memref_slice %arg4[%mul3A_2964, %dma_start3A_2967] : memref<131072x128xf32, #tpu.memory_space<hbm>> -> memref<128x128xf32, #tpu.memory_space<hbm>>
    tpu.enqueue_dma source(%arg12 : memref<128x128xf32, #tpu.memory_space<vmem>>) target(%dma_start3A_2968 : memref<128x128xf32, #tpu.memory_space<hbm>>) target_semaphore(%arg24 : memref<!tpu.dma_semaphore, #tpu.memory_space<semaphore_mem>>)
    %dma_wait3A_2969 = arith.constant 0 : i32
    %dma_wait3A_2970 = tpu.memref_slice %arg4[%mul3A_2964, %dma_wait3A_2969] : memref<131072x128xf32, #tpu.memory_space<hbm>> -> memref<128x128xf32, #tpu.memory_space<hbm>>
    %dma_wait3A_2971 = arith.constant 0 : i32
    %dma_wait3A_2972 = tpu.memref_slice %arg4[%mul3A_2964, %dma_wait3A_2971] : memref<131072x128xf32, #tpu.memory_space<hbm>> -> memref<128x128xf32, #tpu.memory_space<hbm>>
    tpu.wait_dma2 semaphore(%arg24 : memref<!tpu.dma_semaphore, #tpu.memory_space<semaphore_mem>>) src(%arg12 : memref<128x128xf32, #tpu.memory_space<vmem>>) dst(%dma_wait3A_2972 : memref<128x128xf32, #tpu.memory_space<hbm>>)
    %dma_start3A_2973 = arith.constant 2176 : i32
    %dma_start3A_2974 = tpu.memref_slice %arg6[%dma_start3A_2973] : memref<4096xi32, #tpu.memory_space<vmem>> -> memref<128xi32, #tpu.memory_space<vmem>>
    %dma_start3A_2975 = arith.constant 0 : i32
    %dma_start3A_2976 = arith.constant 0 : i32
    %dma_start3A_2977 = tpu.memref_slice %arg3[%dma_start3A_2975, %dma_start3A_2976] : memref<245760x128xf32, #tpu.memory_space<hbm>> -> memref<245760x128xf32, #tpu.memory_space<hbm>>
    tpu.enqueue_indirect_dma source(%dma_start3A_2977 : memref<245760x128xf32, #tpu.memory_space<hbm>>) target(%arg12 : memref<128x128xf32, #tpu.memory_space<vmem>>) offsets(%dma_start3A_2974 : memref<128xi32, #tpu.memory_space<vmem>>) semaphore(%arg18 : memref<!tpu.dma_semaphore, #tpu.memory_space<semaphore_mem>>)
    %dma_wait3A_2978 = arith.constant 1536 : i32
    %dma_wait3A_2979 = tpu.memref_slice %arg6[%dma_wait3A_2978] : memref<4096xi32, #tpu.memory_space<vmem>> -> memref<128xi32, #tpu.memory_space<vmem>>
    %dma_wait3A_2980 = arith.constant 0 : i32
    %dma_wait3A_2981 = arith.constant 0 : i32
    %dma_wait3A_2982 = tpu.memref_slice %arg3[%dma_wait3A_2980, %dma_wait3A_2981] : memref<245760x128xf32, #tpu.memory_space<hbm>> -> memref<245760x128xf32, #tpu.memory_space<hbm>>
    tpu.wait_indirect_dma semaphore(%arg13 : memref<!tpu.dma_semaphore, #tpu.memory_space<semaphore_mem>>) src(%dma_wait3A_2982 : memref<245760x128xf32, #tpu.memory_space<hbm>>) dst(%arg7 : memref<128x128xf32, #tpu.memory_space<vmem>>)
    %add3A_2983 = arith.constant 192 : i32
    %add3A_2984 = arith.addi %mul3A_2, %add3A_2983 : i32
    %mul3A_2985 = arith.constant 8 : i32
    %mul3A_2986 = arith.muli %add3A_2984, %mul3A_2985 : i32
    %dma_start3A_2987 = arith.constant 0 : i32
    %dma_start3A_2988 = tpu.memref_slice %arg4[%mul3A_2986, %dma_start3A_2987] : memref<131072x128xf32, #tpu.memory_space<hbm>> -> memref<128x128xf32, #tpu.memory_space<hbm>>
    %dma_start3A_2989 = arith.constant 0 : i32
    %dma_start3A_2990 = tpu.memref_slice %arg4[%mul3A_2986, %dma_start3A_2989] : memref<131072x128xf32, #tpu.memory_space<hbm>> -> memref<128x128xf32, #tpu.memory_space<hbm>>
    tpu.enqueue_dma source(%arg7 : memref<128x128xf32, #tpu.memory_space<vmem>>) target(%dma_start3A_2990 : memref<128x128xf32, #tpu.memory_space<hbm>>) target_semaphore(%arg19 : memref<!tpu.dma_semaphore, #tpu.memory_space<semaphore_mem>>)
    %dma_wait3A_2991 = arith.constant 0 : i32
    %dma_wait3A_2992 = tpu.memref_slice %arg4[%mul3A_2986, %dma_wait3A_2991] : memref<131072x128xf32, #tpu.memory_space<hbm>> -> memref<128x128xf32, #tpu.memory_space<hbm>>
    %dma_wait3A_2993 = arith.constant 0 : i32
    %dma_wait3A_2994 = tpu.memref_slice %arg4[%mul3A_2986, %dma_wait3A_2993] : memref<131072x128xf32, #tpu.memory_space<hbm>> -> memref<128x128xf32, #tpu.memory_space<hbm>>
    tpu.wait_dma2 semaphore(%arg19 : memref<!tpu.dma_semaphore, #tpu.memory_space<semaphore_mem>>) src(%arg7 : memref<128x128xf32, #tpu.memory_space<vmem>>) dst(%dma_wait3A_2994 : memref<128x128xf32, #tpu.memory_space<hbm>>)
    %dma_start3A_2995 = arith.constant 2304 : i32
    %dma_start3A_2996 = tpu.memref_slice %arg6[%dma_start3A_2995] : memref<4096xi32, #tpu.memory_space<vmem>> -> memref<128xi32, #tpu.memory_space<vmem>>
    %dma_start3A_2997 = arith.constant 0 : i32
    %dma_start3A_2998 = arith.constant 0 : i32
    %dma_start3A_2999 = tpu.memref_slice %arg3[%dma_start3A_2997, %dma_start3A_2998] : memref<245760x128xf32, #tpu.memory_space<hbm>> -> memref<245760x128xf32, #tpu.memory_space<hbm>>
    tpu.enqueue_indirect_dma source(%dma_start3A_2999 : memref<245760x128xf32, #tpu.memory_space<hbm>>) target(%arg7 : memref<128x128xf32, #tpu.memory_space<vmem>>) offsets(%dma_start3A_2996 : memref<128xi32, #tpu.memory_space<vmem>>) semaphore(%arg13 : memref<!tpu.dma_semaphore, #tpu.memory_space<semaphore_mem>>)
    %dma_wait3A_3000 = arith.constant 1664 : i32
    %dma_wait3A_3001 = tpu.memref_slice %arg6[%dma_wait3A_3000] : memref<4096xi32, #tpu.memory_space<vmem>> -> memref<128xi32, #tpu.memory_space<vmem>>
    %dma_wait3A_3002 = arith.constant 0 : i32
    %dma_wait3A_3003 = arith.constant 0 : i32
    %dma_wait3A_3004 = tpu.memref_slice %arg3[%dma_wait3A_3002, %dma_wait3A_3003] : memref<245760x128xf32, #tpu.memory_space<hbm>> -> memref<245760x128xf32, #tpu.memory_space<hbm>>
    tpu.wait_indirect_dma semaphore(%arg14 : memref<!tpu.dma_semaphore, #tpu.memory_space<semaphore_mem>>) src(%dma_wait3A_3004 : memref<245760x128xf32, #tpu.memory_space<hbm>>) dst(%arg8 : memref<128x128xf32, #tpu.memory_space<vmem>>)
    %add3A_3005 = arith.constant 208 : i32
    %add3A_3006 = arith.addi %mul3A_2, %add3A_3005 : i32
    %mul3A_3007 = arith.constant 8 : i32
    %mul3A_3008 = arith.muli %add3A_3006, %mul3A_3007 : i32
    %dma_start3A_3009 = arith.constant 0 : i32
    %dma_start3A_3010 = tpu.memref_slice %arg4[%mul3A_3008, %dma_start3A_3009] : memref<131072x128xf32, #tpu.memory_space<hbm>> -> memref<128x128xf32, #tpu.memory_space<hbm>>
    %dma_start3A_3011 = arith.constant 0 : i32
    %dma_start3A_3012 = tpu.memref_slice %arg4[%mul3A_3008, %dma_start3A_3011] : memref<131072x128xf32, #tpu.memory_space<hbm>> -> memref<128x128xf32, #tpu.memory_space<hbm>>
    tpu.enqueue_dma source(%arg8 : memref<128x128xf32, #tpu.memory_space<vmem>>) target(%dma_start3A_3012 : memref<128x128xf32, #tpu.memory_space<hbm>>) target_semaphore(%arg20 : memref<!tpu.dma_semaphore, #tpu.memory_space<semaphore_mem>>)
    %dma_wait3A_3013 = arith.constant 0 : i32
    %dma_wait3A_3014 = tpu.memref_slice %arg4[%mul3A_3008, %dma_wait3A_3013] : memref<131072x128xf32, #tpu.memory_space<hbm>> -> memref<128x128xf32, #tpu.memory_space<hbm>>
    %dma_wait3A_3015 = arith.constant 0 : i32
    %dma_wait3A_3016 = tpu.memref_slice %arg4[%mul3A_3008, %dma_wait3A_3015] : memref<131072x128xf32, #tpu.memory_space<hbm>> -> memref<128x128xf32, #tpu.memory_space<hbm>>
    tpu.wait_dma2 semaphore(%arg20 : memref<!tpu.dma_semaphore, #tpu.memory_space<semaphore_mem>>) src(%arg8 : memref<128x128xf32, #tpu.memory_space<vmem>>) dst(%dma_wait3A_3016 : memref<128x128xf32, #tpu.memory_space<hbm>>)
    %dma_start3A_3017 = arith.constant 2432 : i32
    %dma_start3A_3018 = tpu.memref_slice %arg6[%dma_start3A_3017] : memref<4096xi32, #tpu.memory_space<vmem>> -> memref<128xi32, #tpu.memory_space<vmem>>
    %dma_start3A_3019 = arith.constant 0 : i32
    %dma_start3A_3020 = arith.constant 0 : i32
    %dma_start3A_3021 = tpu.memref_slice %arg3[%dma_start3A_3019, %dma_start3A_3020] : memref<245760x128xf32, #tpu.memory_space<hbm>> -> memref<245760x128xf32, #tpu.memory_space<hbm>>
    tpu.enqueue_indirect_dma source(%dma_start3A_3021 : memref<245760x128xf32, #tpu.memory_space<hbm>>) target(%arg8 : memref<128x128xf32, #tpu.memory_space<vmem>>) offsets(%dma_start3A_3018 : memref<128xi32, #tpu.memory_space<vmem>>) semaphore(%arg14 : memref<!tpu.dma_semaphore, #tpu.memory_space<semaphore_mem>>)
    %dma_wait3A_3022 = arith.constant 1792 : i32
    %dma_wait3A_3023 = tpu.memref_slice %arg6[%dma_wait3A_3022] : memref<4096xi32, #tpu.memory_space<vmem>> -> memref<128xi32, #tpu.memory_space<vmem>>
    %dma_wait3A_3024 = arith.constant 0 : i32
    %dma_wait3A_3025 = arith.constant 0 : i32
    %dma_wait3A_3026 = tpu.memref_slice %arg3[%dma_wait3A_3024, %dma_wait3A_3025] : memref<245760x128xf32, #tpu.memory_space<hbm>> -> memref<245760x128xf32, #tpu.memory_space<hbm>>
    tpu.wait_indirect_dma semaphore(%arg15 : memref<!tpu.dma_semaphore, #tpu.memory_space<semaphore_mem>>) src(%dma_wait3A_3026 : memref<245760x128xf32, #tpu.memory_space<hbm>>) dst(%arg9 : memref<128x128xf32, #tpu.memory_space<vmem>>)
    %add3A_3027 = arith.constant 224 : i32
    %add3A_3028 = arith.addi %mul3A_2, %add3A_3027 : i32
    %mul3A_3029 = arith.constant 8 : i32
    %mul3A_3030 = arith.muli %add3A_3028, %mul3A_3029 : i32
    %dma_start3A_3031 = arith.constant 0 : i32
    %dma_start3A_3032 = tpu.memref_slice %arg4[%mul3A_3030, %dma_start3A_3031] : memref<131072x128xf32, #tpu.memory_space<hbm>> -> memref<128x128xf32, #tpu.memory_space<hbm>>
    %dma_start3A_3033 = arith.constant 0 : i32
    %dma_start3A_3034 = tpu.memref_slice %arg4[%mul3A_3030, %dma_start3A_3033] : memref<131072x128xf32, #tpu.memory_space<hbm>> -> memref<128x128xf32, #tpu.memory_space<hbm>>
    tpu.enqueue_dma source(%arg9 : memref<128x128xf32, #tpu.memory_space<vmem>>) target(%dma_start3A_3034 : memref<128x128xf32, #tpu.memory_space<hbm>>) target_semaphore(%arg21 : memref<!tpu.dma_semaphore, #tpu.memory_space<semaphore_mem>>)
    %dma_wait3A_3035 = arith.constant 0 : i32
    %dma_wait3A_3036 = tpu.memref_slice %arg4[%mul3A_3030, %dma_wait3A_3035] : memref<131072x128xf32, #tpu.memory_space<hbm>> -> memref<128x128xf32, #tpu.memory_space<hbm>>
    %dma_wait3A_3037 = arith.constant 0 : i32
    %dma_wait3A_3038 = tpu.memref_slice %arg4[%mul3A_3030, %dma_wait3A_3037] : memref<131072x128xf32, #tpu.memory_space<hbm>> -> memref<128x128xf32, #tpu.memory_space<hbm>>
    tpu.wait_dma2 semaphore(%arg21 : memref<!tpu.dma_semaphore, #tpu.memory_space<semaphore_mem>>) src(%arg9 : memref<128x128xf32, #tpu.memory_space<vmem>>) dst(%dma_wait3A_3038 : memref<128x128xf32, #tpu.memory_space<hbm>>)
    %dma_start3A_3039 = arith.constant 2560 : i32
    %dma_start3A_3040 = tpu.memref_slice %arg6[%dma_start3A_3039] : memref<4096xi32, #tpu.memory_space<vmem>> -> memref<128xi32, #tpu.memory_space<vmem>>
    %dma_start3A_3041 = arith.constant 0 : i32
    %dma_start3A_3042 = arith.constant 0 : i32
    %dma_start3A_3043 = tpu.memref_slice %arg3[%dma_start3A_3041, %dma_start3A_3042] : memref<245760x128xf32, #tpu.memory_space<hbm>> -> memref<245760x128xf32, #tpu.memory_space<hbm>>
    tpu.enqueue_indirect_dma source(%dma_start3A_3043 : memref<245760x128xf32, #tpu.memory_space<hbm>>) target(%arg9 : memref<128x128xf32, #tpu.memory_space<vmem>>) offsets(%dma_start3A_3040 : memref<128xi32, #tpu.memory_space<vmem>>) semaphore(%arg15 : memref<!tpu.dma_semaphore, #tpu.memory_space<semaphore_mem>>)
    %dma_wait3A_3044 = arith.constant 1920 : i32
    %dma_wait3A_3045 = tpu.memref_slice %arg6[%dma_wait3A_3044] : memref<4096xi32, #tpu.memory_space<vmem>> -> memref<128xi32, #tpu.memory_space<vmem>>
    %dma_wait3A_3046 = arith.constant 0 : i32
    %dma_wait3A_3047 = arith.constant 0 : i32
    %dma_wait3A_3048 = tpu.memref_slice %arg3[%dma_wait3A_3046, %dma_wait3A_3047] : memref<245760x128xf32, #tpu.memory_space<hbm>> -> memref<245760x128xf32, #tpu.memory_space<hbm>>
    tpu.wait_indirect_dma semaphore(%arg16 : memref<!tpu.dma_semaphore, #tpu.memory_space<semaphore_mem>>) src(%dma_wait3A_3048 : memref<245760x128xf32, #tpu.memory_space<hbm>>) dst(%arg10 : memref<128x128xf32, #tpu.memory_space<vmem>>)
    %add3A_3049 = arith.constant 240 : i32
    %add3A_3050 = arith.addi %mul3A_2, %add3A_3049 : i32
    %mul3A_3051 = arith.constant 8 : i32
    %mul3A_3052 = arith.muli %add3A_3050, %mul3A_3051 : i32
    %dma_start3A_3053 = arith.constant 0 : i32
    %dma_start3A_3054 = tpu.memref_slice %arg4[%mul3A_3052, %dma_start3A_3053] : memref<131072x128xf32, #tpu.memory_space<hbm>> -> memref<128x128xf32, #tpu.memory_space<hbm>>
    %dma_start3A_3055 = arith.constant 0 : i32
    %dma_start3A_3056 = tpu.memref_slice %arg4[%mul3A_3052, %dma_start3A_3055] : memref<131072x128xf32, #tpu.memory_space<hbm>> -> memref<128x128xf32, #tpu.memory_space<hbm>>
    tpu.enqueue_dma source(%arg10 : memref<128x128xf32, #tpu.memory_space<vmem>>) target(%dma_start3A_3056 : memref<128x128xf32, #tpu.memory_space<hbm>>) target_semaphore(%arg22 : memref<!tpu.dma_semaphore, #tpu.memory_space<semaphore_mem>>)
    %dma_wait3A_3057 = arith.constant 0 : i32
    %dma_wait3A_3058 = tpu.memref_slice %arg4[%mul3A_3052, %dma_wait3A_3057] : memref<131072x128xf32, #tpu.memory_space<hbm>> -> memref<128x128xf32, #tpu.memory_space<hbm>>
    %dma_wait3A_3059 = arith.constant 0 : i32
    %dma_wait3A_3060 = tpu.memref_slice %arg4[%mul3A_3052, %dma_wait3A_3059] : memref<131072x128xf32, #tpu.memory_space<hbm>> -> memref<128x128xf32, #tpu.memory_space<hbm>>
    tpu.wait_dma2 semaphore(%arg22 : memref<!tpu.dma_semaphore, #tpu.memory_space<semaphore_mem>>) src(%arg10 : memref<128x128xf32, #tpu.memory_space<vmem>>) dst(%dma_wait3A_3060 : memref<128x128xf32, #tpu.memory_space<hbm>>)
    %dma_start3A_3061 = arith.constant 2688 : i32
    %dma_start3A_3062 = tpu.memref_slice %arg6[%dma_start3A_3061] : memref<4096xi32, #tpu.memory_space<vmem>> -> memref<128xi32, #tpu.memory_space<vmem>>
    %dma_start3A_3063 = arith.constant 0 : i32
    %dma_start3A_3064 = arith.constant 0 : i32
    %dma_start3A_3065 = tpu.memref_slice %arg3[%dma_start3A_3063, %dma_start3A_3064] : memref<245760x128xf32, #tpu.memory_space<hbm>> -> memref<245760x128xf32, #tpu.memory_space<hbm>>
    tpu.enqueue_indirect_dma source(%dma_start3A_3065 : memref<245760x128xf32, #tpu.memory_space<hbm>>) target(%arg10 : memref<128x128xf32, #tpu.memory_space<vmem>>) offsets(%dma_start3A_3062 : memref<128xi32, #tpu.memory_space<vmem>>) semaphore(%arg16 : memref<!tpu.dma_semaphore, #tpu.memory_space<semaphore_mem>>)
    %dma_wait3A_3066 = arith.constant 2048 : i32
    %dma_wait3A_3067 = tpu.memref_slice %arg6[%dma_wait3A_3066] : memref<4096xi32, #tpu.memory_space<vmem>> -> memref<128xi32, #tpu.memory_space<vmem>>
    %dma_wait3A_3068 = arith.constant 0 : i32
    %dma_wait3A_3069 = arith.constant 0 : i32
    %dma_wait3A_3070 = tpu.memref_slice %arg3[%dma_wait3A_3068, %dma_wait3A_3069] : memref<245760x128xf32, #tpu.memory_space<hbm>> -> memref<245760x128xf32, #tpu.memory_space<hbm>>
    tpu.wait_indirect_dma semaphore(%arg17 : memref<!tpu.dma_semaphore, #tpu.memory_space<semaphore_mem>>) src(%dma_wait3A_3070 : memref<245760x128xf32, #tpu.memory_space<hbm>>) dst(%arg11 : memref<128x128xf32, #tpu.memory_space<vmem>>)
    %add3A_3071 = arith.constant 256 : i32
    %add3A_3072 = arith.addi %mul3A_2, %add3A_3071 : i32
    %mul3A_3073 = arith.constant 8 : i32
    %mul3A_3074 = arith.muli %add3A_3072, %mul3A_3073 : i32
    %dma_start3A_3075 = arith.constant 0 : i32
    %dma_start3A_3076 = tpu.memref_slice %arg4[%mul3A_3074, %dma_start3A_3075] : memref<131072x128xf32, #tpu.memory_space<hbm>> -> memref<128x128xf32, #tpu.memory_space<hbm>>
    %dma_start3A_3077 = arith.constant 0 : i32
    %dma_start3A_3078 = tpu.memref_slice %arg4[%mul3A_3074, %dma_start3A_3077] : memref<131072x128xf32, #tpu.memory_space<hbm>> -> memref<128x128xf32, #tpu.memory_space<hbm>>
    tpu.enqueue_dma source(%arg11 : memref<128x128xf32, #tpu.memory_space<vmem>>) target(%dma_start3A_3078 : memref<128x128xf32, #tpu.memory_space<hbm>>) target_semaphore(%arg23 : memref<!tpu.dma_semaphore, #tpu.memory_space<semaphore_mem>>)
    %dma_wait3A_3079 = arith.constant 0 : i32
    %dma_wait3A_3080 = tpu.memref_slice %arg4[%mul3A_3074, %dma_wait3A_3079] : memref<131072x128xf32, #tpu.memory_space<hbm>> -> memref<128x128xf32, #tpu.memory_space<hbm>>
    %dma_wait3A_3081 = arith.constant 0 : i32
    %dma_wait3A_3082 = tpu.memref_slice %arg4[%mul3A_3074, %dma_wait3A_3081] : memref<131072x128xf32, #tpu.memory_space<hbm>> -> memref<128x128xf32, #tpu.memory_space<hbm>>
    tpu.wait_dma2 semaphore(%arg23 : memref<!tpu.dma_semaphore, #tpu.memory_space<semaphore_mem>>) src(%arg11 : memref<128x128xf32, #tpu.memory_space<vmem>>) dst(%dma_wait3A_3082 : memref<128x128xf32, #tpu.memory_space<hbm>>)
    %dma_start3A_3083 = arith.constant 2816 : i32
    %dma_start3A_3084 = tpu.memref_slice %arg6[%dma_start3A_3083] : memref<4096xi32, #tpu.memory_space<vmem>> -> memref<128xi32, #tpu.memory_space<vmem>>
    %dma_start3A_3085 = arith.constant 0 : i32
    %dma_start3A_3086 = arith.constant 0 : i32
    %dma_start3A_3087 = tpu.memref_slice %arg3[%dma_start3A_3085, %dma_start3A_3086] : memref<245760x128xf32, #tpu.memory_space<hbm>> -> memref<245760x128xf32, #tpu.memory_space<hbm>>
    tpu.enqueue_indirect_dma source(%dma_start3A_3087 : memref<245760x128xf32, #tpu.memory_space<hbm>>) target(%arg11 : memref<128x128xf32, #tpu.memory_space<vmem>>) offsets(%dma_start3A_3084 : memref<128xi32, #tpu.memory_space<vmem>>) semaphore(%arg17 : memref<!tpu.dma_semaphore, #tpu.memory_space<semaphore_mem>>)
    %dma_wait3A_3088 = arith.constant 2176 : i32
    %dma_wait3A_3089 = tpu.memref_slice %arg6[%dma_wait3A_3088] : memref<4096xi32, #tpu.memory_space<vmem>> -> memref<128xi32, #tpu.memory_space<vmem>>
    %dma_wait3A_3090 = arith.constant 0 : i32
    %dma_wait3A_3091 = arith.constant 0 : i32
    %dma_wait3A_3092 = tpu.memref_slice %arg3[%dma_wait3A_3090, %dma_wait3A_3091] : memref<245760x128xf32, #tpu.memory_space<hbm>> -> memref<245760x128xf32, #tpu.memory_space<hbm>>
    tpu.wait_indirect_dma semaphore(%arg18 : memref<!tpu.dma_semaphore, #tpu.memory_space<semaphore_mem>>) src(%dma_wait3A_3092 : memref<245760x128xf32, #tpu.memory_space<hbm>>) dst(%arg12 : memref<128x128xf32, #tpu.memory_space<vmem>>)
    %add3A_3093 = arith.constant 272 : i32
    %add3A_3094 = arith.addi %mul3A_2, %add3A_3093 : i32
    %mul3A_3095 = arith.constant 8 : i32
    %mul3A_3096 = arith.muli %add3A_3094, %mul3A_3095 : i32
    %dma_start3A_3097 = arith.constant 0 : i32
    %dma_start3A_3098 = tpu.memref_slice %arg4[%mul3A_3096, %dma_start3A_3097] : memref<131072x128xf32, #tpu.memory_space<hbm>> -> memref<128x128xf32, #tpu.memory_space<hbm>>
    %dma_start3A_3099 = arith.constant 0 : i32
    %dma_start3A_3100 = tpu.memref_slice %arg4[%mul3A_3096, %dma_start3A_3099] : memref<131072x128xf32, #tpu.memory_space<hbm>> -> memref<128x128xf32, #tpu.memory_space<hbm>>
    tpu.enqueue_dma source(%arg12 : memref<128x128xf32, #tpu.memory_space<vmem>>) target(%dma_start3A_3100 : memref<128x128xf32, #tpu.memory_space<hbm>>) target_semaphore(%arg24 : memref<!tpu.dma_semaphore, #tpu.memory_space<semaphore_mem>>)
    %dma_wait3A_3101 = arith.constant 0 : i32
    %dma_wait3A_3102 = tpu.memref_slice %arg4[%mul3A_3096, %dma_wait3A_3101] : memref<131072x128xf32, #tpu.memory_space<hbm>> -> memref<128x128xf32, #tpu.memory_space<hbm>>
    %dma_wait3A_3103 = arith.constant 0 : i32
    %dma_wait3A_3104 = tpu.memref_slice %arg4[%mul3A_3096, %dma_wait3A_3103] : memref<131072x128xf32, #tpu.memory_space<hbm>> -> memref<128x128xf32, #tpu.memory_space<hbm>>
    tpu.wait_dma2 semaphore(%arg24 : memref<!tpu.dma_semaphore, #tpu.memory_space<semaphore_mem>>) src(%arg12 : memref<128x128xf32, #tpu.memory_space<vmem>>) dst(%dma_wait3A_3104 : memref<128x128xf32, #tpu.memory_space<hbm>>)
    %dma_start3A_3105 = arith.constant 2944 : i32
    %dma_start3A_3106 = tpu.memref_slice %arg6[%dma_start3A_3105] : memref<4096xi32, #tpu.memory_space<vmem>> -> memref<128xi32, #tpu.memory_space<vmem>>
    %dma_start3A_3107 = arith.constant 0 : i32
    %dma_start3A_3108 = arith.constant 0 : i32
    %dma_start3A_3109 = tpu.memref_slice %arg3[%dma_start3A_3107, %dma_start3A_3108] : memref<245760x128xf32, #tpu.memory_space<hbm>> -> memref<245760x128xf32, #tpu.memory_space<hbm>>
    tpu.enqueue_indirect_dma source(%dma_start3A_3109 : memref<245760x128xf32, #tpu.memory_space<hbm>>) target(%arg12 : memref<128x128xf32, #tpu.memory_space<vmem>>) offsets(%dma_start3A_3106 : memref<128xi32, #tpu.memory_space<vmem>>) semaphore(%arg18 : memref<!tpu.dma_semaphore, #tpu.memory_space<semaphore_mem>>)
    %dma_wait3A_3110 = arith.constant 2304 : i32
    %dma_wait3A_3111 = tpu.memref_slice %arg6[%dma_wait3A_3110] : memref<4096xi32, #tpu.memory_space<vmem>> -> memref<128xi32, #tpu.memory_space<vmem>>
    %dma_wait3A_3112 = arith.constant 0 : i32
    %dma_wait3A_3113 = arith.constant 0 : i32
    %dma_wait3A_3114 = tpu.memref_slice %arg3[%dma_wait3A_3112, %dma_wait3A_3113] : memref<245760x128xf32, #tpu.memory_space<hbm>> -> memref<245760x128xf32, #tpu.memory_space<hbm>>
    tpu.wait_indirect_dma semaphore(%arg13 : memref<!tpu.dma_semaphore, #tpu.memory_space<semaphore_mem>>) src(%dma_wait3A_3114 : memref<245760x128xf32, #tpu.memory_space<hbm>>) dst(%arg7 : memref<128x128xf32, #tpu.memory_space<vmem>>)
    %add3A_3115 = arith.constant 288 : i32
    %add3A_3116 = arith.addi %mul3A_2, %add3A_3115 : i32
    %mul3A_3117 = arith.constant 8 : i32
    %mul3A_3118 = arith.muli %add3A_3116, %mul3A_3117 : i32
    %dma_start3A_3119 = arith.constant 0 : i32
    %dma_start3A_3120 = tpu.memref_slice %arg4[%mul3A_3118, %dma_start3A_3119] : memref<131072x128xf32, #tpu.memory_space<hbm>> -> memref<128x128xf32, #tpu.memory_space<hbm>>
    %dma_start3A_3121 = arith.constant 0 : i32
    %dma_start3A_3122 = tpu.memref_slice %arg4[%mul3A_3118, %dma_start3A_3121] : memref<131072x128xf32, #tpu.memory_space<hbm>> -> memref<128x128xf32, #tpu.memory_space<hbm>>
    tpu.enqueue_dma source(%arg7 : memref<128x128xf32, #tpu.memory_space<vmem>>) target(%dma_start3A_3122 : memref<128x128xf32, #tpu.memory_space<hbm>>) target_semaphore(%arg19 : memref<!tpu.dma_semaphore, #tpu.memory_space<semaphore_mem>>)
    %dma_wait3A_3123 = arith.constant 0 : i32
    %dma_wait3A_3124 = tpu.memref_slice %arg4[%mul3A_3118, %dma_wait3A_3123] : memref<131072x128xf32, #tpu.memory_space<hbm>> -> memref<128x128xf32, #tpu.memory_space<hbm>>
    %dma_wait3A_3125 = arith.constant 0 : i32
    %dma_wait3A_3126 = tpu.memref_slice %arg4[%mul3A_3118, %dma_wait3A_3125] : memref<131072x128xf32, #tpu.memory_space<hbm>> -> memref<128x128xf32, #tpu.memory_space<hbm>>
    tpu.wait_dma2 semaphore(%arg19 : memref<!tpu.dma_semaphore, #tpu.memory_space<semaphore_mem>>) src(%arg7 : memref<128x128xf32, #tpu.memory_space<vmem>>) dst(%dma_wait3A_3126 : memref<128x128xf32, #tpu.memory_space<hbm>>)
    %dma_start3A_3127 = arith.constant 3072 : i32
    %dma_start3A_3128 = tpu.memref_slice %arg6[%dma_start3A_3127] : memref<4096xi32, #tpu.memory_space<vmem>> -> memref<128xi32, #tpu.memory_space<vmem>>
    %dma_start3A_3129 = arith.constant 0 : i32
    %dma_start3A_3130 = arith.constant 0 : i32
    %dma_start3A_3131 = tpu.memref_slice %arg3[%dma_start3A_3129, %dma_start3A_3130] : memref<245760x128xf32, #tpu.memory_space<hbm>> -> memref<245760x128xf32, #tpu.memory_space<hbm>>
    tpu.enqueue_indirect_dma source(%dma_start3A_3131 : memref<245760x128xf32, #tpu.memory_space<hbm>>) target(%arg7 : memref<128x128xf32, #tpu.memory_space<vmem>>) offsets(%dma_start3A_3128 : memref<128xi32, #tpu.memory_space<vmem>>) semaphore(%arg13 : memref<!tpu.dma_semaphore, #tpu.memory_space<semaphore_mem>>)
    %dma_wait3A_3132 = arith.constant 2432 : i32
    %dma_wait3A_3133 = tpu.memref_slice %arg6[%dma_wait3A_3132] : memref<4096xi32, #tpu.memory_space<vmem>> -> memref<128xi32, #tpu.memory_space<vmem>>
    %dma_wait3A_3134 = arith.constant 0 : i32
    %dma_wait3A_3135 = arith.constant 0 : i32
    %dma_wait3A_3136 = tpu.memref_slice %arg3[%dma_wait3A_3134, %dma_wait3A_3135] : memref<245760x128xf32, #tpu.memory_space<hbm>> -> memref<245760x128xf32, #tpu.memory_space<hbm>>
    tpu.wait_indirect_dma semaphore(%arg14 : memref<!tpu.dma_semaphore, #tpu.memory_space<semaphore_mem>>) src(%dma_wait3A_3136 : memref<245760x128xf32, #tpu.memory_space<hbm>>) dst(%arg8 : memref<128x128xf32, #tpu.memory_space<vmem>>)
    %add3A_3137 = arith.constant 304 : i32
    %add3A_3138 = arith.addi %mul3A_2, %add3A_3137 : i32
    %mul3A_3139 = arith.constant 8 : i32
    %mul3A_3140 = arith.muli %add3A_3138, %mul3A_3139 : i32
    %dma_start3A_3141 = arith.constant 0 : i32
    %dma_start3A_3142 = tpu.memref_slice %arg4[%mul3A_3140, %dma_start3A_3141] : memref<131072x128xf32, #tpu.memory_space<hbm>> -> memref<128x128xf32, #tpu.memory_space<hbm>>
    %dma_start3A_3143 = arith.constant 0 : i32
    %dma_start3A_3144 = tpu.memref_slice %arg4[%mul3A_3140, %dma_start3A_3143] : memref<131072x128xf32, #tpu.memory_space<hbm>> -> memref<128x128xf32, #tpu.memory_space<hbm>>
    tpu.enqueue_dma source(%arg8 : memref<128x128xf32, #tpu.memory_space<vmem>>) target(%dma_start3A_3144 : memref<128x128xf32, #tpu.memory_space<hbm>>) target_semaphore(%arg20 : memref<!tpu.dma_semaphore, #tpu.memory_space<semaphore_mem>>)
    %dma_wait3A_3145 = arith.constant 0 : i32
    %dma_wait3A_3146 = tpu.memref_slice %arg4[%mul3A_3140, %dma_wait3A_3145] : memref<131072x128xf32, #tpu.memory_space<hbm>> -> memref<128x128xf32, #tpu.memory_space<hbm>>
    %dma_wait3A_3147 = arith.constant 0 : i32
    %dma_wait3A_3148 = tpu.memref_slice %arg4[%mul3A_3140, %dma_wait3A_3147] : memref<131072x128xf32, #tpu.memory_space<hbm>> -> memref<128x128xf32, #tpu.memory_space<hbm>>
    tpu.wait_dma2 semaphore(%arg20 : memref<!tpu.dma_semaphore, #tpu.memory_space<semaphore_mem>>) src(%arg8 : memref<128x128xf32, #tpu.memory_space<vmem>>) dst(%dma_wait3A_3148 : memref<128x128xf32, #tpu.memory_space<hbm>>)
    %dma_start3A_3149 = arith.constant 3200 : i32
    %dma_start3A_3150 = tpu.memref_slice %arg6[%dma_start3A_3149] : memref<4096xi32, #tpu.memory_space<vmem>> -> memref<128xi32, #tpu.memory_space<vmem>>
    %dma_start3A_3151 = arith.constant 0 : i32
    %dma_start3A_3152 = arith.constant 0 : i32
    %dma_start3A_3153 = tpu.memref_slice %arg3[%dma_start3A_3151, %dma_start3A_3152] : memref<245760x128xf32, #tpu.memory_space<hbm>> -> memref<245760x128xf32, #tpu.memory_space<hbm>>
    tpu.enqueue_indirect_dma source(%dma_start3A_3153 : memref<245760x128xf32, #tpu.memory_space<hbm>>) target(%arg8 : memref<128x128xf32, #tpu.memory_space<vmem>>) offsets(%dma_start3A_3150 : memref<128xi32, #tpu.memory_space<vmem>>) semaphore(%arg14 : memref<!tpu.dma_semaphore, #tpu.memory_space<semaphore_mem>>)
    %dma_wait3A_3154 = arith.constant 2560 : i32
    %dma_wait3A_3155 = tpu.memref_slice %arg6[%dma_wait3A_3154] : memref<4096xi32, #tpu.memory_space<vmem>> -> memref<128xi32, #tpu.memory_space<vmem>>
    %dma_wait3A_3156 = arith.constant 0 : i32
    %dma_wait3A_3157 = arith.constant 0 : i32
    %dma_wait3A_3158 = tpu.memref_slice %arg3[%dma_wait3A_3156, %dma_wait3A_3157] : memref<245760x128xf32, #tpu.memory_space<hbm>> -> memref<245760x128xf32, #tpu.memory_space<hbm>>
    tpu.wait_indirect_dma semaphore(%arg15 : memref<!tpu.dma_semaphore, #tpu.memory_space<semaphore_mem>>) src(%dma_wait3A_3158 : memref<245760x128xf32, #tpu.memory_space<hbm>>) dst(%arg9 : memref<128x128xf32, #tpu.memory_space<vmem>>)
    %add3A_3159 = arith.constant 320 : i32
    %add3A_3160 = arith.addi %mul3A_2, %add3A_3159 : i32
    %mul3A_3161 = arith.constant 8 : i32
    %mul3A_3162 = arith.muli %add3A_3160, %mul3A_3161 : i32
    %dma_start3A_3163 = arith.constant 0 : i32
    %dma_start3A_3164 = tpu.memref_slice %arg4[%mul3A_3162, %dma_start3A_3163] : memref<131072x128xf32, #tpu.memory_space<hbm>> -> memref<128x128xf32, #tpu.memory_space<hbm>>
    %dma_start3A_3165 = arith.constant 0 : i32
    %dma_start3A_3166 = tpu.memref_slice %arg4[%mul3A_3162, %dma_start3A_3165] : memref<131072x128xf32, #tpu.memory_space<hbm>> -> memref<128x128xf32, #tpu.memory_space<hbm>>
    tpu.enqueue_dma source(%arg9 : memref<128x128xf32, #tpu.memory_space<vmem>>) target(%dma_start3A_3166 : memref<128x128xf32, #tpu.memory_space<hbm>>) target_semaphore(%arg21 : memref<!tpu.dma_semaphore, #tpu.memory_space<semaphore_mem>>)
    %dma_wait3A_3167 = arith.constant 0 : i32
    %dma_wait3A_3168 = tpu.memref_slice %arg4[%mul3A_3162, %dma_wait3A_3167] : memref<131072x128xf32, #tpu.memory_space<hbm>> -> memref<128x128xf32, #tpu.memory_space<hbm>>
    %dma_wait3A_3169 = arith.constant 0 : i32
    %dma_wait3A_3170 = tpu.memref_slice %arg4[%mul3A_3162, %dma_wait3A_3169] : memref<131072x128xf32, #tpu.memory_space<hbm>> -> memref<128x128xf32, #tpu.memory_space<hbm>>
    tpu.wait_dma2 semaphore(%arg21 : memref<!tpu.dma_semaphore, #tpu.memory_space<semaphore_mem>>) src(%arg9 : memref<128x128xf32, #tpu.memory_space<vmem>>) dst(%dma_wait3A_3170 : memref<128x128xf32, #tpu.memory_space<hbm>>)
    %dma_start3A_3171 = arith.constant 3328 : i32
    %dma_start3A_3172 = tpu.memref_slice %arg6[%dma_start3A_3171] : memref<4096xi32, #tpu.memory_space<vmem>> -> memref<128xi32, #tpu.memory_space<vmem>>
    %dma_start3A_3173 = arith.constant 0 : i32
    %dma_start3A_3174 = arith.constant 0 : i32
    %dma_start3A_3175 = tpu.memref_slice %arg3[%dma_start3A_3173, %dma_start3A_3174] : memref<245760x128xf32, #tpu.memory_space<hbm>> -> memref<245760x128xf32, #tpu.memory_space<hbm>>
    tpu.enqueue_indirect_dma source(%dma_start3A_3175 : memref<245760x128xf32, #tpu.memory_space<hbm>>) target(%arg9 : memref<128x128xf32, #tpu.memory_space<vmem>>) offsets(%dma_start3A_3172 : memref<128xi32, #tpu.memory_space<vmem>>) semaphore(%arg15 : memref<!tpu.dma_semaphore, #tpu.memory_space<semaphore_mem>>)
    %dma_wait3A_3176 = arith.constant 2688 : i32
    %dma_wait3A_3177 = tpu.memref_slice %arg6[%dma_wait3A_3176] : memref<4096xi32, #tpu.memory_space<vmem>> -> memref<128xi32, #tpu.memory_space<vmem>>
    %dma_wait3A_3178 = arith.constant 0 : i32
    %dma_wait3A_3179 = arith.constant 0 : i32
    %dma_wait3A_3180 = tpu.memref_slice %arg3[%dma_wait3A_3178, %dma_wait3A_3179] : memref<245760x128xf32, #tpu.memory_space<hbm>> -> memref<245760x128xf32, #tpu.memory_space<hbm>>
    tpu.wait_indirect_dma semaphore(%arg16 : memref<!tpu.dma_semaphore, #tpu.memory_space<semaphore_mem>>) src(%dma_wait3A_3180 : memref<245760x128xf32, #tpu.memory_space<hbm>>) dst(%arg10 : memref<128x128xf32, #tpu.memory_space<vmem>>)
    %add3A_3181 = arith.constant 336 : i32
    %add3A_3182 = arith.addi %mul3A_2, %add3A_3181 : i32
    %mul3A_3183 = arith.constant 8 : i32
    %mul3A_3184 = arith.muli %add3A_3182, %mul3A_3183 : i32
    %dma_start3A_3185 = arith.constant 0 : i32
    %dma_start3A_3186 = tpu.memref_slice %arg4[%mul3A_3184, %dma_start3A_3185] : memref<131072x128xf32, #tpu.memory_space<hbm>> -> memref<128x128xf32, #tpu.memory_space<hbm>>
    %dma_start3A_3187 = arith.constant 0 : i32
    %dma_start3A_3188 = tpu.memref_slice %arg4[%mul3A_3184, %dma_start3A_3187] : memref<131072x128xf32, #tpu.memory_space<hbm>> -> memref<128x128xf32, #tpu.memory_space<hbm>>
    tpu.enqueue_dma source(%arg10 : memref<128x128xf32, #tpu.memory_space<vmem>>) target(%dma_start3A_3188 : memref<128x128xf32, #tpu.memory_space<hbm>>) target_semaphore(%arg22 : memref<!tpu.dma_semaphore, #tpu.memory_space<semaphore_mem>>)
    %dma_wait3A_3189 = arith.constant 0 : i32
    %dma_wait3A_3190 = tpu.memref_slice %arg4[%mul3A_3184, %dma_wait3A_3189] : memref<131072x128xf32, #tpu.memory_space<hbm>> -> memref<128x128xf32, #tpu.memory_space<hbm>>
    %dma_wait3A_3191 = arith.constant 0 : i32
    %dma_wait3A_3192 = tpu.memref_slice %arg4[%mul3A_3184, %dma_wait3A_3191] : memref<131072x128xf32, #tpu.memory_space<hbm>> -> memref<128x128xf32, #tpu.memory_space<hbm>>
    tpu.wait_dma2 semaphore(%arg22 : memref<!tpu.dma_semaphore, #tpu.memory_space<semaphore_mem>>) src(%arg10 : memref<128x128xf32, #tpu.memory_space<vmem>>) dst(%dma_wait3A_3192 : memref<128x128xf32, #tpu.memory_space<hbm>>)
    %dma_start3A_3193 = arith.constant 3456 : i32
    %dma_start3A_3194 = tpu.memref_slice %arg6[%dma_start3A_3193] : memref<4096xi32, #tpu.memory_space<vmem>> -> memref<128xi32, #tpu.memory_space<vmem>>
    %dma_start3A_3195 = arith.constant 0 : i32
    %dma_start3A_3196 = arith.constant 0 : i32
    %dma_start3A_3197 = tpu.memref_slice %arg3[%dma_start3A_3195, %dma_start3A_3196] : memref<245760x128xf32, #tpu.memory_space<hbm>> -> memref<245760x128xf32, #tpu.memory_space<hbm>>
    tpu.enqueue_indirect_dma source(%dma_start3A_3197 : memref<245760x128xf32, #tpu.memory_space<hbm>>) target(%arg10 : memref<128x128xf32, #tpu.memory_space<vmem>>) offsets(%dma_start3A_3194 : memref<128xi32, #tpu.memory_space<vmem>>) semaphore(%arg16 : memref<!tpu.dma_semaphore, #tpu.memory_space<semaphore_mem>>)
    %dma_wait3A_3198 = arith.constant 2816 : i32
    %dma_wait3A_3199 = tpu.memref_slice %arg6[%dma_wait3A_3198] : memref<4096xi32, #tpu.memory_space<vmem>> -> memref<128xi32, #tpu.memory_space<vmem>>
    %dma_wait3A_3200 = arith.constant 0 : i32
    %dma_wait3A_3201 = arith.constant 0 : i32
    %dma_wait3A_3202 = tpu.memref_slice %arg3[%dma_wait3A_3200, %dma_wait3A_3201] : memref<245760x128xf32, #tpu.memory_space<hbm>> -> memref<245760x128xf32, #tpu.memory_space<hbm>>
    tpu.wait_indirect_dma semaphore(%arg17 : memref<!tpu.dma_semaphore, #tpu.memory_space<semaphore_mem>>) src(%dma_wait3A_3202 : memref<245760x128xf32, #tpu.memory_space<hbm>>) dst(%arg11 : memref<128x128xf32, #tpu.memory_space<vmem>>)
    %add3A_3203 = arith.constant 352 : i32
    %add3A_3204 = arith.addi %mul3A_2, %add3A_3203 : i32
    %mul3A_3205 = arith.constant 8 : i32
    %mul3A_3206 = arith.muli %add3A_3204, %mul3A_3205 : i32
    %dma_start3A_3207 = arith.constant 0 : i32
    %dma_start3A_3208 = tpu.memref_slice %arg4[%mul3A_3206, %dma_start3A_3207] : memref<131072x128xf32, #tpu.memory_space<hbm>> -> memref<128x128xf32, #tpu.memory_space<hbm>>
    %dma_start3A_3209 = arith.constant 0 : i32
    %dma_start3A_3210 = tpu.memref_slice %arg4[%mul3A_3206, %dma_start3A_3209] : memref<131072x128xf32, #tpu.memory_space<hbm>> -> memref<128x128xf32, #tpu.memory_space<hbm>>
    tpu.enqueue_dma source(%arg11 : memref<128x128xf32, #tpu.memory_space<vmem>>) target(%dma_start3A_3210 : memref<128x128xf32, #tpu.memory_space<hbm>>) target_semaphore(%arg23 : memref<!tpu.dma_semaphore, #tpu.memory_space<semaphore_mem>>)
    %dma_wait3A_3211 = arith.constant 0 : i32
    %dma_wait3A_3212 = tpu.memref_slice %arg4[%mul3A_3206, %dma_wait3A_3211] : memref<131072x128xf32, #tpu.memory_space<hbm>> -> memref<128x128xf32, #tpu.memory_space<hbm>>
    %dma_wait3A_3213 = arith.constant 0 : i32
    %dma_wait3A_3214 = tpu.memref_slice %arg4[%mul3A_3206, %dma_wait3A_3213] : memref<131072x128xf32, #tpu.memory_space<hbm>> -> memref<128x128xf32, #tpu.memory_space<hbm>>
    tpu.wait_dma2 semaphore(%arg23 : memref<!tpu.dma_semaphore, #tpu.memory_space<semaphore_mem>>) src(%arg11 : memref<128x128xf32, #tpu.memory_space<vmem>>) dst(%dma_wait3A_3214 : memref<128x128xf32, #tpu.memory_space<hbm>>)
    %dma_start3A_3215 = arith.constant 3584 : i32
    %dma_start3A_3216 = tpu.memref_slice %arg6[%dma_start3A_3215] : memref<4096xi32, #tpu.memory_space<vmem>> -> memref<128xi32, #tpu.memory_space<vmem>>
    %dma_start3A_3217 = arith.constant 0 : i32
    %dma_start3A_3218 = arith.constant 0 : i32
    %dma_start3A_3219 = tpu.memref_slice %arg3[%dma_start3A_3217, %dma_start3A_3218] : memref<245760x128xf32, #tpu.memory_space<hbm>> -> memref<245760x128xf32, #tpu.memory_space<hbm>>
    tpu.enqueue_indirect_dma source(%dma_start3A_3219 : memref<245760x128xf32, #tpu.memory_space<hbm>>) target(%arg11 : memref<128x128xf32, #tpu.memory_space<vmem>>) offsets(%dma_start3A_3216 : memref<128xi32, #tpu.memory_space<vmem>>) semaphore(%arg17 : memref<!tpu.dma_semaphore, #tpu.memory_space<semaphore_mem>>)
    %dma_wait3A_3220 = arith.constant 2944 : i32
    %dma_wait3A_3221 = tpu.memref_slice %arg6[%dma_wait3A_3220] : memref<4096xi32, #tpu.memory_space<vmem>> -> memref<128xi32, #tpu.memory_space<vmem>>
    %dma_wait3A_3222 = arith.constant 0 : i32
    %dma_wait3A_3223 = arith.constant 0 : i32
    %dma_wait3A_3224 = tpu.memref_slice %arg3[%dma_wait3A_3222, %dma_wait3A_3223] : memref<245760x128xf32, #tpu.memory_space<hbm>> -> memref<245760x128xf32, #tpu.memory_space<hbm>>
    tpu.wait_indirect_dma semaphore(%arg18 : memref<!tpu.dma_semaphore, #tpu.memory_space<semaphore_mem>>) src(%dma_wait3A_3224 : memref<245760x128xf32, #tpu.memory_space<hbm>>) dst(%arg12 : memref<128x128xf32, #tpu.memory_space<vmem>>)
    %add3A_3225 = arith.constant 368 : i32
    %add3A_3226 = arith.addi %mul3A_2, %add3A_3225 : i32
    %mul3A_3227 = arith.constant 8 : i32
    %mul3A_3228 = arith.muli %add3A_3226, %mul3A_3227 : i32
    %dma_start3A_3229 = arith.constant 0 : i32
    %dma_start3A_3230 = tpu.memref_slice %arg4[%mul3A_3228, %dma_start3A_3229] : memref<131072x128xf32, #tpu.memory_space<hbm>> -> memref<128x128xf32, #tpu.memory_space<hbm>>
    %dma_start3A_3231 = arith.constant 0 : i32
    %dma_start3A_3232 = tpu.memref_slice %arg4[%mul3A_3228, %dma_start3A_3231] : memref<131072x128xf32, #tpu.memory_space<hbm>> -> memref<128x128xf32, #tpu.memory_space<hbm>>
    tpu.enqueue_dma source(%arg12 : memref<128x128xf32, #tpu.memory_space<vmem>>) target(%dma_start3A_3232 : memref<128x128xf32, #tpu.memory_space<hbm>>) target_semaphore(%arg24 : memref<!tpu.dma_semaphore, #tpu.memory_space<semaphore_mem>>)
    %dma_wait3A_3233 = arith.constant 0 : i32
    %dma_wait3A_3234 = tpu.memref_slice %arg4[%mul3A_3228, %dma_wait3A_3233] : memref<131072x128xf32, #tpu.memory_space<hbm>> -> memref<128x128xf32, #tpu.memory_space<hbm>>
    %dma_wait3A_3235 = arith.constant 0 : i32
    %dma_wait3A_3236 = tpu.memref_slice %arg4[%mul3A_3228, %dma_wait3A_3235] : memref<131072x128xf32, #tpu.memory_space<hbm>> -> memref<128x128xf32, #tpu.memory_space<hbm>>
    tpu.wait_dma2 semaphore(%arg24 : memref<!tpu.dma_semaphore, #tpu.memory_space<semaphore_mem>>) src(%arg12 : memref<128x128xf32, #tpu.memory_space<vmem>>) dst(%dma_wait3A_3236 : memref<128x128xf32, #tpu.memory_space<hbm>>)
    %dma_start3A_3237 = arith.constant 3712 : i32
    %dma_start3A_3238 = tpu.memref_slice %arg6[%dma_start3A_3237] : memref<4096xi32, #tpu.memory_space<vmem>> -> memref<128xi32, #tpu.memory_space<vmem>>
    %dma_start3A_3239 = arith.constant 0 : i32
    %dma_start3A_3240 = arith.constant 0 : i32
    %dma_start3A_3241 = tpu.memref_slice %arg3[%dma_start3A_3239, %dma_start3A_3240] : memref<245760x128xf32, #tpu.memory_space<hbm>> -> memref<245760x128xf32, #tpu.memory_space<hbm>>
    tpu.enqueue_indirect_dma source(%dma_start3A_3241 : memref<245760x128xf32, #tpu.memory_space<hbm>>) target(%arg12 : memref<128x128xf32, #tpu.memory_space<vmem>>) offsets(%dma_start3A_3238 : memref<128xi32, #tpu.memory_space<vmem>>) semaphore(%arg18 : memref<!tpu.dma_semaphore, #tpu.memory_space<semaphore_mem>>)
    %dma_wait3A_3242 = arith.constant 3072 : i32
    %dma_wait3A_3243 = tpu.memref_slice %arg6[%dma_wait3A_3242] : memref<4096xi32, #tpu.memory_space<vmem>> -> memref<128xi32, #tpu.memory_space<vmem>>
    %dma_wait3A_3244 = arith.constant 0 : i32
    %dma_wait3A_3245 = arith.constant 0 : i32
    %dma_wait3A_3246 = tpu.memref_slice %arg3[%dma_wait3A_3244, %dma_wait3A_3245] : memref<245760x128xf32, #tpu.memory_space<hbm>> -> memref<245760x128xf32, #tpu.memory_space<hbm>>
    tpu.wait_indirect_dma semaphore(%arg13 : memref<!tpu.dma_semaphore, #tpu.memory_space<semaphore_mem>>) src(%dma_wait3A_3246 : memref<245760x128xf32, #tpu.memory_space<hbm>>) dst(%arg7 : memref<128x128xf32, #tpu.memory_space<vmem>>)
    %add3A_3247 = arith.constant 384 : i32
    %add3A_3248 = arith.addi %mul3A_2, %add3A_3247 : i32
    %mul3A_3249 = arith.constant 8 : i32
    %mul3A_3250 = arith.muli %add3A_3248, %mul3A_3249 : i32
    %dma_start3A_3251 = arith.constant 0 : i32
    %dma_start3A_3252 = tpu.memref_slice %arg4[%mul3A_3250, %dma_start3A_3251] : memref<131072x128xf32, #tpu.memory_space<hbm>> -> memref<128x128xf32, #tpu.memory_space<hbm>>
    %dma_start3A_3253 = arith.constant 0 : i32
    %dma_start3A_3254 = tpu.memref_slice %arg4[%mul3A_3250, %dma_start3A_3253] : memref<131072x128xf32, #tpu.memory_space<hbm>> -> memref<128x128xf32, #tpu.memory_space<hbm>>
    tpu.enqueue_dma source(%arg7 : memref<128x128xf32, #tpu.memory_space<vmem>>) target(%dma_start3A_3254 : memref<128x128xf32, #tpu.memory_space<hbm>>) target_semaphore(%arg19 : memref<!tpu.dma_semaphore, #tpu.memory_space<semaphore_mem>>)
    %dma_wait3A_3255 = arith.constant 0 : i32
    %dma_wait3A_3256 = tpu.memref_slice %arg4[%mul3A_3250, %dma_wait3A_3255] : memref<131072x128xf32, #tpu.memory_space<hbm>> -> memref<128x128xf32, #tpu.memory_space<hbm>>
    %dma_wait3A_3257 = arith.constant 0 : i32
    %dma_wait3A_3258 = tpu.memref_slice %arg4[%mul3A_3250, %dma_wait3A_3257] : memref<131072x128xf32, #tpu.memory_space<hbm>> -> memref<128x128xf32, #tpu.memory_space<hbm>>
    tpu.wait_dma2 semaphore(%arg19 : memref<!tpu.dma_semaphore, #tpu.memory_space<semaphore_mem>>) src(%arg7 : memref<128x128xf32, #tpu.memory_space<vmem>>) dst(%dma_wait3A_3258 : memref<128x128xf32, #tpu.memory_space<hbm>>)
    %dma_start3A_3259 = arith.constant 3840 : i32
    %dma_start3A_3260 = tpu.memref_slice %arg6[%dma_start3A_3259] : memref<4096xi32, #tpu.memory_space<vmem>> -> memref<128xi32, #tpu.memory_space<vmem>>
    %dma_start3A_3261 = arith.constant 0 : i32
    %dma_start3A_3262 = arith.constant 0 : i32
    %dma_start3A_3263 = tpu.memref_slice %arg3[%dma_start3A_3261, %dma_start3A_3262] : memref<245760x128xf32, #tpu.memory_space<hbm>> -> memref<245760x128xf32, #tpu.memory_space<hbm>>
    tpu.enqueue_indirect_dma source(%dma_start3A_3263 : memref<245760x128xf32, #tpu.memory_space<hbm>>) target(%arg7 : memref<128x128xf32, #tpu.memory_space<vmem>>) offsets(%dma_start3A_3260 : memref<128xi32, #tpu.memory_space<vmem>>) semaphore(%arg13 : memref<!tpu.dma_semaphore, #tpu.memory_space<semaphore_mem>>)
    %dma_wait3A_3264 = arith.constant 3200 : i32
    %dma_wait3A_3265 = tpu.memref_slice %arg6[%dma_wait3A_3264] : memref<4096xi32, #tpu.memory_space<vmem>> -> memref<128xi32, #tpu.memory_space<vmem>>
    %dma_wait3A_3266 = arith.constant 0 : i32
    %dma_wait3A_3267 = arith.constant 0 : i32
    %dma_wait3A_3268 = tpu.memref_slice %arg3[%dma_wait3A_3266, %dma_wait3A_3267] : memref<245760x128xf32, #tpu.memory_space<hbm>> -> memref<245760x128xf32, #tpu.memory_space<hbm>>
    tpu.wait_indirect_dma semaphore(%arg14 : memref<!tpu.dma_semaphore, #tpu.memory_space<semaphore_mem>>) src(%dma_wait3A_3268 : memref<245760x128xf32, #tpu.memory_space<hbm>>) dst(%arg8 : memref<128x128xf32, #tpu.memory_space<vmem>>)
    %add3A_3269 = arith.constant 400 : i32
    %add3A_3270 = arith.addi %mul3A_2, %add3A_3269 : i32
    %mul3A_3271 = arith.constant 8 : i32
    %mul3A_3272 = arith.muli %add3A_3270, %mul3A_3271 : i32
    %dma_start3A_3273 = arith.constant 0 : i32
    %dma_start3A_3274 = tpu.memref_slice %arg4[%mul3A_3272, %dma_start3A_3273] : memref<131072x128xf32, #tpu.memory_space<hbm>> -> memref<128x128xf32, #tpu.memory_space<hbm>>
    %dma_start3A_3275 = arith.constant 0 : i32
    %dma_start3A_3276 = tpu.memref_slice %arg4[%mul3A_3272, %dma_start3A_3275] : memref<131072x128xf32, #tpu.memory_space<hbm>> -> memref<128x128xf32, #tpu.memory_space<hbm>>
    tpu.enqueue_dma source(%arg8 : memref<128x128xf32, #tpu.memory_space<vmem>>) target(%dma_start3A_3276 : memref<128x128xf32, #tpu.memory_space<hbm>>) target_semaphore(%arg20 : memref<!tpu.dma_semaphore, #tpu.memory_space<semaphore_mem>>)
    %dma_wait3A_3277 = arith.constant 0 : i32
    %dma_wait3A_3278 = tpu.memref_slice %arg4[%mul3A_3272, %dma_wait3A_3277] : memref<131072x128xf32, #tpu.memory_space<hbm>> -> memref<128x128xf32, #tpu.memory_space<hbm>>
    %dma_wait3A_3279 = arith.constant 0 : i32
    %dma_wait3A_3280 = tpu.memref_slice %arg4[%mul3A_3272, %dma_wait3A_3279] : memref<131072x128xf32, #tpu.memory_space<hbm>> -> memref<128x128xf32, #tpu.memory_space<hbm>>
    tpu.wait_dma2 semaphore(%arg20 : memref<!tpu.dma_semaphore, #tpu.memory_space<semaphore_mem>>) src(%arg8 : memref<128x128xf32, #tpu.memory_space<vmem>>) dst(%dma_wait3A_3280 : memref<128x128xf32, #tpu.memory_space<hbm>>)
    %dma_start3A_3281 = arith.constant 3968 : i32
    %dma_start3A_3282 = tpu.memref_slice %arg6[%dma_start3A_3281] : memref<4096xi32, #tpu.memory_space<vmem>> -> memref<128xi32, #tpu.memory_space<vmem>>
    %dma_start3A_3283 = arith.constant 0 : i32
    %dma_start3A_3284 = arith.constant 0 : i32
    %dma_start3A_3285 = tpu.memref_slice %arg3[%dma_start3A_3283, %dma_start3A_3284] : memref<245760x128xf32, #tpu.memory_space<hbm>> -> memref<245760x128xf32, #tpu.memory_space<hbm>>
    tpu.enqueue_indirect_dma source(%dma_start3A_3285 : memref<245760x128xf32, #tpu.memory_space<hbm>>) target(%arg8 : memref<128x128xf32, #tpu.memory_space<vmem>>) offsets(%dma_start3A_3282 : memref<128xi32, #tpu.memory_space<vmem>>) semaphore(%arg14 : memref<!tpu.dma_semaphore, #tpu.memory_space<semaphore_mem>>)
    %dma_wait3A_3286 = arith.constant 3328 : i32
    %dma_wait3A_3287 = tpu.memref_slice %arg6[%dma_wait3A_3286] : memref<4096xi32, #tpu.memory_space<vmem>> -> memref<128xi32, #tpu.memory_space<vmem>>
    %dma_wait3A_3288 = arith.constant 0 : i32
    %dma_wait3A_3289 = arith.constant 0 : i32
    %dma_wait3A_3290 = tpu.memref_slice %arg3[%dma_wait3A_3288, %dma_wait3A_3289] : memref<245760x128xf32, #tpu.memory_space<hbm>> -> memref<245760x128xf32, #tpu.memory_space<hbm>>
    tpu.wait_indirect_dma semaphore(%arg15 : memref<!tpu.dma_semaphore, #tpu.memory_space<semaphore_mem>>) src(%dma_wait3A_3290 : memref<245760x128xf32, #tpu.memory_space<hbm>>) dst(%arg9 : memref<128x128xf32, #tpu.memory_space<vmem>>)
    %add3A_3291 = arith.constant 416 : i32
    %add3A_3292 = arith.addi %mul3A_2, %add3A_3291 : i32
    %mul3A_3293 = arith.constant 8 : i32
    %mul3A_3294 = arith.muli %add3A_3292, %mul3A_3293 : i32
    %dma_start3A_3295 = arith.constant 0 : i32
    %dma_start3A_3296 = tpu.memref_slice %arg4[%mul3A_3294, %dma_start3A_3295] : memref<131072x128xf32, #tpu.memory_space<hbm>> -> memref<128x128xf32, #tpu.memory_space<hbm>>
    %dma_start3A_3297 = arith.constant 0 : i32
    %dma_start3A_3298 = tpu.memref_slice %arg4[%mul3A_3294, %dma_start3A_3297] : memref<131072x128xf32, #tpu.memory_space<hbm>> -> memref<128x128xf32, #tpu.memory_space<hbm>>
    tpu.enqueue_dma source(%arg9 : memref<128x128xf32, #tpu.memory_space<vmem>>) target(%dma_start3A_3298 : memref<128x128xf32, #tpu.memory_space<hbm>>) target_semaphore(%arg21 : memref<!tpu.dma_semaphore, #tpu.memory_space<semaphore_mem>>)
    %dma_wait3A_3299 = arith.constant 3456 : i32
    %dma_wait3A_3300 = tpu.memref_slice %arg6[%dma_wait3A_3299] : memref<4096xi32, #tpu.memory_space<vmem>> -> memref<128xi32, #tpu.memory_space<vmem>>
    %dma_wait3A_3301 = arith.constant 0 : i32
    %dma_wait3A_3302 = arith.constant 0 : i32
    %dma_wait3A_3303 = tpu.memref_slice %arg3[%dma_wait3A_3301, %dma_wait3A_3302] : memref<245760x128xf32, #tpu.memory_space<hbm>> -> memref<245760x128xf32, #tpu.memory_space<hbm>>
    tpu.wait_indirect_dma semaphore(%arg16 : memref<!tpu.dma_semaphore, #tpu.memory_space<semaphore_mem>>) src(%dma_wait3A_3303 : memref<245760x128xf32, #tpu.memory_space<hbm>>) dst(%arg10 : memref<128x128xf32, #tpu.memory_space<vmem>>)
    %add3A_3304 = arith.constant 432 : i32
    %add3A_3305 = arith.addi %mul3A_2, %add3A_3304 : i32
    %mul3A_3306 = arith.constant 8 : i32
    %mul3A_3307 = arith.muli %add3A_3305, %mul3A_3306 : i32
    %dma_start3A_3308 = arith.constant 0 : i32
    %dma_start3A_3309 = tpu.memref_slice %arg4[%mul3A_3307, %dma_start3A_3308] : memref<131072x128xf32, #tpu.memory_space<hbm>> -> memref<128x128xf32, #tpu.memory_space<hbm>>
    %dma_start3A_3310 = arith.constant 0 : i32
    %dma_start3A_3311 = tpu.memref_slice %arg4[%mul3A_3307, %dma_start3A_3310] : memref<131072x128xf32, #tpu.memory_space<hbm>> -> memref<128x128xf32, #tpu.memory_space<hbm>>
    tpu.enqueue_dma source(%arg10 : memref<128x128xf32, #tpu.memory_space<vmem>>) target(%dma_start3A_3311 : memref<128x128xf32, #tpu.memory_space<hbm>>) target_semaphore(%arg22 : memref<!tpu.dma_semaphore, #tpu.memory_space<semaphore_mem>>)
    %dma_wait3A_3312 = arith.constant 3584 : i32
    %dma_wait3A_3313 = tpu.memref_slice %arg6[%dma_wait3A_3312] : memref<4096xi32, #tpu.memory_space<vmem>> -> memref<128xi32, #tpu.memory_space<vmem>>
    %dma_wait3A_3314 = arith.constant 0 : i32
    %dma_wait3A_3315 = arith.constant 0 : i32
    %dma_wait3A_3316 = tpu.memref_slice %arg3[%dma_wait3A_3314, %dma_wait3A_3315] : memref<245760x128xf32, #tpu.memory_space<hbm>> -> memref<245760x128xf32, #tpu.memory_space<hbm>>
    tpu.wait_indirect_dma semaphore(%arg17 : memref<!tpu.dma_semaphore, #tpu.memory_space<semaphore_mem>>) src(%dma_wait3A_3316 : memref<245760x128xf32, #tpu.memory_space<hbm>>) dst(%arg11 : memref<128x128xf32, #tpu.memory_space<vmem>>)
    %add3A_3317 = arith.constant 448 : i32
    %add3A_3318 = arith.addi %mul3A_2, %add3A_3317 : i32
    %mul3A_3319 = arith.constant 8 : i32
    %mul3A_3320 = arith.muli %add3A_3318, %mul3A_3319 : i32
    %dma_start3A_3321 = arith.constant 0 : i32
    %dma_start3A_3322 = tpu.memref_slice %arg4[%mul3A_3320, %dma_start3A_3321] : memref<131072x128xf32, #tpu.memory_space<hbm>> -> memref<128x128xf32, #tpu.memory_space<hbm>>
    %dma_start3A_3323 = arith.constant 0 : i32
    %dma_start3A_3324 = tpu.memref_slice %arg4[%mul3A_3320, %dma_start3A_3323] : memref<131072x128xf32, #tpu.memory_space<hbm>> -> memref<128x128xf32, #tpu.memory_space<hbm>>
    tpu.enqueue_dma source(%arg11 : memref<128x128xf32, #tpu.memory_space<vmem>>) target(%dma_start3A_3324 : memref<128x128xf32, #tpu.memory_space<hbm>>) target_semaphore(%arg23 : memref<!tpu.dma_semaphore, #tpu.memory_space<semaphore_mem>>)
    %dma_wait3A_3325 = arith.constant 3712 : i32
    %dma_wait3A_3326 = tpu.memref_slice %arg6[%dma_wait3A_3325] : memref<4096xi32, #tpu.memory_space<vmem>> -> memref<128xi32, #tpu.memory_space<vmem>>
    %dma_wait3A_3327 = arith.constant 0 : i32
    %dma_wait3A_3328 = arith.constant 0 : i32
    %dma_wait3A_3329 = tpu.memref_slice %arg3[%dma_wait3A_3327, %dma_wait3A_3328] : memref<245760x128xf32, #tpu.memory_space<hbm>> -> memref<245760x128xf32, #tpu.memory_space<hbm>>
    tpu.wait_indirect_dma semaphore(%arg18 : memref<!tpu.dma_semaphore, #tpu.memory_space<semaphore_mem>>) src(%dma_wait3A_3329 : memref<245760x128xf32, #tpu.memory_space<hbm>>) dst(%arg12 : memref<128x128xf32, #tpu.memory_space<vmem>>)
    %add3A_3330 = arith.constant 464 : i32
    %add3A_3331 = arith.addi %mul3A_2, %add3A_3330 : i32
    %mul3A_3332 = arith.constant 8 : i32
    %mul3A_3333 = arith.muli %add3A_3331, %mul3A_3332 : i32
    %dma_start3A_3334 = arith.constant 0 : i32
    %dma_start3A_3335 = tpu.memref_slice %arg4[%mul3A_3333, %dma_start3A_3334] : memref<131072x128xf32, #tpu.memory_space<hbm>> -> memref<128x128xf32, #tpu.memory_space<hbm>>
    %dma_start3A_3336 = arith.constant 0 : i32
    %dma_start3A_3337 = tpu.memref_slice %arg4[%mul3A_3333, %dma_start3A_3336] : memref<131072x128xf32, #tpu.memory_space<hbm>> -> memref<128x128xf32, #tpu.memory_space<hbm>>
    tpu.enqueue_dma source(%arg12 : memref<128x128xf32, #tpu.memory_space<vmem>>) target(%dma_start3A_3337 : memref<128x128xf32, #tpu.memory_space<hbm>>) target_semaphore(%arg24 : memref<!tpu.dma_semaphore, #tpu.memory_space<semaphore_mem>>)
    %dma_wait3A_3338 = arith.constant 3840 : i32
    %dma_wait3A_3339 = tpu.memref_slice %arg6[%dma_wait3A_3338] : memref<4096xi32, #tpu.memory_space<vmem>> -> memref<128xi32, #tpu.memory_space<vmem>>
    %dma_wait3A_3340 = arith.constant 0 : i32
    %dma_wait3A_3341 = arith.constant 0 : i32
    %dma_wait3A_3342 = tpu.memref_slice %arg3[%dma_wait3A_3340, %dma_wait3A_3341] : memref<245760x128xf32, #tpu.memory_space<hbm>> -> memref<245760x128xf32, #tpu.memory_space<hbm>>
    tpu.wait_indirect_dma semaphore(%arg13 : memref<!tpu.dma_semaphore, #tpu.memory_space<semaphore_mem>>) src(%dma_wait3A_3342 : memref<245760x128xf32, #tpu.memory_space<hbm>>) dst(%arg7 : memref<128x128xf32, #tpu.memory_space<vmem>>)
    %add3A_3343 = arith.constant 480 : i32
    %add3A_3344 = arith.addi %mul3A_2, %add3A_3343 : i32
    %mul3A_3345 = arith.constant 8 : i32
    %mul3A_3346 = arith.muli %add3A_3344, %mul3A_3345 : i32
    %dma_start3A_3347 = arith.constant 0 : i32
    %dma_start3A_3348 = tpu.memref_slice %arg4[%mul3A_3346, %dma_start3A_3347] : memref<131072x128xf32, #tpu.memory_space<hbm>> -> memref<128x128xf32, #tpu.memory_space<hbm>>
    %dma_start3A_3349 = arith.constant 0 : i32
    %dma_start3A_3350 = tpu.memref_slice %arg4[%mul3A_3346, %dma_start3A_3349] : memref<131072x128xf32, #tpu.memory_space<hbm>> -> memref<128x128xf32, #tpu.memory_space<hbm>>
    tpu.enqueue_dma source(%arg7 : memref<128x128xf32, #tpu.memory_space<vmem>>) target(%dma_start3A_3350 : memref<128x128xf32, #tpu.memory_space<hbm>>) target_semaphore(%arg19 : memref<!tpu.dma_semaphore, #tpu.memory_space<semaphore_mem>>)
    %dma_wait3A_3351 = arith.constant 3968 : i32
    %dma_wait3A_3352 = tpu.memref_slice %arg6[%dma_wait3A_3351] : memref<4096xi32, #tpu.memory_space<vmem>> -> memref<128xi32, #tpu.memory_space<vmem>>
    %dma_wait3A_3353 = arith.constant 0 : i32
    %dma_wait3A_3354 = arith.constant 0 : i32
    %dma_wait3A_3355 = tpu.memref_slice %arg3[%dma_wait3A_3353, %dma_wait3A_3354] : memref<245760x128xf32, #tpu.memory_space<hbm>> -> memref<245760x128xf32, #tpu.memory_space<hbm>>
    tpu.wait_indirect_dma semaphore(%arg14 : memref<!tpu.dma_semaphore, #tpu.memory_space<semaphore_mem>>) src(%dma_wait3A_3355 : memref<245760x128xf32, #tpu.memory_space<hbm>>) dst(%arg8 : memref<128x128xf32, #tpu.memory_space<vmem>>)
    %add3A_3356 = arith.constant 496 : i32
    %add3A_3357 = arith.addi %mul3A_2, %add3A_3356 : i32
    %mul3A_3358 = arith.constant 8 : i32
    %mul3A_3359 = arith.muli %add3A_3357, %mul3A_3358 : i32
    %dma_start3A_3360 = arith.constant 0 : i32
    %dma_start3A_3361 = tpu.memref_slice %arg4[%mul3A_3359, %dma_start3A_3360] : memref<131072x128xf32, #tpu.memory_space<hbm>> -> memref<128x128xf32, #tpu.memory_space<hbm>>
    %dma_start3A_3362 = arith.constant 0 : i32
    %dma_start3A_3363 = tpu.memref_slice %arg4[%mul3A_3359, %dma_start3A_3362] : memref<131072x128xf32, #tpu.memory_space<hbm>> -> memref<128x128xf32, #tpu.memory_space<hbm>>
    tpu.enqueue_dma source(%arg8 : memref<128x128xf32, #tpu.memory_space<vmem>>) target(%dma_start3A_3363 : memref<128x128xf32, #tpu.memory_space<hbm>>) target_semaphore(%arg20 : memref<!tpu.dma_semaphore, #tpu.memory_space<semaphore_mem>>)
    %dma_wait3A_3364 = arith.constant 0 : i32
    %dma_wait3A_3365 = tpu.memref_slice %arg4[%mul3A_3346, %dma_wait3A_3364] : memref<131072x128xf32, #tpu.memory_space<hbm>> -> memref<128x128xf32, #tpu.memory_space<hbm>>
    %dma_wait3A_3366 = arith.constant 0 : i32
    %dma_wait3A_3367 = tpu.memref_slice %arg4[%mul3A_3346, %dma_wait3A_3366] : memref<131072x128xf32, #tpu.memory_space<hbm>> -> memref<128x128xf32, #tpu.memory_space<hbm>>
    tpu.wait_dma2 semaphore(%arg19 : memref<!tpu.dma_semaphore, #tpu.memory_space<semaphore_mem>>) src(%arg7 : memref<128x128xf32, #tpu.memory_space<vmem>>) dst(%dma_wait3A_3367 : memref<128x128xf32, #tpu.memory_space<hbm>>)
    %dma_wait3A_3368 = arith.constant 0 : i32
    %dma_wait3A_3369 = tpu.memref_slice %arg4[%mul3A_3359, %dma_wait3A_3368] : memref<131072x128xf32, #tpu.memory_space<hbm>> -> memref<128x128xf32, #tpu.memory_space<hbm>>
    %dma_wait3A_3370 = arith.constant 0 : i32
    %dma_wait3A_3371 = tpu.memref_slice %arg4[%mul3A_3359, %dma_wait3A_3370] : memref<131072x128xf32, #tpu.memory_space<hbm>> -> memref<128x128xf32, #tpu.memory_space<hbm>>
    tpu.wait_dma2 semaphore(%arg20 : memref<!tpu.dma_semaphore, #tpu.memory_space<semaphore_mem>>) src(%arg8 : memref<128x128xf32, #tpu.memory_space<vmem>>) dst(%dma_wait3A_3371 : memref<128x128xf32, #tpu.memory_space<hbm>>)
    %dma_wait3A_3372 = arith.constant 0 : i32
    %dma_wait3A_3373 = tpu.memref_slice %arg4[%mul3A_3294, %dma_wait3A_3372] : memref<131072x128xf32, #tpu.memory_space<hbm>> -> memref<128x128xf32, #tpu.memory_space<hbm>>
    %dma_wait3A_3374 = arith.constant 0 : i32
    %dma_wait3A_3375 = tpu.memref_slice %arg4[%mul3A_3294, %dma_wait3A_3374] : memref<131072x128xf32, #tpu.memory_space<hbm>> -> memref<128x128xf32, #tpu.memory_space<hbm>>
    tpu.wait_dma2 semaphore(%arg21 : memref<!tpu.dma_semaphore, #tpu.memory_space<semaphore_mem>>) src(%arg9 : memref<128x128xf32, #tpu.memory_space<vmem>>) dst(%dma_wait3A_3375 : memref<128x128xf32, #tpu.memory_space<hbm>>)
    %dma_wait3A_3376 = arith.constant 0 : i32
    %dma_wait3A_3377 = tpu.memref_slice %arg4[%mul3A_3307, %dma_wait3A_3376] : memref<131072x128xf32, #tpu.memory_space<hbm>> -> memref<128x128xf32, #tpu.memory_space<hbm>>
    %dma_wait3A_3378 = arith.constant 0 : i32
    %dma_wait3A_3379 = tpu.memref_slice %arg4[%mul3A_3307, %dma_wait3A_3378] : memref<131072x128xf32, #tpu.memory_space<hbm>> -> memref<128x128xf32, #tpu.memory_space<hbm>>
    tpu.wait_dma2 semaphore(%arg22 : memref<!tpu.dma_semaphore, #tpu.memory_space<semaphore_mem>>) src(%arg10 : memref<128x128xf32, #tpu.memory_space<vmem>>) dst(%dma_wait3A_3379 : memref<128x128xf32, #tpu.memory_space<hbm>>)
    %dma_wait3A_3380 = arith.constant 0 : i32
    %dma_wait3A_3381 = tpu.memref_slice %arg4[%mul3A_3320, %dma_wait3A_3380] : memref<131072x128xf32, #tpu.memory_space<hbm>> -> memref<128x128xf32, #tpu.memory_space<hbm>>
    %dma_wait3A_3382 = arith.constant 0 : i32
    %dma_wait3A_3383 = tpu.memref_slice %arg4[%mul3A_3320, %dma_wait3A_3382] : memref<131072x128xf32, #tpu.memory_space<hbm>> -> memref<128x128xf32, #tpu.memory_space<hbm>>
    tpu.wait_dma2 semaphore(%arg23 : memref<!tpu.dma_semaphore, #tpu.memory_space<semaphore_mem>>) src(%arg11 : memref<128x128xf32, #tpu.memory_space<vmem>>) dst(%dma_wait3A_3383 : memref<128x128xf32, #tpu.memory_space<hbm>>)
    %dma_wait3A_3384 = arith.constant 0 : i32
    %dma_wait3A_3385 = tpu.memref_slice %arg4[%mul3A_3333, %dma_wait3A_3384] : memref<131072x128xf32, #tpu.memory_space<hbm>> -> memref<128x128xf32, #tpu.memory_space<hbm>>
    %dma_wait3A_3386 = arith.constant 0 : i32
    %dma_wait3A_3387 = tpu.memref_slice %arg4[%mul3A_3333, %dma_wait3A_3386] : memref<131072x128xf32, #tpu.memory_space<hbm>> -> memref<128x128xf32, #tpu.memory_space<hbm>>
    tpu.wait_dma2 semaphore(%arg24 : memref<!tpu.dma_semaphore, #tpu.memory_space<semaphore_mem>>) src(%arg12 : memref<128x128xf32, #tpu.memory_space<vmem>>) dst(%dma_wait3A_3387 : memref<128x128xf32, #tpu.memory_space<hbm>>)
    return
  }
}

</mosaic_0001>

<sc_bundles>
// kernel: _gather.3.cloned.1.call-start
scs
__scs_entry_jumppad:
0x0: {  	(pc) =	sbr.rel $0x88, $3  }
0x1: {  	(tag) =	ssettag $0x0;
	lr =	simm.s32 $0x1  }
0x2: {  	[smem:$0x3F9F] =	sst lr;
	_ =	strace $0xD0000000  }
0x3: {  	_ = 	snop  }
0x4: {  	_ = 	snop  }
0x5: {  	_ = 	snop  }
0x6: {  	_ = 	snop  }
0x7: {  	_ = 	snop  }
__scs_overlays_trampoline_lowered:
0x8: {  	[smem:$0x3FAE] =	sst s0  }
0x9: {  	[smem:$0x3FAF] =	sst s1  }
0xa: {  	[smem:$0x3FB0] =	sst s2  }
0xb: {  	[smem:$0x3FB1] =	sst s3  }
0xc: {  	[smem:$0x3FB2] =	sst s4  }
0xd: {  	[smem:$0x3FB3] =	sst s5  }
0xe: {  	[smem:$0x3FB4] =	sst s6  }
0xf: {  	[smem:$0x3FB5] =	sst s7  }
0x10: {  	[smem:$0x3FB6] =	sst s8  }
0x11: {  	[smem:$0x3FB7] =	sst s9;
	s0 =	simm.s32 @!p0 $0x0  }
0x12: {  	s1 =	sld [smem:$0x3F9D];
	s0 =	simm.s32 @p0 $0x1  }
0x13: {  	[smem:$0x3FB8] =	sst s0;
	s0 =	simm.s32 @!p1 $0x0  }
0x14: {  	s2 =	sld [smem:$0x3F9C];
	s0 =	simm.s32 @p1 $0x1  }
0x15: {  	[smem:$0x3FB9] =	sst s0;
	s0 =	simm.s32 @!p2 $0x0  }
0x16: {  	s3 =	sld [smem:$0x3FDB];
	s0 =	simm.s32 @p2 $0x1  }
0x17: {  	s4 =	simm.s32 $0x1BF5;
	[smem:$0x3FBB] =	sst s0  }
0x18: {  	s0 =	sld [smem:$0x3F9E];
	_ =	swait.ge [sflag:s4], $0x0  }
0x19: {  	s7 =	sld [smem:$0x3F9F]  }
0x1a: {  	s8 =	sadd.s32 $0xFFFFE003, lr  }
0x1b: {  	s9 =	sadd.s32 $0xFFFFFEF7, lr;
	s5 =	simm.s32 $0xFFFFFFFF;
	p2 =	slt.u32 s8, $0xFFFFF086  }
0x1c: {  	p1 =	slt.u32 s9, $0xF7A;
	s5 =	simm.s32 @!p2 $0x0  }
0x1d: {  	s5 =	simm.s32 @p1 $0x1;
	p0 =	seq.s32 s7, s2  }
0x1e: {  	s7 =	smul.u32 @!p0 $0xF7A, s2;
	p2 =	seq.s32 @!p0 s5, $0x0  }
0x1f: {  	s9 =	smul.u32 $0xF7A, s1;
	s8 =	simm.s32 @!p0 $0x1BF5;
	p2 =	por !p2, p0  }
0x20: {  	[sflag:s8] =	ssyncset.s32 @!p0 $0xFFFFF086;
	s6 =	sadd.s32 @!p0 s3, s7;
	s7 =	simm.s32 @!p0 $0x108  }
0x21: {  	s3 =	sadd.s32 s3, s9;
	s6 =	sadd.s32 @!p0 $0x88, s6;
	s7 =	simm.s32 @p2 $0x1082  }
0x22: {  	[simem:s7], [sflag:s8] =	dma.local @!p0 [hbm:s6], $0xF7A  }
0x23: {  	s9 =	sor.u32 $0xD0000000, s2;
	s6 =	simm.s32 $0x108;
	_ =	swait.ge @!p0 [sflag:s8], $0x0  }
0x24: {  	s3 =	sadd.s32 $0x88, s3;
	s6 =	simm.s32 @!p1 $0x1082;
	[sflag:s4] =	ssyncset.s32 $0xFFFFF086  }
0x25: {  	[simem:s6], [sflag:s4] =	dma.local [hbm:s3], $0xF7A  }
0x26: {  	[smem:$0x3F9F] =	sst s1;
	(tag) =	ssettag s2;
	_ =	strace s9  }
0x27: {  	s1 =	sld [smem:$0x3FAF]  }
0x28: {  	s2 =	sld [smem:$0x3FB0]  }
0x29: {  	s4 =	sld [smem:$0x3FB2]  }
0x2a: {  	p0 =	seq.s32 s5, $0x0;
	s5 =	sld [smem:$0x3FB3]  }
0x2b: {  	s6 =	sld [smem:$0x3FB4]  }
0x2c: {  	s7 =	sld [smem:$0x3FB5]  }
0x2d: {  	s3 =	simm.s32 $0x108;
	s8 =	sld [smem:$0x3FB6]  }
0x2e: {  	s3 =	simm.s32 @!p0 $0x1082;
	s9 =	sld [smem:$0x3FB7]  }
0x2f: {  	lr =	sadd.s32 s0, s3;
	s0 =	sld [smem:$0x3FAE]  }
0x30: {  	s3 =	sld [smem:$0x3FB1]  }
0x31: {  	[smem:$0x3FBA] =	sst s10  }
0x32: {  	s10 =	sld [smem:$0x3FB8];
	_ =	sdelay $0x3  }
0x33: {  	p0 =	seq.s32 s10, $0x1;
	s10 =	sld [smem:$0x3FBA];
	_ =	sdelay $0x3  }
0x34: {  	[smem:$0x3FBA] =	sst s10  }
0x35: {  	s10 =	sld [smem:$0x3FB9];
	_ =	sdelay $0x3  }
0x36: {  	p1 =	seq.s32 s10, $0x1;
	s10 =	sld [smem:$0x3FBA];
	_ =	sdelay $0x3  }
0x37: {  	[smem:$0x3FBA] =	sst s10  }
0x38: {  	s10 =	sld [smem:$0x3FBB]  }
0x39: {  	_ = 	snop;
	(pc) =	sbr.ind lr, $3  }
0x3a: {  	_ = 	snop  }
0x3b: {  	_ = 	snop  }
0x3c: {  	p2 =	seq.s32 s10, $0x1;
	s10 =	sld [smem:$0x3FBA]  }
0x3d: {  	_ =	shalt  }
0x3e: {  	_ =	shalt  }
0x3f: {  	_ =	shalt  }
0x40: {  	_ =	shalt  }
0x41: {  	_ =	shalt  }
0x42: {  	_ =	shalt  }
0x43: {  	_ =	shalt  }
0x44: {  	_ =	shalt  }
0x45: {  	_ =	shalt  }
0x46: {  	_ =	shalt  }
0x47: {  	_ =	shalt  }
0x48: {  	_ =	shalt  }
0x49: {  	_ =	shalt  }
0x4a: {  	_ =	shalt  }
0x4b: {  	_ =	shalt  }
0x4c: {  	_ =	shalt  }
0x4d: {  	_ =	shalt  }
0x4e: {  	_ =	shalt  }
0x4f: {  	_ =	shalt  }
0x50: {  	_ =	shalt  }
0x51: {  	_ =	shalt  }
0x52: {  	_ =	shalt  }
0x53: {  	_ =	shalt  }
0x54: {  	_ =	shalt  }
0x55: {  	_ =	shalt  }
0x56: {  	_ =	shalt  }
0x57: {  	_ =	shalt  }
0x58: {  	_ =	shalt  }
0x59: {  	_ =	shalt  }
0x5a: {  	_ =	shalt  }
0x5b: {  	_ =	shalt  }
0x5c: {  	_ =	shalt  }
0x5d: {  	_ =	shalt  }
0x5e: {  	_ =	shalt  }
0x5f: {  	_ =	shalt  }
0x60: {  	_ =	shalt  }
0x61: {  	_ =	shalt  }
0x62: {  	_ =	shalt  }
0x63: {  	_ =	shalt  }
0x64: {  	_ =	shalt  }
0x65: {  	_ =	shalt  }
0x66: {  	_ =	shalt  }
0x67: {  	_ =	shalt  }
0x68: {  	_ =	shalt  }
0x69: {  	_ =	shalt  }
0x6a: {  	_ =	shalt  }
0x6b: {  	_ =	shalt  }
0x6c: {  	_ =	shalt  }
0x6d: {  	_ =	shalt  }
0x6e: {  	_ =	shalt  }
0x6f: {  	_ =	shalt  }
0x70: {  	_ =	shalt  }
0x71: {  	_ =	shalt  }
0x72: {  	_ =	shalt  }
0x73: {  	_ =	shalt  }
0x74: {  	_ =	shalt  }
0x75: {  	_ =	shalt  }
0x76: {  	_ =	shalt  }
0x77: {  	_ =	shalt  }
0x78: {  	_ =	shalt  }
0x79: {  	_ =	shalt  }
0x7a: {  	_ =	shalt  }
0x7b: {  	_ =	shalt  }
0x7c: {  	_ =	shalt  }
0x7d: {  	_ =	shalt  }
0x7e: {  	_ =	shalt  }
0x7f: {  	_ =	shalt  }
0x80: {  	_ =	shalt  }
0x81: {  	_ =	shalt  }
0x82: {  	_ =	shalt  }
0x83: {  	_ =	shalt  }
0x84: {  	_ =	shalt  }
0x85: {  	_ =	shalt  }
0x86: {  	_ =	shalt  }
0x87: {  	_ =	shalt  }
.Lfunc_end0:
.L_simem_size_0:
called_computation_lowered:
.L_overlay_start_0:
0x88: {  	s2 =	sld [smem:$0x3FD9]  }
0x89: {  	s3 =	sld [smem:$0x3FFE];
	_ =	sdelay $0x1  }
0x8a: {  	s1 =	srdreg.scid  }
0x8b: {  	s0 =	sand.u32 $0x1, s1  }
0x8c: {  	s18 =	sshll.u32 s0, $0xA;
	s2 =	sadd.s32 s3, s2  }
0x8d: {  	s2 =	sadd.s32 s2, s18  }
0x8e: {  	[smem:$0x3FC6] =	sst s2  }
0x8f: {  	_ = 	snop  }
0x90: {  	s2 =	sld [smem:$0x3FC9]  }
0x91: {  	s19 =	sld [smem:$0x3FC8]  }
0x92: {  	s4 =	sld [smem:$0x3FD0];
	(tm) =	ssettm $0x1  }
0x93: {  	s5 =	sld [smem:$0x3FFB];
	_ =	sdelay $0x3  }
0x94: {  	_ =	strace s5  }
0x95: {  	s5 =	sld [smem:$0x3FFC];
	_ =	sdelay $0x3  }
0x96: {  	_ =	strace s5  }
0x97: {  	s5 =	sld [smem:$0x3FFD];
	_ =	sdelay $0x3  }
0x98: {  	_ =	strace s5  }
0x99: {  	_ =	strace $0x8FFFFFFF  }
0x9a: {  	s20 =	sld [smem:$0x3FDB];
	_ =	sdelay $0x1  }
0x9b: {  	s6 =	simm.s32 $_scs_section_size  }
0x9c: {  	s7 =	simm.s32 $_size__tile_overlayer_lowered;
	s8 =	simm.s32 $_tile_overlayer_lowered  }
0x9d: {  	s23 =	simm.s32 $0x1BFF;
	s22 =	sshll.u32 s8, $0x1;
	s5 =	sadd.s32 s6, s20  }
0x9e: {  	s9 =	simm.s32 $0x0;
	s21 =	sshll.u32 s7, $0x1;
	s7 =	sadd.s32 s22, s5  }
0x9f: {  	[timem:s9], [sflag:s23] =	dma.local [hbm:s7], s21  }
0xa0: {  	_ =	swait.ge [sflag:s23], s21  }
0xa1: {  	s6 =	ssub.s32 $0x0, s21;
	[sflag:s23] =	ssyncset.done $0x0  }
0xa2: {  	[sflag:s23] =	ssyncadd.s32 s6;
	_ =	sdelay $0x1  }
0xa3: {  	s24 =	simm.s32 $0x1B8B  }
0xa4: {  	_ =	swait.ge [sflag:s24], $0x1  }
0xa5: {  	[sflag:s24] =	ssyncset.done $0x0  }
0xa6: {  	s25 =	simm.s32 $0x1B8E;
	[sflag:s24] =	ssyncadd.s32 $0xFFFFFFFF  }
0xa7: {  	s26 =	simm.s32 $execute0_lowered;
	[smem:$0x3FD2] =	sst s25  }
0xa8: {  	s6 =	sshll.u32 s26, $0x1;
	_ =	strace $0x80000046;
	[dreg:$0x1] =	wrdreg $0xFFFFFFFF  }
0xa9: {  	s28 =	simm.s32 $_size_execute0_lowered;
	s5 =	sadd.s32 s5, s6;
	[dreg:$0x0] =	wrdreg $0x0  }
0xaa: {  	s6 =	sshll.u32 s28, $0x1;
	[dreg:$0x2] =	wrdreg s5  }
0xab: {  	[dreg:$0x3] =	wrdreg s6  }
0xac: {  	[dreg:$0x4] =	wrdreg $0xC0  }
0xad: {  	_ =	task [dreg:s9], $0x5FFFF  }
0xae: {  	[dreg:$0x1] =	wrdreg $0xFFFFFFFF  }
0xaf: {  	[dreg:$0x0] =	wrdreg $0x60  }
0xb0: {  	[dreg:$0x2] =	wrdreg s2  }
0xb1: {  	[dreg:$0x3] =	wrdreg s19  }
0xb2: {  	[dreg:$0x4] =	wrdreg s4  }
0xb3: {  	[dreg:$0x5] =	wrdreg $0x9  }
0xb4: {  	_ =	task.clear_ibuf [dreg:s9], $0x6FFFF;
	_ =	strace $0x90000046  }
0xb5: {  	s29 =	simm.s32 $0x9;
	_ =	strace $0x80000048  }
0xb6: {  	_ =	swait.ge [sflag:s29], $0x1  }
0xb7: {  	[sflag:s29] =	ssyncadd.s32 $0xFFFFFFFF  }
0xb8: {  	_ =	strace $0x90000048  }
0xb9: {  	_ =	sfence  }
0xba: {  	s30 =	sld [smem:$0x0];
	_ =	sdelay $0x2  }
0xbb: {  	s31 =	sshll.u32 s1, $0xD;
	s1 =	sshrl.u32 s1, $0x2  }
0xbc: {  	s3 =	sand.u32 $0x4000, s31;
	s1 =	sadd.s32 s1, s30  }
0xbd: {  	s0 =	sor.u32 s3, s0;
	s1 =	sshll.u32 s1, $0x11  }
0xbe: {  	s0 =	sor.u32 s1, s0  }
0xbf: {  	s0 =	sadd.s32 $0x8F2B, s0  }
0xc0: {  	[sflag:s0] =	ssyncadd.remote.s32 $0x1  }
0xc1: {  	_ =	sfence.sel $0xFFFF  }
0xc2: {  	[dreg:$0x0] =	wrdreg $0xFFFFFFFF;
	(pc) =	sbr.abs _section_cstart, $3  }
0xc3: {  	[dreg:$0x1] =	wrdreg $0xFFFFFFFF  }
0xc4: {  	_ =	task.clear_ibuf [dreg:s9], $0x2FFFF;
	_ =	strace $0x9FFFFFFF  }
0xc5: {  	(tm) =	ssettm $0x7FFFFFFF  }
tec
execute0_lowered:
.L_overlay_start_1:
0x0: {  	(tag) =	ssettag $0x1  }
0x1: {  	s4 =	rddreg [dreg:$0x0]  }
0x2: {  	s1 =	srdreg.scid;
	s0 =	stileid.u32  }
0x3: {  	s2 =	rddreg [dreg:$0x1];
	s1 =	sand.u32 $0x1, s1;
	s6 =	sshll.u32 s0, $0x1  }
0x4: {  	s5 =	rddreg [dreg:$0x2];
	s6 =	sor.u32 s1, s6  }
0x5: {  	s3 =	simm.s32 $0x0;
	s7 =	sshll.u32 s6, $0x6;
	s6 =	sshll.u32 s6, $0x10  }
0x6: {  	[smem:$0x7FF] =	sst s3;
	s7 =	sadd.s32 s4, s7;
	s4 =	sadd.s32 s5, s6  }
0x7: {  	_ =	strace $0x80000047;
	[dreg:$0x4] =	wrdreg s7;
	s5 =	sadd.s32 $0x800, s4  }
0x8: {  	s16 =	sadd.s32 $0x1000, s4;
	[dreg:$0x5] =	wrdreg s5  }
0x9: {  	s17 =	sadd.s32 $0x1800, s4;
	[dreg:$0x6] =	wrdreg s16  }
0xa: {  	s18 =	sadd.s32 $0x2000, s4;
	[dreg:$0x7] =	wrdreg s17  }
0xb: {  	s19 =	sadd.s32 $0x2800, s4;
	[dreg:$0x8] =	wrdreg s18  }
0xc: {  	s20 =	sadd.s32 $0x3000, s4;
	[dreg:$0x9] =	wrdreg s19  }
0xd: {  	s21 =	sadd.s32 $0x3800, s4;
	[dreg:$0xa] =	wrdreg s20  }
0xe: {  	s22 =	sadd.s32 $0x4000, s4;
	[dreg:$0xb] =	wrdreg s21  }
0xf: {  	s23 =	sadd.s32 $0x4800, s4;
	[dreg:$0xc] =	wrdreg s22  }
0x10: {  	s24 =	sadd.s32 $0x5000, s4;
	[dreg:$0xd] =	wrdreg s23  }
0x11: {  	s25 =	sadd.s32 $0x5800, s4;
	[dreg:$0xe] =	wrdreg s24  }
0x12: {  	s26 =	sadd.s32 $0x6000, s4;
	[dreg:$0xf] =	wrdreg s25  }
0x13: {  	s28 =	sadd.s32 $0x6800, s4;
	[dreg:$0x10] =	wrdreg s26  }
0x14: {  	s0 =	sadd.s32 $0x7000, s4;
	[dreg:$0x11] =	wrdreg s28  }
0x15: {  	s6 =	sadd.s32 $0x7800, s4;
	[dreg:$0x12] =	wrdreg s0  }
0x16: {  	s7 =	sadd.s32 $0x8000, s4;
	[dreg:$0x13] =	wrdreg s6  }
0x17: {  	s8 =	sadd.s32 $0x8800, s4;
	[dreg:$0x14] =	wrdreg s7  }
0x18: {  	s9 =	sadd.s32 $0x9000, s4;
	[dreg:$0x15] =	wrdreg s8  }
0x19: {  	s10 =	sadd.s32 $0x9800, s4;
	[dreg:$0x16] =	wrdreg s9  }
0x1a: {  	s11 =	sadd.s32 $0xA000, s4;
	[dreg:$0x17] =	wrdreg s10  }
0x1b: {  	s12 =	sadd.s32 $0xA800, s4;
	[dreg:$0x18] =	wrdreg s11  }
0x1c: {  	s13 =	sadd.s32 $0xB000, s4;
	[dreg:$0x19] =	wrdreg s12  }
0x1d: {  	s14 =	sadd.s32 $0xB800, s4;
	[dreg:$0x1a] =	wrdreg s13  }
0x1e: {  	s15 =	sadd.s32 $0xC000, s4;
	[dreg:$0x1b] =	wrdreg s14  }
0x1f: {  	[dreg:$0x1c] =	wrdreg s15;
	s16 =	sadd.s32 $0xC800, s4  }
0x20: {  	s17 =	sadd.s32 $0xD000, s4;
	[dreg:$0x1d] =	wrdreg s16  }
0x21: {  	s18 =	sadd.s32 $0xD800, s4;
	[dreg:$0x1e] =	wrdreg s17  }
0x22: {  	s19 =	sadd.s32 $0xE000, s4;
	[dreg:$0x1f] =	wrdreg s18  }
0x23: {  	s20 =	sadd.s32 $0xE800, s4;
	[smem:$0x7E0] =	sst s19  }
0x24: {  	s21 =	sadd.s32 $0xF000, s4;
	[smem:$0x7E1] =	sst s20  }
0x25: {  	s22 =	sadd.s32 $0xF800, s4;
	[smem:$0x7E2] =	sst s21  }
0x26: {  	s23 =	simm.s32 $0x280;
	[smem:$0x7E3] =	sst s22  }
0x27: {  	s24 =	simm.s32 $0x300;
	[smem:$0x7E4] =	sst s23  }
0x28: {  	s29 =	simm.s32 $0x1000;
	s25 =	simm.s32 $0x380;
	[smem:$0x7E5] =	sst s24  }
0x29: {  	s30 =	simm.s32 $0x1080;
	s26 =	simm.s32 $0x400;
	[smem:$0x7E6] =	sst s25  }
0x2a: {  	v0 =	vlaneseq.u32;
	s31 =	simm.s32 $0x1100;
	s28 =	simm.s32 $0x480;
	[smem:$0x7E7] =	sst s26  }
0x2b: {  	v0 =	vmul.u32 $0x8, v0;
	s1 =	ssub.s32 $0x2, s1;
	s7 =	simm.s32 $0x500;
	[smem:$0x7E8] =	sst s28  }
0x2c: {  	s0 =	sshrl.u32 s1, $0x1;
	s8 =	simm.s32 $0x580;
	[smem:$0x7E9] =	sst s7  }
0x2d: {  	v1 =	vor.u32 $0x1, v0;
	v8 =	vor.u32 $0x80, v0;
	v9 =	vor.u32 $0x81, v0;
	s9 =	simm.s32 $0x600;
	s6 =	simm.s32 $0xD;
	[smem:$0x7EA] =	sst s8  }
0x2e: {  	v10 =	vor.u32 $0x82, v0;
	v11 =	vor.u32 $0x83, v0;
	v12 =	vor.u32 $0x84, v0;
	s10 =	simm.s32 $0x680;
	s11 =	simm.s32 $0x700;
	[smem:$0x7EB] =	sst s9  }
0x2f: {  	v13 =	vor.u32 $0x85, v0;
	v14 =	vor.u32 $0x86, v0;
	v15 =	vor.u32 $0x87, v0;
	s12 =	simm.s32 $0x780;
	s13 =	simm.s32 $0x800;
	[smem:$0x7EC] =	sst s10  }
0x30: {  	v16 =	vor.u32 $0x100, v0;
	v17 =	vor.u32 $0x101, v0;
	v18 =	vor.u32 $0x102, v0;
	s14 =	simm.s32 $0x880;
	s15 =	simm.s32 $0x900;
	[smem:$0x7ED] =	sst s11  }
0x31: {  	v19 =	vor.u32 $0x103, v0;
	v20 =	vor.u32 $0x104, v0;
	v21 =	vor.u32 $0x105, v0;
	s1 =	ssub.s32 s1, s0;
	s7 =	simm.s32 $0x200;
	[smem:$0x7EE] =	sst s12  }
0x32: {  	v22 =	vor.u32 $0x106, v0;
	v23 =	vor.u32 $0x107, v0;
	v24 =	vor.u32 $0x180, v0;
	s8 =	simm.s32 $0x80;
	s9 =	simm.s32 $0x1200;
	[smem:$0x7EF] =	sst s13  }
0x33: {  	v25 =	vor.u32 $0x181, v0;
	v26 =	vor.u32 $0x182, v0;
	v27 =	vor.u32 $0x183, v0;
	s10 =	simm.s32 $0x5200;
	s11 =	simm.s32 $0x9200;
	[smem:$0x7F0] =	sst s14  }
0x34: {  	v28 =	vor.u32 $0x184, v0;
	v29 =	vor.u32 $0x185, v0;
	v30 =	vor.u32 $0x186, v0;
	s12 =	simm.s32 $0xD200;
	[smem:$0x7F1] =	sst s15;
	s16 =	simm.s32 $0x980  }
0x35: {  	v31 =	vor.u32 $0x187, v0;
	v32 =	vor.u32 $0x200, v0;
	v33 =	vor.u32 $0x201, v0;
	s13 =	simm.s32 $0x11200;
	s17 =	simm.s32 $0xA00;
	[smem:$0x7F2] =	sst s16  }
0x36: {  	v34 =	vor.u32 $0x202, v0;
	v35 =	vor.u32 $0x203, v0;
	v36 =	vor.u32 $0x204, v0;
	s14 =	simm.s32 $0x15200;
	s18 =	simm.s32 $0xA80;
	[smem:$0x7F3] =	sst s17  }
0x37: {  	v37 =	vor.u32 $0x205, v0;
	v38 =	vor.u32 $0x206, v0;
	v39 =	vor.u32 $0x207, v0;
	s15 =	simm.s32 $0x1;
	s19 =	simm.s32 $0xB00;
	[smem:$0x7F4] =	sst s18  }
0x38: {  	v40 =	vor.u32 $0x280, v0;
	v41 =	vor.u32 $0x281, v0;
	v42 =	vor.u32 $0x282, v0;
	s20 =	simm.s32 $0xB80;
	s21 =	simm.s32 $0xC00;
	[smem:$0x7F5] =	sst s19  }
0x39: {  	v43 =	vor.u32 $0x283, v0;
	v44 =	vor.u32 $0x284, v0;
	v45 =	vor.u32 $0x285, v0;
	s22 =	simm.s32 $0xC80;
	s23 =	simm.s32 $0xD00;
	[smem:$0x7F6] =	sst s20  }
0x3a: {  	v46 =	vor.u32 $0x286, v0;
	v47 =	vor.u32 $0x287, v0;
	v48 =	vor.u32 $0x300, v0;
	s24 =	simm.s32 $0xD80;
	s25 =	simm.s32 $0xE00;
	[smem:$0x7F7] =	sst s21  }
0x3b: {  	v49 =	vor.u32 $0x301, v0;
	v50 =	vor.u32 $0x302, v0;
	[tilespmem:$0x1FF90] =	vst v1;
	v1 =	vor.u32 $0x2, v0;
	s26 =	simm.s32 $0xE80;
	s28 =	simm.s32 $0xF00;
	[smem:$0x7F8] =	sst s22  }
0x3c: {  	v51 =	vor.u32 $0x303, v0;
	v52 =	vor.u32 $0x304, v0;
	[tilespmem:$0x1FFA0] =	vst v1;
	v1 =	vor.u32 $0x3, v0;
	s5 =	smax.u32 s1, $0x1;
	s16 =	simm.s32 $0x7;
	[smem:$0x7F9] =	sst s23  }
0x3d: {  	v53 =	vor.u32 $0x305, v0;
	v54 =	vor.u32 $0x306, v0;
	[tilespmem:$0x1FFB0] =	vst v1;
	v1 =	vor.u32 $0x4, v0;
	s17 =	simm.s32 $0x2;
	s18 =	simm.s32 $0x8;
	[smem:$0x7FA] =	sst s24  }
0x3e: {  	v55 =	vor.u32 $0x307, v0;
	v56 =	vor.u32 $0x380, v0;
	[tilespmem:$0x1FFC0] =	vst v1;
	v1 =	vor.u32 $0x5, v0;
	s19 =	simm.s32 $0x3;
	s20 =	simm.s32 $0x9;
	[smem:$0x7FB] =	sst s25  }
0x3f: {  	v57 =	vor.u32 $0x381, v0;
	v58 =	vor.u32 $0x382, v0;
	[tilespmem:$0x1FFD0] =	vst v1;
	v1 =	vor.u32 $0x6, v0;
	s21 =	simm.s32 $0x4;
	s22 =	simm.s32 $0xA;
	[smem:$0x7FC] =	sst s26  }
0x40: {  	v59 =	vor.u32 $0x383, v0;
	v60 =	vor.u32 $0x384, v0;
	s23 =	simm.s32 $0x5;
	s24 =	simm.s32 $0xB;
	[smem:$0x7FD] =	sst s28;
	[tilespmem:$0x1FFE0] =	vst v1;
	v1 =	vor.u32 $0x7, v0  }
0x41: {  	v61 =	vor.u32 $0x385, v0;
	v62 =	vor.u32 $0x386, v0;
	v63 =	vor.u32 $0x387, v0;
	s25 =	simm.s32 $0x6;
	s26 =	simm.s32 $0xC;
	s1 =	simm.s32 $0x1180;
	[tilespmem:$0x1FFF0] =	vst v1  }
.LBB2_1:
0x42: {  	s0 =	rddreg [dreg:$0x4]  }
0x43: {  	[tilespmem:s3], [sflag:$0xD] =	stream.linear.gather [hbm4b:s0+s3], $0x200, $0x38;
	[tilespmem:$0x19200] =	vst v63  }
0x44: {  	_ =	swait.ge [sflag:s6], $0x200  }
0x45: {  	[sflag:s6] =	ssyncset.done $0x0  }
0x46: {  	[sflag:s6] =	ssyncadd.s32 $0xFFFFFE00  }
0x47: {  	v1 =	vld [tilespmem:$0x0]  }
0x48: {  	v3 =	vld [tilespmem:$0x1FF90];
	_ =	sdelay $0x3  }
0x49: {  	v2 =	vshll.u32 v1, $0x3  }
0x4a: {  	v1 =	vand.u32 $0x7, v1;
	v2 =	vand.u32 $0xFFFFFFC0, v2  }
0x4b: {  	v1 =	vor.u32 v1, v2  }
0x4c: {  	[tilespmem:v0+s7+$0x0] =	vst.idx.msk $0xffff, v1;
	v2 =	vor.u32 $0x8, v1  }
0x4d: {  	[tilespmem:v3+s7+$0x0] =	vst.idx.msk $0xffff, v2;
	v3 =	vld [tilespmem:$0x1FFA0];
	_ =	sdelay $0x6  }
0x4e: {  	v2 =	vor.u32 $0x10, v1  }
0x4f: {  	[tilespmem:v3+s7+$0x0] =	vst.idx.msk $0xffff, v2;
	v3 =	vld [tilespmem:$0x1FFB0];
	_ =	sdelay $0x6  }
0x50: {  	v2 =	vor.u32 $0x18, v1  }
0x51: {  	[tilespmem:v3+s7+$0x0] =	vst.idx.msk $0xffff, v2;
	v3 =	vld [tilespmem:$0x1FFC0];
	_ =	sdelay $0x6  }
0x52: {  	v2 =	vor.u32 $0x20, v1  }
0x53: {  	[tilespmem:v3+s7+$0x0] =	vst.idx.msk $0xffff, v2;
	v3 =	vld [tilespmem:$0x1FFD0];
	_ =	sdelay $0x6  }
0x54: {  	v2 =	vor.u32 $0x28, v1  }
0x55: {  	[tilespmem:v3+s7+$0x0] =	vst.idx.msk $0xffff, v2;
	v3 =	vld [tilespmem:$0x1FFE0];
	_ =	sdelay $0x6  }
0x56: {  	v2 =	vor.u32 $0x30, v1  }
0x57: {  	[tilespmem:v3+s7+$0x0] =	vst.idx.msk $0xffff, v2;
	v2 =	vld [tilespmem:$0x1FFF0];
	_ =	sdelay $0x6  }
0x58: {  	v1 =	vor.u32 $0x38, v1  }
0x59: {  	[tilespmem:v2+s7+$0x0] =	vst.idx.msk $0xffff, v1  }
0x5a: {  	v1 =	vld [tilespmem:$0x10];
	_ =	sdelay $0x4  }
0x5b: {  	v2 =	vshll.u32 v1, $0x3  }
0x5c: {  	v1 =	vand.u32 $0x7, v1;
	v2 =	vand.u32 $0xFFFFFFC0, v2  }
0x5d: {  	v1 =	vor.u32 v1, v2  }
0x5e: {  	[tilespmem:v8+s7+$0x0] =	vst.idx.msk $0xffff, v1;
	v2 =	vor.u32 $0x8, v1  }
0x5f: {  	[tilespmem:v9+s7+$0x0] =	vst.idx.msk $0xffff, v2;
	v2 =	vor.u32 $0x10, v1  }
0x60: {  	[tilespmem:v10+s7+$0x0] =	vst.idx.msk $0xffff, v2;
	v2 =	vor.u32 $0x18, v1  }
0x61: {  	[tilespmem:v11+s7+$0x0] =	vst.idx.msk $0xffff, v2;
	v2 =	vor.u32 $0x20, v1  }
0x62: {  	[tilespmem:v12+s7+$0x0] =	vst.idx.msk $0xffff, v2;
	v2 =	vor.u32 $0x28, v1  }
0x63: {  	[tilespmem:v13+s7+$0x0] =	vst.idx.msk $0xffff, v2;
	v2 =	vor.u32 $0x30, v1  }
0x64: {  	v1 =	vor.u32 $0x38, v1;
	[tilespmem:v14+s7+$0x0] =	vst.idx.msk $0xffff, v2  }
0x65: {  	[tilespmem:v15+s7+$0x0] =	vst.idx.msk $0xffff, v1  }
0x66: {  	v1 =	vld [tilespmem:$0x20];
	_ =	sdelay $0x4  }
0x67: {  	v2 =	vshll.u32 v1, $0x3  }
0x68: {  	v1 =	vand.u32 $0x7, v1;
	v2 =	vand.u32 $0xFFFFFFC0, v2  }
0x69: {  	v1 =	vor.u32 v1, v2  }
0x6a: {  	[tilespmem:v16+s7+$0x0] =	vst.idx.msk $0xffff, v1;
	v2 =	vor.u32 $0x8, v1  }
0x6b: {  	[tilespmem:v17+s7+$0x0] =	vst.idx.msk $0xffff, v2;
	v2 =	vor.u32 $0x10, v1  }
0x6c: {  	[tilespmem:v18+s7+$0x0] =	vst.idx.msk $0xffff, v2;
	v2 =	vor.u32 $0x18, v1  }
0x6d: {  	[tilespmem:v19+s7+$0x0] =	vst.idx.msk $0xffff, v2;
	v2 =	vor.u32 $0x20, v1  }
0x6e: {  	[tilespmem:v20+s7+$0x0] =	vst.idx.msk $0xffff, v2;
	v2 =	vor.u32 $0x28, v1  }
0x6f: {  	[tilespmem:v21+s7+$0x0] =	vst.idx.msk $0xffff, v2;
	v2 =	vor.u32 $0x30, v1  }
0x70: {  	v1 =	vor.u32 $0x38, v1;
	[tilespmem:v22+s7+$0x0] =	vst.idx.msk $0xffff, v2  }
0x71: {  	[tilespmem:v23+s7+$0x0] =	vst.idx.msk $0xffff, v1  }
0x72: {  	v1 =	vld [tilespmem:$0x30];
	_ =	sdelay $0x4  }
0x73: {  	v2 =	vshll.u32 v1, $0x3  }
0x74: {  	v1 =	vand.u32 $0x7, v1;
	v2 =	vand.u32 $0xFFFFFFC0, v2  }
0x75: {  	v1 =	vor.u32 v1, v2  }
0x76: {  	[tilespmem:v24+s7+$0x0] =	vst.idx.msk $0xffff, v1;
	v2 =	vor.u32 $0x8, v1  }
0x77: {  	[tilespmem:v25+s7+$0x0] =	vst.idx.msk $0xffff, v2;
	v2 =	vor.u32 $0x10, v1  }
0x78: {  	[tilespmem:v26+s7+$0x0] =	vst.idx.msk $0xffff, v2;
	v2 =	vor.u32 $0x18, v1  }
0x79: {  	[tilespmem:v27+s7+$0x0] =	vst.idx.msk $0xffff, v2;
	v2 =	vor.u32 $0x20, v1  }
0x7a: {  	[tilespmem:v28+s7+$0x0] =	vst.idx.msk $0xffff, v2;
	v2 =	vor.u32 $0x28, v1  }
0x7b: {  	[tilespmem:v29+s7+$0x0] =	vst.idx.msk $0xffff, v2;
	v2 =	vor.u32 $0x30, v1  }
0x7c: {  	v1 =	vor.u32 $0x38, v1;
	[tilespmem:v30+s7+$0x0] =	vst.idx.msk $0xffff, v2  }
0x7d: {  	[tilespmem:v31+s7+$0x0] =	vst.idx.msk $0xffff, v1  }
0x7e: {  	v1 =	vld [tilespmem:$0x40];
	_ =	sdelay $0x4  }
0x7f: {  	v2 =	vshll.u32 v1, $0x3  }
0x80: {  	v1 =	vand.u32 $0x7, v1;
	v2 =	vand.u32 $0xFFFFFFC0, v2  }
0x81: {  	v1 =	vor.u32 v1, v2  }
0x82: {  	[tilespmem:v32+s7+$0x0] =	vst.idx.msk $0xffff, v1;
	v2 =	vor.u32 $0x8, v1  }
0x83: {  	[tilespmem:v33+s7+$0x0] =	vst.idx.msk $0xffff, v2;
	v2 =	vor.u32 $0x10, v1  }
0x84: {  	[tilespmem:v34+s7+$0x0] =	vst.idx.msk $0xffff, v2;
	v2 =	vor.u32 $0x18, v1  }
0x85: {  	[tilespmem:v35+s7+$0x0] =	vst.idx.msk $0xffff, v2;
	v2 =	vor.u32 $0x20, v1  }
0x86: {  	[tilespmem:v36+s7+$0x0] =	vst.idx.msk $0xffff, v2;
	v2 =	vor.u32 $0x28, v1  }
0x87: {  	[tilespmem:v37+s7+$0x0] =	vst.idx.msk $0xffff, v2;
	v2 =	vor.u32 $0x30, v1  }
0x88: {  	v1 =	vor.u32 $0x38, v1;
	[tilespmem:v38+s7+$0x0] =	vst.idx.msk $0xffff, v2  }
0x89: {  	[tilespmem:v39+s7+$0x0] =	vst.idx.msk $0xffff, v1  }
0x8a: {  	v1 =	vld [tilespmem:$0x50];
	_ =	sdelay $0x4  }
0x8b: {  	v2 =	vshll.u32 v1, $0x3  }
0x8c: {  	v1 =	vand.u32 $0x7, v1;
	v2 =	vand.u32 $0xFFFFFFC0, v2  }
0x8d: {  	v1 =	vor.u32 v1, v2  }
0x8e: {  	[tilespmem:v40+s7+$0x0] =	vst.idx.msk $0xffff, v1;
	v2 =	vor.u32 $0x8, v1  }
0x8f: {  	[tilespmem:v41+s7+$0x0] =	vst.idx.msk $0xffff, v2;
	v2 =	vor.u32 $0x10, v1  }
0x90: {  	[tilespmem:v42+s7+$0x0] =	vst.idx.msk $0xffff, v2;
	v2 =	vor.u32 $0x18, v1  }
0x91: {  	[tilespmem:v43+s7+$0x0] =	vst.idx.msk $0xffff, v2;
	v2 =	vor.u32 $0x20, v1  }
0x92: {  	[tilespmem:v44+s7+$0x0] =	vst.idx.msk $0xffff, v2;
	v2 =	vor.u32 $0x28, v1  }
0x93: {  	[tilespmem:v45+s7+$0x0] =	vst.idx.msk $0xffff, v2;
	v2 =	vor.u32 $0x30, v1  }
0x94: {  	v1 =	vor.u32 $0x38, v1;
	[tilespmem:v46+s7+$0x0] =	vst.idx.msk $0xffff, v2  }
0x95: {  	[tilespmem:v47+s7+$0x0] =	vst.idx.msk $0xffff, v1  }
0x96: {  	v1 =	vld [tilespmem:$0x60];
	_ =	sdelay $0x4  }
0x97: {  	v2 =	vshll.u32 v1, $0x3  }
0x98: {  	v1 =	vand.u32 $0x7, v1;
	v2 =	vand.u32 $0xFFFFFFC0, v2  }
0x99: {  	v1 =	vor.u32 v1, v2  }
0x9a: {  	[tilespmem:v48+s7+$0x0] =	vst.idx.msk $0xffff, v1;
	v2 =	vor.u32 $0x8, v1  }
0x9b: {  	[tilespmem:v49+s7+$0x0] =	vst.idx.msk $0xffff, v2;
	v2 =	vor.u32 $0x10, v1  }
0x9c: {  	[tilespmem:v50+s7+$0x0] =	vst.idx.msk $0xffff, v2;
	v2 =	vor.u32 $0x18, v1  }
0x9d: {  	[tilespmem:v51+s7+$0x0] =	vst.idx.msk $0xffff, v2;
	v2 =	vor.u32 $0x20, v1  }
0x9e: {  	[tilespmem:v52+s7+$0x0] =	vst.idx.msk $0xffff, v2;
	v2 =	vor.u32 $0x28, v1  }
0x9f: {  	[tilespmem:v53+s7+$0x0] =	vst.idx.msk $0xffff, v2;
	v2 =	vor.u32 $0x30, v1  }
0xa0: {  	v1 =	vor.u32 $0x38, v1;
	[tilespmem:v54+s7+$0x0] =	vst.idx.msk $0xffff, v2  }
0xa1: {  	[tilespmem:v55+s7+$0x0] =	vst.idx.msk $0xffff, v1  }
0xa2: {  	v1 =	vld [tilespmem:$0x70];
	_ =	sdelay $0x4  }
0xa3: {  	v2 =	vshll.u32 v1, $0x3  }
0xa4: {  	v1 =	vand.u32 $0x7, v1;
	v2 =	vand.u32 $0xFFFFFFC0, v2  }
0xa5: {  	v1 =	vor.u32 v1, v2  }
0xa6: {  	[tilespmem:v56+s7+$0x0] =	vst.idx.msk $0xffff, v1;
	v2 =	vor.u32 $0x8, v1  }
0xa7: {  	[tilespmem:v57+s7+$0x0] =	vst.idx.msk $0xffff, v2;
	v2 =	vor.u32 $0x10, v1  }
0xa8: {  	[tilespmem:v58+s7+$0x0] =	vst.idx.msk $0xffff, v2;
	v2 =	vor.u32 $0x18, v1  }
0xa9: {  	[tilespmem:v59+s7+$0x0] =	vst.idx.msk $0xffff, v2;
	v2 =	vor.u32 $0x20, v1  }
0xaa: {  	[tilespmem:v60+s7+$0x0] =	vst.idx.msk $0xffff, v2;
	v2 =	vor.u32 $0x28, v1  }
0xab: {  	[tilespmem:v61+s7+$0x0] =	vst.idx.msk $0xffff, v2;
	v2 =	vor.u32 $0x30, v1  }
0xac: {  	v1 =	vor.u32 $0x38, v1;
	[tilespmem:v62+s7+$0x0] =	vst.idx.msk $0xffff, v2  }
0xad: {  	[tilespmem:v63+s7+$0x0] =	vst.idx.msk $0xffff, v1  }
0xae: {  	v1 =	vld [tilespmem:$0x80];
	_ =	sdelay $0x2  }
0xaf: {  	v2 =	vor.u32 $0x400, v0  }
0xb0: {  	v3 =	vor.u32 $0x401, v0  }
0xb1: {  	v5 =	vor.u32 $0x402, v0;
	v4 =	vshll.u32 v1, $0x3  }
0xb2: {  	v6 =	vor.u32 $0x403, v0;
	v1 =	vand.u32 $0x7, v1;
	v4 =	vand.u32 $0xFFFFFFC0, v4  }
0xb3: {  	v1 =	vor.u32 v1, v4;
	v4 =	vor.u32 $0x404, v0  }
0xb4: {  	v7 =	vor.u32 $0x405, v0;
	[tilespmem:v2+s7+$0x0] =	vst.idx.msk $0xffff, v1;
	v2 =	vor.u32 $0x8, v1  }
0xb5: {  	[tilespmem:v3+s7+$0x0] =	vst.idx.msk $0xffff, v2;
	v2 =	vor.u32 $0x10, v1;
	v3 =	vor.u32 $0x406, v0  }
0xb6: {  	[tilespmem:v5+s7+$0x0] =	vst.idx.msk $0xffff, v2;
	v2 =	vor.u32 $0x18, v1;
	v5 =	vor.u32 $0x407, v0  }
0xb7: {  	[tilespmem:v6+s7+$0x0] =	vst.idx.msk $0xffff, v2;
	v2 =	vor.u32 $0x20, v1  }
0xb8: {  	[tilespmem:v4+s7+$0x0] =	vst.idx.msk $0xffff, v2;
	v2 =	vor.u32 $0x28, v1  }
0xb9: {  	[tilespmem:v7+s7+$0x0] =	vst.idx.msk $0xffff, v2;
	v2 =	vor.u32 $0x30, v1  }
0xba: {  	v1 =	vor.u32 $0x38, v1;
	[tilespmem:v3+s7+$0x0] =	vst.idx.msk $0xffff, v2  }
0xbb: {  	[tilespmem:v5+s7+$0x0] =	vst.idx.msk $0xffff, v1  }
0xbc: {  	v1 =	vld [tilespmem:$0x90];
	_ =	sdelay $0x2  }
0xbd: {  	v2 =	vor.u32 $0x480, v0  }
0xbe: {  	v3 =	vor.u32 $0x481, v0  }
0xbf: {  	v5 =	vor.u32 $0x482, v0;
	v4 =	vshll.u32 v1, $0x3  }
0xc0: {  	v6 =	vor.u32 $0x483, v0;
	v1 =	vand.u32 $0x7, v1;
	v4 =	vand.u32 $0xFFFFFFC0, v4  }
0xc1: {  	v1 =	vor.u32 v1, v4;
	v4 =	vor.u32 $0x484, v0  }
0xc2: {  	v7 =	vor.u32 $0x485, v0;
	[tilespmem:v2+s7+$0x0] =	vst.idx.msk $0xffff, v1;
	v2 =	vor.u32 $0x8, v1  }
0xc3: {  	[tilespmem:v3+s7+$0x0] =	vst.idx.msk $0xffff, v2;
	v2 =	vor.u32 $0x10, v1;
	v3 =	vor.u32 $0x486, v0  }
0xc4: {  	[tilespmem:v5+s7+$0x0] =	vst.idx.msk $0xffff, v2;
	v2 =	vor.u32 $0x18, v1;
	v5 =	vor.u32 $0x487, v0  }
0xc5: {  	[tilespmem:v6+s7+$0x0] =	vst.idx.msk $0xffff, v2;
	v2 =	vor.u32 $0x20, v1  }
0xc6: {  	[tilespmem:v4+s7+$0x0] =	vst.idx.msk $0xffff, v2;
	v2 =	vor.u32 $0x28, v1  }
0xc7: {  	[tilespmem:v7+s7+$0x0] =	vst.idx.msk $0xffff, v2;
	v2 =	vor.u32 $0x30, v1  }
0xc8: {  	v1 =	vor.u32 $0x38, v1;
	[tilespmem:v3+s7+$0x0] =	vst.idx.msk $0xffff, v2  }
0xc9: {  	[tilespmem:v5+s7+$0x0] =	vst.idx.msk $0xffff, v1  }
0xca: {  	v1 =	vld [tilespmem:$0xA0];
	_ =	sdelay $0x2  }
0xcb: {  	v2 =	vor.u32 $0x500, v0  }
0xcc: {  	v3 =	vor.u32 $0x501, v0  }
0xcd: {  	v5 =	vor.u32 $0x502, v0;
	v4 =	vshll.u32 v1, $0x3  }
0xce: {  	v6 =	vor.u32 $0x503, v0;
	v1 =	vand.u32 $0x7, v1;
	v4 =	vand.u32 $0xFFFFFFC0, v4  }
0xcf: {  	v1 =	vor.u32 v1, v4;
	v4 =	vor.u32 $0x504, v0  }
0xd0: {  	v7 =	vor.u32 $0x505, v0;
	[tilespmem:v2+s7+$0x0] =	vst.idx.msk $0xffff, v1;
	v2 =	vor.u32 $0x8, v1  }
0xd1: {  	[tilespmem:v3+s7+$0x0] =	vst.idx.msk $0xffff, v2;
	v2 =	vor.u32 $0x10, v1;
	v3 =	vor.u32 $0x506, v0  }
0xd2: {  	[tilespmem:v5+s7+$0x0] =	vst.idx.msk $0xffff, v2;
	v2 =	vor.u32 $0x18, v1;
	v5 =	vor.u32 $0x507, v0  }
0xd3: {  	[tilespmem:v6+s7+$0x0] =	vst.idx.msk $0xffff, v2;
	v2 =	vor.u32 $0x20, v1  }
0xd4: {  	[tilespmem:v4+s7+$0x0] =	vst.idx.msk $0xffff, v2;
	v2 =	vor.u32 $0x28, v1  }
0xd5: {  	[tilespmem:v7+s7+$0x0] =	vst.idx.msk $0xffff, v2;
	v2 =	vor.u32 $0x30, v1  }
0xd6: {  	v1 =	vor.u32 $0x38, v1;
	[tilespmem:v3+s7+$0x0] =	vst.idx.msk $0xffff, v2  }
0xd7: {  	[tilespmem:v5+s7+$0x0] =	vst.idx.msk $0xffff, v1  }
0xd8: {  	v1 =	vld [tilespmem:$0xB0];
	_ =	sdelay $0x2  }
0xd9: {  	v2 =	vor.u32 $0x580, v0  }
0xda: {  	v3 =	vor.u32 $0x581, v0  }
0xdb: {  	v5 =	vor.u32 $0x582, v0;
	v4 =	vshll.u32 v1, $0x3  }
0xdc: {  	v6 =	vor.u32 $0x583, v0;
	v1 =	vand.u32 $0x7, v1;
	v4 =	vand.u32 $0xFFFFFFC0, v4  }
0xdd: {  	v1 =	vor.u32 v1, v4;
	v4 =	vor.u32 $0x584, v0  }
0xde: {  	v7 =	vor.u32 $0x585, v0;
	[tilespmem:v2+s7+$0x0] =	vst.idx.msk $0xffff, v1;
	v2 =	vor.u32 $0x8, v1  }
0xdf: {  	[tilespmem:v3+s7+$0x0] =	vst.idx.msk $0xffff, v2;
	v2 =	vor.u32 $0x10, v1;
	v3 =	vor.u32 $0x586, v0  }
0xe0: {  	[tilespmem:v5+s7+$0x0] =	vst.idx.msk $0xffff, v2;
	v2 =	vor.u32 $0x18, v1;
	v5 =	vor.u32 $0x587, v0  }
0xe1: {  	[tilespmem:v6+s7+$0x0] =	vst.idx.msk $0xffff, v2;
	v2 =	vor.u32 $0x20, v1  }
0xe2: {  	[tilespmem:v4+s7+$0x0] =	vst.idx.msk $0xffff, v2;
	v2 =	vor.u32 $0x28, v1  }
0xe3: {  	[tilespmem:v7+s7+$0x0] =	vst.idx.msk $0xffff, v2;
	v2 =	vor.u32 $0x30, v1  }
0xe4: {  	v1 =	vor.u32 $0x38, v1;
	[tilespmem:v3+s7+$0x0] =	vst.idx.msk $0xffff, v2  }
0xe5: {  	[tilespmem:v5+s7+$0x0] =	vst.idx.msk $0xffff, v1  }
0xe6: {  	v1 =	vld [tilespmem:$0xC0];
	_ =	sdelay $0x2  }
0xe7: {  	v2 =	vor.u32 $0x600, v0  }
0xe8: {  	v3 =	vor.u32 $0x601, v0  }
0xe9: {  	v5 =	vor.u32 $0x602, v0;
	v4 =	vshll.u32 v1, $0x3  }
0xea: {  	v6 =	vor.u32 $0x603, v0;
	v1 =	vand.u32 $0x7, v1;
	v4 =	vand.u32 $0xFFFFFFC0, v4  }
0xeb: {  	v1 =	vor.u32 v1, v4;
	v4 =	vor.u32 $0x604, v0  }
0xec: {  	v7 =	vor.u32 $0x605, v0;
	[tilespmem:v2+s7+$0x0] =	vst.idx.msk $0xffff, v1;
	v2 =	vor.u32 $0x8, v1  }
0xed: {  	[tilespmem:v3+s7+$0x0] =	vst.idx.msk $0xffff, v2;
	v2 =	vor.u32 $0x10, v1;
	v3 =	vor.u32 $0x606, v0  }
0xee: {  	[tilespmem:v5+s7+$0x0] =	vst.idx.msk $0xffff, v2;
	v2 =	vor.u32 $0x18, v1;
	v5 =	vor.u32 $0x607, v0  }
0xef: {  	[tilespmem:v6+s7+$0x0] =	vst.idx.msk $0xffff, v2;
	v2 =	vor.u32 $0x20, v1  }
0xf0: {  	[tilespmem:v4+s7+$0x0] =	vst.idx.msk $0xffff, v2;
	v2 =	vor.u32 $0x28, v1  }
0xf1: {  	[tilespmem:v7+s7+$0x0] =	vst.idx.msk $0xffff, v2;
	v2 =	vor.u32 $0x30, v1  }
0xf2: {  	v1 =	vor.u32 $0x38, v1;
	[tilespmem:v3+s7+$0x0] =	vst.idx.msk $0xffff, v2  }
0xf3: {  	[tilespmem:v5+s7+$0x0] =	vst.idx.msk $0xffff, v1  }
0xf4: {  	v1 =	vld [tilespmem:$0xD0];
	_ =	sdelay $0x2  }
0xf5: {  	v2 =	vor.u32 $0x680, v0  }
0xf6: {  	v3 =	vor.u32 $0x681, v0  }
0xf7: {  	v5 =	vor.u32 $0x682, v0;
	v4 =	vshll.u32 v1, $0x3  }
0xf8: {  	v6 =	vor.u32 $0x683, v0;
	v1 =	vand.u32 $0x7, v1;
	v4 =	vand.u32 $0xFFFFFFC0, v4  }
0xf9: {  	v1 =	vor.u32 v1, v4;
	v4 =	vor.u32 $0x684, v0  }
0xfa: {  	v7 =	vor.u32 $0x685, v0;
	[tilespmem:v2+s7+$0x0] =	vst.idx.msk $0xffff, v1;
	v2 =	vor.u32 $0x8, v1  }
0xfb: {  	[tilespmem:v3+s7+$0x0] =	vst.idx.msk $0xffff, v2;
	v2 =	vor.u32 $0x10, v1;
	v3 =	vor.u32 $0x686, v0  }
0xfc: {  	[tilespmem:v5+s7+$0x0] =	vst.idx.msk $0xffff, v2;
	v2 =	vor.u32 $0x18, v1;
	v5 =	vor.u32 $0x687, v0  }
0xfd: {  	[tilespmem:v6+s7+$0x0] =	vst.idx.msk $0xffff, v2;
	v2 =	vor.u32 $0x20, v1  }
0xfe: {  	[tilespmem:v4+s7+$0x0] =	vst.idx.msk $0xffff, v2;
	v2 =	vor.u32 $0x28, v1  }
0xff: {  	[tilespmem:v7+s7+$0x0] =	vst.idx.msk $0xffff, v2;
	v2 =	vor.u32 $0x30, v1  }
0x100: {  	v1 =	vor.u32 $0x38, v1;
	[tilespmem:v3+s7+$0x0] =	vst.idx.msk $0xffff, v2  }
0x101: {  	[tilespmem:v5+s7+$0x0] =	vst.idx.msk $0xffff, v1  }
0x102: {  	v1 =	vld [tilespmem:$0xE0];
	_ =	sdelay $0x2  }
0x103: {  	v2 =	vor.u32 $0x700, v0  }
0x104: {  	v3 =	vor.u32 $0x701, v0  }
0x105: {  	v5 =	vor.u32 $0x702, v0;
	v4 =	vshll.u32 v1, $0x3  }
0x106: {  	v6 =	vor.u32 $0x703, v0;
	v1 =	vand.u32 $0x7, v1;
	v4 =	vand.u32 $0xFFFFFFC0, v4  }
0x107: {  	v1 =	vor.u32 v1, v4;
	v4 =	vor.u32 $0x704, v0  }
0x108: {  	v7 =	vor.u32 $0x705, v0;
	[tilespmem:v2+s7+$0x0] =	vst.idx.msk $0xffff, v1;
	v2 =	vor.u32 $0x8, v1  }
0x109: {  	[tilespmem:v3+s7+$0x0] =	vst.idx.msk $0xffff, v2;
	v2 =	vor.u32 $0x10, v1;
	v3 =	vor.u32 $0x706, v0  }
0x10a: {  	[tilespmem:v5+s7+$0x0] =	vst.idx.msk $0xffff, v2;
	v2 =	vor.u32 $0x18, v1;
	v5 =	vor.u32 $0x707, v0  }
0x10b: {  	[tilespmem:v6+s7+$0x0] =	vst.idx.msk $0xffff, v2;
	v2 =	vor.u32 $0x20, v1  }
0x10c: {  	[tilespmem:v4+s7+$0x0] =	vst.idx.msk $0xffff, v2;
	v2 =	vor.u32 $0x28, v1  }
0x10d: {  	[tilespmem:v7+s7+$0x0] =	vst.idx.msk $0xffff, v2;
	v2 =	vor.u32 $0x30, v1  }
0x10e: {  	v1 =	vor.u32 $0x38, v1;
	[tilespmem:v3+s7+$0x0] =	vst.idx.msk $0xffff, v2  }
0x10f: {  	[tilespmem:v5+s7+$0x0] =	vst.idx.msk $0xffff, v1  }
0x110: {  	v1 =	vld [tilespmem:$0xF0];
	_ =	sdelay $0x2  }
0x111: {  	v2 =	vor.u32 $0x780, v0  }
0x112: {  	v3 =	vor.u32 $0x781, v0  }
0x113: {  	v5 =	vor.u32 $0x782, v0;
	v4 =	vshll.u32 v1, $0x3  }
0x114: {  	v6 =	vor.u32 $0x783, v0;
	v1 =	vand.u32 $0x7, v1;
	v4 =	vand.u32 $0xFFFFFFC0, v4  }
0x115: {  	v1 =	vor.u32 v1, v4;
	v4 =	vor.u32 $0x784, v0  }
0x116: {  	v7 =	vor.u32 $0x785, v0;
	[tilespmem:v2+s7+$0x0] =	vst.idx.msk $0xffff, v1;
	v2 =	vor.u32 $0x8, v1  }
0x117: {  	[tilespmem:v3+s7+$0x0] =	vst.idx.msk $0xffff, v2;
	v2 =	vor.u32 $0x10, v1;
	v3 =	vor.u32 $0x786, v0  }
0x118: {  	[tilespmem:v5+s7+$0x0] =	vst.idx.msk $0xffff, v2;
	v2 =	vor.u32 $0x18, v1;
	v5 =	vor.u32 $0x787, v0  }
0x119: {  	[tilespmem:v6+s7+$0x0] =	vst.idx.msk $0xffff, v2;
	v2 =	vor.u32 $0x20, v1  }
0x11a: {  	[tilespmem:v4+s7+$0x0] =	vst.idx.msk $0xffff, v2;
	v2 =	vor.u32 $0x28, v1  }
0x11b: {  	[tilespmem:v7+s7+$0x0] =	vst.idx.msk $0xffff, v2;
	v2 =	vor.u32 $0x30, v1  }
0x11c: {  	v1 =	vor.u32 $0x38, v1;
	[tilespmem:v3+s7+$0x0] =	vst.idx.msk $0xffff, v2  }
0x11d: {  	[tilespmem:v5+s7+$0x0] =	vst.idx.msk $0xffff, v1  }
0x11e: {  	v1 =	vld [tilespmem:$0x100];
	_ =	sdelay $0x2  }
0x11f: {  	v2 =	vor.u32 $0x800, v0  }
0x120: {  	v3 =	vor.u32 $0x801, v0  }
0x121: {  	v5 =	vor.u32 $0x802, v0;
	v4 =	vshll.u32 v1, $0x3  }
0x122: {  	v6 =	vor.u32 $0x803, v0;
	v1 =	vand.u32 $0x7, v1;
	v4 =	vand.u32 $0xFFFFFFC0, v4  }
0x123: {  	v1 =	vor.u32 v1, v4;
	v4 =	vor.u32 $0x804, v0  }
0x124: {  	v7 =	vor.u32 $0x805, v0;
	[tilespmem:v2+s7+$0x0] =	vst.idx.msk $0xffff, v1;
	v2 =	vor.u32 $0x8, v1  }
0x125: {  	[tilespmem:v3+s7+$0x0] =	vst.idx.msk $0xffff, v2;
	v2 =	vor.u32 $0x10, v1;
	v3 =	vor.u32 $0x806, v0  }
0x126: {  	[tilespmem:v5+s7+$0x0] =	vst.idx.msk $0xffff, v2;
	v2 =	vor.u32 $0x18, v1;
	v5 =	vor.u32 $0x807, v0  }
0x127: {  	[tilespmem:v6+s7+$0x0] =	vst.idx.msk $0xffff, v2;
	v2 =	vor.u32 $0x20, v1  }
0x128: {  	[tilespmem:v4+s7+$0x0] =	vst.idx.msk $0xffff, v2;
	v2 =	vor.u32 $0x28, v1  }
0x129: {  	[tilespmem:v7+s7+$0x0] =	vst.idx.msk $0xffff, v2;
	v2 =	vor.u32 $0x30, v1  }
0x12a: {  	v1 =	vor.u32 $0x38, v1;
	[tilespmem:v3+s7+$0x0] =	vst.idx.msk $0xffff, v2  }
0x12b: {  	[tilespmem:v5+s7+$0x0] =	vst.idx.msk $0xffff, v1  }
0x12c: {  	v1 =	vld [tilespmem:$0x110];
	_ =	sdelay $0x2  }
0x12d: {  	v2 =	vor.u32 $0x880, v0  }
0x12e: {  	v3 =	vor.u32 $0x881, v0  }
0x12f: {  	v5 =	vor.u32 $0x882, v0;
	v4 =	vshll.u32 v1, $0x3  }
0x130: {  	v6 =	vor.u32 $0x883, v0;
	v1 =	vand.u32 $0x7, v1;
	v4 =	vand.u32 $0xFFFFFFC0, v4  }
0x131: {  	v1 =	vor.u32 v1, v4;
	v4 =	vor.u32 $0x884, v0  }
0x132: {  	v7 =	vor.u32 $0x885, v0;
	[tilespmem:v2+s7+$0x0] =	vst.idx.msk $0xffff, v1;
	v2 =	vor.u32 $0x8, v1  }
0x133: {  	[tilespmem:v3+s7+$0x0] =	vst.idx.msk $0xffff, v2;
	v2 =	vor.u32 $0x10, v1;
	v3 =	vor.u32 $0x886, v0  }
0x134: {  	[tilespmem:v5+s7+$0x0] =	vst.idx.msk $0xffff, v2;
	v2 =	vor.u32 $0x18, v1;
	v5 =	vor.u32 $0x887, v0  }
0x135: {  	[tilespmem:v6+s7+$0x0] =	vst.idx.msk $0xffff, v2;
	v2 =	vor.u32 $0x20, v1  }
0x136: {  	[tilespmem:v4+s7+$0x0] =	vst.idx.msk $0xffff, v2;
	v2 =	vor.u32 $0x28, v1  }
0x137: {  	[tilespmem:v7+s7+$0x0] =	vst.idx.msk $0xffff, v2;
	v2 =	vor.u32 $0x30, v1  }
0x138: {  	v1 =	vor.u32 $0x38, v1;
	[tilespmem:v3+s7+$0x0] =	vst.idx.msk $0xffff, v2  }
0x139: {  	[tilespmem:v5+s7+$0x0] =	vst.idx.msk $0xffff, v1  }
0x13a: {  	v1 =	vld [tilespmem:$0x120];
	_ =	sdelay $0x2  }
0x13b: {  	v2 =	vor.u32 $0x900, v0  }
0x13c: {  	v3 =	vor.u32 $0x901, v0  }
0x13d: {  	v5 =	vor.u32 $0x902, v0;
	v4 =	vshll.u32 v1, $0x3  }
0x13e: {  	v6 =	vor.u32 $0x903, v0;
	v1 =	vand.u32 $0x7, v1;
	v4 =	vand.u32 $0xFFFFFFC0, v4  }
0x13f: {  	v1 =	vor.u32 v1, v4;
	v4 =	vor.u32 $0x904, v0  }
0x140: {  	v7 =	vor.u32 $0x905, v0;
	[tilespmem:v2+s7+$0x0] =	vst.idx.msk $0xffff, v1;
	v2 =	vor.u32 $0x8, v1  }
0x141: {  	[tilespmem:v3+s7+$0x0] =	vst.idx.msk $0xffff, v2;
	v2 =	vor.u32 $0x10, v1;
	v3 =	vor.u32 $0x906, v0  }
0x142: {  	[tilespmem:v5+s7+$0x0] =	vst.idx.msk $0xffff, v2;
	v2 =	vor.u32 $0x18, v1;
	v5 =	vor.u32 $0x907, v0  }
0x143: {  	[tilespmem:v6+s7+$0x0] =	vst.idx.msk $0xffff, v2;
	v2 =	vor.u32 $0x20, v1  }
0x144: {  	[tilespmem:v4+s7+$0x0] =	vst.idx.msk $0xffff, v2;
	v2 =	vor.u32 $0x28, v1  }
0x145: {  	[tilespmem:v7+s7+$0x0] =	vst.idx.msk $0xffff, v2;
	v2 =	vor.u32 $0x30, v1  }
0x146: {  	v1 =	vor.u32 $0x38, v1;
	[tilespmem:v3+s7+$0x0] =	vst.idx.msk $0xffff, v2  }
0x147: {  	[tilespmem:v5+s7+$0x0] =	vst.idx.msk $0xffff, v1  }
0x148: {  	v1 =	vld [tilespmem:$0x130];
	_ =	sdelay $0x2  }
0x149: {  	v2 =	vor.u32 $0x980, v0  }
0x14a: {  	v3 =	vor.u32 $0x981, v0  }
0x14b: {  	v5 =	vor.u32 $0x982, v0;
	v4 =	vshll.u32 v1, $0x3  }
0x14c: {  	v6 =	vor.u32 $0x983, v0;
	v1 =	vand.u32 $0x7, v1;
	v4 =	vand.u32 $0xFFFFFFC0, v4  }
0x14d: {  	v1 =	vor.u32 v1, v4;
	v4 =	vor.u32 $0x984, v0  }
0x14e: {  	v7 =	vor.u32 $0x985, v0;
	[tilespmem:v2+s7+$0x0] =	vst.idx.msk $0xffff, v1;
	v2 =	vor.u32 $0x8, v1  }
0x14f: {  	[tilespmem:v3+s7+$0x0] =	vst.idx.msk $0xffff, v2;
	v2 =	vor.u32 $0x10, v1;
	v3 =	vor.u32 $0x986, v0  }
0x150: {  	[tilespmem:v5+s7+$0x0] =	vst.idx.msk $0xffff, v2;
	v2 =	vor.u32 $0x18, v1;
	v5 =	vor.u32 $0x987, v0  }
0x151: {  	[tilespmem:v6+s7+$0x0] =	vst.idx.msk $0xffff, v2;
	v2 =	vor.u32 $0x20, v1  }
0x152: {  	[tilespmem:v4+s7+$0x0] =	vst.idx.msk $0xffff, v2;
	v2 =	vor.u32 $0x28, v1  }
0x153: {  	[tilespmem:v7+s7+$0x0] =	vst.idx.msk $0xffff, v2;
	v2 =	vor.u32 $0x30, v1  }
0x154: {  	v1 =	vor.u32 $0x38, v1;
	[tilespmem:v3+s7+$0x0] =	vst.idx.msk $0xffff, v2  }
0x155: {  	[tilespmem:v5+s7+$0x0] =	vst.idx.msk $0xffff, v1  }
0x156: {  	v1 =	vld [tilespmem:$0x140];
	_ =	sdelay $0x2  }
0x157: {  	v2 =	vor.u32 $0xA00, v0  }
0x158: {  	v3 =	vor.u32 $0xA01, v0  }
0x159: {  	v5 =	vor.u32 $0xA02, v0;
	v4 =	vshll.u32 v1, $0x3  }
0x15a: {  	v6 =	vor.u32 $0xA03, v0;
	v1 =	vand.u32 $0x7, v1;
	v4 =	vand.u32 $0xFFFFFFC0, v4  }
0x15b: {  	v1 =	vor.u32 v1, v4;
	v4 =	vor.u32 $0xA04, v0  }
0x15c: {  	v7 =	vor.u32 $0xA05, v0;
	[tilespmem:v2+s7+$0x0] =	vst.idx.msk $0xffff, v1;
	v2 =	vor.u32 $0x8, v1  }
0x15d: {  	[tilespmem:v3+s7+$0x0] =	vst.idx.msk $0xffff, v2;
	v2 =	vor.u32 $0x10, v1;
	v3 =	vor.u32 $0xA06, v0  }
0x15e: {  	[tilespmem:v5+s7+$0x0] =	vst.idx.msk $0xffff, v2;
	v2 =	vor.u32 $0x18, v1;
	v5 =	vor.u32 $0xA07, v0  }
0x15f: {  	[tilespmem:v6+s7+$0x0] =	vst.idx.msk $0xffff, v2;
	v2 =	vor.u32 $0x20, v1  }
0x160: {  	[tilespmem:v4+s7+$0x0] =	vst.idx.msk $0xffff, v2;
	v2 =	vor.u32 $0x28, v1  }
0x161: {  	[tilespmem:v7+s7+$0x0] =	vst.idx.msk $0xffff, v2;
	v2 =	vor.u32 $0x30, v1  }
0x162: {  	v1 =	vor.u32 $0x38, v1;
	[tilespmem:v3+s7+$0x0] =	vst.idx.msk $0xffff, v2  }
0x163: {  	[tilespmem:v5+s7+$0x0] =	vst.idx.msk $0xffff, v1  }
0x164: {  	v1 =	vld [tilespmem:$0x150];
	_ =	sdelay $0x2  }
0x165: {  	v2 =	vor.u32 $0xA80, v0  }
0x166: {  	v3 =	vor.u32 $0xA81, v0  }
0x167: {  	v5 =	vor.u32 $0xA82, v0;
	v4 =	vshll.u32 v1, $0x3  }
0x168: {  	v6 =	vor.u32 $0xA83, v0;
	v1 =	vand.u32 $0x7, v1;
	v4 =	vand.u32 $0xFFFFFFC0, v4  }
0x169: {  	v1 =	vor.u32 v1, v4;
	v4 =	vor.u32 $0xA84, v0  }
0x16a: {  	v7 =	vor.u32 $0xA85, v0;
	[tilespmem:v2+s7+$0x0] =	vst.idx.msk $0xffff, v1;
	v2 =	vor.u32 $0x8, v1  }
0x16b: {  	[tilespmem:v3+s7+$0x0] =	vst.idx.msk $0xffff, v2;
	v2 =	vor.u32 $0x10, v1;
	v3 =	vor.u32 $0xA86, v0  }
0x16c: {  	[tilespmem:v5+s7+$0x0] =	vst.idx.msk $0xffff, v2;
	v2 =	vor.u32 $0x18, v1;
	v5 =	vor.u32 $0xA87, v0  }
0x16d: {  	[tilespmem:v6+s7+$0x0] =	vst.idx.msk $0xffff, v2;
	v2 =	vor.u32 $0x20, v1  }
0x16e: {  	[tilespmem:v4+s7+$0x0] =	vst.idx.msk $0xffff, v2;
	v2 =	vor.u32 $0x28, v1  }
0x16f: {  	[tilespmem:v7+s7+$0x0] =	vst.idx.msk $0xffff, v2;
	v2 =	vor.u32 $0x30, v1  }
0x170: {  	v1 =	vor.u32 $0x38, v1;
	[tilespmem:v3+s7+$0x0] =	vst.idx.msk $0xffff, v2  }
0x171: {  	[tilespmem:v5+s7+$0x0] =	vst.idx.msk $0xffff, v1  }
0x172: {  	v1 =	vld [tilespmem:$0x160];
	_ =	sdelay $0x2  }
0x173: {  	v2 =	vor.u32 $0xB00, v0  }
0x174: {  	v3 =	vor.u32 $0xB01, v0  }
0x175: {  	v5 =	vor.u32 $0xB02, v0;
	v4 =	vshll.u32 v1, $0x3  }
0x176: {  	v6 =	vor.u32 $0xB03, v0;
	v1 =	vand.u32 $0x7, v1;
	v4 =	vand.u32 $0xFFFFFFC0, v4  }
0x177: {  	v1 =	vor.u32 v1, v4;
	v4 =	vor.u32 $0xB04, v0  }
0x178: {  	v7 =	vor.u32 $0xB05, v0;
	[tilespmem:v2+s7+$0x0] =	vst.idx.msk $0xffff, v1;
	v2 =	vor.u32 $0x8, v1  }
0x179: {  	[tilespmem:v3+s7+$0x0] =	vst.idx.msk $0xffff, v2;
	v2 =	vor.u32 $0x10, v1;
	v3 =	vor.u32 $0xB06, v0  }
0x17a: {  	[tilespmem:v5+s7+$0x0] =	vst.idx.msk $0xffff, v2;
	v2 =	vor.u32 $0x18, v1;
	v5 =	vor.u32 $0xB07, v0  }
0x17b: {  	[tilespmem:v6+s7+$0x0] =	vst.idx.msk $0xffff, v2;
	v2 =	vor.u32 $0x20, v1  }
0x17c: {  	[tilespmem:v4+s7+$0x0] =	vst.idx.msk $0xffff, v2;
	v2 =	vor.u32 $0x28, v1  }
0x17d: {  	[tilespmem:v7+s7+$0x0] =	vst.idx.msk $0xffff, v2;
	v2 =	vor.u32 $0x30, v1  }
0x17e: {  	v1 =	vor.u32 $0x38, v1;
	[tilespmem:v3+s7+$0x0] =	vst.idx.msk $0xffff, v2  }
0x17f: {  	[tilespmem:v5+s7+$0x0] =	vst.idx.msk $0xffff, v1  }
0x180: {  	v1 =	vld [tilespmem:$0x170];
	_ =	sdelay $0x2  }
0x181: {  	v2 =	vor.u32 $0xB80, v0  }
0x182: {  	v3 =	vor.u32 $0xB81, v0  }
0x183: {  	v5 =	vor.u32 $0xB82, v0;
	v4 =	vshll.u32 v1, $0x3  }
0x184: {  	v6 =	vor.u32 $0xB83, v0;
	v1 =	vand.u32 $0x7, v1;
	v4 =	vand.u32 $0xFFFFFFC0, v4  }
0x185: {  	v1 =	vor.u32 v1, v4;
	v4 =	vor.u32 $0xB84, v0  }
0x186: {  	v7 =	vor.u32 $0xB85, v0;
	[tilespmem:v2+s7+$0x0] =	vst.idx.msk $0xffff, v1;
	v2 =	vor.u32 $0x8, v1  }
0x187: {  	[tilespmem:v3+s7+$0x0] =	vst.idx.msk $0xffff, v2;
	v2 =	vor.u32 $0x10, v1;
	v3 =	vor.u32 $0xB86, v0  }
0x188: {  	[tilespmem:v5+s7+$0x0] =	vst.idx.msk $0xffff, v2;
	v2 =	vor.u32 $0x18, v1;
	v5 =	vor.u32 $0xB87, v0  }
0x189: {  	[tilespmem:v6+s7+$0x0] =	vst.idx.msk $0xffff, v2;
	v2 =	vor.u32 $0x20, v1  }
0x18a: {  	[tilespmem:v4+s7+$0x0] =	vst.idx.msk $0xffff, v2;
	v2 =	vor.u32 $0x28, v1  }
0x18b: {  	[tilespmem:v7+s7+$0x0] =	vst.idx.msk $0xffff, v2;
	v2 =	vor.u32 $0x30, v1  }
0x18c: {  	v1 =	vor.u32 $0x38, v1;
	[tilespmem:v3+s7+$0x0] =	vst.idx.msk $0xffff, v2  }
0x18d: {  	[tilespmem:v5+s7+$0x0] =	vst.idx.msk $0xffff, v1  }
0x18e: {  	v1 =	vld [tilespmem:$0x180];
	_ =	sdelay $0x2  }
0x18f: {  	v2 =	vor.u32 $0xC00, v0  }
0x190: {  	v3 =	vor.u32 $0xC01, v0  }
0x191: {  	v5 =	vor.u32 $0xC02, v0;
	v4 =	vshll.u32 v1, $0x3  }
0x192: {  	v6 =	vor.u32 $0xC03, v0;
	v1 =	vand.u32 $0x7, v1;
	v4 =	vand.u32 $0xFFFFFFC0, v4  }
0x193: {  	v1 =	vor.u32 v1, v4;
	v4 =	vor.u32 $0xC04, v0  }
0x194: {  	v7 =	vor.u32 $0xC05, v0;
	[tilespmem:v2+s7+$0x0] =	vst.idx.msk $0xffff, v1;
	v2 =	vor.u32 $0x8, v1  }
0x195: {  	[tilespmem:v3+s7+$0x0] =	vst.idx.msk $0xffff, v2;
	v2 =	vor.u32 $0x10, v1;
	v3 =	vor.u32 $0xC06, v0  }
0x196: {  	[tilespmem:v5+s7+$0x0] =	vst.idx.msk $0xffff, v2;
	v2 =	vor.u32 $0x18, v1;
	v5 =	vor.u32 $0xC07, v0  }
0x197: {  	[tilespmem:v6+s7+$0x0] =	vst.idx.msk $0xffff, v2;
	v2 =	vor.u32 $0x20, v1  }
0x198: {  	[tilespmem:v4+s7+$0x0] =	vst.idx.msk $0xffff, v2;
	v2 =	vor.u32 $0x28, v1  }
0x199: {  	[tilespmem:v7+s7+$0x0] =	vst.idx.msk $0xffff, v2;
	v2 =	vor.u32 $0x30, v1  }
0x19a: {  	v1 =	vor.u32 $0x38, v1;
	[tilespmem:v3+s7+$0x0] =	vst.idx.msk $0xffff, v2  }
0x19b: {  	[tilespmem:v5+s7+$0x0] =	vst.idx.msk $0xffff, v1  }
0x19c: {  	v1 =	vld [tilespmem:$0x190];
	_ =	sdelay $0x2  }
0x19d: {  	v2 =	vor.u32 $0xC80, v0  }
0x19e: {  	v3 =	vor.u32 $0xC81, v0  }
0x19f: {  	v5 =	vor.u32 $0xC82, v0;
	v4 =	vshll.u32 v1, $0x3  }
0x1a0: {  	v6 =	vor.u32 $0xC83, v0;
	v1 =	vand.u32 $0x7, v1;
	v4 =	vand.u32 $0xFFFFFFC0, v4  }
0x1a1: {  	v1 =	vor.u32 v1, v4;
	v4 =	vor.u32 $0xC84, v0  }
0x1a2: {  	v7 =	vor.u32 $0xC85, v0;
	[tilespmem:v2+s7+$0x0] =	vst.idx.msk $0xffff, v1;
	v2 =	vor.u32 $0x8, v1  }
0x1a3: {  	[tilespmem:v3+s7+$0x0] =	vst.idx.msk $0xffff, v2;
	v2 =	vor.u32 $0x10, v1;
	v3 =	vor.u32 $0xC86, v0  }
0x1a4: {  	[tilespmem:v5+s7+$0x0] =	vst.idx.msk $0xffff, v2;
	v2 =	vor.u32 $0x18, v1;
	v5 =	vor.u32 $0xC87, v0  }
0x1a5: {  	[tilespmem:v6+s7+$0x0] =	vst.idx.msk $0xffff, v2;
	v2 =	vor.u32 $0x20, v1  }
0x1a6: {  	[tilespmem:v4+s7+$0x0] =	vst.idx.msk $0xffff, v2;
	v2 =	vor.u32 $0x28, v1  }
0x1a7: {  	[tilespmem:v7+s7+$0x0] =	vst.idx.msk $0xffff, v2;
	v2 =	vor.u32 $0x30, v1  }
0x1a8: {  	v1 =	vor.u32 $0x38, v1;
	[tilespmem:v3+s7+$0x0] =	vst.idx.msk $0xffff, v2  }
0x1a9: {  	[tilespmem:v5+s7+$0x0] =	vst.idx.msk $0xffff, v1  }
0x1aa: {  	v1 =	vld [tilespmem:$0x1A0];
	_ =	sdelay $0x2  }
0x1ab: {  	v2 =	vor.u32 $0xD00, v0  }
0x1ac: {  	v3 =	vor.u32 $0xD01, v0  }
0x1ad: {  	v5 =	vor.u32 $0xD02, v0;
	v4 =	vshll.u32 v1, $0x3  }
0x1ae: {  	v6 =	vor.u32 $0xD03, v0;
	v1 =	vand.u32 $0x7, v1;
	v4 =	vand.u32 $0xFFFFFFC0, v4  }
0x1af: {  	v1 =	vor.u32 v1, v4;
	v4 =	vor.u32 $0xD04, v0  }
0x1b0: {  	v7 =	vor.u32 $0xD05, v0;
	[tilespmem:v2+s7+$0x0] =	vst.idx.msk $0xffff, v1;
	v2 =	vor.u32 $0x8, v1  }
0x1b1: {  	[tilespmem:v3+s7+$0x0] =	vst.idx.msk $0xffff, v2;
	v2 =	vor.u32 $0x10, v1;
	v3 =	vor.u32 $0xD06, v0  }
0x1b2: {  	[tilespmem:v5+s7+$0x0] =	vst.idx.msk $0xffff, v2;
	v2 =	vor.u32 $0x18, v1;
	v5 =	vor.u32 $0xD07, v0  }
0x1b3: {  	[tilespmem:v6+s7+$0x0] =	vst.idx.msk $0xffff, v2;
	v2 =	vor.u32 $0x20, v1  }
0x1b4: {  	[tilespmem:v4+s7+$0x0] =	vst.idx.msk $0xffff, v2;
	v2 =	vor.u32 $0x28, v1  }
0x1b5: {  	[tilespmem:v7+s7+$0x0] =	vst.idx.msk $0xffff, v2;
	v2 =	vor.u32 $0x30, v1  }
0x1b6: {  	v1 =	vor.u32 $0x38, v1;
	[tilespmem:v3+s7+$0x0] =	vst.idx.msk $0xffff, v2  }
0x1b7: {  	[tilespmem:v5+s7+$0x0] =	vst.idx.msk $0xffff, v1  }
0x1b8: {  	v1 =	vld [tilespmem:$0x1B0];
	_ =	sdelay $0x2  }
0x1b9: {  	v2 =	vor.u32 $0xD80, v0  }
0x1ba: {  	v3 =	vor.u32 $0xD81, v0  }
0x1bb: {  	v5 =	vor.u32 $0xD82, v0;
	v4 =	vshll.u32 v1, $0x3  }
0x1bc: {  	v6 =	vor.u32 $0xD83, v0;
	v1 =	vand.u32 $0x7, v1;
	v4 =	vand.u32 $0xFFFFFFC0, v4  }
0x1bd: {  	v1 =	vor.u32 v1, v4;
	v4 =	vor.u32 $0xD84, v0  }
0x1be: {  	v7 =	vor.u32 $0xD85, v0;
	[tilespmem:v2+s7+$0x0] =	vst.idx.msk $0xffff, v1;
	v2 =	vor.u32 $0x8, v1  }
0x1bf: {  	[tilespmem:v3+s7+$0x0] =	vst.idx.msk $0xffff, v2;
	v2 =	vor.u32 $0x10, v1;
	v3 =	vor.u32 $0xD86, v0  }
0x1c0: {  	[tilespmem:v5+s7+$0x0] =	vst.idx.msk $0xffff, v2;
	v2 =	vor.u32 $0x18, v1;
	v5 =	vor.u32 $0xD87, v0  }
0x1c1: {  	[tilespmem:v6+s7+$0x0] =	vst.idx.msk $0xffff, v2;
	v2 =	vor.u32 $0x20, v1  }
0x1c2: {  	[tilespmem:v4+s7+$0x0] =	vst.idx.msk $0xffff, v2;
	v2 =	vor.u32 $0x28, v1  }
0x1c3: {  	[tilespmem:v7+s7+$0x0] =	vst.idx.msk $0xffff, v2;
	v2 =	vor.u32 $0x30, v1  }
0x1c4: {  	v1 =	vor.u32 $0x38, v1;
	[tilespmem:v3+s7+$0x0] =	vst.idx.msk $0xffff, v2  }
0x1c5: {  	[tilespmem:v5+s7+$0x0] =	vst.idx.msk $0xffff, v1  }
0x1c6: {  	v1 =	vld [tilespmem:$0x1C0];
	_ =	sdelay $0x2  }
0x1c7: {  	v2 =	vor.u32 $0xE00, v0  }
0x1c8: {  	v3 =	vor.u32 $0xE01, v0  }
0x1c9: {  	v5 =	vor.u32 $0xE02, v0;
	v4 =	vshll.u32 v1, $0x3  }
0x1ca: {  	v6 =	vor.u32 $0xE03, v0;
	v1 =	vand.u32 $0x7, v1;
	v4 =	vand.u32 $0xFFFFFFC0, v4  }
0x1cb: {  	v1 =	vor.u32 v1, v4;
	v4 =	vor.u32 $0xE04, v0  }
0x1cc: {  	v7 =	vor.u32 $0xE05, v0;
	[tilespmem:v2+s7+$0x0] =	vst.idx.msk $0xffff, v1;
	v2 =	vor.u32 $0x8, v1  }
0x1cd: {  	[tilespmem:v3+s7+$0x0] =	vst.idx.msk $0xffff, v2;
	v2 =	vor.u32 $0x10, v1;
	v3 =	vor.u32 $0xE06, v0  }
0x1ce: {  	[tilespmem:v5+s7+$0x0] =	vst.idx.msk $0xffff, v2;
	v2 =	vor.u32 $0x18, v1;
	v5 =	vor.u32 $0xE07, v0  }
0x1cf: {  	[tilespmem:v6+s7+$0x0] =	vst.idx.msk $0xffff, v2;
	v2 =	vor.u32 $0x20, v1  }
0x1d0: {  	[tilespmem:v4+s7+$0x0] =	vst.idx.msk $0xffff, v2;
	v2 =	vor.u32 $0x28, v1  }
0x1d1: {  	[tilespmem:v7+s7+$0x0] =	vst.idx.msk $0xffff, v2;
	v2 =	vor.u32 $0x30, v1  }
0x1d2: {  	v1 =	vor.u32 $0x38, v1;
	[tilespmem:v3+s7+$0x0] =	vst.idx.msk $0xffff, v2  }
0x1d3: {  	[tilespmem:v5+s7+$0x0] =	vst.idx.msk $0xffff, v1  }
0x1d4: {  	v1 =	vld [tilespmem:$0x1D0];
	_ =	sdelay $0x2  }
0x1d5: {  	v2 =	vor.u32 $0xE80, v0  }
0x1d6: {  	v3 =	vor.u32 $0xE81, v0  }
0x1d7: {  	v5 =	vor.u32 $0xE82, v0;
	v4 =	vshll.u32 v1, $0x3  }
0x1d8: {  	v6 =	vor.u32 $0xE83, v0;
	v1 =	vand.u32 $0x7, v1;
	v4 =	vand.u32 $0xFFFFFFC0, v4  }
0x1d9: {  	v1 =	vor.u32 v1, v4;
	v4 =	vor.u32 $0xE84, v0  }
0x1da: {  	v7 =	vor.u32 $0xE85, v0;
	[tilespmem:v2+s7+$0x0] =	vst.idx.msk $0xffff, v1;
	v2 =	vor.u32 $0x8, v1  }
0x1db: {  	[tilespmem:v3+s7+$0x0] =	vst.idx.msk $0xffff, v2;
	v2 =	vor.u32 $0x10, v1;
	v3 =	vor.u32 $0xE86, v0  }
0x1dc: {  	[tilespmem:v5+s7+$0x0] =	vst.idx.msk $0xffff, v2;
	v2 =	vor.u32 $0x18, v1;
	v5 =	vor.u32 $0xE87, v0  }
0x1dd: {  	[tilespmem:v6+s7+$0x0] =	vst.idx.msk $0xffff, v2;
	v2 =	vor.u32 $0x20, v1  }
0x1de: {  	[tilespmem:v4+s7+$0x0] =	vst.idx.msk $0xffff, v2;
	v2 =	vor.u32 $0x28, v1  }
0x1df: {  	[tilespmem:v7+s7+$0x0] =	vst.idx.msk $0xffff, v2;
	v2 =	vor.u32 $0x30, v1  }
0x1e0: {  	v1 =	vor.u32 $0x38, v1;
	[tilespmem:v3+s7+$0x0] =	vst.idx.msk $0xffff, v2  }
0x1e1: {  	[tilespmem:v5+s7+$0x0] =	vst.idx.msk $0xffff, v1  }
0x1e2: {  	v1 =	vld [tilespmem:$0x1E0];
	_ =	sdelay $0x2  }
0x1e3: {  	v2 =	vor.u32 $0xF00, v0  }
0x1e4: {  	v3 =	vor.u32 $0xF01, v0  }
0x1e5: {  	v5 =	vor.u32 $0xF02, v0;
	v4 =	vshll.u32 v1, $0x3  }
0x1e6: {  	v6 =	vor.u32 $0xF03, v0;
	v1 =	vand.u32 $0x7, v1;
	v4 =	vand.u32 $0xFFFFFFC0, v4  }
0x1e7: {  	v1 =	vor.u32 v1, v4;
	v4 =	vor.u32 $0xF04, v0  }
0x1e8: {  	v7 =	vor.u32 $0xF05, v0;
	[tilespmem:v2+s7+$0x0] =	vst.idx.msk $0xffff, v1;
	v2 =	vor.u32 $0x8, v1  }
0x1e9: {  	[tilespmem:v3+s7+$0x0] =	vst.idx.msk $0xffff, v2;
	v2 =	vor.u32 $0x10, v1;
	v3 =	vor.u32 $0xF06, v0  }
0x1ea: {  	[tilespmem:v5+s7+$0x0] =	vst.idx.msk $0xffff, v2;
	v2 =	vor.u32 $0x18, v1;
	v5 =	vor.u32 $0xF07, v0  }
0x1eb: {  	[tilespmem:v6+s7+$0x0] =	vst.idx.msk $0xffff, v2;
	v2 =	vor.u32 $0x20, v1  }
0x1ec: {  	[tilespmem:v4+s7+$0x0] =	vst.idx.msk $0xffff, v2;
	v2 =	vor.u32 $0x28, v1  }
0x1ed: {  	[tilespmem:v7+s7+$0x0] =	vst.idx.msk $0xffff, v2;
	v2 =	vor.u32 $0x30, v1  }
0x1ee: {  	v1 =	vor.u32 $0x38, v1;
	[tilespmem:v3+s7+$0x0] =	vst.idx.msk $0xffff, v2  }
0x1ef: {  	[tilespmem:v5+s7+$0x0] =	vst.idx.msk $0xffff, v1  }
0x1f0: {  	v1 =	vld [tilespmem:$0x1F0];
	_ =	sdelay $0x2  }
0x1f1: {  	v2 =	vor.u32 $0xF80, v0  }
0x1f2: {  	v3 =	vor.u32 $0xF81, v0  }
0x1f3: {  	v5 =	vor.u32 $0xF82, v0;
	v4 =	vshll.u32 v1, $0x3  }
0x1f4: {  	v6 =	vor.u32 $0xF83, v0;
	v1 =	vand.u32 $0x7, v1;
	v4 =	vand.u32 $0xFFFFFFC0, v4  }
0x1f5: {  	v1 =	vor.u32 v1, v4;
	v4 =	vor.u32 $0xF84, v0  }
0x1f6: {  	v7 =	vor.u32 $0xF85, v0;
	[tilespmem:v2+s7+$0x0] =	vst.idx.msk $0xffff, v1;
	v2 =	vor.u32 $0x8, v1  }
0x1f7: {  	[tilespmem:v3+s7+$0x0] =	vst.idx.msk $0xffff, v2;
	v2 =	vor.u32 $0x10, v1;
	v3 =	vor.u32 $0xF86, v0  }
0x1f8: {  	[tilespmem:v5+s7+$0x0] =	vst.idx.msk $0xffff, v2;
	v2 =	vor.u32 $0x18, v1;
	v5 =	vor.u32 $0xF87, v0  }
0x1f9: {  	[tilespmem:v6+s7+$0x0] =	vst.idx.msk $0xffff, v2;
	v2 =	vor.u32 $0x20, v1  }
0x1fa: {  	[tilespmem:v4+s7+$0x0] =	vst.idx.msk $0xffff, v2;
	v2 =	vor.u32 $0x28, v1  }
0x1fb: {  	[tilespmem:v7+s7+$0x0] =	vst.idx.msk $0xffff, v2;
	v2 =	vor.u32 $0x30, v1  }
0x1fc: {  	v1 =	vor.u32 $0x38, v1;
	[tilespmem:v3+s7+$0x0] =	vst.idx.msk $0xffff, v2  }
0x1fd: {  	s0 =	sld [smem:$0x7E4];
	[tilespmem:v5+s7+$0x0] =	vst.idx.msk $0xffff, v1  }
0x1fe: {  	[tilespmem:s9], [sflag:$0x1] =	stream.indirect.gather [hbm4b:s2+s8], $0x80, s7, s8, $0xb8;
	[tilespmem:$0x19200] =	vst v63  }
0x1ff: {  	s28 =	sld [smem:$0x7E5]  }
0x200: {  	[tilespmem:s10], [sflag:$0x2] =	stream.indirect.gather [hbm4b:s2+s8], $0x80, s0, s8, $0xb8;
	[tilespmem:$0x19200] =	vst v63  }
0x201: {  	s0 =	sld [smem:$0x7E6]  }
0x202: {  	[tilespmem:s11], [sflag:$0x3] =	stream.indirect.gather [hbm4b:s2+s8], $0x80, s28, s8, $0xb8;
	[tilespmem:$0x19200] =	vst v63  }
0x203: {  	s28 =	sld [smem:$0x7E7]  }
0x204: {  	[tilespmem:s12], [sflag:$0x4] =	stream.indirect.gather [hbm4b:s2+s8], $0x80, s0, s8, $0xb8;
	[tilespmem:$0x19200] =	vst v63  }
0x205: {  	s0 =	sld [smem:$0x7E8]  }
0x206: {  	[tilespmem:s13], [sflag:$0x5] =	stream.indirect.gather [hbm4b:s2+s8], $0x80, s28, s8, $0xb8;
	[tilespmem:$0x19200] =	vst v63  }
0x207: {  	_ = 	snop  }
0x208: {  	[tilespmem:s14], [sflag:$0x6] =	stream.indirect.gather [hbm4b:s2+s8], $0x80, s0, s8, $0xb8;
	[tilespmem:$0x19200] =	vst v63  }
0x209: {  	_ =	swait.ge [sflag:s15], $0x4000  }
0x20a: {  	[sflag:s15] =	ssyncset.done $0x0  }
0x20b: {  	[sflag:s15] =	ssyncadd.s32 $0xFFFFC000  }
0x20c: {  	[hbm4b:s4+s3] =	stream.linear.scatter [tilespmem:s9], [sflag:$0x7], $0x4000, $0x38;
	[tilespmem:$0x19200] =	vst v63  }
0x20d: {  	_ =	swait.ge [sflag:s16], $0x4000  }
0x20e: {  	s28 =	sld [smem:$0x7E9]  }
0x20f: {  	[sflag:s16] =	ssyncset.done $0x0  }
0x210: {  	[sflag:s16] =	ssyncadd.s32 $0xFFFFC000  }
0x211: {  	[tilespmem:s9], [sflag:$0x1] =	stream.indirect.gather [hbm4b:s2+s8], $0x80, s28, s8, $0xb8;
	[tilespmem:$0x19200] =	vst v63  }
0x212: {  	_ =	swait.ge [sflag:s17], $0x4000  }
0x213: {  	[sflag:s17] =	ssyncset.done $0x0  }
0x214: {  	s28 =	rddreg [dreg:$0x5];
	[sflag:s17] =	ssyncadd.s32 $0xFFFFC000  }
0x215: {  	[hbm4b:s28+s3] =	stream.linear.scatter [tilespmem:s10], [sflag:$0x8], $0x4000, $0x38;
	[tilespmem:$0x19200] =	vst v63  }
0x216: {  	_ =	swait.ge [sflag:s18], $0x4000  }
0x217: {  	s28 =	sld [smem:$0x7EA]  }
0x218: {  	[sflag:s18] =	ssyncset.done $0x0  }
0x219: {  	[sflag:s18] =	ssyncadd.s32 $0xFFFFC000  }
0x21a: {  	[tilespmem:s10], [sflag:$0x2] =	stream.indirect.gather [hbm4b:s2+s8], $0x80, s28, s8, $0xb8;
	[tilespmem:$0x19200] =	vst v63  }
0x21b: {  	_ =	swait.ge [sflag:s19], $0x4000  }
0x21c: {  	[sflag:s19] =	ssyncset.done $0x0  }
0x21d: {  	s28 =	rddreg [dreg:$0x6];
	[sflag:s19] =	ssyncadd.s32 $0xFFFFC000  }
0x21e: {  	[hbm4b:s28+s3] =	stream.linear.scatter [tilespmem:s11], [sflag:$0x9], $0x4000, $0x38;
	[tilespmem:$0x19200] =	vst v63  }
0x21f: {  	_ =	swait.ge [sflag:s20], $0x4000  }
0x220: {  	s28 =	sld [smem:$0x7EB]  }
0x221: {  	[sflag:s20] =	ssyncset.done $0x0  }
0x222: {  	[sflag:s20] =	ssyncadd.s32 $0xFFFFC000  }
0x223: {  	[tilespmem:s11], [sflag:$0x3] =	stream.indirect.gather [hbm4b:s2+s8], $0x80, s28, s8, $0xb8;
	[tilespmem:$0x19200] =	vst v63  }
0x224: {  	_ =	swait.ge [sflag:s21], $0x4000  }
0x225: {  	[sflag:s21] =	ssyncset.done $0x0  }
0x226: {  	s28 =	rddreg [dreg:$0x7];
	[sflag:s21] =	ssyncadd.s32 $0xFFFFC000  }
0x227: {  	[hbm4b:s28+s3] =	stream.linear.scatter [tilespmem:s12], [sflag:$0xA], $0x4000, $0x38;
	[tilespmem:$0x19200] =	vst v63  }
0x228: {  	_ =	swait.ge [sflag:s22], $0x4000  }
0x229: {  	s28 =	sld [smem:$0x7EC]  }
0x22a: {  	[sflag:s22] =	ssyncset.done $0x0  }
0x22b: {  	[sflag:s22] =	ssyncadd.s32 $0xFFFFC000  }
0x22c: {  	[tilespmem:s12], [sflag:$0x4] =	stream.indirect.gather [hbm4b:s2+s8], $0x80, s28, s8, $0xb8;
	[tilespmem:$0x19200] =	vst v63  }
0x22d: {  	_ =	swait.ge [sflag:s23], $0x4000  }
0x22e: {  	[sflag:s23] =	ssyncset.done $0x0  }
0x22f: {  	s28 =	rddreg [dreg:$0x8];
	[sflag:s23] =	ssyncadd.s32 $0xFFFFC000  }
0x230: {  	[hbm4b:s28+s3] =	stream.linear.scatter [tilespmem:s13], [sflag:$0xB], $0x4000, $0x38;
	[tilespmem:$0x19200] =	vst v63  }
0x231: {  	_ =	swait.ge [sflag:s24], $0x4000  }
0x232: {  	s28 =	sld [smem:$0x7ED]  }
0x233: {  	[sflag:s24] =	ssyncset.done $0x0  }
0x234: {  	[sflag:s24] =	ssyncadd.s32 $0xFFFFC000  }
0x235: {  	[tilespmem:s13], [sflag:$0x5] =	stream.indirect.gather [hbm4b:s2+s8], $0x80, s28, s8, $0xb8;
	[tilespmem:$0x19200] =	vst v63  }
0x236: {  	_ =	swait.ge [sflag:s25], $0x4000  }
0x237: {  	[sflag:s25] =	ssyncset.done $0x0  }
0x238: {  	s28 =	rddreg [dreg:$0x9];
	[sflag:s25] =	ssyncadd.s32 $0xFFFFC000  }
0x239: {  	[hbm4b:s28+s3] =	stream.linear.scatter [tilespmem:s14], [sflag:$0xC], $0x4000, $0x38;
	[tilespmem:$0x19200] =	vst v63  }
0x23a: {  	_ =	swait.ge [sflag:s26], $0x4000  }
0x23b: {  	s28 =	sld [smem:$0x7EE]  }
0x23c: {  	[sflag:s26] =	ssyncset.done $0x0  }
0x23d: {  	[sflag:s26] =	ssyncadd.s32 $0xFFFFC000  }
0x23e: {  	[tilespmem:s14], [sflag:$0x6] =	stream.indirect.gather [hbm4b:s2+s8], $0x80, s28, s8, $0xb8;
	[tilespmem:$0x19200] =	vst v63  }
0x23f: {  	_ =	swait.ge [sflag:s15], $0x4000  }
0x240: {  	[sflag:s15] =	ssyncset.done $0x0  }
0x241: {  	s28 =	rddreg [dreg:$0xa];
	[sflag:s15] =	ssyncadd.s32 $0xFFFFC000  }
0x242: {  	[hbm4b:s28+s3] =	stream.linear.scatter [tilespmem:s9], [sflag:$0x7], $0x4000, $0x38;
	[tilespmem:$0x19200] =	vst v63  }
0x243: {  	_ =	swait.ge [sflag:s16], $0x4000  }
0x244: {  	s28 =	sld [smem:$0x7EF]  }
0x245: {  	[sflag:s16] =	ssyncset.done $0x0  }
0x246: {  	[sflag:s16] =	ssyncadd.s32 $0xFFFFC000  }
0x247: {  	[tilespmem:s9], [sflag:$0x1] =	stream.indirect.gather [hbm4b:s2+s8], $0x80, s28, s8, $0xb8;
	[tilespmem:$0x19200] =	vst v63  }
0x248: {  	_ =	swait.ge [sflag:s17], $0x4000  }
0x249: {  	[sflag:s17] =	ssyncset.done $0x0  }
0x24a: {  	s28 =	rddreg [dreg:$0xb];
	[sflag:s17] =	ssyncadd.s32 $0xFFFFC000  }
0x24b: {  	[hbm4b:s28+s3] =	stream.linear.scatter [tilespmem:s10], [sflag:$0x8], $0x4000, $0x38;
	[tilespmem:$0x19200] =	vst v63  }
0x24c: {  	_ =	swait.ge [sflag:s18], $0x4000  }
0x24d: {  	s28 =	sld [smem:$0x7F0]  }
0x24e: {  	[sflag:s18] =	ssyncset.done $0x0  }
0x24f: {  	[sflag:s18] =	ssyncadd.s32 $0xFFFFC000  }
0x250: {  	[tilespmem:s10], [sflag:$0x2] =	stream.indirect.gather [hbm4b:s2+s8], $0x80, s28, s8, $0xb8;
	[tilespmem:$0x19200] =	vst v63  }
0x251: {  	_ =	swait.ge [sflag:s19], $0x4000  }
0x252: {  	[sflag:s19] =	ssyncset.done $0x0  }
0x253: {  	s28 =	rddreg [dreg:$0xc];
	[sflag:s19] =	ssyncadd.s32 $0xFFFFC000  }
0x254: {  	[hbm4b:s28+s3] =	stream.linear.scatter [tilespmem:s11], [sflag:$0x9], $0x4000, $0x38;
	[tilespmem:$0x19200] =	vst v63  }
0x255: {  	_ =	swait.ge [sflag:s20], $0x4000  }
0x256: {  	s28 =	sld [smem:$0x7F1]  }
0x257: {  	[sflag:s20] =	ssyncset.done $0x0  }
0x258: {  	[sflag:s20] =	ssyncadd.s32 $0xFFFFC000  }
0x259: {  	[tilespmem:s11], [sflag:$0x3] =	stream.indirect.gather [hbm4b:s2+s8], $0x80, s28, s8, $0xb8;
	[tilespmem:$0x19200] =	vst v63  }
0x25a: {  	_ =	swait.ge [sflag:s21], $0x4000  }
0x25b: {  	[sflag:s21] =	ssyncset.done $0x0  }
0x25c: {  	s28 =	rddreg [dreg:$0xd];
	[sflag:s21] =	ssyncadd.s32 $0xFFFFC000  }
0x25d: {  	[hbm4b:s28+s3] =	stream.linear.scatter [tilespmem:s12], [sflag:$0xA], $0x4000, $0x38;
	[tilespmem:$0x19200] =	vst v63  }
0x25e: {  	_ =	swait.ge [sflag:s22], $0x4000  }
0x25f: {  	s28 =	sld [smem:$0x7F2]  }
0x260: {  	[sflag:s22] =	ssyncset.done $0x0  }
0x261: {  	[sflag:s22] =	ssyncadd.s32 $0xFFFFC000  }
0x262: {  	[tilespmem:s12], [sflag:$0x4] =	stream.indirect.gather [hbm4b:s2+s8], $0x80, s28, s8, $0xb8;
	[tilespmem:$0x19200] =	vst v63  }
0x263: {  	_ =	swait.ge [sflag:s23], $0x4000  }
0x264: {  	[sflag:s23] =	ssyncset.done $0x0  }
0x265: {  	s28 =	rddreg [dreg:$0xe];
	[sflag:s23] =	ssyncadd.s32 $0xFFFFC000  }
0x266: {  	[hbm4b:s28+s3] =	stream.linear.scatter [tilespmem:s13], [sflag:$0xB], $0x4000, $0x38;
	[tilespmem:$0x19200] =	vst v63  }
0x267: {  	_ =	swait.ge [sflag:s24], $0x4000  }
0x268: {  	s28 =	sld [smem:$0x7F3]  }
0x269: {  	[sflag:s24] =	ssyncset.done $0x0  }
0x26a: {  	[sflag:s24] =	ssyncadd.s32 $0xFFFFC000  }
0x26b: {  	[tilespmem:s13], [sflag:$0x5] =	stream.indirect.gather [hbm4b:s2+s8], $0x80, s28, s8, $0xb8;
	[tilespmem:$0x19200] =	vst v63  }
0x26c: {  	_ =	swait.ge [sflag:s25], $0x4000  }
0x26d: {  	[sflag:s25] =	ssyncset.done $0x0  }
0x26e: {  	s28 =	rddreg [dreg:$0xf];
	[sflag:s25] =	ssyncadd.s32 $0xFFFFC000  }
0x26f: {  	[hbm4b:s28+s3] =	stream.linear.scatter [tilespmem:s14], [sflag:$0xC], $0x4000, $0x38;
	[tilespmem:$0x19200] =	vst v63  }
0x270: {  	_ =	swait.ge [sflag:s26], $0x4000  }
0x271: {  	s28 =	sld [smem:$0x7F4]  }
0x272: {  	[sflag:s26] =	ssyncset.done $0x0  }
0x273: {  	[sflag:s26] =	ssyncadd.s32 $0xFFFFC000  }
0x274: {  	[tilespmem:s14], [sflag:$0x6] =	stream.indirect.gather [hbm4b:s2+s8], $0x80, s28, s8, $0xb8;
	[tilespmem:$0x19200] =	vst v63  }
0x275: {  	_ =	swait.ge [sflag:s15], $0x4000  }
0x276: {  	[sflag:s15] =	ssyncset.done $0x0  }
0x277: {  	s28 =	rddreg [dreg:$0x10];
	[sflag:s15] =	ssyncadd.s32 $0xFFFFC000  }
0x278: {  	[hbm4b:s28+s3] =	stream.linear.scatter [tilespmem:s9], [sflag:$0x7], $0x4000, $0x38;
	[tilespmem:$0x19200] =	vst v63  }
0x279: {  	_ =	swait.ge [sflag:s16], $0x4000  }
0x27a: {  	s28 =	sld [smem:$0x7F5]  }
0x27b: {  	[sflag:s16] =	ssyncset.done $0x0  }
0x27c: {  	[sflag:s16] =	ssyncadd.s32 $0xFFFFC000  }
0x27d: {  	[tilespmem:s9], [sflag:$0x1] =	stream.indirect.gather [hbm4b:s2+s8], $0x80, s28, s8, $0xb8;
	[tilespmem:$0x19200] =	vst v63  }
0x27e: {  	_ =	swait.ge [sflag:s17], $0x4000  }
0x27f: {  	[sflag:s17] =	ssyncset.done $0x0  }
0x280: {  	s28 =	rddreg [dreg:$0x11];
	[sflag:s17] =	ssyncadd.s32 $0xFFFFC000  }
0x281: {  	[hbm4b:s28+s3] =	stream.linear.scatter [tilespmem:s10], [sflag:$0x8], $0x4000, $0x38;
	[tilespmem:$0x19200] =	vst v63  }
0x282: {  	_ =	swait.ge [sflag:s18], $0x4000  }
0x283: {  	s28 =	sld [smem:$0x7F6]  }
0x284: {  	[sflag:s18] =	ssyncset.done $0x0  }
0x285: {  	[sflag:s18] =	ssyncadd.s32 $0xFFFFC000  }
0x286: {  	[tilespmem:s10], [sflag:$0x2] =	stream.indirect.gather [hbm4b:s2+s8], $0x80, s28, s8, $0xb8;
	[tilespmem:$0x19200] =	vst v63  }
0x287: {  	_ =	swait.ge [sflag:s19], $0x4000  }
0x288: {  	[sflag:s19] =	ssyncset.done $0x0  }
0x289: {  	s28 =	rddreg [dreg:$0x12];
	[sflag:s19] =	ssyncadd.s32 $0xFFFFC000  }
0x28a: {  	[hbm4b:s28+s3] =	stream.linear.scatter [tilespmem:s11], [sflag:$0x9], $0x4000, $0x38;
	[tilespmem:$0x19200] =	vst v63  }
0x28b: {  	_ =	swait.ge [sflag:s20], $0x4000  }
0x28c: {  	s28 =	sld [smem:$0x7F7]  }
0x28d: {  	[sflag:s20] =	ssyncset.done $0x0  }
0x28e: {  	[sflag:s20] =	ssyncadd.s32 $0xFFFFC000  }
0x28f: {  	[tilespmem:s11], [sflag:$0x3] =	stream.indirect.gather [hbm4b:s2+s8], $0x80, s28, s8, $0xb8;
	[tilespmem:$0x19200] =	vst v63  }
0x290: {  	_ =	swait.ge [sflag:s21], $0x4000  }
0x291: {  	[sflag:s21] =	ssyncset.done $0x0  }
0x292: {  	s28 =	rddreg [dreg:$0x13];
	[sflag:s21] =	ssyncadd.s32 $0xFFFFC000  }
0x293: {  	[hbm4b:s28+s3] =	stream.linear.scatter [tilespmem:s12], [sflag:$0xA], $0x4000, $0x38;
	[tilespmem:$0x19200] =	vst v63  }
0x294: {  	_ =	swait.ge [sflag:s22], $0x4000  }
0x295: {  	s28 =	sld [smem:$0x7F8]  }
0x296: {  	[sflag:s22] =	ssyncset.done $0x0  }
0x297: {  	[sflag:s22] =	ssyncadd.s32 $0xFFFFC000  }
0x298: {  	[tilespmem:s12], [sflag:$0x4] =	stream.indirect.gather [hbm4b:s2+s8], $0x80, s28, s8, $0xb8;
	[tilespmem:$0x19200] =	vst v63  }
0x299: {  	_ =	swait.ge [sflag:s23], $0x4000  }
0x29a: {  	[sflag:s23] =	ssyncset.done $0x0  }
0x29b: {  	s28 =	rddreg [dreg:$0x14];
	[sflag:s23] =	ssyncadd.s32 $0xFFFFC000  }
0x29c: {  	[hbm4b:s28+s3] =	stream.linear.scatter [tilespmem:s13], [sflag:$0xB], $0x4000, $0x38;
	[tilespmem:$0x19200] =	vst v63  }
0x29d: {  	_ =	swait.ge [sflag:s24], $0x4000  }
0x29e: {  	s28 =	sld [smem:$0x7F9]  }
0x29f: {  	[sflag:s24] =	ssyncset.done $0x0  }
0x2a0: {  	[sflag:s24] =	ssyncadd.s32 $0xFFFFC000  }
0x2a1: {  	[tilespmem:s13], [sflag:$0x5] =	stream.indirect.gather [hbm4b:s2+s8], $0x80, s28, s8, $0xb8;
	[tilespmem:$0x19200] =	vst v63  }
0x2a2: {  	_ =	swait.ge [sflag:s25], $0x4000  }
0x2a3: {  	[sflag:s25] =	ssyncset.done $0x0  }
0x2a4: {  	s28 =	rddreg [dreg:$0x15];
	[sflag:s25] =	ssyncadd.s32 $0xFFFFC000  }
0x2a5: {  	[hbm4b:s28+s3] =	stream.linear.scatter [tilespmem:s14], [sflag:$0xC], $0x4000, $0x38;
	[tilespmem:$0x19200] =	vst v63  }
0x2a6: {  	_ =	swait.ge [sflag:s26], $0x4000  }
0x2a7: {  	s28 =	sld [smem:$0x7FA]  }
0x2a8: {  	[sflag:s26] =	ssyncset.done $0x0  }
0x2a9: {  	[sflag:s26] =	ssyncadd.s32 $0xFFFFC000  }
0x2aa: {  	[tilespmem:s14], [sflag:$0x6] =	stream.indirect.gather [hbm4b:s2+s8], $0x80, s28, s8, $0xb8;
	[tilespmem:$0x19200] =	vst v63  }
0x2ab: {  	_ =	swait.ge [sflag:s15], $0x4000  }
0x2ac: {  	[sflag:s15] =	ssyncset.done $0x0  }
0x2ad: {  	s28 =	rddreg [dreg:$0x16];
	[sflag:s15] =	ssyncadd.s32 $0xFFFFC000  }
0x2ae: {  	[hbm4b:s28+s3] =	stream.linear.scatter [tilespmem:s9], [sflag:$0x7], $0x4000, $0x38;
	[tilespmem:$0x19200] =	vst v63  }
0x2af: {  	_ =	swait.ge [sflag:s16], $0x4000  }
0x2b0: {  	s28 =	sld [smem:$0x7FB]  }
0x2b1: {  	[sflag:s16] =	ssyncset.done $0x0  }
0x2b2: {  	[sflag:s16] =	ssyncadd.s32 $0xFFFFC000  }
0x2b3: {  	[tilespmem:s9], [sflag:$0x1] =	stream.indirect.gather [hbm4b:s2+s8], $0x80, s28, s8, $0xb8;
	[tilespmem:$0x19200] =	vst v63  }
0x2b4: {  	_ =	swait.ge [sflag:s17], $0x4000  }
0x2b5: {  	[sflag:s17] =	ssyncset.done $0x0  }
0x2b6: {  	s28 =	rddreg [dreg:$0x17];
	[sflag:s17] =	ssyncadd.s32 $0xFFFFC000  }
0x2b7: {  	[hbm4b:s28+s3] =	stream.linear.scatter [tilespmem:s10], [sflag:$0x8], $0x4000, $0x38;
	[tilespmem:$0x19200] =	vst v63  }
0x2b8: {  	_ =	swait.ge [sflag:s18], $0x4000  }
0x2b9: {  	s28 =	sld [smem:$0x7FC]  }
0x2ba: {  	[sflag:s18] =	ssyncset.done $0x0  }
0x2bb: {  	[sflag:s18] =	ssyncadd.s32 $0xFFFFC000  }
0x2bc: {  	[tilespmem:s10], [sflag:$0x2] =	stream.indirect.gather [hbm4b:s2+s8], $0x80, s28, s8, $0xb8;
	[tilespmem:$0x19200] =	vst v63  }
0x2bd: {  	_ =	swait.ge [sflag:s19], $0x4000  }
0x2be: {  	[sflag:s19] =	ssyncset.done $0x0  }
0x2bf: {  	s28 =	rddreg [dreg:$0x18];
	[sflag:s19] =	ssyncadd.s32 $0xFFFFC000  }
0x2c0: {  	[hbm4b:s28+s3] =	stream.linear.scatter [tilespmem:s11], [sflag:$0x9], $0x4000, $0x38;
	[tilespmem:$0x19200] =	vst v63  }
0x2c1: {  	_ =	swait.ge [sflag:s20], $0x4000  }
0x2c2: {  	s28 =	sld [smem:$0x7FD]  }
0x2c3: {  	[sflag:s20] =	ssyncset.done $0x0  }
0x2c4: {  	[sflag:s20] =	ssyncadd.s32 $0xFFFFC000  }
0x2c5: {  	[tilespmem:s11], [sflag:$0x3] =	stream.indirect.gather [hbm4b:s2+s8], $0x80, s28, s8, $0xb8;
	[tilespmem:$0x19200] =	vst v63  }
0x2c6: {  	_ =	swait.ge [sflag:s21], $0x4000  }
0x2c7: {  	[sflag:s21] =	ssyncset.done $0x0  }
0x2c8: {  	s28 =	rddreg [dreg:$0x19];
	[sflag:s21] =	ssyncadd.s32 $0xFFFFC000  }
0x2c9: {  	[hbm4b:s28+s3] =	stream.linear.scatter [tilespmem:s12], [sflag:$0xA], $0x4000, $0x38;
	[tilespmem:$0x19200] =	vst v63  }
0x2ca: {  	_ =	swait.ge [sflag:s22], $0x4000  }
0x2cb: {  	[sflag:s22] =	ssyncset.done $0x0  }
0x2cc: {  	s28 =	simm.s32 $0xF80;
	[sflag:s22] =	ssyncadd.s32 $0xFFFFC000  }
0x2cd: {  	[tilespmem:s12], [sflag:$0x4] =	stream.indirect.gather [hbm4b:s2+s8], $0x80, s28, s8, $0xb8;
	[tilespmem:$0x19200] =	vst v63  }
0x2ce: {  	_ =	swait.ge [sflag:s23], $0x4000  }
0x2cf: {  	[sflag:s23] =	ssyncset.done $0x0  }
0x2d0: {  	s28 =	rddreg [dreg:$0x1a];
	[sflag:s23] =	ssyncadd.s32 $0xFFFFC000  }
0x2d1: {  	[hbm4b:s28+s3] =	stream.linear.scatter [tilespmem:s13], [sflag:$0xB], $0x4000, $0x38;
	[tilespmem:$0x19200] =	vst v63  }
0x2d2: {  	_ =	swait.ge [sflag:s24], $0x4000  }
0x2d3: {  	[sflag:s24] =	ssyncset.done $0x0  }
0x2d4: {  	[sflag:s24] =	ssyncadd.s32 $0xFFFFC000  }
0x2d5: {  	[tilespmem:s13], [sflag:$0x5] =	stream.indirect.gather [hbm4b:s2+s8], $0x80, s29, s8, $0xb8;
	[tilespmem:$0x19200] =	vst v63  }
0x2d6: {  	_ =	swait.ge [sflag:s25], $0x4000  }
0x2d7: {  	[sflag:s25] =	ssyncset.done $0x0  }
0x2d8: {  	s28 =	rddreg [dreg:$0x1b];
	[sflag:s25] =	ssyncadd.s32 $0xFFFFC000  }
0x2d9: {  	[hbm4b:s28+s3] =	stream.linear.scatter [tilespmem:s14], [sflag:$0xC], $0x4000, $0x38;
	[tilespmem:$0x19200] =	vst v63  }
0x2da: {  	_ =	swait.ge [sflag:s26], $0x4000  }
0x2db: {  	[sflag:s26] =	ssyncset.done $0x0  }
0x2dc: {  	[sflag:s26] =	ssyncadd.s32 $0xFFFFC000  }
0x2dd: {  	[tilespmem:s14], [sflag:$0x6] =	stream.indirect.gather [hbm4b:s2+s8], $0x80, s30, s8, $0xb8;
	[tilespmem:$0x19200] =	vst v63  }
0x2de: {  	_ =	swait.ge [sflag:s15], $0x4000  }
0x2df: {  	[sflag:s15] =	ssyncset.done $0x0  }
0x2e0: {  	s28 =	rddreg [dreg:$0x1c];
	[sflag:s15] =	ssyncadd.s32 $0xFFFFC000  }
0x2e1: {  	[hbm4b:s28+s3] =	stream.linear.scatter [tilespmem:s9], [sflag:$0x7], $0x4000, $0x38;
	[tilespmem:$0x19200] =	vst v63  }
0x2e2: {  	_ =	swait.ge [sflag:s16], $0x4000  }
0x2e3: {  	[sflag:s16] =	ssyncset.done $0x0  }
0x2e4: {  	[sflag:s16] =	ssyncadd.s32 $0xFFFFC000  }
0x2e5: {  	[tilespmem:s9], [sflag:$0x1] =	stream.indirect.gather [hbm4b:s2+s8], $0x80, s31, s8, $0xb8;
	[tilespmem:$0x19200] =	vst v63  }
0x2e6: {  	_ =	swait.ge [sflag:s17], $0x4000  }
0x2e7: {  	[sflag:s17] =	ssyncset.done $0x0  }
0x2e8: {  	s28 =	rddreg [dreg:$0x1d];
	[sflag:s17] =	ssyncadd.s32 $0xFFFFC000  }
0x2e9: {  	[hbm4b:s28+s3] =	stream.linear.scatter [tilespmem:s10], [sflag:$0x8], $0x4000, $0x38;
	[tilespmem:$0x19200] =	vst v63  }
0x2ea: {  	_ =	swait.ge [sflag:s18], $0x4000  }
0x2eb: {  	[sflag:s18] =	ssyncset.done $0x0  }
0x2ec: {  	[sflag:s18] =	ssyncadd.s32 $0xFFFFC000  }
0x2ed: {  	[tilespmem:s10], [sflag:$0x2] =	stream.indirect.gather [hbm4b:s2+s8], $0x80, s1, s8, $0xb8;
	[tilespmem:$0x19200] =	vst v63  }
0x2ee: {  	_ =	swait.ge [sflag:s19], $0x4000  }
0x2ef: {  	[sflag:s19] =	ssyncset.done $0x0  }
0x2f0: {  	s28 =	rddreg [dreg:$0x1e];
	[sflag:s19] =	ssyncadd.s32 $0xFFFFC000  }
0x2f1: {  	[hbm4b:s28+s3] =	stream.linear.scatter [tilespmem:s11], [sflag:$0x9], $0x4000, $0x38;
	[tilespmem:$0x19200] =	vst v63  }
0x2f2: {  	_ =	swait.ge [sflag:s21], $0x4000  }
0x2f3: {  	[sflag:s21] =	ssyncset.done $0x0  }
0x2f4: {  	s28 =	rddreg [dreg:$0x1f];
	[sflag:s21] =	ssyncadd.s32 $0xFFFFC000  }
0x2f5: {  	[hbm4b:s28+s3] =	stream.linear.scatter [tilespmem:s12], [sflag:$0xA], $0x4000, $0x38;
	[tilespmem:$0x19200] =	vst v63  }
0x2f6: {  	_ =	swait.ge [sflag:s23], $0x4000  }
0x2f7: {  	s28 =	sld [smem:$0x7E0]  }
0x2f8: {  	[sflag:s23] =	ssyncset.done $0x0  }
0x2f9: {  	[sflag:s23] =	ssyncadd.s32 $0xFFFFC000  }
0x2fa: {  	[hbm4b:s28+s3] =	stream.linear.scatter [tilespmem:s13], [sflag:$0xB], $0x4000, $0x38;
	[tilespmem:$0x19200] =	vst v63  }
0x2fb: {  	_ =	swait.ge [sflag:s25], $0x4000  }
0x2fc: {  	s28 =	sld [smem:$0x7E1]  }
0x2fd: {  	[sflag:s25] =	ssyncset.done $0x0  }
0x2fe: {  	[sflag:s25] =	ssyncadd.s32 $0xFFFFC000  }
0x2ff: {  	[hbm4b:s28+s3] =	stream.linear.scatter [tilespmem:s14], [sflag:$0xC], $0x4000, $0x38;
	[tilespmem:$0x19200] =	vst v63  }
0x300: {  	_ =	swait.ge [sflag:s15], $0x4000  }
0x301: {  	s28 =	sld [smem:$0x7E2]  }
0x302: {  	[sflag:s15] =	ssyncset.done $0x0  }
0x303: {  	[sflag:s15] =	ssyncadd.s32 $0xFFFFC000  }
0x304: {  	[hbm4b:s28+s3] =	stream.linear.scatter [tilespmem:s9], [sflag:$0x7], $0x4000, $0x38;
	[tilespmem:$0x19200] =	vst v63  }
0x305: {  	_ =	swait.ge [sflag:s17], $0x4000  }
0x306: {  	s28 =	sld [smem:$0x7E3]  }
0x307: {  	[sflag:s17] =	ssyncset.done $0x0  }
0x308: {  	[sflag:s17] =	ssyncadd.s32 $0xFFFFC000  }
0x309: {  	[hbm4b:s28+s3] =	stream.linear.scatter [tilespmem:s10], [sflag:$0x8], $0x4000, $0x38;
	[tilespmem:$0x19200] =	vst v63  }
0x30a: {  	_ =	swait.ge [sflag:s16], $0x4000  }
0x30b: {  	[sflag:s16] =	ssyncset.done $0x0  }
0x30c: {  	[sflag:s16] =	ssyncadd.s32 $0xFFFFC000  }
0x30d: {  	_ =	swait.ge [sflag:s18], $0x4000  }
0x30e: {  	[sflag:s18] =	ssyncset.done $0x0  }
0x30f: {  	[sflag:s18] =	ssyncadd.s32 $0xFFFFC000  }
0x310: {  	_ =	swait.ge [sflag:s20], $0x4000  }
0x311: {  	[sflag:s20] =	ssyncset.done $0x0  }
0x312: {  	[sflag:s20] =	ssyncadd.s32 $0xFFFFC000  }
0x313: {  	_ =	swait.ge [sflag:s22], $0x4000  }
0x314: {  	[sflag:s22] =	ssyncset.done $0x0  }
0x315: {  	[sflag:s22] =	ssyncadd.s32 $0xFFFFC000  }
0x316: {  	p0 =	sne.s32 s5, $0x1;
	_ =	swait.ge [sflag:s24], $0x4000  }
.Ltmp0:
0x317: {  	[sflag:s24] =	ssyncset.done $0x0;
	(pc) =	sbr.rel @p0 .LBB2_1-.Ltmp0, $4  }
0x318: {  	[sflag:s24] =	ssyncadd.s32 $0xFFFFC000  }
0x319: {  	_ =	swait.ge [sflag:s26], $0x4000  }
0x31a: {  	[sflag:s26] =	ssyncset.done $0x0  }
0x31b: {  	s5 =	sadd.s32 $0xFFFFFFFF, s5;
	[sflag:s26] =	ssyncadd.s32 $0xFFFFC000  }
0x31c: {  	_ =	sfence.sel $0x180000  }
0x31d: {  	[bflag:$0x0] =	sbarrier.arrive $0xFFFF  }
0x31e: {  	_ =	strace $0x90000047  }
0x31f: {  	s0 =	stileid.u32;
	[bflag:$0x2] =	sbarrier.arrive $0xFFFF  }
0x320: {  	p0 =	sne.s32 s0, $0x0;
	s0 =	rddreg [dreg:$0x3]  }
0x321: {  	s0 =	sadd.s32 @!p0 $0x100000, s0  }
0x322: {  	[sflag:s0] =	ssyncadd.tile.s32 @!p0 $0x1;
	_ =	shalt  }
.Lfunc_end2:
_tile_overlayer_lowered:
.L_overlay_start_2:
0x323: {  	(tag) =	ssettag $0x2  }
0x324: {  	s0 =	rddreg [dreg:$0x0];
	s2 =	stileid.u32  }
0x325: {  	s1 =	rddreg [dreg:$0x1];
	p0 =	sne.s32 s2, $0x0  }
0x326: {  	s3 =	rddreg [dreg:$0x2];
	[bflag:$0x3] =	sbarrier.arrive $0xFFFF;
	s2 =	simm.s32 @!p0 $0x1C0D  }
0x327: {  	[timem:s3], [sflag:s2] =	dma.local @!p0 [hbm:s0], s1  }
0x328: {  	s0 =	simm.s32 @!p0 $0xD  }
0x329: {  	_ =	swait.ge @!p0 [sflag:s0], s1  }
0x32a: {  	s1 =	ssub.s32 @!p0 $0x0, s1;
	[sflag:s0] =	ssyncset.done @!p0 $0x0  }
0x32b: {  	[sflag:s0] =	ssyncadd.s32 @!p0 s1  }
0x32c: {  	[bflag:$0x3] =	sbarrier.arrive $0xFFFF  }
0x32d: {  	_ =	shalt  }

</sc_bundles>
